<compile_context>
chip_gen: v7x
topology: tpu7x:2x2x1
jax: 0.10.2.dev20260603
libtpu: 0.0.44.dev20260713+nightly
codegen_flags: <defaults>
</compile_context>

<pallas_src>
import functools

import jax
import jax.numpy as jnp
from jax import lax
from jax.experimental import pallas as pl
from jax.experimental.pallas import tpu as pltpu
from jax.experimental.pallas import tpu_sc as plsc

NC = 2
NS = 16
NW = NC * NS

H = 128
CH = 128


def _mesh():
    return plsc.VectorSubcoreMesh(core_axis_name="c", subcore_axis_name="s")


def _make_row_gather(n_idx, chunk=CH):
    per_w = n_idx // NW
    nch = per_w // chunk
    assert per_w * NW == n_idx and nch * chunk == per_w and nch % 2 == 0

    @functools.partial(
        pl.kernel,
        out_type=jax.ShapeDtypeStruct((n_idx, H), jnp.float32),
        mesh=_mesh(),
        scratch_types=[
            pltpu.VMEM((chunk,), jnp.int32),
            pltpu.VMEM((chunk,), jnp.int32),
            pltpu.VMEM((chunk, H), jnp.float32),
            pltpu.VMEM((chunk, H), jnp.float32),
            pltpu.SemaphoreType.DMA,
            pltpu.SemaphoreType.DMA,
        ],
    )
    def k(table_hbm, idx_hbm, out_hbm, idx_a, idx_b, rows_a, rows_b,
          sem_a, sem_b):
        wid = lax.axis_index("s") * NC + lax.axis_index("c")
        base = wid * per_w

        pltpu.sync_copy(idx_hbm.at[pl.ds(base, chunk)], idx_a)
        pltpu.async_copy(table_hbm.at[idx_a], rows_a, sem_a)
        pltpu.sync_copy(idx_hbm.at[pl.ds(base + chunk, chunk)], idx_b)
        pltpu.async_copy(table_hbm.at[idx_b], rows_b, sem_b)

        def body(t, carry):
            c0 = 2 * t
            pltpu.make_async_copy(table_hbm.at[pl.ds(0, chunk)], rows_a,
                                  sem_a).wait()
            pltpu.sync_copy(rows_a, out_hbm.at[pl.ds(base + c0 * chunk, chunk)])
            pltpu.sync_copy(idx_hbm.at[pl.ds(base + (c0 + 2) * chunk, chunk)],
                            idx_a)
            pltpu.async_copy(table_hbm.at[idx_a], rows_a, sem_a)
            pltpu.make_async_copy(table_hbm.at[pl.ds(0, chunk)], rows_b,
                                  sem_b).wait()
            pltpu.sync_copy(rows_b,
                            out_hbm.at[pl.ds(base + (c0 + 1) * chunk, chunk)])
            pltpu.sync_copy(idx_hbm.at[pl.ds(base + (c0 + 3) * chunk, chunk)],
                            idx_b)
            pltpu.async_copy(table_hbm.at[idx_b], rows_b, sem_b)
            return carry

        if nch > 2:
            lax.fori_loop(0, nch // 2 - 1, body, 0)
        pltpu.make_async_copy(table_hbm.at[pl.ds(0, chunk)], rows_a,
                              sem_a).wait()
        pltpu.sync_copy(rows_a,
                        out_hbm.at[pl.ds(base + (nch - 2) * chunk, chunk)])
        pltpu.make_async_copy(table_hbm.at[pl.ds(0, chunk)], rows_b,
                              sem_b).wait()
        pltpu.sync_copy(rows_b,
                        out_hbm.at[pl.ds(base + (nch - 1) * chunk, chunk)])

    return k


def _make_seg_sum(n_acc, e_pad, chunk=CH):
    per_w = e_pad // NW
    nch = per_w // chunk
    rpt = n_acc // NS
    slabs = rpt // chunk
    assert per_w * NW == e_pad and nch * chunk == per_w and nch % 2 == 0
    assert rpt * NS == n_acc and slabs * chunk == rpt

    @functools.partial(
        pl.kernel,
        out_type=jax.ShapeDtypeStruct((NC, n_acc, H), jnp.float32),
        mesh=_mesh(),
        scratch_types=[
            pltpu.VMEM_SHARED((n_acc, H), jnp.float32),
            pltpu.VMEM((chunk,), jnp.int32),
            pltpu.VMEM((chunk,), jnp.int32),
            pltpu.VMEM((chunk,), jnp.int32),
            pltpu.VMEM((chunk,), jnp.int32),
            pltpu.VMEM((chunk, H), jnp.float32),
            pltpu.VMEM((chunk, H), jnp.float32),
            pltpu.SemaphoreType.DMA,
            pltpu.SemaphoreType.DMA,
            pltpu.SemaphoreType.DMA,
            pltpu.SemaphoreType.DMA,
        ],
    )
    def k(h_hbm, src_hbm, dst_hbm, zrow_hbm, acc_hbm,
          acc_s, sidx_a, didx_a, sidx_b, didx_b, rows_a, rows_b,
          sem_a, sem_b, sem_sa, sem_sb):
        cc = lax.axis_index("c")
        sc = lax.axis_index("s")
        wid = sc * NC + cc
        r0 = sc * rpt
        base = wid * per_w

        pltpu.sync_copy(zrow_hbm, rows_a)
        for j in range(slabs):
            pltpu.sync_copy(rows_a, acc_s.at[pl.ds(r0 + j * chunk, chunk)])
        plsc.subcore_barrier()

        def load_idx(c, si, di):
            off = base + c * chunk
            pltpu.sync_copy(src_hbm.at[pl.ds(off, chunk)], si)
            pltpu.sync_copy(dst_hbm.at[pl.ds(off, chunk)], di)

        load_idx(0, sidx_a, didx_a)
        pltpu.async_copy(h_hbm.at[sidx_a], rows_a, sem_a)
        load_idx(1, sidx_b, didx_b)
        pltpu.async_copy(h_hbm.at[sidx_b], rows_b, sem_b)

        def body(t, carry):
            c0 = 2 * t
            pltpu.make_async_copy(h_hbm.at[pl.ds(0, chunk)], rows_a,
                                  sem_a).wait()
            pltpu.sync_copy(rows_a, acc_s.at[didx_a], add=True)
            load_idx(c0 + 2, sidx_a, didx_a)
            pltpu.async_copy(h_hbm.at[sidx_a], rows_a, sem_a)
            pltpu.make_async_copy(h_hbm.at[pl.ds(0, chunk)], rows_b,
                                  sem_b).wait()
            pltpu.sync_copy(rows_b, acc_s.at[didx_b], add=True)
            load_idx(c0 + 3, sidx_b, didx_b)
            pltpu.async_copy(h_hbm.at[sidx_b], rows_b, sem_b)
            return carry

        lax.fori_loop(0, nch // 2 - 1, body, 0)
        pltpu.make_async_copy(h_hbm.at[pl.ds(0, chunk)], rows_a, sem_a).wait()
        pltpu.sync_copy(rows_a, acc_s.at[didx_a], add=True)
        pltpu.make_async_copy(h_hbm.at[pl.ds(0, chunk)], rows_b, sem_b).wait()
        pltpu.sync_copy(rows_b, acc_s.at[didx_b], add=True)
        plsc.subcore_barrier()

        for j in range(slabs):
            pltpu.sync_copy(acc_s.at[pl.ds(r0 + j * chunk, chunk)], rows_a)
            pltpu.sync_copy(rows_a, acc_hbm.at[cc, pl.ds(r0 + j * chunk, chunk)])

    return k


def _make_counts(n_acc, e_pad, chunk=CH):
    per_w = e_pad // NW
    nch = per_w // chunk
    rpt = n_acc // NS
    slabs = rpt // chunk
    assert per_w * NW == e_pad and nch * chunk == per_w and nch % 2 == 0
    assert rpt * NS == n_acc and slabs * chunk == rpt

    @functools.partial(
        pl.kernel,
        out_type=jax.ShapeDtypeStruct((2, NC, n_acc, H), jnp.float32),
        mesh=_mesh(),
        scratch_types=[
            pltpu.VMEM_SHARED((n_acc, H), jnp.float32),
            pltpu.VMEM((chunk,), jnp.int32),
            pltpu.VMEM((chunk,), jnp.int32),
            pltpu.VMEM((chunk, H), jnp.float32),
            pltpu.VMEM((chunk, H), jnp.float32),
            pltpu.SemaphoreType.DMA,
            pltpu.SemaphoreType.DMA,
        ],
    )
    def k(dst0_hbm, dst1_hbm, zrow_hbm, ones_hbm, cnt_hbm,
          cnt_s, didx_a, didx_b, ones_v, stage_v, sem_a, sem_b):
        cc = lax.axis_index("c")
        sc = lax.axis_index("s")
        wid = sc * NC + cc
        r0 = sc * rpt
        base = wid * per_w

        pltpu.sync_copy(ones_hbm, ones_v)

        for layer, dst_hbm in ((0, dst0_hbm), (1, dst1_hbm)):
            pltpu.sync_copy(zrow_hbm, stage_v)
            for j in range(slabs):
                pltpu.sync_copy(stage_v, cnt_s.at[pl.ds(r0 + j * chunk, chunk)])
            plsc.subcore_barrier()

            pltpu.sync_copy(dst_hbm.at[pl.ds(base, chunk)], didx_a)
            pltpu.async_copy(dst_hbm.at[pl.ds(base + chunk, chunk)], didx_b,
                             sem_b)

            def body(t, carry):
                c0 = 2 * t
                pltpu.sync_copy(ones_v, cnt_s.at[didx_a], add=True)
                pltpu.make_async_copy(dst_hbm.at[pl.ds(0, chunk)], didx_b,
                                      sem_b).wait()
                pltpu.async_copy(
                    dst_hbm.at[pl.ds(base + (c0 + 2) * chunk, chunk)],
                    didx_a, sem_a)
                pltpu.sync_copy(ones_v, cnt_s.at[didx_b], add=True)
                pltpu.make_async_copy(dst_hbm.at[pl.ds(0, chunk)], didx_a,
                                      sem_a).wait()
                pltpu.async_copy(
                    dst_hbm.at[pl.ds(base + (c0 + 3) * chunk, chunk)],
                    didx_b, sem_b)
                return carry

            lax.fori_loop(0, nch // 2 - 1, body, 0)
            pltpu.sync_copy(ones_v, cnt_s.at[didx_a], add=True)
            pltpu.make_async_copy(dst_hbm.at[pl.ds(0, chunk)], didx_b,
                                  sem_b).wait()
            pltpu.sync_copy(ones_v, cnt_s.at[didx_b], add=True)
            plsc.subcore_barrier()

            for j in range(slabs):
                pltpu.sync_copy(cnt_s.at[pl.ds(r0 + j * chunk, chunk)], stage_v)
                pltpu.sync_copy(
                    stage_v,
                    cnt_hbm.at[layer, cc, pl.ds(r0 + j * chunk, chunk)])

    return k


def _sage_layer_tc(h, acc, cnt, layer, W_self, W_neigh, b, relu, n):
    blk = 1000
    grid = n // blk

    def body(h_ref, aA_ref, aB_ref, cA_ref, cB_ref, ws_ref, wn_ref, b_ref,
             out_ref):
        c = cA_ref[0, 0, :, :1] + cB_ref[0, 0, :, :1]
        m = (aA_ref[0] + aB_ref[0]) / jnp.maximum(c, 1.0)
        y = (jnp.dot(h_ref[...], ws_ref[...],
                     preferred_element_type=jnp.float32)
             + jnp.dot(m, wn_ref[...], preferred_element_type=jnp.float32)
             + b_ref[...])
        if relu:
            y = jnp.maximum(y, 0.0)
        out_ref[...] = y

    row_spec = pl.BlockSpec((blk, H), lambda i: (i, 0))
    accA_spec = pl.BlockSpec((1, blk, H), lambda i: (0, i, 0))
    accB_spec = pl.BlockSpec((1, blk, H), lambda i: (1, i, 0))
    cntA_spec = pl.BlockSpec((1, 1, blk, H), lambda i: (layer, 0, i, 0))
    cntB_spec = pl.BlockSpec((1, 1, blk, H), lambda i: (layer, 1, i, 0))
    full = pl.BlockSpec((H, H), lambda i: (0, 0))
    bias = pl.BlockSpec((1, H), lambda i: (0, 0))
    return pl.pallas_call(
        body,
        grid=(grid,),
        in_specs=[row_spec, accA_spec, accB_spec, cntA_spec, cntB_spec,
                  full, full, bias],
        out_specs=row_spec,
        out_shape=jax.ShapeDtypeStruct((n, H), jnp.float32),
    )(h, acc, acc, cnt, cnt, W_self, W_neigh, b.reshape(1, H))


def _decoder_tc(rows, p, W1, b1, W2, b2, W3p, b3p):
    blk = 1024
    nblk = p // blk
    grid = 2 * nblk

    def body(a_ref, b_ref, w1_ref, b1_ref, w2_ref, b2_ref, w3_ref, b3_ref,
             out_ref):
        z = a_ref[...] * b_ref[...]
        z = jnp.maximum(
            jnp.dot(z, w1_ref[...], preferred_element_type=jnp.float32)
            + b1_ref[...], 0.0)
        z = jnp.maximum(
            jnp.dot(z, w2_ref[...], preferred_element_type=jnp.float32)
            + b2_ref[...], 0.0)
        out_ref[...] = (jnp.dot(z, w3_ref[...],
                                preferred_element_type=jnp.float32)
                        + b3_ref[...])

    def a_map(g):
        return (jnp.where(g < nblk, g, g + nblk), 0)

    def b_map(g):
        return (jnp.where(g < nblk, g + nblk, g + 2 * nblk), 0)

    full = pl.BlockSpec((H, H), lambda g: (0, 0))
    bias = pl.BlockSpec((1, H), lambda g: (0, 0))
    return pl.pallas_call(
        body,
        grid=(grid,),
        in_specs=[pl.BlockSpec((blk, H), a_map),
                  pl.BlockSpec((blk, H), b_map),
                  full, bias, full, bias, full, bias],
        out_specs=pl.BlockSpec((blk, H), lambda g: (g, 0)),
        out_shape=jax.ShapeDtypeStruct((2 * p, H), jnp.float32),
    )(rows, rows, W1, b1.reshape(1, H), W2, b2.reshape(1, H), W3p, b3p)


def kernel(x, edge_index0, edge_index1, pos_edges, neg_edges, emb,
           W_self0, W_neigh0, b0, W_self1, W_neigh1, b1,
           dec_W1, dec_b1, dec_W2, dec_b2, dec_W3, dec_b3):
    n = x.shape[0]
    e = edge_index0.shape[1]
    p = pos_edges.shape[1]

    x = x.astype(jnp.int32)
    ei0 = edge_index0.astype(jnp.int32)
    ei1 = edge_index1.astype(jnp.int32)

    q = 2 * CH * NW
    n_pad = ((n + q - 1) // q) * q
    x_pad = jnp.concatenate(
        [x, (jnp.arange(n_pad - n, dtype=jnp.int32) % n)])

    qh = CH * NS
    n_acc = (n // qh + 1) * qh
    e_pad = ((e + q - 1) // q) * q
    src_fill = jnp.arange(e_pad - e, dtype=jnp.int32) % n
    dst_fill = n + (jnp.arange(e_pad - e, dtype=jnp.int32) % (n_acc - n))
    src0 = jnp.concatenate([ei0[0], src_fill])
    dst0 = jnp.concatenate([ei0[1], dst_fill])
    src1 = jnp.concatenate([ei1[0], src_fill])
    dst1 = jnp.concatenate([ei1[1], dst_fill])

    zrow = jnp.zeros((CH, H), jnp.float32)
    ones = jnp.ones((CH, H), jnp.float32)

    h0 = _make_row_gather(n_pad)(emb, x_pad)
    cnt = _make_counts(n_acc, e_pad)(dst0, dst1, zrow, ones)
    seg = _make_seg_sum(n_acc, e_pad)

    acc0 = seg(h0, src0, dst0, zrow)
    h1 = _sage_layer_tc(h0, acc0, cnt, 0, W_self0, W_neigh0, b0, True, n)

    acc1 = seg(h1, src1, dst1, zrow)
    h2 = _sage_layer_tc(h1, acc1, cnt, 1, W_self1, W_neigh1, b1, False, n)

    idx_all = jnp.concatenate([pos_edges[0], pos_edges[1],
                               neg_edges[0], neg_edges[1]]).astype(jnp.int32)
    rows = _make_row_gather(4 * p)(h2, idx_all)

    W3p = jnp.pad(dec_W3, ((0, 0), (0, H - 1)))
    b3p = jnp.pad(dec_b3, (0, H - 1)).reshape(1, H)
    out = _decoder_tc(rows, p, dec_W1, dec_b1, dec_W2, dec_b2, W3p, b3p)

    h_pos = out[:p, :1]
    h_neg = out[p:2 * p, :1]
    return (h_pos, h_neg)

# --- scband reference (transcript-rebuilt; emitter-appended) ---
"""Pipeline reference for scband-model-20787641713014 (READ-ONLY COPY).

The authoritative reference and input builder live on the scoring server;
editing this copy changes nothing except your own understanding.
"""

import jax, jax.numpy as jnp
import numpy as np

N = 10000
E = 320000
H = 128
V = 100000
P = 8192


def setup_inputs(seed: int = 0) -> dict:
    key = jax.random.key(seed)
    ks = jax.random.split(key, 20)
    inp = {}
    inp["x"] = jax.random.randint(ks[0], (N,), 0, V, dtype=jnp.int64 if jax.config.jax_enable_x64 else jnp.int32)
    inp["edge_index0"] = jax.random.randint(ks[1], (2, E), 0, N)
    inp["edge_index1"] = jax.random.randint(ks[2], (2, E), 0, N)
    inp["pos_edges"] = jax.random.randint(ks[3], (2, P), 0, N)
    inp["neg_edges"] = jax.random.randint(ks[4], (2, P), 0, N)
    # learned params
    inp["emb"] = jax.random.normal(ks[5], (V, H), dtype=jnp.float32) * 0.02
    s = 1.0 / np.sqrt(H)
    inp["W_self0"] = jax.random.normal(ks[6], (H, H), dtype=jnp.float32) * s
    inp["W_neigh0"] = jax.random.normal(ks[7], (H, H), dtype=jnp.float32) * s
    inp["b0"] = jnp.zeros((H,), dtype=jnp.float32)
    inp["W_self1"] = jax.random.normal(ks[8], (H, H), dtype=jnp.float32) * s
    inp["W_neigh1"] = jax.random.normal(ks[9], (H, H), dtype=jnp.float32) * s
    inp["b1"] = jnp.zeros((H,), dtype=jnp.float32)
    inp["dec_W1"] = jax.random.normal(ks[10], (H, H), dtype=jnp.float32) * s
    inp["dec_b1"] = jnp.zeros((H,), dtype=jnp.float32)
    inp["dec_W2"] = jax.random.normal(ks[11], (H, H), dtype=jnp.float32) * s
    inp["dec_b2"] = jnp.zeros((H,), dtype=jnp.float32)
    inp["dec_W3"] = jax.random.normal(ks[12], (H, 1), dtype=jnp.float32) * s
    inp["dec_b3"] = jnp.zeros((1,), dtype=jnp.float32)
    return inp


def _seg_mean(vals, dst, n):
    s = jax.ops.segment_sum(vals, dst, num_segments=n)
    cnt = jax.ops.segment_sum(jnp.ones((dst.shape[0], 1), dtype=vals.dtype), dst, num_segments=n)
    return s / jnp.maximum(cnt, 1.0)


def _sage_layer(h, edge_index, W_self, W_neigh, b):
    src = edge_index[0]
    dst = edge_index[1]
    m = _seg_mean(jnp.take(h, src, axis=0), dst, h.shape[0])
    return h @ W_self + m @ W_neigh + b


def _decoder(z, dec_W1, dec_b1, dec_W2, dec_b2, dec_W3, dec_b3):
    z = jax.nn.relu(z @ dec_W1 + dec_b1)
    z = jax.nn.relu(z @ dec_W2 + dec_b2)
    return z @ dec_W3 + dec_b3


def reference(x, edge_index0, edge_index1, pos_edges, neg_edges, emb,
              W_self0, W_neigh0, b0, W_self1, W_neigh1, b1,
              dec_W1, dec_b1, dec_W2, dec_b2, dec_W3, dec_b3):
    # h = self.emb(x)
    h = jnp.take(emb, x, axis=0)
    # DistSAGE encoder: SAGEConv(mean) layers, relu between
    h = _sage_layer(h, edge_index0, W_self0, W_neigh0, b0)
    h = jax.nn.relu(h)
    h = _sage_layer(h, edge_index1, W_self1, W_neigh1, b1)
    # link prediction decoder on elementwise products
    pos_src, pos_dst = pos_edges[0], pos_edges[1]
    neg_src, neg_dst = neg_edges[0], neg_edges[1]
    h_pos = _decoder(jnp.take(h, pos_src, axis=0) * jnp.take(h, pos_dst, axis=0),
                     dec_W1, dec_b1, dec_W2, dec_b2, dec_W3, dec_b3)
    h_neg = _decoder(jnp.take(h, neg_src, axis=0) * jnp.take(h, neg_dst, axis=0),
                     dec_W1, dec_b1, dec_W2, dec_b2, dec_W3, dec_b3)
    return (h_pos, h_neg)

if __name__ == "__main__":
    import jax
    _d = setup_inputs()
    print(jax.jit(kernel)(*tuple(_d.values())))

</pallas_src>

<mosaic_0001>
#map = affine_map<(d0, d1) -> (0, 0)>
#map1 = affine_map<(d0, d1) -> (0)>
#map2 = affine_map<(d0, d1) -> (0, 0, 0)>
module attributes {stable_mosaic.version = 14 : i64} {
  func.func @k(%arg0: i32, %arg1: i32, %arg2: memref<16384x128xf32, #tpu.memory_space<hbm>>, %arg3: memref<327680xi32, #tpu.memory_space<hbm>>, %arg4: memref<327680xi32, #tpu.memory_space<hbm>>, %arg5: memref<128x128xf32, #tpu.memory_space<hbm>>, %arg6: memref<2x10240x128xf32, #tpu.memory_space<hbm>>, %arg7: memref<10240x128xf32, #tpu.memory_space<vmem_shared>>, %arg8: memref<128xi32, #tpu.memory_space<vmem>>, %arg9: memref<128xi32, #tpu.memory_space<vmem>>, %arg10: memref<128xi32, #tpu.memory_space<vmem>>, %arg11: memref<128xi32, #tpu.memory_space<vmem>>, %arg12: memref<128x128xf32, #tpu.memory_space<vmem>>, %arg13: memref<128x128xf32, #tpu.memory_space<vmem>>, %arg14: memref<!tpu.dma_semaphore, #tpu.memory_space<semaphore_mem>>, %arg15: memref<!tpu.dma_semaphore, #tpu.memory_space<semaphore_mem>>, %arg16: memref<!tpu.dma_semaphore, #tpu.memory_space<semaphore_mem>>, %arg17: memref<!tpu.dma_semaphore, #tpu.memory_space<semaphore_mem>>) attributes {dimension_semantics = [#tpu.dimension_semantics<core_parallel>, #tpu.dimension_semantics<subcore_parallel>], iteration_bounds = array<i64: 2, 16>, scalar_prefetch = 0 : i64, scratch_operands = 11 : i64, tpu.core_type = #tpu.core_type<sc_vector_subcore>, window_params = [{transform_indices = #map}, {transform_indices = #map1}, {transform_indices = #map1}, {transform_indices = #map}, {transform_indices = #map2}]} {
    %mul3A = arith.constant 2 : i32
    %mul3A_0 = arith.muli %arg1, %mul3A : i32
    %add3A = arith.addi %mul3A_0, %arg0 : i32
    %mul3A_1 = arith.constant 640 : i32
    %mul3A_2 = arith.muli %arg1, %mul3A_1 : i32
    %mul3A_3 = arith.constant 10240 : i32
    %mul3A_4 = arith.muli %add3A, %mul3A_3 : i32
    "tpu.region"() ({
      %run_scoped3A = tpu.sem_alloc : memref<!tpu.dma_semaphore, #tpu.memory_space<semaphore_mem>>
      tpu.enqueue_dma source(%arg5 : memref<128x128xf32, #tpu.memory_space<hbm>>) target(%arg12 : memref<128x128xf32, #tpu.memory_space<vmem>>) target_semaphore(%run_scoped3A : memref<!tpu.dma_semaphore, #tpu.memory_space<semaphore_mem>>)
      tpu.wait_dma2 semaphore(%run_scoped3A : memref<!tpu.dma_semaphore, #tpu.memory_space<semaphore_mem>>) src(%arg5 : memref<128x128xf32, #tpu.memory_space<hbm>>) dst(%arg12 : memref<128x128xf32, #tpu.memory_space<vmem>>)
      tpu.yield
    }) : () -> ()
    %add3A_5 = arith.constant 0 : i32
    %add3A_6 = arith.addi %mul3A_2, %add3A_5 : i32
    "tpu.region"() ({
      %run_scoped3A = tpu.sem_alloc : memref<!tpu.dma_semaphore, #tpu.memory_space<semaphore_mem>>
      %dma_start3A_61 = arith.constant 0 : i32
      %dma_start3A_62 = tpu.memref_slice %arg7[%add3A_6, %dma_start3A_61] : memref<10240x128xf32, #tpu.memory_space<vmem_shared>> -> memref<128x128xf32, #tpu.memory_space<vmem_shared>>
      %dma_start3A_63 = arith.constant 0 : i32
      %dma_start3A_64 = tpu.memref_slice %arg7[%add3A_6, %dma_start3A_63] : memref<10240x128xf32, #tpu.memory_space<vmem_shared>> -> memref<128x128xf32, #tpu.memory_space<vmem_shared>>
      tpu.enqueue_dma source(%arg12 : memref<128x128xf32, #tpu.memory_space<vmem>>) target(%dma_start3A_64 : memref<128x128xf32, #tpu.memory_space<vmem_shared>>) target_semaphore(%run_scoped3A : memref<!tpu.dma_semaphore, #tpu.memory_space<semaphore_mem>>)
      %dma_wait3A_65 = arith.constant 0 : i32
      %dma_wait3A_66 = tpu.memref_slice %arg7[%add3A_6, %dma_wait3A_65] : memref<10240x128xf32, #tpu.memory_space<vmem_shared>> -> memref<128x128xf32, #tpu.memory_space<vmem_shared>>
      %dma_wait3A_67 = arith.constant 0 : i32
      %dma_wait3A_68 = tpu.memref_slice %arg7[%add3A_6, %dma_wait3A_67] : memref<10240x128xf32, #tpu.memory_space<vmem_shared>> -> memref<128x128xf32, #tpu.memory_space<vmem_shared>>
      tpu.wait_dma2 semaphore(%run_scoped3A : memref<!tpu.dma_semaphore, #tpu.memory_space<semaphore_mem>>) src(%arg12 : memref<128x128xf32, #tpu.memory_space<vmem>>) dst(%dma_wait3A_68 : memref<128x128xf32, #tpu.memory_space<vmem_shared>>)
      tpu.yield
    }) : () -> ()
    %add3A_7 = arith.constant 128 : i32
    %add3A_8 = arith.addi %mul3A_2, %add3A_7 : i32
    "tpu.region"() ({
      %run_scoped3A = tpu.sem_alloc : memref<!tpu.dma_semaphore, #tpu.memory_space<semaphore_mem>>
      %dma_start3A_61 = arith.constant 0 : i32
      %dma_start3A_62 = tpu.memref_slice %arg7[%add3A_8, %dma_start3A_61] : memref<10240x128xf32, #tpu.memory_space<vmem_shared>> -> memref<128x128xf32, #tpu.memory_space<vmem_shared>>
      %dma_start3A_63 = arith.constant 0 : i32
      %dma_start3A_64 = tpu.memref_slice %arg7[%add3A_8, %dma_start3A_63] : memref<10240x128xf32, #tpu.memory_space<vmem_shared>> -> memref<128x128xf32, #tpu.memory_space<vmem_shared>>
      tpu.enqueue_dma source(%arg12 : memref<128x128xf32, #tpu.memory_space<vmem>>) target(%dma_start3A_64 : memref<128x128xf32, #tpu.memory_space<vmem_shared>>) target_semaphore(%run_scoped3A : memref<!tpu.dma_semaphore, #tpu.memory_space<semaphore_mem>>)
      %dma_wait3A_65 = arith.constant 0 : i32
      %dma_wait3A_66 = tpu.memref_slice %arg7[%add3A_8, %dma_wait3A_65] : memref<10240x128xf32, #tpu.memory_space<vmem_shared>> -> memref<128x128xf32, #tpu.memory_space<vmem_shared>>
      %dma_wait3A_67 = arith.constant 0 : i32
      %dma_wait3A_68 = tpu.memref_slice %arg7[%add3A_8, %dma_wait3A_67] : memref<10240x128xf32, #tpu.memory_space<vmem_shared>> -> memref<128x128xf32, #tpu.memory_space<vmem_shared>>
      tpu.wait_dma2 semaphore(%run_scoped3A : memref<!tpu.dma_semaphore, #tpu.memory_space<semaphore_mem>>) src(%arg12 : memref<128x128xf32, #tpu.memory_space<vmem>>) dst(%dma_wait3A_68 : memref<128x128xf32, #tpu.memory_space<vmem_shared>>)
      tpu.yield
    }) : () -> ()
    %add3A_9 = arith.constant 256 : i32
    %add3A_10 = arith.addi %mul3A_2, %add3A_9 : i32
    "tpu.region"() ({
      %run_scoped3A = tpu.sem_alloc : memref<!tpu.dma_semaphore, #tpu.memory_space<semaphore_mem>>
      %dma_start3A_61 = arith.constant 0 : i32
      %dma_start3A_62 = tpu.memref_slice %arg7[%add3A_10, %dma_start3A_61] : memref<10240x128xf32, #tpu.memory_space<vmem_shared>> -> memref<128x128xf32, #tpu.memory_space<vmem_shared>>
      %dma_start3A_63 = arith.constant 0 : i32
      %dma_start3A_64 = tpu.memref_slice %arg7[%add3A_10, %dma_start3A_63] : memref<10240x128xf32, #tpu.memory_space<vmem_shared>> -> memref<128x128xf32, #tpu.memory_space<vmem_shared>>
      tpu.enqueue_dma source(%arg12 : memref<128x128xf32, #tpu.memory_space<vmem>>) target(%dma_start3A_64 : memref<128x128xf32, #tpu.memory_space<vmem_shared>>) target_semaphore(%run_scoped3A : memref<!tpu.dma_semaphore, #tpu.memory_space<semaphore_mem>>)
      %dma_wait3A_65 = arith.constant 0 : i32
      %dma_wait3A_66 = tpu.memref_slice %arg7[%add3A_10, %dma_wait3A_65] : memref<10240x128xf32, #tpu.memory_space<vmem_shared>> -> memref<128x128xf32, #tpu.memory_space<vmem_shared>>
      %dma_wait3A_67 = arith.constant 0 : i32
      %dma_wait3A_68 = tpu.memref_slice %arg7[%add3A_10, %dma_wait3A_67] : memref<10240x128xf32, #tpu.memory_space<vmem_shared>> -> memref<128x128xf32, #tpu.memory_space<vmem_shared>>
      tpu.wait_dma2 semaphore(%run_scoped3A : memref<!tpu.dma_semaphore, #tpu.memory_space<semaphore_mem>>) src(%arg12 : memref<128x128xf32, #tpu.memory_space<vmem>>) dst(%dma_wait3A_68 : memref<128x128xf32, #tpu.memory_space<vmem_shared>>)
      tpu.yield
    }) : () -> ()
    %add3A_11 = arith.constant 384 : i32
    %add3A_12 = arith.addi %mul3A_2, %add3A_11 : i32
    "tpu.region"() ({
      %run_scoped3A = tpu.sem_alloc : memref<!tpu.dma_semaphore, #tpu.memory_space<semaphore_mem>>
      %dma_start3A_61 = arith.constant 0 : i32
      %dma_start3A_62 = tpu.memref_slice %arg7[%add3A_12, %dma_start3A_61] : memref<10240x128xf32, #tpu.memory_space<vmem_shared>> -> memref<128x128xf32, #tpu.memory_space<vmem_shared>>
      %dma_start3A_63 = arith.constant 0 : i32
      %dma_start3A_64 = tpu.memref_slice %arg7[%add3A_12, %dma_start3A_63] : memref<10240x128xf32, #tpu.memory_space<vmem_shared>> -> memref<128x128xf32, #tpu.memory_space<vmem_shared>>
      tpu.enqueue_dma source(%arg12 : memref<128x128xf32, #tpu.memory_space<vmem>>) target(%dma_start3A_64 : memref<128x128xf32, #tpu.memory_space<vmem_shared>>) target_semaphore(%run_scoped3A : memref<!tpu.dma_semaphore, #tpu.memory_space<semaphore_mem>>)
      %dma_wait3A_65 = arith.constant 0 : i32
      %dma_wait3A_66 = tpu.memref_slice %arg7[%add3A_12, %dma_wait3A_65] : memref<10240x128xf32, #tpu.memory_space<vmem_shared>> -> memref<128x128xf32, #tpu.memory_space<vmem_shared>>
      %dma_wait3A_67 = arith.constant 0 : i32
      %dma_wait3A_68 = tpu.memref_slice %arg7[%add3A_12, %dma_wait3A_67] : memref<10240x128xf32, #tpu.memory_space<vmem_shared>> -> memref<128x128xf32, #tpu.memory_space<vmem_shared>>
      tpu.wait_dma2 semaphore(%run_scoped3A : memref<!tpu.dma_semaphore, #tpu.memory_space<semaphore_mem>>) src(%arg12 : memref<128x128xf32, #tpu.memory_space<vmem>>) dst(%dma_wait3A_68 : memref<128x128xf32, #tpu.memory_space<vmem_shared>>)
      tpu.yield
    }) : () -> ()
    %add3A_13 = arith.constant 512 : i32
    %add3A_14 = arith.addi %mul3A_2, %add3A_13 : i32
    "tpu.region"() ({
      %run_scoped3A = tpu.sem_alloc : memref<!tpu.dma_semaphore, #tpu.memory_space<semaphore_mem>>
      %dma_start3A_61 = arith.constant 0 : i32
      %dma_start3A_62 = tpu.memref_slice %arg7[%add3A_14, %dma_start3A_61] : memref<10240x128xf32, #tpu.memory_space<vmem_shared>> -> memref<128x128xf32, #tpu.memory_space<vmem_shared>>
      %dma_start3A_63 = arith.constant 0 : i32
      %dma_start3A_64 = tpu.memref_slice %arg7[%add3A_14, %dma_start3A_63] : memref<10240x128xf32, #tpu.memory_space<vmem_shared>> -> memref<128x128xf32, #tpu.memory_space<vmem_shared>>
      tpu.enqueue_dma source(%arg12 : memref<128x128xf32, #tpu.memory_space<vmem>>) target(%dma_start3A_64 : memref<128x128xf32, #tpu.memory_space<vmem_shared>>) target_semaphore(%run_scoped3A : memref<!tpu.dma_semaphore, #tpu.memory_space<semaphore_mem>>)
      %dma_wait3A_65 = arith.constant 0 : i32
      %dma_wait3A_66 = tpu.memref_slice %arg7[%add3A_14, %dma_wait3A_65] : memref<10240x128xf32, #tpu.memory_space<vmem_shared>> -> memref<128x128xf32, #tpu.memory_space<vmem_shared>>
      %dma_wait3A_67 = arith.constant 0 : i32
      %dma_wait3A_68 = tpu.memref_slice %arg7[%add3A_14, %dma_wait3A_67] : memref<10240x128xf32, #tpu.memory_space<vmem_shared>> -> memref<128x128xf32, #tpu.memory_space<vmem_shared>>
      tpu.wait_dma2 semaphore(%run_scoped3A : memref<!tpu.dma_semaphore, #tpu.memory_space<semaphore_mem>>) src(%arg12 : memref<128x128xf32, #tpu.memory_space<vmem>>) dst(%dma_wait3A_68 : memref<128x128xf32, #tpu.memory_space<vmem_shared>>)
      tpu.yield
    }) : () -> ()
    %barrier3A = arith.constant 0 : index
    tpu.barrier barrier_id(%barrier3A)
    %add3A_15 = arith.constant 0 : i32
    %add3A_16 = arith.addi %mul3A_4, %add3A_15 : i32
    "tpu.region"() ({
      %run_scoped3A = tpu.sem_alloc : memref<!tpu.dma_semaphore, #tpu.memory_space<semaphore_mem>>
      %dma_start3A_61 = tpu.memref_slice %arg3[%add3A_16] : memref<327680xi32, #tpu.memory_space<hbm>> -> memref<128xi32, #tpu.memory_space<hbm>>
      %dma_start3A_62 = tpu.memref_slice %arg3[%add3A_16] : memref<327680xi32, #tpu.memory_space<hbm>> -> memref<128xi32, #tpu.memory_space<hbm>>
      tpu.enqueue_dma source(%dma_start3A_62 : memref<128xi32, #tpu.memory_space<hbm>>) target(%arg8 : memref<128xi32, #tpu.memory_space<vmem>>) target_semaphore(%run_scoped3A : memref<!tpu.dma_semaphore, #tpu.memory_space<semaphore_mem>>)
      %dma_wait3A_63 = tpu.memref_slice %arg3[%add3A_16] : memref<327680xi32, #tpu.memory_space<hbm>> -> memref<128xi32, #tpu.memory_space<hbm>>
      %dma_wait3A_64 = tpu.memref_slice %arg3[%add3A_16] : memref<327680xi32, #tpu.memory_space<hbm>> -> memref<128xi32, #tpu.memory_space<hbm>>
      tpu.wait_dma2 semaphore(%run_scoped3A : memref<!tpu.dma_semaphore, #tpu.memory_space<semaphore_mem>>) src(%dma_wait3A_64 : memref<128xi32, #tpu.memory_space<hbm>>) dst(%arg8 : memref<128xi32, #tpu.memory_space<vmem>>)
      tpu.yield
    }) : () -> ()
    "tpu.region"() ({
      %run_scoped3A = tpu.sem_alloc : memref<!tpu.dma_semaphore, #tpu.memory_space<semaphore_mem>>
      %dma_start3A_61 = tpu.memref_slice %arg4[%add3A_16] : memref<327680xi32, #tpu.memory_space<hbm>> -> memref<128xi32, #tpu.memory_space<hbm>>
      %dma_start3A_62 = tpu.memref_slice %arg4[%add3A_16] : memref<327680xi32, #tpu.memory_space<hbm>> -> memref<128xi32, #tpu.memory_space<hbm>>
      tpu.enqueue_dma source(%dma_start3A_62 : memref<128xi32, #tpu.memory_space<hbm>>) target(%arg9 : memref<128xi32, #tpu.memory_space<vmem>>) target_semaphore(%run_scoped3A : memref<!tpu.dma_semaphore, #tpu.memory_space<semaphore_mem>>)
      %dma_wait3A_63 = tpu.memref_slice %arg4[%add3A_16] : memref<327680xi32, #tpu.memory_space<hbm>> -> memref<128xi32, #tpu.memory_space<hbm>>
      %dma_wait3A_64 = tpu.memref_slice %arg4[%add3A_16] : memref<327680xi32, #tpu.memory_space<hbm>> -> memref<128xi32, #tpu.memory_space<hbm>>
      tpu.wait_dma2 semaphore(%run_scoped3A : memref<!tpu.dma_semaphore, #tpu.memory_space<semaphore_mem>>) src(%dma_wait3A_64 : memref<128xi32, #tpu.memory_space<hbm>>) dst(%arg9 : memref<128xi32, #tpu.memory_space<vmem>>)
      tpu.yield
    }) : () -> ()
    %dma_start3A = arith.constant 0 : i32
    %dma_start3A_17 = arith.constant 0 : i32
    %dma_start3A_18 = tpu.memref_slice %arg2[%dma_start3A, %dma_start3A_17] : memref<16384x128xf32, #tpu.memory_space<hbm>> -> memref<16384x128xf32, #tpu.memory_space<hbm>>
    tpu.enqueue_indirect_dma source(%dma_start3A_18 : memref<16384x128xf32, #tpu.memory_space<hbm>>) target(%arg12 : memref<128x128xf32, #tpu.memory_space<vmem>>) offsets(%arg8 : memref<128xi32, #tpu.memory_space<vmem>>) semaphore(%arg14 : memref<!tpu.dma_semaphore, #tpu.memory_space<semaphore_mem>>)
    %add3A_19 = arith.constant 128 : i32
    %add3A_20 = arith.addi %mul3A_4, %add3A_19 : i32
    "tpu.region"() ({
      %run_scoped3A = tpu.sem_alloc : memref<!tpu.dma_semaphore, #tpu.memory_space<semaphore_mem>>
      %dma_start3A_61 = tpu.memref_slice %arg3[%add3A_20] : memref<327680xi32, #tpu.memory_space<hbm>> -> memref<128xi32, #tpu.memory_space<hbm>>
      %dma_start3A_62 = tpu.memref_slice %arg3[%add3A_20] : memref<327680xi32, #tpu.memory_space<hbm>> -> memref<128xi32, #tpu.memory_space<hbm>>
      tpu.enqueue_dma source(%dma_start3A_62 : memref<128xi32, #tpu.memory_space<hbm>>) target(%arg10 : memref<128xi32, #tpu.memory_space<vmem>>) target_semaphore(%run_scoped3A : memref<!tpu.dma_semaphore, #tpu.memory_space<semaphore_mem>>)
      %dma_wait3A_63 = tpu.memref_slice %arg3[%add3A_20] : memref<327680xi32, #tpu.memory_space<hbm>> -> memref<128xi32, #tpu.memory_space<hbm>>
      %dma_wait3A_64 = tpu.memref_slice %arg3[%add3A_20] : memref<327680xi32, #tpu.memory_space<hbm>> -> memref<128xi32, #tpu.memory_space<hbm>>
      tpu.wait_dma2 semaphore(%run_scoped3A : memref<!tpu.dma_semaphore, #tpu.memory_space<semaphore_mem>>) src(%dma_wait3A_64 : memref<128xi32, #tpu.memory_space<hbm>>) dst(%arg10 : memref<128xi32, #tpu.memory_space<vmem>>)
      tpu.yield
    }) : () -> ()
    "tpu.region"() ({
      %run_scoped3A = tpu.sem_alloc : memref<!tpu.dma_semaphore, #tpu.memory_space<semaphore_mem>>
      %dma_start3A_61 = tpu.memref_slice %arg4[%add3A_20] : memref<327680xi32, #tpu.memory_space<hbm>> -> memref<128xi32, #tpu.memory_space<hbm>>
      %dma_start3A_62 = tpu.memref_slice %arg4[%add3A_20] : memref<327680xi32, #tpu.memory_space<hbm>> -> memref<128xi32, #tpu.memory_space<hbm>>
      tpu.enqueue_dma source(%dma_start3A_62 : memref<128xi32, #tpu.memory_space<hbm>>) target(%arg11 : memref<128xi32, #tpu.memory_space<vmem>>) target_semaphore(%run_scoped3A : memref<!tpu.dma_semaphore, #tpu.memory_space<semaphore_mem>>)
      %dma_wait3A_63 = tpu.memref_slice %arg4[%add3A_20] : memref<327680xi32, #tpu.memory_space<hbm>> -> memref<128xi32, #tpu.memory_space<hbm>>
      %dma_wait3A_64 = tpu.memref_slice %arg4[%add3A_20] : memref<327680xi32, #tpu.memory_space<hbm>> -> memref<128xi32, #tpu.memory_space<hbm>>
      tpu.wait_dma2 semaphore(%run_scoped3A : memref<!tpu.dma_semaphore, #tpu.memory_space<semaphore_mem>>) src(%dma_wait3A_64 : memref<128xi32, #tpu.memory_space<hbm>>) dst(%arg11 : memref<128xi32, #tpu.memory_space<vmem>>)
      tpu.yield
    }) : () -> ()
    %dma_start3A_21 = arith.constant 0 : i32
    %dma_start3A_22 = arith.constant 0 : i32
    %dma_start3A_23 = tpu.memref_slice %arg2[%dma_start3A_21, %dma_start3A_22] : memref<16384x128xf32, #tpu.memory_space<hbm>> -> memref<16384x128xf32, #tpu.memory_space<hbm>>
    tpu.enqueue_indirect_dma source(%dma_start3A_23 : memref<16384x128xf32, #tpu.memory_space<hbm>>) target(%arg13 : memref<128x128xf32, #tpu.memory_space<vmem>>) offsets(%arg10 : memref<128xi32, #tpu.memory_space<vmem>>) semaphore(%arg15 : memref<!tpu.dma_semaphore, #tpu.memory_space<semaphore_mem>>)
    %scan3A = arith.constant 0 : i32
    %scan3A_24 = arith.constant 0 : i32
    %scan3A_25 = arith.constant 39 : i32
    %scan3A_26 = arith.addi %scan3A_24, %scan3A_25 : i32
    %scan3A_27 = arith.constant 1 : i32
    scf.for %scan3A_61 = %scan3A_24 to %scan3A_26 step %scan3A_27  : i32 {
      %mul3A_62 = arith.constant 2 : i32
      %mul3A_63 = arith.muli %mul3A_62, %scan3A_61 : i32
      %dma_wait3A_64 = arith.constant 0 : i32
      %dma_wait3A_65 = arith.constant 0 : i32
      %dma_wait3A_66 = tpu.memref_slice %arg2[%dma_wait3A_64, %dma_wait3A_65] : memref<16384x128xf32, #tpu.memory_space<hbm>> -> memref<128x128xf32, #tpu.memory_space<hbm>>
      %dma_wait3A_67 = arith.constant 0 : i32
      %dma_wait3A_68 = arith.constant 0 : i32
      %dma_wait3A_69 = tpu.memref_slice %arg2[%dma_wait3A_67, %dma_wait3A_68] : memref<16384x128xf32, #tpu.memory_space<hbm>> -> memref<128x128xf32, #tpu.memory_space<hbm>>
      tpu.wait_dma2 semaphore(%arg14 : memref<!tpu.dma_semaphore, #tpu.memory_space<semaphore_mem>>) src(%dma_wait3A_69 : memref<128x128xf32, #tpu.memory_space<hbm>>) dst(%arg12 : memref<128x128xf32, #tpu.memory_space<vmem>>)
      "tpu.region"() ({
        %run_scoped3A = tpu.sem_alloc : memref<!tpu.dma_semaphore, #tpu.memory_space<semaphore_mem>>
        %dma_start3A_92 = arith.constant 0 : i32
        %dma_start3A_93 = arith.constant 0 : i32
        %dma_start3A_94 = tpu.memref_slice %arg7[%dma_start3A_92, %dma_start3A_93] : memref<10240x128xf32, #tpu.memory_space<vmem_shared>> -> memref<10240x128xf32, #tpu.memory_space<vmem_shared>>
        tpu.enqueue_indirect_dma source(%arg12 : memref<128x128xf32, #tpu.memory_space<vmem>>) target(%dma_start3A_94 : memref<10240x128xf32, #tpu.memory_space<vmem_shared>>) offsets(%arg9 : memref<128xi32, #tpu.memory_space<vmem>>) semaphore(%run_scoped3A : memref<!tpu.dma_semaphore, #tpu.memory_space<semaphore_mem>>) {add = true}
        %dma_wait3A_95 = arith.constant 0 : i32
        %dma_wait3A_96 = arith.constant 0 : i32
        %dma_wait3A_97 = tpu.memref_slice %arg7[%dma_wait3A_95, %dma_wait3A_96] : memref<10240x128xf32, #tpu.memory_space<vmem_shared>> -> memref<10240x128xf32, #tpu.memory_space<vmem_shared>>
        tpu.wait_indirect_dma semaphore(%run_scoped3A : memref<!tpu.dma_semaphore, #tpu.memory_space<semaphore_mem>>) src(%arg12 : memref<128x128xf32, #tpu.memory_space<vmem>>) dst(%dma_wait3A_97 : memref<10240x128xf32, #tpu.memory_space<vmem_shared>>)
        tpu.yield
      }) : () -> ()
      %add3A_70 = arith.constant 2 : i32
      %add3A_71 = arith.addi %mul3A_63, %add3A_70 : i32
      %mul3A_72 = arith.constant 128 : i32
      %mul3A_73 = arith.muli %add3A_71, %mul3A_72 : i32
      %add3A_74 = arith.addi %mul3A_4, %mul3A_73 : i32
      "tpu.region"() ({
        %run_scoped3A = tpu.sem_alloc : memref<!tpu.dma_semaphore, #tpu.memory_space<semaphore_mem>>
        %dma_start3A_92 = tpu.memref_slice %arg3[%add3A_74] : memref<327680xi32, #tpu.memory_space<hbm>> -> memref<128xi32, #tpu.memory_space<hbm>>
        %dma_start3A_93 = tpu.memref_slice %arg3[%add3A_74] : memref<327680xi32, #tpu.memory_space<hbm>> -> memref<128xi32, #tpu.memory_space<hbm>>
        tpu.enqueue_dma source(%dma_start3A_93 : memref<128xi32, #tpu.memory_space<hbm>>) target(%arg8 : memref<128xi32, #tpu.memory_space<vmem>>) target_semaphore(%run_scoped3A : memref<!tpu.dma_semaphore, #tpu.memory_space<semaphore_mem>>)
        %dma_wait3A_94 = tpu.memref_slice %arg3[%add3A_74] : memref<327680xi32, #tpu.memory_space<hbm>> -> memref<128xi32, #tpu.memory_space<hbm>>
        %dma_wait3A_95 = tpu.memref_slice %arg3[%add3A_74] : memref<327680xi32, #tpu.memory_space<hbm>> -> memref<128xi32, #tpu.memory_space<hbm>>
        tpu.wait_dma2 semaphore(%run_scoped3A : memref<!tpu.dma_semaphore, #tpu.memory_space<semaphore_mem>>) src(%dma_wait3A_95 : memref<128xi32, #tpu.memory_space<hbm>>) dst(%arg8 : memref<128xi32, #tpu.memory_space<vmem>>)
        tpu.yield
      }) : () -> ()
      "tpu.region"() ({
        %run_scoped3A = tpu.sem_alloc : memref<!tpu.dma_semaphore, #tpu.memory_space<semaphore_mem>>
        %dma_start3A_92 = tpu.memref_slice %arg4[%add3A_74] : memref<327680xi32, #tpu.memory_space<hbm>> -> memref<128xi32, #tpu.memory_space<hbm>>
        %dma_start3A_93 = tpu.memref_slice %arg4[%add3A_74] : memref<327680xi32, #tpu.memory_space<hbm>> -> memref<128xi32, #tpu.memory_space<hbm>>
        tpu.enqueue_dma source(%dma_start3A_93 : memref<128xi32, #tpu.memory_space<hbm>>) target(%arg9 : memref<128xi32, #tpu.memory_space<vmem>>) target_semaphore(%run_scoped3A : memref<!tpu.dma_semaphore, #tpu.memory_space<semaphore_mem>>)
        %dma_wait3A_94 = tpu.memref_slice %arg4[%add3A_74] : memref<327680xi32, #tpu.memory_space<hbm>> -> memref<128xi32, #tpu.memory_space<hbm>>
        %dma_wait3A_95 = tpu.memref_slice %arg4[%add3A_74] : memref<327680xi32, #tpu.memory_space<hbm>> -> memref<128xi32, #tpu.memory_space<hbm>>
        tpu.wait_dma2 semaphore(%run_scoped3A : memref<!tpu.dma_semaphore, #tpu.memory_space<semaphore_mem>>) src(%dma_wait3A_95 : memref<128xi32, #tpu.memory_space<hbm>>) dst(%arg9 : memref<128xi32, #tpu.memory_space<vmem>>)
        tpu.yield
      }) : () -> ()
      %dma_start3A_75 = arith.constant 0 : i32
      %dma_start3A_76 = arith.constant 0 : i32
      %dma_start3A_77 = tpu.memref_slice %arg2[%dma_start3A_75, %dma_start3A_76] : memref<16384x128xf32, #tpu.memory_space<hbm>> -> memref<16384x128xf32, #tpu.memory_space<hbm>>
      tpu.enqueue_indirect_dma source(%dma_start3A_77 : memref<16384x128xf32, #tpu.memory_space<hbm>>) target(%arg12 : memref<128x128xf32, #tpu.memory_space<vmem>>) offsets(%arg8 : memref<128xi32, #tpu.memory_space<vmem>>) semaphore(%arg14 : memref<!tpu.dma_semaphore, #tpu.memory_space<semaphore_mem>>)
      %dma_wait3A_78 = arith.constant 0 : i32
      %dma_wait3A_79 = arith.constant 0 : i32
      %dma_wait3A_80 = tpu.memref_slice %arg2[%dma_wait3A_78, %dma_wait3A_79] : memref<16384x128xf32, #tpu.memory_space<hbm>> -> memref<128x128xf32, #tpu.memory_space<hbm>>
      %dma_wait3A_81 = arith.constant 0 : i32
      %dma_wait3A_82 = arith.constant 0 : i32
      %dma_wait3A_83 = tpu.memref_slice %arg2[%dma_wait3A_81, %dma_wait3A_82] : memref<16384x128xf32, #tpu.memory_space<hbm>> -> memref<128x128xf32, #tpu.memory_space<hbm>>
      tpu.wait_dma2 semaphore(%arg15 : memref<!tpu.dma_semaphore, #tpu.memory_space<semaphore_mem>>) src(%dma_wait3A_83 : memref<128x128xf32, #tpu.memory_space<hbm>>) dst(%arg13 : memref<128x128xf32, #tpu.memory_space<vmem>>)
      "tpu.region"() ({
        %run_scoped3A = tpu.sem_alloc : memref<!tpu.dma_semaphore, #tpu.memory_space<semaphore_mem>>
        %dma_start3A_92 = arith.constant 0 : i32
        %dma_start3A_93 = arith.constant 0 : i32
        %dma_start3A_94 = tpu.memref_slice %arg7[%dma_start3A_92, %dma_start3A_93] : memref<10240x128xf32, #tpu.memory_space<vmem_shared>> -> memref<10240x128xf32, #tpu.memory_space<vmem_shared>>
        tpu.enqueue_indirect_dma source(%arg13 : memref<128x128xf32, #tpu.memory_space<vmem>>) target(%dma_start3A_94 : memref<10240x128xf32, #tpu.memory_space<vmem_shared>>) offsets(%arg11 : memref<128xi32, #tpu.memory_space<vmem>>) semaphore(%run_scoped3A : memref<!tpu.dma_semaphore, #tpu.memory_space<semaphore_mem>>) {add = true}
        %dma_wait3A_95 = arith.constant 0 : i32
        %dma_wait3A_96 = arith.constant 0 : i32
        %dma_wait3A_97 = tpu.memref_slice %arg7[%dma_wait3A_95, %dma_wait3A_96] : memref<10240x128xf32, #tpu.memory_space<vmem_shared>> -> memref<10240x128xf32, #tpu.memory_space<vmem_shared>>
        tpu.wait_indirect_dma semaphore(%run_scoped3A : memref<!tpu.dma_semaphore, #tpu.memory_space<semaphore_mem>>) src(%arg13 : memref<128x128xf32, #tpu.memory_space<vmem>>) dst(%dma_wait3A_97 : memref<10240x128xf32, #tpu.memory_space<vmem_shared>>)
        tpu.yield
      }) : () -> ()
      %add3A_84 = arith.constant 3 : i32
      %add3A_85 = arith.addi %mul3A_63, %add3A_84 : i32
      %mul3A_86 = arith.constant 128 : i32
      %mul3A_87 = arith.muli %add3A_85, %mul3A_86 : i32
      %add3A_88 = arith.addi %mul3A_4, %mul3A_87 : i32
      "tpu.region"() ({
        %run_scoped3A = tpu.sem_alloc : memref<!tpu.dma_semaphore, #tpu.memory_space<semaphore_mem>>
        %dma_start3A_92 = tpu.memref_slice %arg3[%add3A_88] : memref<327680xi32, #tpu.memory_space<hbm>> -> memref<128xi32, #tpu.memory_space<hbm>>
        %dma_start3A_93 = tpu.memref_slice %arg3[%add3A_88] : memref<327680xi32, #tpu.memory_space<hbm>> -> memref<128xi32, #tpu.memory_space<hbm>>
        tpu.enqueue_dma source(%dma_start3A_93 : memref<128xi32, #tpu.memory_space<hbm>>) target(%arg10 : memref<128xi32, #tpu.memory_space<vmem>>) target_semaphore(%run_scoped3A : memref<!tpu.dma_semaphore, #tpu.memory_space<semaphore_mem>>)
        %dma_wait3A_94 = tpu.memref_slice %arg3[%add3A_88] : memref<327680xi32, #tpu.memory_space<hbm>> -> memref<128xi32, #tpu.memory_space<hbm>>
        %dma_wait3A_95 = tpu.memref_slice %arg3[%add3A_88] : memref<327680xi32, #tpu.memory_space<hbm>> -> memref<128xi32, #tpu.memory_space<hbm>>
        tpu.wait_dma2 semaphore(%run_scoped3A : memref<!tpu.dma_semaphore, #tpu.memory_space<semaphore_mem>>) src(%dma_wait3A_95 : memref<128xi32, #tpu.memory_space<hbm>>) dst(%arg10 : memref<128xi32, #tpu.memory_space<vmem>>)
        tpu.yield
      }) : () -> ()
      "tpu.region"() ({
        %run_scoped3A = tpu.sem_alloc : memref<!tpu.dma_semaphore, #tpu.memory_space<semaphore_mem>>
        %dma_start3A_92 = tpu.memref_slice %arg4[%add3A_88] : memref<327680xi32, #tpu.memory_space<hbm>> -> memref<128xi32, #tpu.memory_space<hbm>>
        %dma_start3A_93 = tpu.memref_slice %arg4[%add3A_88] : memref<327680xi32, #tpu.memory_space<hbm>> -> memref<128xi32, #tpu.memory_space<hbm>>
        tpu.enqueue_dma source(%dma_start3A_93 : memref<128xi32, #tpu.memory_space<hbm>>) target(%arg11 : memref<128xi32, #tpu.memory_space<vmem>>) target_semaphore(%run_scoped3A : memref<!tpu.dma_semaphore, #tpu.memory_space<semaphore_mem>>)
        %dma_wait3A_94 = tpu.memref_slice %arg4[%add3A_88] : memref<327680xi32, #tpu.memory_space<hbm>> -> memref<128xi32, #tpu.memory_space<hbm>>
        %dma_wait3A_95 = tpu.memref_slice %arg4[%add3A_88] : memref<327680xi32, #tpu.memory_space<hbm>> -> memref<128xi32, #tpu.memory_space<hbm>>
        tpu.wait_dma2 semaphore(%run_scoped3A : memref<!tpu.dma_semaphore, #tpu.memory_space<semaphore_mem>>) src(%dma_wait3A_95 : memref<128xi32, #tpu.memory_space<hbm>>) dst(%arg11 : memref<128xi32, #tpu.memory_space<vmem>>)
        tpu.yield
      }) : () -> ()
      %dma_start3A_89 = arith.constant 0 : i32
      %dma_start3A_90 = arith.constant 0 : i32
      %dma_start3A_91 = tpu.memref_slice %arg2[%dma_start3A_89, %dma_start3A_90] : memref<16384x128xf32, #tpu.memory_space<hbm>> -> memref<16384x128xf32, #tpu.memory_space<hbm>>
      tpu.enqueue_indirect_dma source(%dma_start3A_91 : memref<16384x128xf32, #tpu.memory_space<hbm>>) target(%arg13 : memref<128x128xf32, #tpu.memory_space<vmem>>) offsets(%arg10 : memref<128xi32, #tpu.memory_space<vmem>>) semaphore(%arg15 : memref<!tpu.dma_semaphore, #tpu.memory_space<semaphore_mem>>)
    }
    %scan3A_28 = arith.constant 39 : i32
    %dma_wait3A = arith.constant 0 : i32
    %dma_wait3A_29 = arith.constant 0 : i32
    %dma_wait3A_30 = tpu.memref_slice %arg2[%dma_wait3A, %dma_wait3A_29] : memref<16384x128xf32, #tpu.memory_space<hbm>> -> memref<128x128xf32, #tpu.memory_space<hbm>>
    %dma_wait3A_31 = arith.constant 0 : i32
    %dma_wait3A_32 = arith.constant 0 : i32
    %dma_wait3A_33 = tpu.memref_slice %arg2[%dma_wait3A_31, %dma_wait3A_32] : memref<16384x128xf32, #tpu.memory_space<hbm>> -> memref<128x128xf32, #tpu.memory_space<hbm>>
    tpu.wait_dma2 semaphore(%arg14 : memref<!tpu.dma_semaphore, #tpu.memory_space<semaphore_mem>>) src(%dma_wait3A_33 : memref<128x128xf32, #tpu.memory_space<hbm>>) dst(%arg12 : memref<128x128xf32, #tpu.memory_space<vmem>>)
    "tpu.region"() ({
      %run_scoped3A = tpu.sem_alloc : memref<!tpu.dma_semaphore, #tpu.memory_space<semaphore_mem>>
      %dma_start3A_61 = arith.constant 0 : i32
      %dma_start3A_62 = arith.constant 0 : i32
      %dma_start3A_63 = tpu.memref_slice %arg7[%dma_start3A_61, %dma_start3A_62] : memref<10240x128xf32, #tpu.memory_space<vmem_shared>> -> memref<10240x128xf32, #tpu.memory_space<vmem_shared>>
      tpu.enqueue_indirect_dma source(%arg12 : memref<128x128xf32, #tpu.memory_space<vmem>>) target(%dma_start3A_63 : memref<10240x128xf32, #tpu.memory_space<vmem_shared>>) offsets(%arg9 : memref<128xi32, #tpu.memory_space<vmem>>) semaphore(%run_scoped3A : memref<!tpu.dma_semaphore, #tpu.memory_space<semaphore_mem>>) {add = true}
      %dma_wait3A_64 = arith.constant 0 : i32
      %dma_wait3A_65 = arith.constant 0 : i32
      %dma_wait3A_66 = tpu.memref_slice %arg7[%dma_wait3A_64, %dma_wait3A_65] : memref<10240x128xf32, #tpu.memory_space<vmem_shared>> -> memref<10240x128xf32, #tpu.memory_space<vmem_shared>>
      tpu.wait_indirect_dma semaphore(%run_scoped3A : memref<!tpu.dma_semaphore, #tpu.memory_space<semaphore_mem>>) src(%arg12 : memref<128x128xf32, #tpu.memory_space<vmem>>) dst(%dma_wait3A_66 : memref<10240x128xf32, #tpu.memory_space<vmem_shared>>)
      tpu.yield
    }) : () -> ()
    %dma_wait3A_34 = arith.constant 0 : i32
    %dma_wait3A_35 = arith.constant 0 : i32
    %dma_wait3A_36 = tpu.memref_slice %arg2[%dma_wait3A_34, %dma_wait3A_35] : memref<16384x128xf32, #tpu.memory_space<hbm>> -> memref<128x128xf32, #tpu.memory_space<hbm>>
    %dma_wait3A_37 = arith.constant 0 : i32
    %dma_wait3A_38 = arith.constant 0 : i32
    %dma_wait3A_39 = tpu.memref_slice %arg2[%dma_wait3A_37, %dma_wait3A_38] : memref<16384x128xf32, #tpu.memory_space<hbm>> -> memref<128x128xf32, #tpu.memory_space<hbm>>
    tpu.wait_dma2 semaphore(%arg15 : memref<!tpu.dma_semaphore, #tpu.memory_space<semaphore_mem>>) src(%dma_wait3A_39 : memref<128x128xf32, #tpu.memory_space<hbm>>) dst(%arg13 : memref<128x128xf32, #tpu.memory_space<vmem>>)
    "tpu.region"() ({
      %run_scoped3A = tpu.sem_alloc : memref<!tpu.dma_semaphore, #tpu.memory_space<semaphore_mem>>
      %dma_start3A_61 = arith.constant 0 : i32
      %dma_start3A_62 = arith.constant 0 : i32
      %dma_start3A_63 = tpu.memref_slice %arg7[%dma_start3A_61, %dma_start3A_62] : memref<10240x128xf32, #tpu.memory_space<vmem_shared>> -> memref<10240x128xf32, #tpu.memory_space<vmem_shared>>
      tpu.enqueue_indirect_dma source(%arg13 : memref<128x128xf32, #tpu.memory_space<vmem>>) target(%dma_start3A_63 : memref<10240x128xf32, #tpu.memory_space<vmem_shared>>) offsets(%arg11 : memref<128xi32, #tpu.memory_space<vmem>>) semaphore(%run_scoped3A : memref<!tpu.dma_semaphore, #tpu.memory_space<semaphore_mem>>) {add = true}
      %dma_wait3A_64 = arith.constant 0 : i32
      %dma_wait3A_65 = arith.constant 0 : i32
      %dma_wait3A_66 = tpu.memref_slice %arg7[%dma_wait3A_64, %dma_wait3A_65] : memref<10240x128xf32, #tpu.memory_space<vmem_shared>> -> memref<10240x128xf32, #tpu.memory_space<vmem_shared>>
      tpu.wait_indirect_dma semaphore(%run_scoped3A : memref<!tpu.dma_semaphore, #tpu.memory_space<semaphore_mem>>) src(%arg13 : memref<128x128xf32, #tpu.memory_space<vmem>>) dst(%dma_wait3A_66 : memref<10240x128xf32, #tpu.memory_space<vmem_shared>>)
      tpu.yield
    }) : () -> ()
    %barrier3A_40 = arith.constant 0 : index
    tpu.barrier barrier_id(%barrier3A_40)
    %add3A_41 = arith.constant 0 : i32
    %add3A_42 = arith.addi %mul3A_2, %add3A_41 : i32
    "tpu.region"() ({
      %run_scoped3A = tpu.sem_alloc : memref<!tpu.dma_semaphore, #tpu.memory_space<semaphore_mem>>
      %dma_start3A_61 = arith.constant 0 : i32
      %dma_start3A_62 = tpu.memref_slice %arg7[%add3A_42, %dma_start3A_61] : memref<10240x128xf32, #tpu.memory_space<vmem_shared>> -> memref<128x128xf32, #tpu.memory_space<vmem_shared>>
      %dma_start3A_63 = arith.constant 0 : i32
      %dma_start3A_64 = tpu.memref_slice %arg7[%add3A_42, %dma_start3A_63] : memref<10240x128xf32, #tpu.memory_space<vmem_shared>> -> memref<128x128xf32, #tpu.memory_space<vmem_shared>>
      tpu.enqueue_dma source(%dma_start3A_64 : memref<128x128xf32, #tpu.memory_space<vmem_shared>>) target(%arg12 : memref<128x128xf32, #tpu.memory_space<vmem>>) target_semaphore(%run_scoped3A : memref<!tpu.dma_semaphore, #tpu.memory_space<semaphore_mem>>)
      %dma_wait3A_65 = arith.constant 0 : i32
      %dma_wait3A_66 = tpu.memref_slice %arg7[%add3A_42, %dma_wait3A_65] : memref<10240x128xf32, #tpu.memory_space<vmem_shared>> -> memref<128x128xf32, #tpu.memory_space<vmem_shared>>
      %dma_wait3A_67 = arith.constant 0 : i32
      %dma_wait3A_68 = tpu.memref_slice %arg7[%add3A_42, %dma_wait3A_67] : memref<10240x128xf32, #tpu.memory_space<vmem_shared>> -> memref<128x128xf32, #tpu.memory_space<vmem_shared>>
      tpu.wait_dma2 semaphore(%run_scoped3A : memref<!tpu.dma_semaphore, #tpu.memory_space<semaphore_mem>>) src(%dma_wait3A_68 : memref<128x128xf32, #tpu.memory_space<vmem_shared>>) dst(%arg12 : memref<128x128xf32, #tpu.memory_space<vmem>>)
      tpu.yield
    }) : () -> ()
    %add3A_43 = arith.constant 0 : i32
    %add3A_44 = arith.addi %mul3A_2, %add3A_43 : i32
    "tpu.region"() ({
      %run_scoped3A = tpu.sem_alloc : memref<!tpu.dma_semaphore, #tpu.memory_space<semaphore_mem>>
      %dma_start3A_61 = arith.constant 0 : i32
      %dma_start3A_62 = tpu.memref_slice %arg6[%arg0, %add3A_44, %dma_start3A_61] : memref<2x10240x128xf32, #tpu.memory_space<hbm>> -> memref<1x128x128xf32, #tpu.memory_space<hbm>>
      %dma_start3A_63 = tpu.memref_squeeze %dma_start3A_62 : memref<1x128x128xf32, #tpu.memory_space<hbm>> -> memref<128x128xf32, #tpu.memory_space<hbm>>
      %dma_start3A_64 = arith.constant 0 : i32
      %dma_start3A_65 = tpu.memref_slice %arg6[%arg0, %add3A_44, %dma_start3A_64] : memref<2x10240x128xf32, #tpu.memory_space<hbm>> -> memref<1x128x128xf32, #tpu.memory_space<hbm>>
      %dma_start3A_66 = tpu.memref_squeeze %dma_start3A_65 : memref<1x128x128xf32, #tpu.memory_space<hbm>> -> memref<128x128xf32, #tpu.memory_space<hbm>>
      tpu.enqueue_dma source(%arg12 : memref<128x128xf32, #tpu.memory_space<vmem>>) target(%dma_start3A_66 : memref<128x128xf32, #tpu.memory_space<hbm>>) target_semaphore(%run_scoped3A : memref<!tpu.dma_semaphore, #tpu.memory_space<semaphore_mem>>)
      %dma_wait3A_67 = arith.constant 0 : i32
      %dma_wait3A_68 = tpu.memref_slice %arg6[%arg0, %add3A_44, %dma_wait3A_67] : memref<2x10240x128xf32, #tpu.memory_space<hbm>> -> memref<1x128x128xf32, #tpu.memory_space<hbm>>
      %dma_wait3A_69 = tpu.memref_squeeze %dma_wait3A_68 : memref<1x128x128xf32, #tpu.memory_space<hbm>> -> memref<128x128xf32, #tpu.memory_space<hbm>>
      %dma_wait3A_70 = arith.constant 0 : i32
      %dma_wait3A_71 = tpu.memref_slice %arg6[%arg0, %add3A_44, %dma_wait3A_70] : memref<2x10240x128xf32, #tpu.memory_space<hbm>> -> memref<1x128x128xf32, #tpu.memory_space<hbm>>
      %dma_wait3A_72 = tpu.memref_squeeze %dma_wait3A_71 : memref<1x128x128xf32, #tpu.memory_space<hbm>> -> memref<128x128xf32, #tpu.memory_space<hbm>>
      tpu.wait_dma2 semaphore(%run_scoped3A : memref<!tpu.dma_semaphore, #tpu.memory_space<semaphore_mem>>) src(%arg12 : memref<128x128xf32, #tpu.memory_space<vmem>>) dst(%dma_wait3A_72 : memref<128x128xf32, #tpu.memory_space<hbm>>)
      tpu.yield
    }) : () -> ()
    %add3A_45 = arith.constant 128 : i32
    %add3A_46 = arith.addi %mul3A_2, %add3A_45 : i32
    "tpu.region"() ({
      %run_scoped3A = tpu.sem_alloc : memref<!tpu.dma_semaphore, #tpu.memory_space<semaphore_mem>>
      %dma_start3A_61 = arith.constant 0 : i32
      %dma_start3A_62 = tpu.memref_slice %arg7[%add3A_46, %dma_start3A_61] : memref<10240x128xf32, #tpu.memory_space<vmem_shared>> -> memref<128x128xf32, #tpu.memory_space<vmem_shared>>
      %dma_start3A_63 = arith.constant 0 : i32
      %dma_start3A_64 = tpu.memref_slice %arg7[%add3A_46, %dma_start3A_63] : memref<10240x128xf32, #tpu.memory_space<vmem_shared>> -> memref<128x128xf32, #tpu.memory_space<vmem_shared>>
      tpu.enqueue_dma source(%dma_start3A_64 : memref<128x128xf32, #tpu.memory_space<vmem_shared>>) target(%arg12 : memref<128x128xf32, #tpu.memory_space<vmem>>) target_semaphore(%run_scoped3A : memref<!tpu.dma_semaphore, #tpu.memory_space<semaphore_mem>>)
      %dma_wait3A_65 = arith.constant 0 : i32
      %dma_wait3A_66 = tpu.memref_slice %arg7[%add3A_46, %dma_wait3A_65] : memref<10240x128xf32, #tpu.memory_space<vmem_shared>> -> memref<128x128xf32, #tpu.memory_space<vmem_shared>>
      %dma_wait3A_67 = arith.constant 0 : i32
      %dma_wait3A_68 = tpu.memref_slice %arg7[%add3A_46, %dma_wait3A_67] : memref<10240x128xf32, #tpu.memory_space<vmem_shared>> -> memref<128x128xf32, #tpu.memory_space<vmem_shared>>
      tpu.wait_dma2 semaphore(%run_scoped3A : memref<!tpu.dma_semaphore, #tpu.memory_space<semaphore_mem>>) src(%dma_wait3A_68 : memref<128x128xf32, #tpu.memory_space<vmem_shared>>) dst(%arg12 : memref<128x128xf32, #tpu.memory_space<vmem>>)
      tpu.yield
    }) : () -> ()
    %add3A_47 = arith.constant 128 : i32
    %add3A_48 = arith.addi %mul3A_2, %add3A_47 : i32
    "tpu.region"() ({
      %run_scoped3A = tpu.sem_alloc : memref<!tpu.dma_semaphore, #tpu.memory_space<semaphore_mem>>
      %dma_start3A_61 = arith.constant 0 : i32
      %dma_start3A_62 = tpu.memref_slice %arg6[%arg0, %add3A_48, %dma_start3A_61] : memref<2x10240x128xf32, #tpu.memory_space<hbm>> -> memref<1x128x128xf32, #tpu.memory_space<hbm>>
      %dma_start3A_63 = tpu.memref_squeeze %dma_start3A_62 : memref<1x128x128xf32, #tpu.memory_space<hbm>> -> memref<128x128xf32, #tpu.memory_space<hbm>>
      %dma_start3A_64 = arith.constant 0 : i32
      %dma_start3A_65 = tpu.memref_slice %arg6[%arg0, %add3A_48, %dma_start3A_64] : memref<2x10240x128xf32, #tpu.memory_space<hbm>> -> memref<1x128x128xf32, #tpu.memory_space<hbm>>
      %dma_start3A_66 = tpu.memref_squeeze %dma_start3A_65 : memref<1x128x128xf32, #tpu.memory_space<hbm>> -> memref<128x128xf32, #tpu.memory_space<hbm>>
      tpu.enqueue_dma source(%arg12 : memref<128x128xf32, #tpu.memory_space<vmem>>) target(%dma_start3A_66 : memref<128x128xf32, #tpu.memory_space<hbm>>) target_semaphore(%run_scoped3A : memref<!tpu.dma_semaphore, #tpu.memory_space<semaphore_mem>>)
      %dma_wait3A_67 = arith.constant 0 : i32
      %dma_wait3A_68 = tpu.memref_slice %arg6[%arg0, %add3A_48, %dma_wait3A_67] : memref<2x10240x128xf32, #tpu.memory_space<hbm>> -> memref<1x128x128xf32, #tpu.memory_space<hbm>>
      %dma_wait3A_69 = tpu.memref_squeeze %dma_wait3A_68 : memref<1x128x128xf32, #tpu.memory_space<hbm>> -> memref<128x128xf32, #tpu.memory_space<hbm>>
      %dma_wait3A_70 = arith.constant 0 : i32
      %dma_wait3A_71 = tpu.memref_slice %arg6[%arg0, %add3A_48, %dma_wait3A_70] : memref<2x10240x128xf32, #tpu.memory_space<hbm>> -> memref<1x128x128xf32, #tpu.memory_space<hbm>>
      %dma_wait3A_72 = tpu.memref_squeeze %dma_wait3A_71 : memref<1x128x128xf32, #tpu.memory_space<hbm>> -> memref<128x128xf32, #tpu.memory_space<hbm>>
      tpu.wait_dma2 semaphore(%run_scoped3A : memref<!tpu.dma_semaphore, #tpu.memory_space<semaphore_mem>>) src(%arg12 : memref<128x128xf32, #tpu.memory_space<vmem>>) dst(%dma_wait3A_72 : memref<128x128xf32, #tpu.memory_space<hbm>>)
      tpu.yield
    }) : () -> ()
    %add3A_49 = arith.constant 256 : i32
    %add3A_50 = arith.addi %mul3A_2, %add3A_49 : i32
    "tpu.region"() ({
      %run_scoped3A = tpu.sem_alloc : memref<!tpu.dma_semaphore, #tpu.memory_space<semaphore_mem>>
      %dma_start3A_61 = arith.constant 0 : i32
      %dma_start3A_62 = tpu.memref_slice %arg7[%add3A_50, %dma_start3A_61] : memref<10240x128xf32, #tpu.memory_space<vmem_shared>> -> memref<128x128xf32, #tpu.memory_space<vmem_shared>>
      %dma_start3A_63 = arith.constant 0 : i32
      %dma_start3A_64 = tpu.memref_slice %arg7[%add3A_50, %dma_start3A_63] : memref<10240x128xf32, #tpu.memory_space<vmem_shared>> -> memref<128x128xf32, #tpu.memory_space<vmem_shared>>
      tpu.enqueue_dma source(%dma_start3A_64 : memref<128x128xf32, #tpu.memory_space<vmem_shared>>) target(%arg12 : memref<128x128xf32, #tpu.memory_space<vmem>>) target_semaphore(%run_scoped3A : memref<!tpu.dma_semaphore, #tpu.memory_space<semaphore_mem>>)
      %dma_wait3A_65 = arith.constant 0 : i32
      %dma_wait3A_66 = tpu.memref_slice %arg7[%add3A_50, %dma_wait3A_65] : memref<10240x128xf32, #tpu.memory_space<vmem_shared>> -> memref<128x128xf32, #tpu.memory_space<vmem_shared>>
      %dma_wait3A_67 = arith.constant 0 : i32
      %dma_wait3A_68 = tpu.memref_slice %arg7[%add3A_50, %dma_wait3A_67] : memref<10240x128xf32, #tpu.memory_space<vmem_shared>> -> memref<128x128xf32, #tpu.memory_space<vmem_shared>>
      tpu.wait_dma2 semaphore(%run_scoped3A : memref<!tpu.dma_semaphore, #tpu.memory_space<semaphore_mem>>) src(%dma_wait3A_68 : memref<128x128xf32, #tpu.memory_space<vmem_shared>>) dst(%arg12 : memref<128x128xf32, #tpu.memory_space<vmem>>)
      tpu.yield
    }) : () -> ()
    %add3A_51 = arith.constant 256 : i32
    %add3A_52 = arith.addi %mul3A_2, %add3A_51 : i32
    "tpu.region"() ({
      %run_scoped3A = tpu.sem_alloc : memref<!tpu.dma_semaphore, #tpu.memory_space<semaphore_mem>>
      %dma_start3A_61 = arith.constant 0 : i32
      %dma_start3A_62 = tpu.memref_slice %arg6[%arg0, %add3A_52, %dma_start3A_61] : memref<2x10240x128xf32, #tpu.memory_space<hbm>> -> memref<1x128x128xf32, #tpu.memory_space<hbm>>
      %dma_start3A_63 = tpu.memref_squeeze %dma_start3A_62 : memref<1x128x128xf32, #tpu.memory_space<hbm>> -> memref<128x128xf32, #tpu.memory_space<hbm>>
      %dma_start3A_64 = arith.constant 0 : i32
      %dma_start3A_65 = tpu.memref_slice %arg6[%arg0, %add3A_52, %dma_start3A_64] : memref<2x10240x128xf32, #tpu.memory_space<hbm>> -> memref<1x128x128xf32, #tpu.memory_space<hbm>>
      %dma_start3A_66 = tpu.memref_squeeze %dma_start3A_65 : memref<1x128x128xf32, #tpu.memory_space<hbm>> -> memref<128x128xf32, #tpu.memory_space<hbm>>
      tpu.enqueue_dma source(%arg12 : memref<128x128xf32, #tpu.memory_space<vmem>>) target(%dma_start3A_66 : memref<128x128xf32, #tpu.memory_space<hbm>>) target_semaphore(%run_scoped3A : memref<!tpu.dma_semaphore, #tpu.memory_space<semaphore_mem>>)
      %dma_wait3A_67 = arith.constant 0 : i32
      %dma_wait3A_68 = tpu.memref_slice %arg6[%arg0, %add3A_52, %dma_wait3A_67] : memref<2x10240x128xf32, #tpu.memory_space<hbm>> -> memref<1x128x128xf32, #tpu.memory_space<hbm>>
      %dma_wait3A_69 = tpu.memref_squeeze %dma_wait3A_68 : memref<1x128x128xf32, #tpu.memory_space<hbm>> -> memref<128x128xf32, #tpu.memory_space<hbm>>
      %dma_wait3A_70 = arith.constant 0 : i32
      %dma_wait3A_71 = tpu.memref_slice %arg6[%arg0, %add3A_52, %dma_wait3A_70] : memref<2x10240x128xf32, #tpu.memory_space<hbm>> -> memref<1x128x128xf32, #tpu.memory_space<hbm>>
      %dma_wait3A_72 = tpu.memref_squeeze %dma_wait3A_71 : memref<1x128x128xf32, #tpu.memory_space<hbm>> -> memref<128x128xf32, #tpu.memory_space<hbm>>
      tpu.wait_dma2 semaphore(%run_scoped3A : memref<!tpu.dma_semaphore, #tpu.memory_space<semaphore_mem>>) src(%arg12 : memref<128x128xf32, #tpu.memory_space<vmem>>) dst(%dma_wait3A_72 : memref<128x128xf32, #tpu.memory_space<hbm>>)
      tpu.yield
    }) : () -> ()
    %add3A_53 = arith.constant 384 : i32
    %add3A_54 = arith.addi %mul3A_2, %add3A_53 : i32
    "tpu.region"() ({
      %run_scoped3A = tpu.sem_alloc : memref<!tpu.dma_semaphore, #tpu.memory_space<semaphore_mem>>
      %dma_start3A_61 = arith.constant 0 : i32
      %dma_start3A_62 = tpu.memref_slice %arg7[%add3A_54, %dma_start3A_61] : memref<10240x128xf32, #tpu.memory_space<vmem_shared>> -> memref<128x128xf32, #tpu.memory_space<vmem_shared>>
      %dma_start3A_63 = arith.constant 0 : i32
      %dma_start3A_64 = tpu.memref_slice %arg7[%add3A_54, %dma_start3A_63] : memref<10240x128xf32, #tpu.memory_space<vmem_shared>> -> memref<128x128xf32, #tpu.memory_space<vmem_shared>>
      tpu.enqueue_dma source(%dma_start3A_64 : memref<128x128xf32, #tpu.memory_space<vmem_shared>>) target(%arg12 : memref<128x128xf32, #tpu.memory_space<vmem>>) target_semaphore(%run_scoped3A : memref<!tpu.dma_semaphore, #tpu.memory_space<semaphore_mem>>)
      %dma_wait3A_65 = arith.constant 0 : i32
      %dma_wait3A_66 = tpu.memref_slice %arg7[%add3A_54, %dma_wait3A_65] : memref<10240x128xf32, #tpu.memory_space<vmem_shared>> -> memref<128x128xf32, #tpu.memory_space<vmem_shared>>
      %dma_wait3A_67 = arith.constant 0 : i32
      %dma_wait3A_68 = tpu.memref_slice %arg7[%add3A_54, %dma_wait3A_67] : memref<10240x128xf32, #tpu.memory_space<vmem_shared>> -> memref<128x128xf32, #tpu.memory_space<vmem_shared>>
      tpu.wait_dma2 semaphore(%run_scoped3A : memref<!tpu.dma_semaphore, #tpu.memory_space<semaphore_mem>>) src(%dma_wait3A_68 : memref<128x128xf32, #tpu.memory_space<vmem_shared>>) dst(%arg12 : memref<128x128xf32, #tpu.memory_space<vmem>>)
      tpu.yield
    }) : () -> ()
    %add3A_55 = arith.constant 384 : i32
    %add3A_56 = arith.addi %mul3A_2, %add3A_55 : i32
    "tpu.region"() ({
      %run_scoped3A = tpu.sem_alloc : memref<!tpu.dma_semaphore, #tpu.memory_space<semaphore_mem>>
      %dma_start3A_61 = arith.constant 0 : i32
      %dma_start3A_62 = tpu.memref_slice %arg6[%arg0, %add3A_56, %dma_start3A_61] : memref<2x10240x128xf32, #tpu.memory_space<hbm>> -> memref<1x128x128xf32, #tpu.memory_space<hbm>>
      %dma_start3A_63 = tpu.memref_squeeze %dma_start3A_62 : memref<1x128x128xf32, #tpu.memory_space<hbm>> -> memref<128x128xf32, #tpu.memory_space<hbm>>
      %dma_start3A_64 = arith.constant 0 : i32
      %dma_start3A_65 = tpu.memref_slice %arg6[%arg0, %add3A_56, %dma_start3A_64] : memref<2x10240x128xf32, #tpu.memory_space<hbm>> -> memref<1x128x128xf32, #tpu.memory_space<hbm>>
      %dma_start3A_66 = tpu.memref_squeeze %dma_start3A_65 : memref<1x128x128xf32, #tpu.memory_space<hbm>> -> memref<128x128xf32, #tpu.memory_space<hbm>>
      tpu.enqueue_dma source(%arg12 : memref<128x128xf32, #tpu.memory_space<vmem>>) target(%dma_start3A_66 : memref<128x128xf32, #tpu.memory_space<hbm>>) target_semaphore(%run_scoped3A : memref<!tpu.dma_semaphore, #tpu.memory_space<semaphore_mem>>)
      %dma_wait3A_67 = arith.constant 0 : i32
      %dma_wait3A_68 = tpu.memref_slice %arg6[%arg0, %add3A_56, %dma_wait3A_67] : memref<2x10240x128xf32, #tpu.memory_space<hbm>> -> memref<1x128x128xf32, #tpu.memory_space<hbm>>
      %dma_wait3A_69 = tpu.memref_squeeze %dma_wait3A_68 : memref<1x128x128xf32, #tpu.memory_space<hbm>> -> memref<128x128xf32, #tpu.memory_space<hbm>>
      %dma_wait3A_70 = arith.constant 0 : i32
      %dma_wait3A_71 = tpu.memref_slice %arg6[%arg0, %add3A_56, %dma_wait3A_70] : memref<2x10240x128xf32, #tpu.memory_space<hbm>> -> memref<1x128x128xf32, #tpu.memory_space<hbm>>
      %dma_wait3A_72 = tpu.memref_squeeze %dma_wait3A_71 : memref<1x128x128xf32, #tpu.memory_space<hbm>> -> memref<128x128xf32, #tpu.memory_space<hbm>>
      tpu.wait_dma2 semaphore(%run_scoped3A : memref<!tpu.dma_semaphore, #tpu.memory_space<semaphore_mem>>) src(%arg12 : memref<128x128xf32, #tpu.memory_space<vmem>>) dst(%dma_wait3A_72 : memref<128x128xf32, #tpu.memory_space<hbm>>)
      tpu.yield
    }) : () -> ()
    %add3A_57 = arith.constant 512 : i32
    %add3A_58 = arith.addi %mul3A_2, %add3A_57 : i32
    "tpu.region"() ({
      %run_scoped3A = tpu.sem_alloc : memref<!tpu.dma_semaphore, #tpu.memory_space<semaphore_mem>>
      %dma_start3A_61 = arith.constant 0 : i32
      %dma_start3A_62 = tpu.memref_slice %arg7[%add3A_58, %dma_start3A_61] : memref<10240x128xf32, #tpu.memory_space<vmem_shared>> -> memref<128x128xf32, #tpu.memory_space<vmem_shared>>
      %dma_start3A_63 = arith.constant 0 : i32
      %dma_start3A_64 = tpu.memref_slice %arg7[%add3A_58, %dma_start3A_63] : memref<10240x128xf32, #tpu.memory_space<vmem_shared>> -> memref<128x128xf32, #tpu.memory_space<vmem_shared>>
      tpu.enqueue_dma source(%dma_start3A_64 : memref<128x128xf32, #tpu.memory_space<vmem_shared>>) target(%arg12 : memref<128x128xf32, #tpu.memory_space<vmem>>) target_semaphore(%run_scoped3A : memref<!tpu.dma_semaphore, #tpu.memory_space<semaphore_mem>>)
      %dma_wait3A_65 = arith.constant 0 : i32
      %dma_wait3A_66 = tpu.memref_slice %arg7[%add3A_58, %dma_wait3A_65] : memref<10240x128xf32, #tpu.memory_space<vmem_shared>> -> memref<128x128xf32, #tpu.memory_space<vmem_shared>>
      %dma_wait3A_67 = arith.constant 0 : i32
      %dma_wait3A_68 = tpu.memref_slice %arg7[%add3A_58, %dma_wait3A_67] : memref<10240x128xf32, #tpu.memory_space<vmem_shared>> -> memref<128x128xf32, #tpu.memory_space<vmem_shared>>
      tpu.wait_dma2 semaphore(%run_scoped3A : memref<!tpu.dma_semaphore, #tpu.memory_space<semaphore_mem>>) src(%dma_wait3A_68 : memref<128x128xf32, #tpu.memory_space<vmem_shared>>) dst(%arg12 : memref<128x128xf32, #tpu.memory_space<vmem>>)
      tpu.yield
    }) : () -> ()
    %add3A_59 = arith.constant 512 : i32
    %add3A_60 = arith.addi %mul3A_2, %add3A_59 : i32
    "tpu.region"() ({
      %run_scoped3A = tpu.sem_alloc : memref<!tpu.dma_semaphore, #tpu.memory_space<semaphore_mem>>
      %dma_start3A_61 = arith.constant 0 : i32
      %dma_start3A_62 = tpu.memref_slice %arg6[%arg0, %add3A_60, %dma_start3A_61] : memref<2x10240x128xf32, #tpu.memory_space<hbm>> -> memref<1x128x128xf32, #tpu.memory_space<hbm>>
      %dma_start3A_63 = tpu.memref_squeeze %dma_start3A_62 : memref<1x128x128xf32, #tpu.memory_space<hbm>> -> memref<128x128xf32, #tpu.memory_space<hbm>>
      %dma_start3A_64 = arith.constant 0 : i32
      %dma_start3A_65 = tpu.memref_slice %arg6[%arg0, %add3A_60, %dma_start3A_64] : memref<2x10240x128xf32, #tpu.memory_space<hbm>> -> memref<1x128x128xf32, #tpu.memory_space<hbm>>
      %dma_start3A_66 = tpu.memref_squeeze %dma_start3A_65 : memref<1x128x128xf32, #tpu.memory_space<hbm>> -> memref<128x128xf32, #tpu.memory_space<hbm>>
      tpu.enqueue_dma source(%arg12 : memref<128x128xf32, #tpu.memory_space<vmem>>) target(%dma_start3A_66 : memref<128x128xf32, #tpu.memory_space<hbm>>) target_semaphore(%run_scoped3A : memref<!tpu.dma_semaphore, #tpu.memory_space<semaphore_mem>>)
      %dma_wait3A_67 = arith.constant 0 : i32
      %dma_wait3A_68 = tpu.memref_slice %arg6[%arg0, %add3A_60, %dma_wait3A_67] : memref<2x10240x128xf32, #tpu.memory_space<hbm>> -> memref<1x128x128xf32, #tpu.memory_space<hbm>>
      %dma_wait3A_69 = tpu.memref_squeeze %dma_wait3A_68 : memref<1x128x128xf32, #tpu.memory_space<hbm>> -> memref<128x128xf32, #tpu.memory_space<hbm>>
      %dma_wait3A_70 = arith.constant 0 : i32
      %dma_wait3A_71 = tpu.memref_slice %arg6[%arg0, %add3A_60, %dma_wait3A_70] : memref<2x10240x128xf32, #tpu.memory_space<hbm>> -> memref<1x128x128xf32, #tpu.memory_space<hbm>>
      %dma_wait3A_72 = tpu.memref_squeeze %dma_wait3A_71 : memref<1x128x128xf32, #tpu.memory_space<hbm>> -> memref<128x128xf32, #tpu.memory_space<hbm>>
      tpu.wait_dma2 semaphore(%run_scoped3A : memref<!tpu.dma_semaphore, #tpu.memory_space<semaphore_mem>>) src(%arg12 : memref<128x128xf32, #tpu.memory_space<vmem>>) dst(%dma_wait3A_72 : memref<128x128xf32, #tpu.memory_space<hbm>>)
      tpu.yield
    }) : () -> ()
    return
  }
}

#map = affine_map<(d0, d1) -> (0)>
#map1 = affine_map<(d0, d1) -> (0, 0)>
#map2 = affine_map<(d0, d1) -> (0, 0, 0, 0)>
module attributes {stable_mosaic.version = 14 : i64} {
  func.func @k(%arg0: i32, %arg1: i32, %arg2: memref<327680xi32, #tpu.memory_space<hbm>>, %arg3: memref<327680xi32, #tpu.memory_space<hbm>>, %arg4: memref<128x128xf32, #tpu.memory_space<hbm>>, %arg5: memref<128x128xf32, #tpu.memory_space<hbm>>, %arg6: memref<2x2x10240x128xf32, #tpu.memory_space<hbm>>, %arg7: memref<10240x128xf32, #tpu.memory_space<vmem_shared>>, %arg8: memref<128xi32, #tpu.memory_space<vmem>>, %arg9: memref<128xi32, #tpu.memory_space<vmem>>, %arg10: memref<128x128xf32, #tpu.memory_space<vmem>>, %arg11: memref<128x128xf32, #tpu.memory_space<vmem>>, %arg12: memref<!tpu.dma_semaphore, #tpu.memory_space<semaphore_mem>>, %arg13: memref<!tpu.dma_semaphore, #tpu.memory_space<semaphore_mem>>) attributes {dimension_semantics = [#tpu.dimension_semantics<core_parallel>, #tpu.dimension_semantics<subcore_parallel>], iteration_bounds = array<i64: 2, 16>, scalar_prefetch = 0 : i64, scratch_operands = 7 : i64, tpu.core_type = #tpu.core_type<sc_vector_subcore>, window_params = [{transform_indices = #map}, {transform_indices = #map}, {transform_indices = #map1}, {transform_indices = #map1}, {transform_indices = #map2}]} {
    %mul3A = arith.constant 2 : i32
    %mul3A_0 = arith.muli %arg1, %mul3A : i32
    %add3A = arith.addi %mul3A_0, %arg0 : i32
    %mul3A_1 = arith.constant 640 : i32
    %mul3A_2 = arith.muli %arg1, %mul3A_1 : i32
    %mul3A_3 = arith.constant 10240 : i32
    %mul3A_4 = arith.muli %add3A, %mul3A_3 : i32
    "tpu.region"() ({
      %run_scoped3A_102 = tpu.sem_alloc : memref<!tpu.dma_semaphore, #tpu.memory_space<semaphore_mem>>
      tpu.enqueue_dma source(%arg5 : memref<128x128xf32, #tpu.memory_space<hbm>>) target(%arg10 : memref<128x128xf32, #tpu.memory_space<vmem>>) target_semaphore(%run_scoped3A_102 : memref<!tpu.dma_semaphore, #tpu.memory_space<semaphore_mem>>)
      tpu.wait_dma2 semaphore(%run_scoped3A_102 : memref<!tpu.dma_semaphore, #tpu.memory_space<semaphore_mem>>) src(%arg5 : memref<128x128xf32, #tpu.memory_space<hbm>>) dst(%arg10 : memref<128x128xf32, #tpu.memory_space<vmem>>)
      tpu.yield
    }) : () -> ()
    "tpu.region"() ({
      %run_scoped3A_102 = tpu.sem_alloc : memref<!tpu.dma_semaphore, #tpu.memory_space<semaphore_mem>>
      tpu.enqueue_dma source(%arg4 : memref<128x128xf32, #tpu.memory_space<hbm>>) target(%arg11 : memref<128x128xf32, #tpu.memory_space<vmem>>) target_semaphore(%run_scoped3A_102 : memref<!tpu.dma_semaphore, #tpu.memory_space<semaphore_mem>>)
      tpu.wait_dma2 semaphore(%run_scoped3A_102 : memref<!tpu.dma_semaphore, #tpu.memory_space<semaphore_mem>>) src(%arg4 : memref<128x128xf32, #tpu.memory_space<hbm>>) dst(%arg11 : memref<128x128xf32, #tpu.memory_space<vmem>>)
      tpu.yield
    }) : () -> ()
    %add3A_5 = arith.constant 0 : i32
    %add3A_6 = arith.addi %mul3A_2, %add3A_5 : i32
    "tpu.region"() ({
      %run_scoped3A_102 = tpu.sem_alloc : memref<!tpu.dma_semaphore, #tpu.memory_space<semaphore_mem>>
      %dma_start3A_103 = arith.constant 0 : i32
      %dma_start3A_104 = tpu.memref_slice %arg7[%add3A_6, %dma_start3A_103] : memref<10240x128xf32, #tpu.memory_space<vmem_shared>> -> memref<128x128xf32, #tpu.memory_space<vmem_shared>>
      %dma_start3A_105 = arith.constant 0 : i32
      %dma_start3A_106 = tpu.memref_slice %arg7[%add3A_6, %dma_start3A_105] : memref<10240x128xf32, #tpu.memory_space<vmem_shared>> -> memref<128x128xf32, #tpu.memory_space<vmem_shared>>
      tpu.enqueue_dma source(%arg11 : memref<128x128xf32, #tpu.memory_space<vmem>>) target(%dma_start3A_106 : memref<128x128xf32, #tpu.memory_space<vmem_shared>>) target_semaphore(%run_scoped3A_102 : memref<!tpu.dma_semaphore, #tpu.memory_space<semaphore_mem>>)
      %dma_wait3A_107 = arith.constant 0 : i32
      %dma_wait3A_108 = tpu.memref_slice %arg7[%add3A_6, %dma_wait3A_107] : memref<10240x128xf32, #tpu.memory_space<vmem_shared>> -> memref<128x128xf32, #tpu.memory_space<vmem_shared>>
      %dma_wait3A_109 = arith.constant 0 : i32
      %dma_wait3A_110 = tpu.memref_slice %arg7[%add3A_6, %dma_wait3A_109] : memref<10240x128xf32, #tpu.memory_space<vmem_shared>> -> memref<128x128xf32, #tpu.memory_space<vmem_shared>>
      tpu.wait_dma2 semaphore(%run_scoped3A_102 : memref<!tpu.dma_semaphore, #tpu.memory_space<semaphore_mem>>) src(%arg11 : memref<128x128xf32, #tpu.memory_space<vmem>>) dst(%dma_wait3A_110 : memref<128x128xf32, #tpu.memory_space<vmem_shared>>)
      tpu.yield
    }) : () -> ()
    %add3A_7 = arith.constant 128 : i32
    %add3A_8 = arith.addi %mul3A_2, %add3A_7 : i32
    "tpu.region"() ({
      %run_scoped3A_102 = tpu.sem_alloc : memref<!tpu.dma_semaphore, #tpu.memory_space<semaphore_mem>>
      %dma_start3A_103 = arith.constant 0 : i32
      %dma_start3A_104 = tpu.memref_slice %arg7[%add3A_8, %dma_start3A_103] : memref<10240x128xf32, #tpu.memory_space<vmem_shared>> -> memref<128x128xf32, #tpu.memory_space<vmem_shared>>
      %dma_start3A_105 = arith.constant 0 : i32
      %dma_start3A_106 = tpu.memref_slice %arg7[%add3A_8, %dma_start3A_105] : memref<10240x128xf32, #tpu.memory_space<vmem_shared>> -> memref<128x128xf32, #tpu.memory_space<vmem_shared>>
      tpu.enqueue_dma source(%arg11 : memref<128x128xf32, #tpu.memory_space<vmem>>) target(%dma_start3A_106 : memref<128x128xf32, #tpu.memory_space<vmem_shared>>) target_semaphore(%run_scoped3A_102 : memref<!tpu.dma_semaphore, #tpu.memory_space<semaphore_mem>>)
      %dma_wait3A_107 = arith.constant 0 : i32
      %dma_wait3A_108 = tpu.memref_slice %arg7[%add3A_8, %dma_wait3A_107] : memref<10240x128xf32, #tpu.memory_space<vmem_shared>> -> memref<128x128xf32, #tpu.memory_space<vmem_shared>>
      %dma_wait3A_109 = arith.constant 0 : i32
      %dma_wait3A_110 = tpu.memref_slice %arg7[%add3A_8, %dma_wait3A_109] : memref<10240x128xf32, #tpu.memory_space<vmem_shared>> -> memref<128x128xf32, #tpu.memory_space<vmem_shared>>
      tpu.wait_dma2 semaphore(%run_scoped3A_102 : memref<!tpu.dma_semaphore, #tpu.memory_space<semaphore_mem>>) src(%arg11 : memref<128x128xf32, #tpu.memory_space<vmem>>) dst(%dma_wait3A_110 : memref<128x128xf32, #tpu.memory_space<vmem_shared>>)
      tpu.yield
    }) : () -> ()
    %add3A_9 = arith.constant 256 : i32
    %add3A_10 = arith.addi %mul3A_2, %add3A_9 : i32
    "tpu.region"() ({
      %run_scoped3A_102 = tpu.sem_alloc : memref<!tpu.dma_semaphore, #tpu.memory_space<semaphore_mem>>
      %dma_start3A_103 = arith.constant 0 : i32
      %dma_start3A_104 = tpu.memref_slice %arg7[%add3A_10, %dma_start3A_103] : memref<10240x128xf32, #tpu.memory_space<vmem_shared>> -> memref<128x128xf32, #tpu.memory_space<vmem_shared>>
      %dma_start3A_105 = arith.constant 0 : i32
      %dma_start3A_106 = tpu.memref_slice %arg7[%add3A_10, %dma_start3A_105] : memref<10240x128xf32, #tpu.memory_space<vmem_shared>> -> memref<128x128xf32, #tpu.memory_space<vmem_shared>>
      tpu.enqueue_dma source(%arg11 : memref<128x128xf32, #tpu.memory_space<vmem>>) target(%dma_start3A_106 : memref<128x128xf32, #tpu.memory_space<vmem_shared>>) target_semaphore(%run_scoped3A_102 : memref<!tpu.dma_semaphore, #tpu.memory_space<semaphore_mem>>)
      %dma_wait3A_107 = arith.constant 0 : i32
      %dma_wait3A_108 = tpu.memref_slice %arg7[%add3A_10, %dma_wait3A_107] : memref<10240x128xf32, #tpu.memory_space<vmem_shared>> -> memref<128x128xf32, #tpu.memory_space<vmem_shared>>
      %dma_wait3A_109 = arith.constant 0 : i32
      %dma_wait3A_110 = tpu.memref_slice %arg7[%add3A_10, %dma_wait3A_109] : memref<10240x128xf32, #tpu.memory_space<vmem_shared>> -> memref<128x128xf32, #tpu.memory_space<vmem_shared>>
      tpu.wait_dma2 semaphore(%run_scoped3A_102 : memref<!tpu.dma_semaphore, #tpu.memory_space<semaphore_mem>>) src(%arg11 : memref<128x128xf32, #tpu.memory_space<vmem>>) dst(%dma_wait3A_110 : memref<128x128xf32, #tpu.memory_space<vmem_shared>>)
      tpu.yield
    }) : () -> ()
    %add3A_11 = arith.constant 384 : i32
    %add3A_12 = arith.addi %mul3A_2, %add3A_11 : i32
    "tpu.region"() ({
      %run_scoped3A_102 = tpu.sem_alloc : memref<!tpu.dma_semaphore, #tpu.memory_space<semaphore_mem>>
      %dma_start3A_103 = arith.constant 0 : i32
      %dma_start3A_104 = tpu.memref_slice %arg7[%add3A_12, %dma_start3A_103] : memref<10240x128xf32, #tpu.memory_space<vmem_shared>> -> memref<128x128xf32, #tpu.memory_space<vmem_shared>>
      %dma_start3A_105 = arith.constant 0 : i32
      %dma_start3A_106 = tpu.memref_slice %arg7[%add3A_12, %dma_start3A_105] : memref<10240x128xf32, #tpu.memory_space<vmem_shared>> -> memref<128x128xf32, #tpu.memory_space<vmem_shared>>
      tpu.enqueue_dma source(%arg11 : memref<128x128xf32, #tpu.memory_space<vmem>>) target(%dma_start3A_106 : memref<128x128xf32, #tpu.memory_space<vmem_shared>>) target_semaphore(%run_scoped3A_102 : memref<!tpu.dma_semaphore, #tpu.memory_space<semaphore_mem>>)
      %dma_wait3A_107 = arith.constant 0 : i32
      %dma_wait3A_108 = tpu.memref_slice %arg7[%add3A_12, %dma_wait3A_107] : memref<10240x128xf32, #tpu.memory_space<vmem_shared>> -> memref<128x128xf32, #tpu.memory_space<vmem_shared>>
      %dma_wait3A_109 = arith.constant 0 : i32
      %dma_wait3A_110 = tpu.memref_slice %arg7[%add3A_12, %dma_wait3A_109] : memref<10240x128xf32, #tpu.memory_space<vmem_shared>> -> memref<128x128xf32, #tpu.memory_space<vmem_shared>>
      tpu.wait_dma2 semaphore(%run_scoped3A_102 : memref<!tpu.dma_semaphore, #tpu.memory_space<semaphore_mem>>) src(%arg11 : memref<128x128xf32, #tpu.memory_space<vmem>>) dst(%dma_wait3A_110 : memref<128x128xf32, #tpu.memory_space<vmem_shared>>)
      tpu.yield
    }) : () -> ()
    %add3A_13 = arith.constant 512 : i32
    %add3A_14 = arith.addi %mul3A_2, %add3A_13 : i32
    "tpu.region"() ({
      %run_scoped3A_102 = tpu.sem_alloc : memref<!tpu.dma_semaphore, #tpu.memory_space<semaphore_mem>>
      %dma_start3A_103 = arith.constant 0 : i32
      %dma_start3A_104 = tpu.memref_slice %arg7[%add3A_14, %dma_start3A_103] : memref<10240x128xf32, #tpu.memory_space<vmem_shared>> -> memref<128x128xf32, #tpu.memory_space<vmem_shared>>
      %dma_start3A_105 = arith.constant 0 : i32
      %dma_start3A_106 = tpu.memref_slice %arg7[%add3A_14, %dma_start3A_105] : memref<10240x128xf32, #tpu.memory_space<vmem_shared>> -> memref<128x128xf32, #tpu.memory_space<vmem_shared>>
      tpu.enqueue_dma source(%arg11 : memref<128x128xf32, #tpu.memory_space<vmem>>) target(%dma_start3A_106 : memref<128x128xf32, #tpu.memory_space<vmem_shared>>) target_semaphore(%run_scoped3A_102 : memref<!tpu.dma_semaphore, #tpu.memory_space<semaphore_mem>>)
      %dma_wait3A_107 = arith.constant 0 : i32
      %dma_wait3A_108 = tpu.memref_slice %arg7[%add3A_14, %dma_wait3A_107] : memref<10240x128xf32, #tpu.memory_space<vmem_shared>> -> memref<128x128xf32, #tpu.memory_space<vmem_shared>>
      %dma_wait3A_109 = arith.constant 0 : i32
      %dma_wait3A_110 = tpu.memref_slice %arg7[%add3A_14, %dma_wait3A_109] : memref<10240x128xf32, #tpu.memory_space<vmem_shared>> -> memref<128x128xf32, #tpu.memory_space<vmem_shared>>
      tpu.wait_dma2 semaphore(%run_scoped3A_102 : memref<!tpu.dma_semaphore, #tpu.memory_space<semaphore_mem>>) src(%arg11 : memref<128x128xf32, #tpu.memory_space<vmem>>) dst(%dma_wait3A_110 : memref<128x128xf32, #tpu.memory_space<vmem_shared>>)
      tpu.yield
    }) : () -> ()
    %barrier3A = arith.constant 0 : index
    tpu.barrier barrier_id(%barrier3A)
    "tpu.region"() ({
      %run_scoped3A_102 = tpu.sem_alloc : memref<!tpu.dma_semaphore, #tpu.memory_space<semaphore_mem>>
      %dma_start3A_103 = tpu.memref_slice %arg2[%mul3A_4] : memref<327680xi32, #tpu.memory_space<hbm>> -> memref<128xi32, #tpu.memory_space<hbm>>
      %dma_start3A_104 = tpu.memref_slice %arg2[%mul3A_4] : memref<327680xi32, #tpu.memory_space<hbm>> -> memref<128xi32, #tpu.memory_space<hbm>>
      tpu.enqueue_dma source(%dma_start3A_104 : memref<128xi32, #tpu.memory_space<hbm>>) target(%arg8 : memref<128xi32, #tpu.memory_space<vmem>>) target_semaphore(%run_scoped3A_102 : memref<!tpu.dma_semaphore, #tpu.memory_space<semaphore_mem>>)
      %dma_wait3A_105 = tpu.memref_slice %arg2[%mul3A_4] : memref<327680xi32, #tpu.memory_space<hbm>> -> memref<128xi32, #tpu.memory_space<hbm>>
      %dma_wait3A_106 = tpu.memref_slice %arg2[%mul3A_4] : memref<327680xi32, #tpu.memory_space<hbm>> -> memref<128xi32, #tpu.memory_space<hbm>>
      tpu.wait_dma2 semaphore(%run_scoped3A_102 : memref<!tpu.dma_semaphore, #tpu.memory_space<semaphore_mem>>) src(%dma_wait3A_106 : memref<128xi32, #tpu.memory_space<hbm>>) dst(%arg8 : memref<128xi32, #tpu.memory_space<vmem>>)
      tpu.yield
    }) : () -> ()
    %add3A_15 = arith.constant 128 : i32
    %add3A_16 = arith.addi %mul3A_4, %add3A_15 : i32
    %dma_start3A = tpu.memref_slice %arg2[%add3A_16] : memref<327680xi32, #tpu.memory_space<hbm>> -> memref<128xi32, #tpu.memory_space<hbm>>
    %dma_start3A_17 = tpu.memref_slice %arg2[%add3A_16] : memref<327680xi32, #tpu.memory_space<hbm>> -> memref<128xi32, #tpu.memory_space<hbm>>
    tpu.enqueue_dma source(%dma_start3A_17 : memref<128xi32, #tpu.memory_space<hbm>>) target(%arg9 : memref<128xi32, #tpu.memory_space<vmem>>) target_semaphore(%arg13 : memref<!tpu.dma_semaphore, #tpu.memory_space<semaphore_mem>>)
    %scan3A = arith.constant 0 : i32
    %scan3A_18 = arith.constant 0 : i32
    %scan3A_19 = arith.constant 39 : i32
    %scan3A_20 = arith.addi %scan3A_18, %scan3A_19 : i32
    %scan3A_21 = arith.constant 1 : i32
    scf.for %scan3A_102 = %scan3A_18 to %scan3A_20 step %scan3A_21  : i32 {
      %mul3A_103 = arith.constant 2 : i32
      %mul3A_104 = arith.muli %mul3A_103, %scan3A_102 : i32
      "tpu.region"() ({
        %run_scoped3A_127 = tpu.sem_alloc : memref<!tpu.dma_semaphore, #tpu.memory_space<semaphore_mem>>
        %dma_start3A_128 = arith.constant 0 : i32
        %dma_start3A_129 = arith.constant 0 : i32
        %dma_start3A_130 = tpu.memref_slice %arg7[%dma_start3A_128, %dma_start3A_129] : memref<10240x128xf32, #tpu.memory_space<vmem_shared>> -> memref<10240x128xf32, #tpu.memory_space<vmem_shared>>
        tpu.enqueue_indirect_dma source(%arg10 : memref<128x128xf32, #tpu.memory_space<vmem>>) target(%dma_start3A_130 : memref<10240x128xf32, #tpu.memory_space<vmem_shared>>) offsets(%arg8 : memref<128xi32, #tpu.memory_space<vmem>>) semaphore(%run_scoped3A_127 : memref<!tpu.dma_semaphore, #tpu.memory_space<semaphore_mem>>) {add = true}
        %dma_wait3A_131 = arith.constant 0 : i32
        %dma_wait3A_132 = arith.constant 0 : i32
        %dma_wait3A_133 = tpu.memref_slice %arg7[%dma_wait3A_131, %dma_wait3A_132] : memref<10240x128xf32, #tpu.memory_space<vmem_shared>> -> memref<10240x128xf32, #tpu.memory_space<vmem_shared>>
        tpu.wait_indirect_dma semaphore(%run_scoped3A_127 : memref<!tpu.dma_semaphore, #tpu.memory_space<semaphore_mem>>) src(%arg10 : memref<128x128xf32, #tpu.memory_space<vmem>>) dst(%dma_wait3A_133 : memref<10240x128xf32, #tpu.memory_space<vmem_shared>>)
        tpu.yield
      }) : () -> ()
      %dma_wait3A_105 = arith.constant 0 : i32
      %dma_wait3A_106 = tpu.memref_slice %arg2[%dma_wait3A_105] : memref<327680xi32, #tpu.memory_space<hbm>> -> memref<128xi32, #tpu.memory_space<hbm>>
      %dma_wait3A_107 = arith.constant 0 : i32
      %dma_wait3A_108 = tpu.memref_slice %arg2[%dma_wait3A_107] : memref<327680xi32, #tpu.memory_space<hbm>> -> memref<128xi32, #tpu.memory_space<hbm>>
      tpu.wait_dma2 semaphore(%arg13 : memref<!tpu.dma_semaphore, #tpu.memory_space<semaphore_mem>>) src(%dma_wait3A_108 : memref<128xi32, #tpu.memory_space<hbm>>) dst(%arg9 : memref<128xi32, #tpu.memory_space<vmem>>)
      %add3A_109 = arith.constant 2 : i32
      %add3A_110 = arith.addi %mul3A_104, %add3A_109 : i32
      %mul3A_111 = arith.constant 128 : i32
      %mul3A_112 = arith.muli %add3A_110, %mul3A_111 : i32
      %add3A_113 = arith.addi %mul3A_4, %mul3A_112 : i32
      %dma_start3A_114 = tpu.memref_slice %arg2[%add3A_113] : memref<327680xi32, #tpu.memory_space<hbm>> -> memref<128xi32, #tpu.memory_space<hbm>>
      %dma_start3A_115 = tpu.memref_slice %arg2[%add3A_113] : memref<327680xi32, #tpu.memory_space<hbm>> -> memref<128xi32, #tpu.memory_space<hbm>>
      tpu.enqueue_dma source(%dma_start3A_115 : memref<128xi32, #tpu.memory_space<hbm>>) target(%arg8 : memref<128xi32, #tpu.memory_space<vmem>>) target_semaphore(%arg12 : memref<!tpu.dma_semaphore, #tpu.memory_space<semaphore_mem>>)
      "tpu.region"() ({
        %run_scoped3A_127 = tpu.sem_alloc : memref<!tpu.dma_semaphore, #tpu.memory_space<semaphore_mem>>
        %dma_start3A_128 = arith.constant 0 : i32
        %dma_start3A_129 = arith.constant 0 : i32
        %dma_start3A_130 = tpu.memref_slice %arg7[%dma_start3A_128, %dma_start3A_129] : memref<10240x128xf32, #tpu.memory_space<vmem_shared>> -> memref<10240x128xf32, #tpu.memory_space<vmem_shared>>
        tpu.enqueue_indirect_dma source(%arg10 : memref<128x128xf32, #tpu.memory_space<vmem>>) target(%dma_start3A_130 : memref<10240x128xf32, #tpu.memory_space<vmem_shared>>) offsets(%arg9 : memref<128xi32, #tpu.memory_space<vmem>>) semaphore(%run_scoped3A_127 : memref<!tpu.dma_semaphore, #tpu.memory_space<semaphore_mem>>) {add = true}
        %dma_wait3A_131 = arith.constant 0 : i32
        %dma_wait3A_132 = arith.constant 0 : i32
        %dma_wait3A_133 = tpu.memref_slice %arg7[%dma_wait3A_131, %dma_wait3A_132] : memref<10240x128xf32, #tpu.memory_space<vmem_shared>> -> memref<10240x128xf32, #tpu.memory_space<vmem_shared>>
        tpu.wait_indirect_dma semaphore(%run_scoped3A_127 : memref<!tpu.dma_semaphore, #tpu.memory_space<semaphore_mem>>) src(%arg10 : memref<128x128xf32, #tpu.memory_space<vmem>>) dst(%dma_wait3A_133 : memref<10240x128xf32, #tpu.memory_space<vmem_shared>>)
        tpu.yield
      }) : () -> ()
      %dma_wait3A_116 = arith.constant 0 : i32
      %dma_wait3A_117 = tpu.memref_slice %arg2[%dma_wait3A_116] : memref<327680xi32, #tpu.memory_space<hbm>> -> memref<128xi32, #tpu.memory_space<hbm>>
      %dma_wait3A_118 = arith.constant 0 : i32
      %dma_wait3A_119 = tpu.memref_slice %arg2[%dma_wait3A_118] : memref<327680xi32, #tpu.memory_space<hbm>> -> memref<128xi32, #tpu.memory_space<hbm>>
      tpu.wait_dma2 semaphore(%arg12 : memref<!tpu.dma_semaphore, #tpu.memory_space<semaphore_mem>>) src(%dma_wait3A_119 : memref<128xi32, #tpu.memory_space<hbm>>) dst(%arg8 : memref<128xi32, #tpu.memory_space<vmem>>)
      %add3A_120 = arith.constant 3 : i32
      %add3A_121 = arith.addi %mul3A_104, %add3A_120 : i32
      %mul3A_122 = arith.constant 128 : i32
      %mul3A_123 = arith.muli %add3A_121, %mul3A_122 : i32
      %add3A_124 = arith.addi %mul3A_4, %mul3A_123 : i32
      %dma_start3A_125 = tpu.memref_slice %arg2[%add3A_124] : memref<327680xi32, #tpu.memory_space<hbm>> -> memref<128xi32, #tpu.memory_space<hbm>>
      %dma_start3A_126 = tpu.memref_slice %arg2[%add3A_124] : memref<327680xi32, #tpu.memory_space<hbm>> -> memref<128xi32, #tpu.memory_space<hbm>>
      tpu.enqueue_dma source(%dma_start3A_126 : memref<128xi32, #tpu.memory_space<hbm>>) target(%arg9 : memref<128xi32, #tpu.memory_space<vmem>>) target_semaphore(%arg13 : memref<!tpu.dma_semaphore, #tpu.memory_space<semaphore_mem>>)
    }
    %scan3A_22 = arith.constant 39 : i32
    "tpu.region"() ({
      %run_scoped3A_102 = tpu.sem_alloc : memref<!tpu.dma_semaphore, #tpu.memory_space<semaphore_mem>>
      %dma_start3A_103 = arith.constant 0 : i32
      %dma_start3A_104 = arith.constant 0 : i32
      %dma_start3A_105 = tpu.memref_slice %arg7[%dma_start3A_103, %dma_start3A_104] : memref<10240x128xf32, #tpu.memory_space<vmem_shared>> -> memref<10240x128xf32, #tpu.memory_space<vmem_shared>>
      tpu.enqueue_indirect_dma source(%arg10 : memref<128x128xf32, #tpu.memory_space<vmem>>) target(%dma_start3A_105 : memref<10240x128xf32, #tpu.memory_space<vmem_shared>>) offsets(%arg8 : memref<128xi32, #tpu.memory_space<vmem>>) semaphore(%run_scoped3A_102 : memref<!tpu.dma_semaphore, #tpu.memory_space<semaphore_mem>>) {add = true}
      %dma_wait3A_106 = arith.constant 0 : i32
      %dma_wait3A_107 = arith.constant 0 : i32
      %dma_wait3A_108 = tpu.memref_slice %arg7[%dma_wait3A_106, %dma_wait3A_107] : memref<10240x128xf32, #tpu.memory_space<vmem_shared>> -> memref<10240x128xf32, #tpu.memory_space<vmem_shared>>
      tpu.wait_indirect_dma semaphore(%run_scoped3A_102 : memref<!tpu.dma_semaphore, #tpu.memory_space<semaphore_mem>>) src(%arg10 : memref<128x128xf32, #tpu.memory_space<vmem>>) dst(%dma_wait3A_108 : memref<10240x128xf32, #tpu.memory_space<vmem_shared>>)
      tpu.yield
    }) : () -> ()
    %dma_wait3A = arith.constant 0 : i32
    %dma_wait3A_23 = tpu.memref_slice %arg2[%dma_wait3A] : memref<327680xi32, #tpu.memory_space<hbm>> -> memref<128xi32, #tpu.memory_space<hbm>>
    %dma_wait3A_24 = arith.constant 0 : i32
    %dma_wait3A_25 = tpu.memref_slice %arg2[%dma_wait3A_24] : memref<327680xi32, #tpu.memory_space<hbm>> -> memref<128xi32, #tpu.memory_space<hbm>>
    tpu.wait_dma2 semaphore(%arg13 : memref<!tpu.dma_semaphore, #tpu.memory_space<semaphore_mem>>) src(%dma_wait3A_25 : memref<128xi32, #tpu.memory_space<hbm>>) dst(%arg9 : memref<128xi32, #tpu.memory_space<vmem>>)
    "tpu.region"() ({
      %run_scoped3A_102 = tpu.sem_alloc : memref<!tpu.dma_semaphore, #tpu.memory_space<semaphore_mem>>
      %dma_start3A_103 = arith.constant 0 : i32
      %dma_start3A_104 = arith.constant 0 : i32
      %dma_start3A_105 = tpu.memref_slice %arg7[%dma_start3A_103, %dma_start3A_104] : memref<10240x128xf32, #tpu.memory_space<vmem_shared>> -> memref<10240x128xf32, #tpu.memory_space<vmem_shared>>
      tpu.enqueue_indirect_dma source(%arg10 : memref<128x128xf32, #tpu.memory_space<vmem>>) target(%dma_start3A_105 : memref<10240x128xf32, #tpu.memory_space<vmem_shared>>) offsets(%arg9 : memref<128xi32, #tpu.memory_space<vmem>>) semaphore(%run_scoped3A_102 : memref<!tpu.dma_semaphore, #tpu.memory_space<semaphore_mem>>) {add = true}
      %dma_wait3A_106 = arith.constant 0 : i32
      %dma_wait3A_107 = arith.constant 0 : i32
      %dma_wait3A_108 = tpu.memref_slice %arg7[%dma_wait3A_106, %dma_wait3A_107] : memref<10240x128xf32, #tpu.memory_space<vmem_shared>> -> memref<10240x128xf32, #tpu.memory_space<vmem_shared>>
      tpu.wait_indirect_dma semaphore(%run_scoped3A_102 : memref<!tpu.dma_semaphore, #tpu.memory_space<semaphore_mem>>) src(%arg10 : memref<128x128xf32, #tpu.memory_space<vmem>>) dst(%dma_wait3A_108 : memref<10240x128xf32, #tpu.memory_space<vmem_shared>>)
      tpu.yield
    }) : () -> ()
    %barrier3A_26 = arith.constant 0 : index
    tpu.barrier barrier_id(%barrier3A_26)
    %add3A_27 = arith.constant 0 : i32
    %add3A_28 = arith.addi %mul3A_2, %add3A_27 : i32
    "tpu.region"() ({
      %run_scoped3A_102 = tpu.sem_alloc : memref<!tpu.dma_semaphore, #tpu.memory_space<semaphore_mem>>
      %dma_start3A_103 = arith.constant 0 : i32
      %dma_start3A_104 = tpu.memref_slice %arg7[%add3A_28, %dma_start3A_103] : memref<10240x128xf32, #tpu.memory_space<vmem_shared>> -> memref<128x128xf32, #tpu.memory_space<vmem_shared>>
      %dma_start3A_105 = arith.constant 0 : i32
      %dma_start3A_106 = tpu.memref_slice %arg7[%add3A_28, %dma_start3A_105] : memref<10240x128xf32, #tpu.memory_space<vmem_shared>> -> memref<128x128xf32, #tpu.memory_space<vmem_shared>>
      tpu.enqueue_dma source(%dma_start3A_106 : memref<128x128xf32, #tpu.memory_space<vmem_shared>>) target(%arg11 : memref<128x128xf32, #tpu.memory_space<vmem>>) target_semaphore(%run_scoped3A_102 : memref<!tpu.dma_semaphore, #tpu.memory_space<semaphore_mem>>)
      %dma_wait3A_107 = arith.constant 0 : i32
      %dma_wait3A_108 = tpu.memref_slice %arg7[%add3A_28, %dma_wait3A_107] : memref<10240x128xf32, #tpu.memory_space<vmem_shared>> -> memref<128x128xf32, #tpu.memory_space<vmem_shared>>
      %dma_wait3A_109 = arith.constant 0 : i32
      %dma_wait3A_110 = tpu.memref_slice %arg7[%add3A_28, %dma_wait3A_109] : memref<10240x128xf32, #tpu.memory_space<vmem_shared>> -> memref<128x128xf32, #tpu.memory_space<vmem_shared>>
      tpu.wait_dma2 semaphore(%run_scoped3A_102 : memref<!tpu.dma_semaphore, #tpu.memory_space<semaphore_mem>>) src(%dma_wait3A_110 : memref<128x128xf32, #tpu.memory_space<vmem_shared>>) dst(%arg11 : memref<128x128xf32, #tpu.memory_space<vmem>>)
      tpu.yield
    }) : () -> ()
    %add3A_29 = arith.constant 0 : i32
    %add3A_30 = arith.addi %mul3A_2, %add3A_29 : i32
    %run_scoped3A = arith.constant 0 : i32
    "tpu.region"() ({
      %run_scoped3A_102 = tpu.sem_alloc : memref<!tpu.dma_semaphore, #tpu.memory_space<semaphore_mem>>
      %dma_start3A_103 = arith.constant 0 : i32
      %dma_start3A_104 = tpu.memref_slice %arg6[%run_scoped3A, %arg0, %add3A_30, %dma_start3A_103] : memref<2x2x10240x128xf32, #tpu.memory_space<hbm>> -> memref<1x1x128x128xf32, #tpu.memory_space<hbm>>
      %dma_start3A_105 = tpu.memref_squeeze %dma_start3A_104 : memref<1x1x128x128xf32, #tpu.memory_space<hbm>> -> memref<128x128xf32, #tpu.memory_space<hbm>>
      %dma_start3A_106 = arith.constant 0 : i32
      %dma_start3A_107 = tpu.memref_slice %arg6[%run_scoped3A, %arg0, %add3A_30, %dma_start3A_106] : memref<2x2x10240x128xf32, #tpu.memory_space<hbm>> -> memref<1x1x128x128xf32, #tpu.memory_space<hbm>>
      %dma_start3A_108 = tpu.memref_squeeze %dma_start3A_107 : memref<1x1x128x128xf32, #tpu.memory_space<hbm>> -> memref<128x128xf32, #tpu.memory_space<hbm>>
      tpu.enqueue_dma source(%arg11 : memref<128x128xf32, #tpu.memory_space<vmem>>) target(%dma_start3A_108 : memref<128x128xf32, #tpu.memory_space<hbm>>) target_semaphore(%run_scoped3A_102 : memref<!tpu.dma_semaphore, #tpu.memory_space<semaphore_mem>>)
      %dma_wait3A_109 = arith.constant 0 : i32
      %dma_wait3A_110 = tpu.memref_slice %arg6[%run_scoped3A, %arg0, %add3A_30, %dma_wait3A_109] : memref<2x2x10240x128xf32, #tpu.memory_space<hbm>> -> memref<1x1x128x128xf32, #tpu.memory_space<hbm>>
      %dma_wait3A_111 = tpu.memref_squeeze %dma_wait3A_110 : memref<1x1x128x128xf32, #tpu.memory_space<hbm>> -> memref<128x128xf32, #tpu.memory_space<hbm>>
      %dma_wait3A_112 = arith.constant 0 : i32
      %dma_wait3A_113 = tpu.memref_slice %arg6[%run_scoped3A, %arg0, %add3A_30, %dma_wait3A_112] : memref<2x2x10240x128xf32, #tpu.memory_space<hbm>> -> memref<1x1x128x128xf32, #tpu.memory_space<hbm>>
      %dma_wait3A_114 = tpu.memref_squeeze %dma_wait3A_113 : memref<1x1x128x128xf32, #tpu.memory_space<hbm>> -> memref<128x128xf32, #tpu.memory_space<hbm>>
      tpu.wait_dma2 semaphore(%run_scoped3A_102 : memref<!tpu.dma_semaphore, #tpu.memory_space<semaphore_mem>>) src(%arg11 : memref<128x128xf32, #tpu.memory_space<vmem>>) dst(%dma_wait3A_114 : memref<128x128xf32, #tpu.memory_space<hbm>>)
      tpu.yield
    }) : () -> ()
    %add3A_31 = arith.constant 128 : i32
    %add3A_32 = arith.addi %mul3A_2, %add3A_31 : i32
    "tpu.region"() ({
      %run_scoped3A_102 = tpu.sem_alloc : memref<!tpu.dma_semaphore, #tpu.memory_space<semaphore_mem>>
      %dma_start3A_103 = arith.constant 0 : i32
      %dma_start3A_104 = tpu.memref_slice %arg7[%add3A_32, %dma_start3A_103] : memref<10240x128xf32, #tpu.memory_space<vmem_shared>> -> memref<128x128xf32, #tpu.memory_space<vmem_shared>>
      %dma_start3A_105 = arith.constant 0 : i32
      %dma_start3A_106 = tpu.memref_slice %arg7[%add3A_32, %dma_start3A_105] : memref<10240x128xf32, #tpu.memory_space<vmem_shared>> -> memref<128x128xf32, #tpu.memory_space<vmem_shared>>
      tpu.enqueue_dma source(%dma_start3A_106 : memref<128x128xf32, #tpu.memory_space<vmem_shared>>) target(%arg11 : memref<128x128xf32, #tpu.memory_space<vmem>>) target_semaphore(%run_scoped3A_102 : memref<!tpu.dma_semaphore, #tpu.memory_space<semaphore_mem>>)
      %dma_wait3A_107 = arith.constant 0 : i32
      %dma_wait3A_108 = tpu.memref_slice %arg7[%add3A_32, %dma_wait3A_107] : memref<10240x128xf32, #tpu.memory_space<vmem_shared>> -> memref<128x128xf32, #tpu.memory_space<vmem_shared>>
      %dma_wait3A_109 = arith.constant 0 : i32
      %dma_wait3A_110 = tpu.memref_slice %arg7[%add3A_32, %dma_wait3A_109] : memref<10240x128xf32, #tpu.memory_space<vmem_shared>> -> memref<128x128xf32, #tpu.memory_space<vmem_shared>>
      tpu.wait_dma2 semaphore(%run_scoped3A_102 : memref<!tpu.dma_semaphore, #tpu.memory_space<semaphore_mem>>) src(%dma_wait3A_110 : memref<128x128xf32, #tpu.memory_space<vmem_shared>>) dst(%arg11 : memref<128x128xf32, #tpu.memory_space<vmem>>)
      tpu.yield
    }) : () -> ()
    %add3A_33 = arith.constant 128 : i32
    %add3A_34 = arith.addi %mul3A_2, %add3A_33 : i32
    %run_scoped3A_35 = arith.constant 0 : i32
    "tpu.region"() ({
      %run_scoped3A_102 = tpu.sem_alloc : memref<!tpu.dma_semaphore, #tpu.memory_space<semaphore_mem>>
      %dma_start3A_103 = arith.constant 0 : i32
      %dma_start3A_104 = tpu.memref_slice %arg6[%run_scoped3A_35, %arg0, %add3A_34, %dma_start3A_103] : memref<2x2x10240x128xf32, #tpu.memory_space<hbm>> -> memref<1x1x128x128xf32, #tpu.memory_space<hbm>>
      %dma_start3A_105 = tpu.memref_squeeze %dma_start3A_104 : memref<1x1x128x128xf32, #tpu.memory_space<hbm>> -> memref<128x128xf32, #tpu.memory_space<hbm>>
      %dma_start3A_106 = arith.constant 0 : i32
      %dma_start3A_107 = tpu.memref_slice %arg6[%run_scoped3A_35, %arg0, %add3A_34, %dma_start3A_106] : memref<2x2x10240x128xf32, #tpu.memory_space<hbm>> -> memref<1x1x128x128xf32, #tpu.memory_space<hbm>>
      %dma_start3A_108 = tpu.memref_squeeze %dma_start3A_107 : memref<1x1x128x128xf32, #tpu.memory_space<hbm>> -> memref<128x128xf32, #tpu.memory_space<hbm>>
      tpu.enqueue_dma source(%arg11 : memref<128x128xf32, #tpu.memory_space<vmem>>) target(%dma_start3A_108 : memref<128x128xf32, #tpu.memory_space<hbm>>) target_semaphore(%run_scoped3A_102 : memref<!tpu.dma_semaphore, #tpu.memory_space<semaphore_mem>>)
      %dma_wait3A_109 = arith.constant 0 : i32
      %dma_wait3A_110 = tpu.memref_slice %arg6[%run_scoped3A_35, %arg0, %add3A_34, %dma_wait3A_109] : memref<2x2x10240x128xf32, #tpu.memory_space<hbm>> -> memref<1x1x128x128xf32, #tpu.memory_space<hbm>>
      %dma_wait3A_111 = tpu.memref_squeeze %dma_wait3A_110 : memref<1x1x128x128xf32, #tpu.memory_space<hbm>> -> memref<128x128xf32, #tpu.memory_space<hbm>>
      %dma_wait3A_112 = arith.constant 0 : i32
      %dma_wait3A_113 = tpu.memref_slice %arg6[%run_scoped3A_35, %arg0, %add3A_34, %dma_wait3A_112] : memref<2x2x10240x128xf32, #tpu.memory_space<hbm>> -> memref<1x1x128x128xf32, #tpu.memory_space<hbm>>
      %dma_wait3A_114 = tpu.memref_squeeze %dma_wait3A_113 : memref<1x1x128x128xf32, #tpu.memory_space<hbm>> -> memref<128x128xf32, #tpu.memory_space<hbm>>
      tpu.wait_dma2 semaphore(%run_scoped3A_102 : memref<!tpu.dma_semaphore, #tpu.memory_space<semaphore_mem>>) src(%arg11 : memref<128x128xf32, #tpu.memory_space<vmem>>) dst(%dma_wait3A_114 : memref<128x128xf32, #tpu.memory_space<hbm>>)
      tpu.yield
    }) : () -> ()
    %add3A_36 = arith.constant 256 : i32
    %add3A_37 = arith.addi %mul3A_2, %add3A_36 : i32
    "tpu.region"() ({
      %run_scoped3A_102 = tpu.sem_alloc : memref<!tpu.dma_semaphore, #tpu.memory_space<semaphore_mem>>
      %dma_start3A_103 = arith.constant 0 : i32
      %dma_start3A_104 = tpu.memref_slice %arg7[%add3A_37, %dma_start3A_103] : memref<10240x128xf32, #tpu.memory_space<vmem_shared>> -> memref<128x128xf32, #tpu.memory_space<vmem_shared>>
      %dma_start3A_105 = arith.constant 0 : i32
      %dma_start3A_106 = tpu.memref_slice %arg7[%add3A_37, %dma_start3A_105] : memref<10240x128xf32, #tpu.memory_space<vmem_shared>> -> memref<128x128xf32, #tpu.memory_space<vmem_shared>>
      tpu.enqueue_dma source(%dma_start3A_106 : memref<128x128xf32, #tpu.memory_space<vmem_shared>>) target(%arg11 : memref<128x128xf32, #tpu.memory_space<vmem>>) target_semaphore(%run_scoped3A_102 : memref<!tpu.dma_semaphore, #tpu.memory_space<semaphore_mem>>)
      %dma_wait3A_107 = arith.constant 0 : i32
      %dma_wait3A_108 = tpu.memref_slice %arg7[%add3A_37, %dma_wait3A_107] : memref<10240x128xf32, #tpu.memory_space<vmem_shared>> -> memref<128x128xf32, #tpu.memory_space<vmem_shared>>
      %dma_wait3A_109 = arith.constant 0 : i32
      %dma_wait3A_110 = tpu.memref_slice %arg7[%add3A_37, %dma_wait3A_109] : memref<10240x128xf32, #tpu.memory_space<vmem_shared>> -> memref<128x128xf32, #tpu.memory_space<vmem_shared>>
      tpu.wait_dma2 semaphore(%run_scoped3A_102 : memref<!tpu.dma_semaphore, #tpu.memory_space<semaphore_mem>>) src(%dma_wait3A_110 : memref<128x128xf32, #tpu.memory_space<vmem_shared>>) dst(%arg11 : memref<128x128xf32, #tpu.memory_space<vmem>>)
      tpu.yield
    }) : () -> ()
    %add3A_38 = arith.constant 256 : i32
    %add3A_39 = arith.addi %mul3A_2, %add3A_38 : i32
    %run_scoped3A_40 = arith.constant 0 : i32
    "tpu.region"() ({
      %run_scoped3A_102 = tpu.sem_alloc : memref<!tpu.dma_semaphore, #tpu.memory_space<semaphore_mem>>
      %dma_start3A_103 = arith.constant 0 : i32
      %dma_start3A_104 = tpu.memref_slice %arg6[%run_scoped3A_40, %arg0, %add3A_39, %dma_start3A_103] : memref<2x2x10240x128xf32, #tpu.memory_space<hbm>> -> memref<1x1x128x128xf32, #tpu.memory_space<hbm>>
      %dma_start3A_105 = tpu.memref_squeeze %dma_start3A_104 : memref<1x1x128x128xf32, #tpu.memory_space<hbm>> -> memref<128x128xf32, #tpu.memory_space<hbm>>
      %dma_start3A_106 = arith.constant 0 : i32
      %dma_start3A_107 = tpu.memref_slice %arg6[%run_scoped3A_40, %arg0, %add3A_39, %dma_start3A_106] : memref<2x2x10240x128xf32, #tpu.memory_space<hbm>> -> memref<1x1x128x128xf32, #tpu.memory_space<hbm>>
      %dma_start3A_108 = tpu.memref_squeeze %dma_start3A_107 : memref<1x1x128x128xf32, #tpu.memory_space<hbm>> -> memref<128x128xf32, #tpu.memory_space<hbm>>
      tpu.enqueue_dma source(%arg11 : memref<128x128xf32, #tpu.memory_space<vmem>>) target(%dma_start3A_108 : memref<128x128xf32, #tpu.memory_space<hbm>>) target_semaphore(%run_scoped3A_102 : memref<!tpu.dma_semaphore, #tpu.memory_space<semaphore_mem>>)
      %dma_wait3A_109 = arith.constant 0 : i32
      %dma_wait3A_110 = tpu.memref_slice %arg6[%run_scoped3A_40, %arg0, %add3A_39, %dma_wait3A_109] : memref<2x2x10240x128xf32, #tpu.memory_space<hbm>> -> memref<1x1x128x128xf32, #tpu.memory_space<hbm>>
      %dma_wait3A_111 = tpu.memref_squeeze %dma_wait3A_110 : memref<1x1x128x128xf32, #tpu.memory_space<hbm>> -> memref<128x128xf32, #tpu.memory_space<hbm>>
      %dma_wait3A_112 = arith.constant 0 : i32
      %dma_wait3A_113 = tpu.memref_slice %arg6[%run_scoped3A_40, %arg0, %add3A_39, %dma_wait3A_112] : memref<2x2x10240x128xf32, #tpu.memory_space<hbm>> -> memref<1x1x128x128xf32, #tpu.memory_space<hbm>>
      %dma_wait3A_114 = tpu.memref_squeeze %dma_wait3A_113 : memref<1x1x128x128xf32, #tpu.memory_space<hbm>> -> memref<128x128xf32, #tpu.memory_space<hbm>>
      tpu.wait_dma2 semaphore(%run_scoped3A_102 : memref<!tpu.dma_semaphore, #tpu.memory_space<semaphore_mem>>) src(%arg11 : memref<128x128xf32, #tpu.memory_space<vmem>>) dst(%dma_wait3A_114 : memref<128x128xf32, #tpu.memory_space<hbm>>)
      tpu.yield
    }) : () -> ()
    %add3A_41 = arith.constant 384 : i32
    %add3A_42 = arith.addi %mul3A_2, %add3A_41 : i32
    "tpu.region"() ({
      %run_scoped3A_102 = tpu.sem_alloc : memref<!tpu.dma_semaphore, #tpu.memory_space<semaphore_mem>>
      %dma_start3A_103 = arith.constant 0 : i32
      %dma_start3A_104 = tpu.memref_slice %arg7[%add3A_42, %dma_start3A_103] : memref<10240x128xf32, #tpu.memory_space<vmem_shared>> -> memref<128x128xf32, #tpu.memory_space<vmem_shared>>
      %dma_start3A_105 = arith.constant 0 : i32
      %dma_start3A_106 = tpu.memref_slice %arg7[%add3A_42, %dma_start3A_105] : memref<10240x128xf32, #tpu.memory_space<vmem_shared>> -> memref<128x128xf32, #tpu.memory_space<vmem_shared>>
      tpu.enqueue_dma source(%dma_start3A_106 : memref<128x128xf32, #tpu.memory_space<vmem_shared>>) target(%arg11 : memref<128x128xf32, #tpu.memory_space<vmem>>) target_semaphore(%run_scoped3A_102 : memref<!tpu.dma_semaphore, #tpu.memory_space<semaphore_mem>>)
      %dma_wait3A_107 = arith.constant 0 : i32
      %dma_wait3A_108 = tpu.memref_slice %arg7[%add3A_42, %dma_wait3A_107] : memref<10240x128xf32, #tpu.memory_space<vmem_shared>> -> memref<128x128xf32, #tpu.memory_space<vmem_shared>>
      %dma_wait3A_109 = arith.constant 0 : i32
      %dma_wait3A_110 = tpu.memref_slice %arg7[%add3A_42, %dma_wait3A_109] : memref<10240x128xf32, #tpu.memory_space<vmem_shared>> -> memref<128x128xf32, #tpu.memory_space<vmem_shared>>
      tpu.wait_dma2 semaphore(%run_scoped3A_102 : memref<!tpu.dma_semaphore, #tpu.memory_space<semaphore_mem>>) src(%dma_wait3A_110 : memref<128x128xf32, #tpu.memory_space<vmem_shared>>) dst(%arg11 : memref<128x128xf32, #tpu.memory_space<vmem>>)
      tpu.yield
    }) : () -> ()
    %add3A_43 = arith.constant 384 : i32
    %add3A_44 = arith.addi %mul3A_2, %add3A_43 : i32
    %run_scoped3A_45 = arith.constant 0 : i32
    "tpu.region"() ({
      %run_scoped3A_102 = tpu.sem_alloc : memref<!tpu.dma_semaphore, #tpu.memory_space<semaphore_mem>>
      %dma_start3A_103 = arith.constant 0 : i32
      %dma_start3A_104 = tpu.memref_slice %arg6[%run_scoped3A_45, %arg0, %add3A_44, %dma_start3A_103] : memref<2x2x10240x128xf32, #tpu.memory_space<hbm>> -> memref<1x1x128x128xf32, #tpu.memory_space<hbm>>
      %dma_start3A_105 = tpu.memref_squeeze %dma_start3A_104 : memref<1x1x128x128xf32, #tpu.memory_space<hbm>> -> memref<128x128xf32, #tpu.memory_space<hbm>>
      %dma_start3A_106 = arith.constant 0 : i32
      %dma_start3A_107 = tpu.memref_slice %arg6[%run_scoped3A_45, %arg0, %add3A_44, %dma_start3A_106] : memref<2x2x10240x128xf32, #tpu.memory_space<hbm>> -> memref<1x1x128x128xf32, #tpu.memory_space<hbm>>
      %dma_start3A_108 = tpu.memref_squeeze %dma_start3A_107 : memref<1x1x128x128xf32, #tpu.memory_space<hbm>> -> memref<128x128xf32, #tpu.memory_space<hbm>>
      tpu.enqueue_dma source(%arg11 : memref<128x128xf32, #tpu.memory_space<vmem>>) target(%dma_start3A_108 : memref<128x128xf32, #tpu.memory_space<hbm>>) target_semaphore(%run_scoped3A_102 : memref<!tpu.dma_semaphore, #tpu.memory_space<semaphore_mem>>)
      %dma_wait3A_109 = arith.constant 0 : i32
      %dma_wait3A_110 = tpu.memref_slice %arg6[%run_scoped3A_45, %arg0, %add3A_44, %dma_wait3A_109] : memref<2x2x10240x128xf32, #tpu.memory_space<hbm>> -> memref<1x1x128x128xf32, #tpu.memory_space<hbm>>
      %dma_wait3A_111 = tpu.memref_squeeze %dma_wait3A_110 : memref<1x1x128x128xf32, #tpu.memory_space<hbm>> -> memref<128x128xf32, #tpu.memory_space<hbm>>
      %dma_wait3A_112 = arith.constant 0 : i32
      %dma_wait3A_113 = tpu.memref_slice %arg6[%run_scoped3A_45, %arg0, %add3A_44, %dma_wait3A_112] : memref<2x2x10240x128xf32, #tpu.memory_space<hbm>> -> memref<1x1x128x128xf32, #tpu.memory_space<hbm>>
      %dma_wait3A_114 = tpu.memref_squeeze %dma_wait3A_113 : memref<1x1x128x128xf32, #tpu.memory_space<hbm>> -> memref<128x128xf32, #tpu.memory_space<hbm>>
      tpu.wait_dma2 semaphore(%run_scoped3A_102 : memref<!tpu.dma_semaphore, #tpu.memory_space<semaphore_mem>>) src(%arg11 : memref<128x128xf32, #tpu.memory_space<vmem>>) dst(%dma_wait3A_114 : memref<128x128xf32, #tpu.memory_space<hbm>>)
      tpu.yield
    }) : () -> ()
    %add3A_46 = arith.constant 512 : i32
    %add3A_47 = arith.addi %mul3A_2, %add3A_46 : i32
    "tpu.region"() ({
      %run_scoped3A_102 = tpu.sem_alloc : memref<!tpu.dma_semaphore, #tpu.memory_space<semaphore_mem>>
      %dma_start3A_103 = arith.constant 0 : i32
      %dma_start3A_104 = tpu.memref_slice %arg7[%add3A_47, %dma_start3A_103] : memref<10240x128xf32, #tpu.memory_space<vmem_shared>> -> memref<128x128xf32, #tpu.memory_space<vmem_shared>>
      %dma_start3A_105 = arith.constant 0 : i32
      %dma_start3A_106 = tpu.memref_slice %arg7[%add3A_47, %dma_start3A_105] : memref<10240x128xf32, #tpu.memory_space<vmem_shared>> -> memref<128x128xf32, #tpu.memory_space<vmem_shared>>
      tpu.enqueue_dma source(%dma_start3A_106 : memref<128x128xf32, #tpu.memory_space<vmem_shared>>) target(%arg11 : memref<128x128xf32, #tpu.memory_space<vmem>>) target_semaphore(%run_scoped3A_102 : memref<!tpu.dma_semaphore, #tpu.memory_space<semaphore_mem>>)
      %dma_wait3A_107 = arith.constant 0 : i32
      %dma_wait3A_108 = tpu.memref_slice %arg7[%add3A_47, %dma_wait3A_107] : memref<10240x128xf32, #tpu.memory_space<vmem_shared>> -> memref<128x128xf32, #tpu.memory_space<vmem_shared>>
      %dma_wait3A_109 = arith.constant 0 : i32
      %dma_wait3A_110 = tpu.memref_slice %arg7[%add3A_47, %dma_wait3A_109] : memref<10240x128xf32, #tpu.memory_space<vmem_shared>> -> memref<128x128xf32, #tpu.memory_space<vmem_shared>>
      tpu.wait_dma2 semaphore(%run_scoped3A_102 : memref<!tpu.dma_semaphore, #tpu.memory_space<semaphore_mem>>) src(%dma_wait3A_110 : memref<128x128xf32, #tpu.memory_space<vmem_shared>>) dst(%arg11 : memref<128x128xf32, #tpu.memory_space<vmem>>)
      tpu.yield
    }) : () -> ()
    %add3A_48 = arith.constant 512 : i32
    %add3A_49 = arith.addi %mul3A_2, %add3A_48 : i32
    %run_scoped3A_50 = arith.constant 0 : i32
    "tpu.region"() ({
      %run_scoped3A_102 = tpu.sem_alloc : memref<!tpu.dma_semaphore, #tpu.memory_space<semaphore_mem>>
      %dma_start3A_103 = arith.constant 0 : i32
      %dma_start3A_104 = tpu.memref_slice %arg6[%run_scoped3A_50, %arg0, %add3A_49, %dma_start3A_103] : memref<2x2x10240x128xf32, #tpu.memory_space<hbm>> -> memref<1x1x128x128xf32, #tpu.memory_space<hbm>>
      %dma_start3A_105 = tpu.memref_squeeze %dma_start3A_104 : memref<1x1x128x128xf32, #tpu.memory_space<hbm>> -> memref<128x128xf32, #tpu.memory_space<hbm>>
      %dma_start3A_106 = arith.constant 0 : i32
      %dma_start3A_107 = tpu.memref_slice %arg6[%run_scoped3A_50, %arg0, %add3A_49, %dma_start3A_106] : memref<2x2x10240x128xf32, #tpu.memory_space<hbm>> -> memref<1x1x128x128xf32, #tpu.memory_space<hbm>>
      %dma_start3A_108 = tpu.memref_squeeze %dma_start3A_107 : memref<1x1x128x128xf32, #tpu.memory_space<hbm>> -> memref<128x128xf32, #tpu.memory_space<hbm>>
      tpu.enqueue_dma source(%arg11 : memref<128x128xf32, #tpu.memory_space<vmem>>) target(%dma_start3A_108 : memref<128x128xf32, #tpu.memory_space<hbm>>) target_semaphore(%run_scoped3A_102 : memref<!tpu.dma_semaphore, #tpu.memory_space<semaphore_mem>>)
      %dma_wait3A_109 = arith.constant 0 : i32
      %dma_wait3A_110 = tpu.memref_slice %arg6[%run_scoped3A_50, %arg0, %add3A_49, %dma_wait3A_109] : memref<2x2x10240x128xf32, #tpu.memory_space<hbm>> -> memref<1x1x128x128xf32, #tpu.memory_space<hbm>>
      %dma_wait3A_111 = tpu.memref_squeeze %dma_wait3A_110 : memref<1x1x128x128xf32, #tpu.memory_space<hbm>> -> memref<128x128xf32, #tpu.memory_space<hbm>>
      %dma_wait3A_112 = arith.constant 0 : i32
      %dma_wait3A_113 = tpu.memref_slice %arg6[%run_scoped3A_50, %arg0, %add3A_49, %dma_wait3A_112] : memref<2x2x10240x128xf32, #tpu.memory_space<hbm>> -> memref<1x1x128x128xf32, #tpu.memory_space<hbm>>
      %dma_wait3A_114 = tpu.memref_squeeze %dma_wait3A_113 : memref<1x1x128x128xf32, #tpu.memory_space<hbm>> -> memref<128x128xf32, #tpu.memory_space<hbm>>
      tpu.wait_dma2 semaphore(%run_scoped3A_102 : memref<!tpu.dma_semaphore, #tpu.memory_space<semaphore_mem>>) src(%arg11 : memref<128x128xf32, #tpu.memory_space<vmem>>) dst(%dma_wait3A_114 : memref<128x128xf32, #tpu.memory_space<hbm>>)
      tpu.yield
    }) : () -> ()
    "tpu.region"() ({
      %run_scoped3A_102 = tpu.sem_alloc : memref<!tpu.dma_semaphore, #tpu.memory_space<semaphore_mem>>
      tpu.enqueue_dma source(%arg4 : memref<128x128xf32, #tpu.memory_space<hbm>>) target(%arg11 : memref<128x128xf32, #tpu.memory_space<vmem>>) target_semaphore(%run_scoped3A_102 : memref<!tpu.dma_semaphore, #tpu.memory_space<semaphore_mem>>)
      tpu.wait_dma2 semaphore(%run_scoped3A_102 : memref<!tpu.dma_semaphore, #tpu.memory_space<semaphore_mem>>) src(%arg4 : memref<128x128xf32, #tpu.memory_space<hbm>>) dst(%arg11 : memref<128x128xf32, #tpu.memory_space<vmem>>)
      tpu.yield
    }) : () -> ()
    %add3A_51 = arith.constant 0 : i32
    %add3A_52 = arith.addi %mul3A_2, %add3A_51 : i32
    "tpu.region"() ({
      %run_scoped3A_102 = tpu.sem_alloc : memref<!tpu.dma_semaphore, #tpu.memory_space<semaphore_mem>>
      %dma_start3A_103 = arith.constant 0 : i32
      %dma_start3A_104 = tpu.memref_slice %arg7[%add3A_52, %dma_start3A_103] : memref<10240x128xf32, #tpu.memory_space<vmem_shared>> -> memref<128x128xf32, #tpu.memory_space<vmem_shared>>
      %dma_start3A_105 = arith.constant 0 : i32
      %dma_start3A_106 = tpu.memref_slice %arg7[%add3A_52, %dma_start3A_105] : memref<10240x128xf32, #tpu.memory_space<vmem_shared>> -> memref<128x128xf32, #tpu.memory_space<vmem_shared>>
      tpu.enqueue_dma source(%arg11 : memref<128x128xf32, #tpu.memory_space<vmem>>) target(%dma_start3A_106 : memref<128x128xf32, #tpu.memory_space<vmem_shared>>) target_semaphore(%run_scoped3A_102 : memref<!tpu.dma_semaphore, #tpu.memory_space<semaphore_mem>>)
      %dma_wait3A_107 = arith.constant 0 : i32
      %dma_wait3A_108 = tpu.memref_slice %arg7[%add3A_52, %dma_wait3A_107] : memref<10240x128xf32, #tpu.memory_space<vmem_shared>> -> memref<128x128xf32, #tpu.memory_space<vmem_shared>>
      %dma_wait3A_109 = arith.constant 0 : i32
      %dma_wait3A_110 = tpu.memref_slice %arg7[%add3A_52, %dma_wait3A_109] : memref<10240x128xf32, #tpu.memory_space<vmem_shared>> -> memref<128x128xf32, #tpu.memory_space<vmem_shared>>
      tpu.wait_dma2 semaphore(%run_scoped3A_102 : memref<!tpu.dma_semaphore, #tpu.memory_space<semaphore_mem>>) src(%arg11 : memref<128x128xf32, #tpu.memory_space<vmem>>) dst(%dma_wait3A_110 : memref<128x128xf32, #tpu.memory_space<vmem_shared>>)
      tpu.yield
    }) : () -> ()
    %add3A_53 = arith.constant 128 : i32
    %add3A_54 = arith.addi %mul3A_2, %add3A_53 : i32
    "tpu.region"() ({
      %run_scoped3A_102 = tpu.sem_alloc : memref<!tpu.dma_semaphore, #tpu.memory_space<semaphore_mem>>
      %dma_start3A_103 = arith.constant 0 : i32
      %dma_start3A_104 = tpu.memref_slice %arg7[%add3A_54, %dma_start3A_103] : memref<10240x128xf32, #tpu.memory_space<vmem_shared>> -> memref<128x128xf32, #tpu.memory_space<vmem_shared>>
      %dma_start3A_105 = arith.constant 0 : i32
      %dma_start3A_106 = tpu.memref_slice %arg7[%add3A_54, %dma_start3A_105] : memref<10240x128xf32, #tpu.memory_space<vmem_shared>> -> memref<128x128xf32, #tpu.memory_space<vmem_shared>>
      tpu.enqueue_dma source(%arg11 : memref<128x128xf32, #tpu.memory_space<vmem>>) target(%dma_start3A_106 : memref<128x128xf32, #tpu.memory_space<vmem_shared>>) target_semaphore(%run_scoped3A_102 : memref<!tpu.dma_semaphore, #tpu.memory_space<semaphore_mem>>)
      %dma_wait3A_107 = arith.constant 0 : i32
      %dma_wait3A_108 = tpu.memref_slice %arg7[%add3A_54, %dma_wait3A_107] : memref<10240x128xf32, #tpu.memory_space<vmem_shared>> -> memref<128x128xf32, #tpu.memory_space<vmem_shared>>
      %dma_wait3A_109 = arith.constant 0 : i32
      %dma_wait3A_110 = tpu.memref_slice %arg7[%add3A_54, %dma_wait3A_109] : memref<10240x128xf32, #tpu.memory_space<vmem_shared>> -> memref<128x128xf32, #tpu.memory_space<vmem_shared>>
      tpu.wait_dma2 semaphore(%run_scoped3A_102 : memref<!tpu.dma_semaphore, #tpu.memory_space<semaphore_mem>>) src(%arg11 : memref<128x128xf32, #tpu.memory_space<vmem>>) dst(%dma_wait3A_110 : memref<128x128xf32, #tpu.memory_space<vmem_shared>>)
      tpu.yield
    }) : () -> ()
    %add3A_55 = arith.constant 256 : i32
    %add3A_56 = arith.addi %mul3A_2, %add3A_55 : i32
    "tpu.region"() ({
      %run_scoped3A_102 = tpu.sem_alloc : memref<!tpu.dma_semaphore, #tpu.memory_space<semaphore_mem>>
      %dma_start3A_103 = arith.constant 0 : i32
      %dma_start3A_104 = tpu.memref_slice %arg7[%add3A_56, %dma_start3A_103] : memref<10240x128xf32, #tpu.memory_space<vmem_shared>> -> memref<128x128xf32, #tpu.memory_space<vmem_shared>>
      %dma_start3A_105 = arith.constant 0 : i32
      %dma_start3A_106 = tpu.memref_slice %arg7[%add3A_56, %dma_start3A_105] : memref<10240x128xf32, #tpu.memory_space<vmem_shared>> -> memref<128x128xf32, #tpu.memory_space<vmem_shared>>
      tpu.enqueue_dma source(%arg11 : memref<128x128xf32, #tpu.memory_space<vmem>>) target(%dma_start3A_106 : memref<128x128xf32, #tpu.memory_space<vmem_shared>>) target_semaphore(%run_scoped3A_102 : memref<!tpu.dma_semaphore, #tpu.memory_space<semaphore_mem>>)
      %dma_wait3A_107 = arith.constant 0 : i32
      %dma_wait3A_108 = tpu.memref_slice %arg7[%add3A_56, %dma_wait3A_107] : memref<10240x128xf32, #tpu.memory_space<vmem_shared>> -> memref<128x128xf32, #tpu.memory_space<vmem_shared>>
      %dma_wait3A_109 = arith.constant 0 : i32
      %dma_wait3A_110 = tpu.memref_slice %arg7[%add3A_56, %dma_wait3A_109] : memref<10240x128xf32, #tpu.memory_space<vmem_shared>> -> memref<128x128xf32, #tpu.memory_space<vmem_shared>>
      tpu.wait_dma2 semaphore(%run_scoped3A_102 : memref<!tpu.dma_semaphore, #tpu.memory_space<semaphore_mem>>) src(%arg11 : memref<128x128xf32, #tpu.memory_space<vmem>>) dst(%dma_wait3A_110 : memref<128x128xf32, #tpu.memory_space<vmem_shared>>)
      tpu.yield
    }) : () -> ()
    %add3A_57 = arith.constant 384 : i32
    %add3A_58 = arith.addi %mul3A_2, %add3A_57 : i32
    "tpu.region"() ({
      %run_scoped3A_102 = tpu.sem_alloc : memref<!tpu.dma_semaphore, #tpu.memory_space<semaphore_mem>>
      %dma_start3A_103 = arith.constant 0 : i32
      %dma_start3A_104 = tpu.memref_slice %arg7[%add3A_58, %dma_start3A_103] : memref<10240x128xf32, #tpu.memory_space<vmem_shared>> -> memref<128x128xf32, #tpu.memory_space<vmem_shared>>
      %dma_start3A_105 = arith.constant 0 : i32
      %dma_start3A_106 = tpu.memref_slice %arg7[%add3A_58, %dma_start3A_105] : memref<10240x128xf32, #tpu.memory_space<vmem_shared>> -> memref<128x128xf32, #tpu.memory_space<vmem_shared>>
      tpu.enqueue_dma source(%arg11 : memref<128x128xf32, #tpu.memory_space<vmem>>) target(%dma_start3A_106 : memref<128x128xf32, #tpu.memory_space<vmem_shared>>) target_semaphore(%run_scoped3A_102 : memref<!tpu.dma_semaphore, #tpu.memory_space<semaphore_mem>>)
      %dma_wait3A_107 = arith.constant 0 : i32
      %dma_wait3A_108 = tpu.memref_slice %arg7[%add3A_58, %dma_wait3A_107] : memref<10240x128xf32, #tpu.memory_space<vmem_shared>> -> memref<128x128xf32, #tpu.memory_space<vmem_shared>>
      %dma_wait3A_109 = arith.constant 0 : i32
      %dma_wait3A_110 = tpu.memref_slice %arg7[%add3A_58, %dma_wait3A_109] : memref<10240x128xf32, #tpu.memory_space<vmem_shared>> -> memref<128x128xf32, #tpu.memory_space<vmem_shared>>
      tpu.wait_dma2 semaphore(%run_scoped3A_102 : memref<!tpu.dma_semaphore, #tpu.memory_space<semaphore_mem>>) src(%arg11 : memref<128x128xf32, #tpu.memory_space<vmem>>) dst(%dma_wait3A_110 : memref<128x128xf32, #tpu.memory_space<vmem_shared>>)
      tpu.yield
    }) : () -> ()
    %add3A_59 = arith.constant 512 : i32
    %add3A_60 = arith.addi %mul3A_2, %add3A_59 : i32
    "tpu.region"() ({
      %run_scoped3A_102 = tpu.sem_alloc : memref<!tpu.dma_semaphore, #tpu.memory_space<semaphore_mem>>
      %dma_start3A_103 = arith.constant 0 : i32
      %dma_start3A_104 = tpu.memref_slice %arg7[%add3A_60, %dma_start3A_103] : memref<10240x128xf32, #tpu.memory_space<vmem_shared>> -> memref<128x128xf32, #tpu.memory_space<vmem_shared>>
      %dma_start3A_105 = arith.constant 0 : i32
      %dma_start3A_106 = tpu.memref_slice %arg7[%add3A_60, %dma_start3A_105] : memref<10240x128xf32, #tpu.memory_space<vmem_shared>> -> memref<128x128xf32, #tpu.memory_space<vmem_shared>>
      tpu.enqueue_dma source(%arg11 : memref<128x128xf32, #tpu.memory_space<vmem>>) target(%dma_start3A_106 : memref<128x128xf32, #tpu.memory_space<vmem_shared>>) target_semaphore(%run_scoped3A_102 : memref<!tpu.dma_semaphore, #tpu.memory_space<semaphore_mem>>)
      %dma_wait3A_107 = arith.constant 0 : i32
      %dma_wait3A_108 = tpu.memref_slice %arg7[%add3A_60, %dma_wait3A_107] : memref<10240x128xf32, #tpu.memory_space<vmem_shared>> -> memref<128x128xf32, #tpu.memory_space<vmem_shared>>
      %dma_wait3A_109 = arith.constant 0 : i32
      %dma_wait3A_110 = tpu.memref_slice %arg7[%add3A_60, %dma_wait3A_109] : memref<10240x128xf32, #tpu.memory_space<vmem_shared>> -> memref<128x128xf32, #tpu.memory_space<vmem_shared>>
      tpu.wait_dma2 semaphore(%run_scoped3A_102 : memref<!tpu.dma_semaphore, #tpu.memory_space<semaphore_mem>>) src(%arg11 : memref<128x128xf32, #tpu.memory_space<vmem>>) dst(%dma_wait3A_110 : memref<128x128xf32, #tpu.memory_space<vmem_shared>>)
      tpu.yield
    }) : () -> ()
    %barrier3A_61 = arith.constant 0 : index
    tpu.barrier barrier_id(%barrier3A_61)
    "tpu.region"() ({
      %run_scoped3A_102 = tpu.sem_alloc : memref<!tpu.dma_semaphore, #tpu.memory_space<semaphore_mem>>
      %dma_start3A_103 = tpu.memref_slice %arg3[%mul3A_4] : memref<327680xi32, #tpu.memory_space<hbm>> -> memref<128xi32, #tpu.memory_space<hbm>>
      %dma_start3A_104 = tpu.memref_slice %arg3[%mul3A_4] : memref<327680xi32, #tpu.memory_space<hbm>> -> memref<128xi32, #tpu.memory_space<hbm>>
      tpu.enqueue_dma source(%dma_start3A_104 : memref<128xi32, #tpu.memory_space<hbm>>) target(%arg8 : memref<128xi32, #tpu.memory_space<vmem>>) target_semaphore(%run_scoped3A_102 : memref<!tpu.dma_semaphore, #tpu.memory_space<semaphore_mem>>)
      %dma_wait3A_105 = tpu.memref_slice %arg3[%mul3A_4] : memref<327680xi32, #tpu.memory_space<hbm>> -> memref<128xi32, #tpu.memory_space<hbm>>
      %dma_wait3A_106 = tpu.memref_slice %arg3[%mul3A_4] : memref<327680xi32, #tpu.memory_space<hbm>> -> memref<128xi32, #tpu.memory_space<hbm>>
      tpu.wait_dma2 semaphore(%run_scoped3A_102 : memref<!tpu.dma_semaphore, #tpu.memory_space<semaphore_mem>>) src(%dma_wait3A_106 : memref<128xi32, #tpu.memory_space<hbm>>) dst(%arg8 : memref<128xi32, #tpu.memory_space<vmem>>)
      tpu.yield
    }) : () -> ()
    %add3A_62 = arith.constant 128 : i32
    %add3A_63 = arith.addi %mul3A_4, %add3A_62 : i32
    %dma_start3A_64 = tpu.memref_slice %arg3[%add3A_63] : memref<327680xi32, #tpu.memory_space<hbm>> -> memref<128xi32, #tpu.memory_space<hbm>>
    %dma_start3A_65 = tpu.memref_slice %arg3[%add3A_63] : memref<327680xi32, #tpu.memory_space<hbm>> -> memref<128xi32, #tpu.memory_space<hbm>>
    tpu.enqueue_dma source(%dma_start3A_65 : memref<128xi32, #tpu.memory_space<hbm>>) target(%arg9 : memref<128xi32, #tpu.memory_space<vmem>>) target_semaphore(%arg13 : memref<!tpu.dma_semaphore, #tpu.memory_space<semaphore_mem>>)
    %scan3A_66 = arith.constant 0 : i32
    %scan3A_67 = arith.constant 0 : i32
    %scan3A_68 = arith.constant 39 : i32
    %scan3A_69 = arith.addi %scan3A_67, %scan3A_68 : i32
    %scan3A_70 = arith.constant 1 : i32
    scf.for %scan3A_102 = %scan3A_67 to %scan3A_69 step %scan3A_70  : i32 {
      %mul3A_103 = arith.constant 2 : i32
      %mul3A_104 = arith.muli %mul3A_103, %scan3A_102 : i32
      "tpu.region"() ({
        %run_scoped3A_127 = tpu.sem_alloc : memref<!tpu.dma_semaphore, #tpu.memory_space<semaphore_mem>>
        %dma_start3A_128 = arith.constant 0 : i32
        %dma_start3A_129 = arith.constant 0 : i32
        %dma_start3A_130 = tpu.memref_slice %arg7[%dma_start3A_128, %dma_start3A_129] : memref<10240x128xf32, #tpu.memory_space<vmem_shared>> -> memref<10240x128xf32, #tpu.memory_space<vmem_shared>>
        tpu.enqueue_indirect_dma source(%arg10 : memref<128x128xf32, #tpu.memory_space<vmem>>) target(%dma_start3A_130 : memref<10240x128xf32, #tpu.memory_space<vmem_shared>>) offsets(%arg8 : memref<128xi32, #tpu.memory_space<vmem>>) semaphore(%run_scoped3A_127 : memref<!tpu.dma_semaphore, #tpu.memory_space<semaphore_mem>>) {add = true}
        %dma_wait3A_131 = arith.constant 0 : i32
        %dma_wait3A_132 = arith.constant 0 : i32
        %dma_wait3A_133 = tpu.memref_slice %arg7[%dma_wait3A_131, %dma_wait3A_132] : memref<10240x128xf32, #tpu.memory_space<vmem_shared>> -> memref<10240x128xf32, #tpu.memory_space<vmem_shared>>
        tpu.wait_indirect_dma semaphore(%run_scoped3A_127 : memref<!tpu.dma_semaphore, #tpu.memory_space<semaphore_mem>>) src(%arg10 : memref<128x128xf32, #tpu.memory_space<vmem>>) dst(%dma_wait3A_133 : memref<10240x128xf32, #tpu.memory_space<vmem_shared>>)
        tpu.yield
      }) : () -> ()
      %dma_wait3A_105 = arith.constant 0 : i32
      %dma_wait3A_106 = tpu.memref_slice %arg3[%dma_wait3A_105] : memref<327680xi32, #tpu.memory_space<hbm>> -> memref<128xi32, #tpu.memory_space<hbm>>
      %dma_wait3A_107 = arith.constant 0 : i32
      %dma_wait3A_108 = tpu.memref_slice %arg3[%dma_wait3A_107] : memref<327680xi32, #tpu.memory_space<hbm>> -> memref<128xi32, #tpu.memory_space<hbm>>
      tpu.wait_dma2 semaphore(%arg13 : memref<!tpu.dma_semaphore, #tpu.memory_space<semaphore_mem>>) src(%dma_wait3A_108 : memref<128xi32, #tpu.memory_space<hbm>>) dst(%arg9 : memref<128xi32, #tpu.memory_space<vmem>>)
      %add3A_109 = arith.constant 2 : i32
      %add3A_110 = arith.addi %mul3A_104, %add3A_109 : i32
      %mul3A_111 = arith.constant 128 : i32
      %mul3A_112 = arith.muli %add3A_110, %mul3A_111 : i32
      %add3A_113 = arith.addi %mul3A_4, %mul3A_112 : i32
      %dma_start3A_114 = tpu.memref_slice %arg3[%add3A_113] : memref<327680xi32, #tpu.memory_space<hbm>> -> memref<128xi32, #tpu.memory_space<hbm>>
      %dma_start3A_115 = tpu.memref_slice %arg3[%add3A_113] : memref<327680xi32, #tpu.memory_space<hbm>> -> memref<128xi32, #tpu.memory_space<hbm>>
      tpu.enqueue_dma source(%dma_start3A_115 : memref<128xi32, #tpu.memory_space<hbm>>) target(%arg8 : memref<128xi32, #tpu.memory_space<vmem>>) target_semaphore(%arg12 : memref<!tpu.dma_semaphore, #tpu.memory_space<semaphore_mem>>)
      "tpu.region"() ({
        %run_scoped3A_127 = tpu.sem_alloc : memref<!tpu.dma_semaphore, #tpu.memory_space<semaphore_mem>>
        %dma_start3A_128 = arith.constant 0 : i32
        %dma_start3A_129 = arith.constant 0 : i32
        %dma_start3A_130 = tpu.memref_slice %arg7[%dma_start3A_128, %dma_start3A_129] : memref<10240x128xf32, #tpu.memory_space<vmem_shared>> -> memref<10240x128xf32, #tpu.memory_space<vmem_shared>>
        tpu.enqueue_indirect_dma source(%arg10 : memref<128x128xf32, #tpu.memory_space<vmem>>) target(%dma_start3A_130 : memref<10240x128xf32, #tpu.memory_space<vmem_shared>>) offsets(%arg9 : memref<128xi32, #tpu.memory_space<vmem>>) semaphore(%run_scoped3A_127 : memref<!tpu.dma_semaphore, #tpu.memory_space<semaphore_mem>>) {add = true}
        %dma_wait3A_131 = arith.constant 0 : i32
        %dma_wait3A_132 = arith.constant 0 : i32
        %dma_wait3A_133 = tpu.memref_slice %arg7[%dma_wait3A_131, %dma_wait3A_132] : memref<10240x128xf32, #tpu.memory_space<vmem_shared>> -> memref<10240x128xf32, #tpu.memory_space<vmem_shared>>
        tpu.wait_indirect_dma semaphore(%run_scoped3A_127 : memref<!tpu.dma_semaphore, #tpu.memory_space<semaphore_mem>>) src(%arg10 : memref<128x128xf32, #tpu.memory_space<vmem>>) dst(%dma_wait3A_133 : memref<10240x128xf32, #tpu.memory_space<vmem_shared>>)
        tpu.yield
      }) : () -> ()
      %dma_wait3A_116 = arith.constant 0 : i32
      %dma_wait3A_117 = tpu.memref_slice %arg3[%dma_wait3A_116] : memref<327680xi32, #tpu.memory_space<hbm>> -> memref<128xi32, #tpu.memory_space<hbm>>
      %dma_wait3A_118 = arith.constant 0 : i32
      %dma_wait3A_119 = tpu.memref_slice %arg3[%dma_wait3A_118] : memref<327680xi32, #tpu.memory_space<hbm>> -> memref<128xi32, #tpu.memory_space<hbm>>
      tpu.wait_dma2 semaphore(%arg12 : memref<!tpu.dma_semaphore, #tpu.memory_space<semaphore_mem>>) src(%dma_wait3A_119 : memref<128xi32, #tpu.memory_space<hbm>>) dst(%arg8 : memref<128xi32, #tpu.memory_space<vmem>>)
      %add3A_120 = arith.constant 3 : i32
      %add3A_121 = arith.addi %mul3A_104, %add3A_120 : i32
      %mul3A_122 = arith.constant 128 : i32
      %mul3A_123 = arith.muli %add3A_121, %mul3A_122 : i32
      %add3A_124 = arith.addi %mul3A_4, %mul3A_123 : i32
      %dma_start3A_125 = tpu.memref_slice %arg3[%add3A_124] : memref<327680xi32, #tpu.memory_space<hbm>> -> memref<128xi32, #tpu.memory_space<hbm>>
      %dma_start3A_126 = tpu.memref_slice %arg3[%add3A_124] : memref<327680xi32, #tpu.memory_space<hbm>> -> memref<128xi32, #tpu.memory_space<hbm>>
      tpu.enqueue_dma source(%dma_start3A_126 : memref<128xi32, #tpu.memory_space<hbm>>) target(%arg9 : memref<128xi32, #tpu.memory_space<vmem>>) target_semaphore(%arg13 : memref<!tpu.dma_semaphore, #tpu.memory_space<semaphore_mem>>)
    }
    %scan3A_71 = arith.constant 39 : i32
    "tpu.region"() ({
      %run_scoped3A_102 = tpu.sem_alloc : memref<!tpu.dma_semaphore, #tpu.memory_space<semaphore_mem>>
      %dma_start3A_103 = arith.constant 0 : i32
      %dma_start3A_104 = arith.constant 0 : i32
      %dma_start3A_105 = tpu.memref_slice %arg7[%dma_start3A_103, %dma_start3A_104] : memref<10240x128xf32, #tpu.memory_space<vmem_shared>> -> memref<10240x128xf32, #tpu.memory_space<vmem_shared>>
      tpu.enqueue_indirect_dma source(%arg10 : memref<128x128xf32, #tpu.memory_space<vmem>>) target(%dma_start3A_105 : memref<10240x128xf32, #tpu.memory_space<vmem_shared>>) offsets(%arg8 : memref<128xi32, #tpu.memory_space<vmem>>) semaphore(%run_scoped3A_102 : memref<!tpu.dma_semaphore, #tpu.memory_space<semaphore_mem>>) {add = true}
      %dma_wait3A_106 = arith.constant 0 : i32
      %dma_wait3A_107 = arith.constant 0 : i32
      %dma_wait3A_108 = tpu.memref_slice %arg7[%dma_wait3A_106, %dma_wait3A_107] : memref<10240x128xf32, #tpu.memory_space<vmem_shared>> -> memref<10240x128xf32, #tpu.memory_space<vmem_shared>>
      tpu.wait_indirect_dma semaphore(%run_scoped3A_102 : memref<!tpu.dma_semaphore, #tpu.memory_space<semaphore_mem>>) src(%arg10 : memref<128x128xf32, #tpu.memory_space<vmem>>) dst(%dma_wait3A_108 : memref<10240x128xf32, #tpu.memory_space<vmem_shared>>)
      tpu.yield
    }) : () -> ()
    %dma_wait3A_72 = arith.constant 0 : i32
    %dma_wait3A_73 = tpu.memref_slice %arg3[%dma_wait3A_72] : memref<327680xi32, #tpu.memory_space<hbm>> -> memref<128xi32, #tpu.memory_space<hbm>>
    %dma_wait3A_74 = arith.constant 0 : i32
    %dma_wait3A_75 = tpu.memref_slice %arg3[%dma_wait3A_74] : memref<327680xi32, #tpu.memory_space<hbm>> -> memref<128xi32, #tpu.memory_space<hbm>>
    tpu.wait_dma2 semaphore(%arg13 : memref<!tpu.dma_semaphore, #tpu.memory_space<semaphore_mem>>) src(%dma_wait3A_75 : memref<128xi32, #tpu.memory_space<hbm>>) dst(%arg9 : memref<128xi32, #tpu.memory_space<vmem>>)
    "tpu.region"() ({
      %run_scoped3A_102 = tpu.sem_alloc : memref<!tpu.dma_semaphore, #tpu.memory_space<semaphore_mem>>
      %dma_start3A_103 = arith.constant 0 : i32
      %dma_start3A_104 = arith.constant 0 : i32
      %dma_start3A_105 = tpu.memref_slice %arg7[%dma_start3A_103, %dma_start3A_104] : memref<10240x128xf32, #tpu.memory_space<vmem_shared>> -> memref<10240x128xf32, #tpu.memory_space<vmem_shared>>
      tpu.enqueue_indirect_dma source(%arg10 : memref<128x128xf32, #tpu.memory_space<vmem>>) target(%dma_start3A_105 : memref<10240x128xf32, #tpu.memory_space<vmem_shared>>) offsets(%arg9 : memref<128xi32, #tpu.memory_space<vmem>>) semaphore(%run_scoped3A_102 : memref<!tpu.dma_semaphore, #tpu.memory_space<semaphore_mem>>) {add = true}
      %dma_wait3A_106 = arith.constant 0 : i32
      %dma_wait3A_107 = arith.constant 0 : i32
      %dma_wait3A_108 = tpu.memref_slice %arg7[%dma_wait3A_106, %dma_wait3A_107] : memref<10240x128xf32, #tpu.memory_space<vmem_shared>> -> memref<10240x128xf32, #tpu.memory_space<vmem_shared>>
      tpu.wait_indirect_dma semaphore(%run_scoped3A_102 : memref<!tpu.dma_semaphore, #tpu.memory_space<semaphore_mem>>) src(%arg10 : memref<128x128xf32, #tpu.memory_space<vmem>>) dst(%dma_wait3A_108 : memref<10240x128xf32, #tpu.memory_space<vmem_shared>>)
      tpu.yield
    }) : () -> ()
    %barrier3A_76 = arith.constant 0 : index
    tpu.barrier barrier_id(%barrier3A_76)
    %add3A_77 = arith.constant 0 : i32
    %add3A_78 = arith.addi %mul3A_2, %add3A_77 : i32
    "tpu.region"() ({
      %run_scoped3A_102 = tpu.sem_alloc : memref<!tpu.dma_semaphore, #tpu.memory_space<semaphore_mem>>
      %dma_start3A_103 = arith.constant 0 : i32
      %dma_start3A_104 = tpu.memref_slice %arg7[%add3A_78, %dma_start3A_103] : memref<10240x128xf32, #tpu.memory_space<vmem_shared>> -> memref<128x128xf32, #tpu.memory_space<vmem_shared>>
      %dma_start3A_105 = arith.constant 0 : i32
      %dma_start3A_106 = tpu.memref_slice %arg7[%add3A_78, %dma_start3A_105] : memref<10240x128xf32, #tpu.memory_space<vmem_shared>> -> memref<128x128xf32, #tpu.memory_space<vmem_shared>>
      tpu.enqueue_dma source(%dma_start3A_106 : memref<128x128xf32, #tpu.memory_space<vmem_shared>>) target(%arg11 : memref<128x128xf32, #tpu.memory_space<vmem>>) target_semaphore(%run_scoped3A_102 : memref<!tpu.dma_semaphore, #tpu.memory_space<semaphore_mem>>)
      %dma_wait3A_107 = arith.constant 0 : i32
      %dma_wait3A_108 = tpu.memref_slice %arg7[%add3A_78, %dma_wait3A_107] : memref<10240x128xf32, #tpu.memory_space<vmem_shared>> -> memref<128x128xf32, #tpu.memory_space<vmem_shared>>
      %dma_wait3A_109 = arith.constant 0 : i32
      %dma_wait3A_110 = tpu.memref_slice %arg7[%add3A_78, %dma_wait3A_109] : memref<10240x128xf32, #tpu.memory_space<vmem_shared>> -> memref<128x128xf32, #tpu.memory_space<vmem_shared>>
      tpu.wait_dma2 semaphore(%run_scoped3A_102 : memref<!tpu.dma_semaphore, #tpu.memory_space<semaphore_mem>>) src(%dma_wait3A_110 : memref<128x128xf32, #tpu.memory_space<vmem_shared>>) dst(%arg11 : memref<128x128xf32, #tpu.memory_space<vmem>>)
      tpu.yield
    }) : () -> ()
    %add3A_79 = arith.constant 0 : i32
    %add3A_80 = arith.addi %mul3A_2, %add3A_79 : i32
    %run_scoped3A_81 = arith.constant 1 : i32
    "tpu.region"() ({
      %run_scoped3A_102 = tpu.sem_alloc : memref<!tpu.dma_semaphore, #tpu.memory_space<semaphore_mem>>
      %dma_start3A_103 = arith.constant 0 : i32
      %dma_start3A_104 = tpu.memref_slice %arg6[%run_scoped3A_81, %arg0, %add3A_80, %dma_start3A_103] : memref<2x2x10240x128xf32, #tpu.memory_space<hbm>> -> memref<1x1x128x128xf32, #tpu.memory_space<hbm>>
      %dma_start3A_105 = tpu.memref_squeeze %dma_start3A_104 : memref<1x1x128x128xf32, #tpu.memory_space<hbm>> -> memref<128x128xf32, #tpu.memory_space<hbm>>
      %dma_start3A_106 = arith.constant 0 : i32
      %dma_start3A_107 = tpu.memref_slice %arg6[%run_scoped3A_81, %arg0, %add3A_80, %dma_start3A_106] : memref<2x2x10240x128xf32, #tpu.memory_space<hbm>> -> memref<1x1x128x128xf32, #tpu.memory_space<hbm>>
      %dma_start3A_108 = tpu.memref_squeeze %dma_start3A_107 : memref<1x1x128x128xf32, #tpu.memory_space<hbm>> -> memref<128x128xf32, #tpu.memory_space<hbm>>
      tpu.enqueue_dma source(%arg11 : memref<128x128xf32, #tpu.memory_space<vmem>>) target(%dma_start3A_108 : memref<128x128xf32, #tpu.memory_space<hbm>>) target_semaphore(%run_scoped3A_102 : memref<!tpu.dma_semaphore, #tpu.memory_space<semaphore_mem>>)
      %dma_wait3A_109 = arith.constant 0 : i32
      %dma_wait3A_110 = tpu.memref_slice %arg6[%run_scoped3A_81, %arg0, %add3A_80, %dma_wait3A_109] : memref<2x2x10240x128xf32, #tpu.memory_space<hbm>> -> memref<1x1x128x128xf32, #tpu.memory_space<hbm>>
      %dma_wait3A_111 = tpu.memref_squeeze %dma_wait3A_110 : memref<1x1x128x128xf32, #tpu.memory_space<hbm>> -> memref<128x128xf32, #tpu.memory_space<hbm>>
      %dma_wait3A_112 = arith.constant 0 : i32
      %dma_wait3A_113 = tpu.memref_slice %arg6[%run_scoped3A_81, %arg0, %add3A_80, %dma_wait3A_112] : memref<2x2x10240x128xf32, #tpu.memory_space<hbm>> -> memref<1x1x128x128xf32, #tpu.memory_space<hbm>>
      %dma_wait3A_114 = tpu.memref_squeeze %dma_wait3A_113 : memref<1x1x128x128xf32, #tpu.memory_space<hbm>> -> memref<128x128xf32, #tpu.memory_space<hbm>>
      tpu.wait_dma2 semaphore(%run_scoped3A_102 : memref<!tpu.dma_semaphore, #tpu.memory_space<semaphore_mem>>) src(%arg11 : memref<128x128xf32, #tpu.memory_space<vmem>>) dst(%dma_wait3A_114 : memref<128x128xf32, #tpu.memory_space<hbm>>)
      tpu.yield
    }) : () -> ()
    %add3A_82 = arith.constant 128 : i32
    %add3A_83 = arith.addi %mul3A_2, %add3A_82 : i32
    "tpu.region"() ({
      %run_scoped3A_102 = tpu.sem_alloc : memref<!tpu.dma_semaphore, #tpu.memory_space<semaphore_mem>>
      %dma_start3A_103 = arith.constant 0 : i32
      %dma_start3A_104 = tpu.memref_slice %arg7[%add3A_83, %dma_start3A_103] : memref<10240x128xf32, #tpu.memory_space<vmem_shared>> -> memref<128x128xf32, #tpu.memory_space<vmem_shared>>
      %dma_start3A_105 = arith.constant 0 : i32
      %dma_start3A_106 = tpu.memref_slice %arg7[%add3A_83, %dma_start3A_105] : memref<10240x128xf32, #tpu.memory_space<vmem_shared>> -> memref<128x128xf32, #tpu.memory_space<vmem_shared>>
      tpu.enqueue_dma source(%dma_start3A_106 : memref<128x128xf32, #tpu.memory_space<vmem_shared>>) target(%arg11 : memref<128x128xf32, #tpu.memory_space<vmem>>) target_semaphore(%run_scoped3A_102 : memref<!tpu.dma_semaphore, #tpu.memory_space<semaphore_mem>>)
      %dma_wait3A_107 = arith.constant 0 : i32
      %dma_wait3A_108 = tpu.memref_slice %arg7[%add3A_83, %dma_wait3A_107] : memref<10240x128xf32, #tpu.memory_space<vmem_shared>> -> memref<128x128xf32, #tpu.memory_space<vmem_shared>>
      %dma_wait3A_109 = arith.constant 0 : i32
      %dma_wait3A_110 = tpu.memref_slice %arg7[%add3A_83, %dma_wait3A_109] : memref<10240x128xf32, #tpu.memory_space<vmem_shared>> -> memref<128x128xf32, #tpu.memory_space<vmem_shared>>
      tpu.wait_dma2 semaphore(%run_scoped3A_102 : memref<!tpu.dma_semaphore, #tpu.memory_space<semaphore_mem>>) src(%dma_wait3A_110 : memref<128x128xf32, #tpu.memory_space<vmem_shared>>) dst(%arg11 : memref<128x128xf32, #tpu.memory_space<vmem>>)
      tpu.yield
    }) : () -> ()
    %add3A_84 = arith.constant 128 : i32
    %add3A_85 = arith.addi %mul3A_2, %add3A_84 : i32
    %run_scoped3A_86 = arith.constant 1 : i32
    "tpu.region"() ({
      %run_scoped3A_102 = tpu.sem_alloc : memref<!tpu.dma_semaphore, #tpu.memory_space<semaphore_mem>>
      %dma_start3A_103 = arith.constant 0 : i32
      %dma_start3A_104 = tpu.memref_slice %arg6[%run_scoped3A_86, %arg0, %add3A_85, %dma_start3A_103] : memref<2x2x10240x128xf32, #tpu.memory_space<hbm>> -> memref<1x1x128x128xf32, #tpu.memory_space<hbm>>
      %dma_start3A_105 = tpu.memref_squeeze %dma_start3A_104 : memref<1x1x128x128xf32, #tpu.memory_space<hbm>> -> memref<128x128xf32, #tpu.memory_space<hbm>>
      %dma_start3A_106 = arith.constant 0 : i32
      %dma_start3A_107 = tpu.memref_slice %arg6[%run_scoped3A_86, %arg0, %add3A_85, %dma_start3A_106] : memref<2x2x10240x128xf32, #tpu.memory_space<hbm>> -> memref<1x1x128x128xf32, #tpu.memory_space<hbm>>
      %dma_start3A_108 = tpu.memref_squeeze %dma_start3A_107 : memref<1x1x128x128xf32, #tpu.memory_space<hbm>> -> memref<128x128xf32, #tpu.memory_space<hbm>>
      tpu.enqueue_dma source(%arg11 : memref<128x128xf32, #tpu.memory_space<vmem>>) target(%dma_start3A_108 : memref<128x128xf32, #tpu.memory_space<hbm>>) target_semaphore(%run_scoped3A_102 : memref<!tpu.dma_semaphore, #tpu.memory_space<semaphore_mem>>)
      %dma_wait3A_109 = arith.constant 0 : i32
      %dma_wait3A_110 = tpu.memref_slice %arg6[%run_scoped3A_86, %arg0, %add3A_85, %dma_wait3A_109] : memref<2x2x10240x128xf32, #tpu.memory_space<hbm>> -> memref<1x1x128x128xf32, #tpu.memory_space<hbm>>
      %dma_wait3A_111 = tpu.memref_squeeze %dma_wait3A_110 : memref<1x1x128x128xf32, #tpu.memory_space<hbm>> -> memref<128x128xf32, #tpu.memory_space<hbm>>
      %dma_wait3A_112 = arith.constant 0 : i32
      %dma_wait3A_113 = tpu.memref_slice %arg6[%run_scoped3A_86, %arg0, %add3A_85, %dma_wait3A_112] : memref<2x2x10240x128xf32, #tpu.memory_space<hbm>> -> memref<1x1x128x128xf32, #tpu.memory_space<hbm>>
      %dma_wait3A_114 = tpu.memref_squeeze %dma_wait3A_113 : memref<1x1x128x128xf32, #tpu.memory_space<hbm>> -> memref<128x128xf32, #tpu.memory_space<hbm>>
      tpu.wait_dma2 semaphore(%run_scoped3A_102 : memref<!tpu.dma_semaphore, #tpu.memory_space<semaphore_mem>>) src(%arg11 : memref<128x128xf32, #tpu.memory_space<vmem>>) dst(%dma_wait3A_114 : memref<128x128xf32, #tpu.memory_space<hbm>>)
      tpu.yield
    }) : () -> ()
    %add3A_87 = arith.constant 256 : i32
    %add3A_88 = arith.addi %mul3A_2, %add3A_87 : i32
    "tpu.region"() ({
      %run_scoped3A_102 = tpu.sem_alloc : memref<!tpu.dma_semaphore, #tpu.memory_space<semaphore_mem>>
      %dma_start3A_103 = arith.constant 0 : i32
      %dma_start3A_104 = tpu.memref_slice %arg7[%add3A_88, %dma_start3A_103] : memref<10240x128xf32, #tpu.memory_space<vmem_shared>> -> memref<128x128xf32, #tpu.memory_space<vmem_shared>>
      %dma_start3A_105 = arith.constant 0 : i32
      %dma_start3A_106 = tpu.memref_slice %arg7[%add3A_88, %dma_start3A_105] : memref<10240x128xf32, #tpu.memory_space<vmem_shared>> -> memref<128x128xf32, #tpu.memory_space<vmem_shared>>
      tpu.enqueue_dma source(%dma_start3A_106 : memref<128x128xf32, #tpu.memory_space<vmem_shared>>) target(%arg11 : memref<128x128xf32, #tpu.memory_space<vmem>>) target_semaphore(%run_scoped3A_102 : memref<!tpu.dma_semaphore, #tpu.memory_space<semaphore_mem>>)
      %dma_wait3A_107 = arith.constant 0 : i32
      %dma_wait3A_108 = tpu.memref_slice %arg7[%add3A_88, %dma_wait3A_107] : memref<10240x128xf32, #tpu.memory_space<vmem_shared>> -> memref<128x128xf32, #tpu.memory_space<vmem_shared>>
      %dma_wait3A_109 = arith.constant 0 : i32
      %dma_wait3A_110 = tpu.memref_slice %arg7[%add3A_88, %dma_wait3A_109] : memref<10240x128xf32, #tpu.memory_space<vmem_shared>> -> memref<128x128xf32, #tpu.memory_space<vmem_shared>>
      tpu.wait_dma2 semaphore(%run_scoped3A_102 : memref<!tpu.dma_semaphore, #tpu.memory_space<semaphore_mem>>) src(%dma_wait3A_110 : memref<128x128xf32, #tpu.memory_space<vmem_shared>>) dst(%arg11 : memref<128x128xf32, #tpu.memory_space<vmem>>)
      tpu.yield
    }) : () -> ()
    %add3A_89 = arith.constant 256 : i32
    %add3A_90 = arith.addi %mul3A_2, %add3A_89 : i32
    %run_scoped3A_91 = arith.constant 1 : i32
    "tpu.region"() ({
      %run_scoped3A_102 = tpu.sem_alloc : memref<!tpu.dma_semaphore, #tpu.memory_space<semaphore_mem>>
      %dma_start3A_103 = arith.constant 0 : i32
      %dma_start3A_104 = tpu.memref_slice %arg6[%run_scoped3A_91, %arg0, %add3A_90, %dma_start3A_103] : memref<2x2x10240x128xf32, #tpu.memory_space<hbm>> -> memref<1x1x128x128xf32, #tpu.memory_space<hbm>>
      %dma_start3A_105 = tpu.memref_squeeze %dma_start3A_104 : memref<1x1x128x128xf32, #tpu.memory_space<hbm>> -> memref<128x128xf32, #tpu.memory_space<hbm>>
      %dma_start3A_106 = arith.constant 0 : i32
      %dma_start3A_107 = tpu.memref_slice %arg6[%run_scoped3A_91, %arg0, %add3A_90, %dma_start3A_106] : memref<2x2x10240x128xf32, #tpu.memory_space<hbm>> -> memref<1x1x128x128xf32, #tpu.memory_space<hbm>>
      %dma_start3A_108 = tpu.memref_squeeze %dma_start3A_107 : memref<1x1x128x128xf32, #tpu.memory_space<hbm>> -> memref<128x128xf32, #tpu.memory_space<hbm>>
      tpu.enqueue_dma source(%arg11 : memref<128x128xf32, #tpu.memory_space<vmem>>) target(%dma_start3A_108 : memref<128x128xf32, #tpu.memory_space<hbm>>) target_semaphore(%run_scoped3A_102 : memref<!tpu.dma_semaphore, #tpu.memory_space<semaphore_mem>>)
      %dma_wait3A_109 = arith.constant 0 : i32
      %dma_wait3A_110 = tpu.memref_slice %arg6[%run_scoped3A_91, %arg0, %add3A_90, %dma_wait3A_109] : memref<2x2x10240x128xf32, #tpu.memory_space<hbm>> -> memref<1x1x128x128xf32, #tpu.memory_space<hbm>>
      %dma_wait3A_111 = tpu.memref_squeeze %dma_wait3A_110 : memref<1x1x128x128xf32, #tpu.memory_space<hbm>> -> memref<128x128xf32, #tpu.memory_space<hbm>>
      %dma_wait3A_112 = arith.constant 0 : i32
      %dma_wait3A_113 = tpu.memref_slice %arg6[%run_scoped3A_91, %arg0, %add3A_90, %dma_wait3A_112] : memref<2x2x10240x128xf32, #tpu.memory_space<hbm>> -> memref<1x1x128x128xf32, #tpu.memory_space<hbm>>
      %dma_wait3A_114 = tpu.memref_squeeze %dma_wait3A_113 : memref<1x1x128x128xf32, #tpu.memory_space<hbm>> -> memref<128x128xf32, #tpu.memory_space<hbm>>
      tpu.wait_dma2 semaphore(%run_scoped3A_102 : memref<!tpu.dma_semaphore, #tpu.memory_space<semaphore_mem>>) src(%arg11 : memref<128x128xf32, #tpu.memory_space<vmem>>) dst(%dma_wait3A_114 : memref<128x128xf32, #tpu.memory_space<hbm>>)
      tpu.yield
    }) : () -> ()
    %add3A_92 = arith.constant 384 : i32
    %add3A_93 = arith.addi %mul3A_2, %add3A_92 : i32
    "tpu.region"() ({
      %run_scoped3A_102 = tpu.sem_alloc : memref<!tpu.dma_semaphore, #tpu.memory_space<semaphore_mem>>
      %dma_start3A_103 = arith.constant 0 : i32
      %dma_start3A_104 = tpu.memref_slice %arg7[%add3A_93, %dma_start3A_103] : memref<10240x128xf32, #tpu.memory_space<vmem_shared>> -> memref<128x128xf32, #tpu.memory_space<vmem_shared>>
      %dma_start3A_105 = arith.constant 0 : i32
      %dma_start3A_106 = tpu.memref_slice %arg7[%add3A_93, %dma_start3A_105] : memref<10240x128xf32, #tpu.memory_space<vmem_shared>> -> memref<128x128xf32, #tpu.memory_space<vmem_shared>>
      tpu.enqueue_dma source(%dma_start3A_106 : memref<128x128xf32, #tpu.memory_space<vmem_shared>>) target(%arg11 : memref<128x128xf32, #tpu.memory_space<vmem>>) target_semaphore(%run_scoped3A_102 : memref<!tpu.dma_semaphore, #tpu.memory_space<semaphore_mem>>)
      %dma_wait3A_107 = arith.constant 0 : i32
      %dma_wait3A_108 = tpu.memref_slice %arg7[%add3A_93, %dma_wait3A_107] : memref<10240x128xf32, #tpu.memory_space<vmem_shared>> -> memref<128x128xf32, #tpu.memory_space<vmem_shared>>
      %dma_wait3A_109 = arith.constant 0 : i32
      %dma_wait3A_110 = tpu.memref_slice %arg7[%add3A_93, %dma_wait3A_109] : memref<10240x128xf32, #tpu.memory_space<vmem_shared>> -> memref<128x128xf32, #tpu.memory_space<vmem_shared>>
      tpu.wait_dma2 semaphore(%run_scoped3A_102 : memref<!tpu.dma_semaphore, #tpu.memory_space<semaphore_mem>>) src(%dma_wait3A_110 : memref<128x128xf32, #tpu.memory_space<vmem_shared>>) dst(%arg11 : memref<128x128xf32, #tpu.memory_space<vmem>>)
      tpu.yield
    }) : () -> ()
    %add3A_94 = arith.constant 384 : i32
    %add3A_95 = arith.addi %mul3A_2, %add3A_94 : i32
    %run_scoped3A_96 = arith.constant 1 : i32
    "tpu.region"() ({
      %run_scoped3A_102 = tpu.sem_alloc : memref<!tpu.dma_semaphore, #tpu.memory_space<semaphore_mem>>
      %dma_start3A_103 = arith.constant 0 : i32
      %dma_start3A_104 = tpu.memref_slice %arg6[%run_scoped3A_96, %arg0, %add3A_95, %dma_start3A_103] : memref<2x2x10240x128xf32, #tpu.memory_space<hbm>> -> memref<1x1x128x128xf32, #tpu.memory_space<hbm>>
      %dma_start3A_105 = tpu.memref_squeeze %dma_start3A_104 : memref<1x1x128x128xf32, #tpu.memory_space<hbm>> -> memref<128x128xf32, #tpu.memory_space<hbm>>
      %dma_start3A_106 = arith.constant 0 : i32
      %dma_start3A_107 = tpu.memref_slice %arg6[%run_scoped3A_96, %arg0, %add3A_95, %dma_start3A_106] : memref<2x2x10240x128xf32, #tpu.memory_space<hbm>> -> memref<1x1x128x128xf32, #tpu.memory_space<hbm>>
      %dma_start3A_108 = tpu.memref_squeeze %dma_start3A_107 : memref<1x1x128x128xf32, #tpu.memory_space<hbm>> -> memref<128x128xf32, #tpu.memory_space<hbm>>
      tpu.enqueue_dma source(%arg11 : memref<128x128xf32, #tpu.memory_space<vmem>>) target(%dma_start3A_108 : memref<128x128xf32, #tpu.memory_space<hbm>>) target_semaphore(%run_scoped3A_102 : memref<!tpu.dma_semaphore, #tpu.memory_space<semaphore_mem>>)
      %dma_wait3A_109 = arith.constant 0 : i32
      %dma_wait3A_110 = tpu.memref_slice %arg6[%run_scoped3A_96, %arg0, %add3A_95, %dma_wait3A_109] : memref<2x2x10240x128xf32, #tpu.memory_space<hbm>> -> memref<1x1x128x128xf32, #tpu.memory_space<hbm>>
      %dma_wait3A_111 = tpu.memref_squeeze %dma_wait3A_110 : memref<1x1x128x128xf32, #tpu.memory_space<hbm>> -> memref<128x128xf32, #tpu.memory_space<hbm>>
      %dma_wait3A_112 = arith.constant 0 : i32
      %dma_wait3A_113 = tpu.memref_slice %arg6[%run_scoped3A_96, %arg0, %add3A_95, %dma_wait3A_112] : memref<2x2x10240x128xf32, #tpu.memory_space<hbm>> -> memref<1x1x128x128xf32, #tpu.memory_space<hbm>>
      %dma_wait3A_114 = tpu.memref_squeeze %dma_wait3A_113 : memref<1x1x128x128xf32, #tpu.memory_space<hbm>> -> memref<128x128xf32, #tpu.memory_space<hbm>>
      tpu.wait_dma2 semaphore(%run_scoped3A_102 : memref<!tpu.dma_semaphore, #tpu.memory_space<semaphore_mem>>) src(%arg11 : memref<128x128xf32, #tpu.memory_space<vmem>>) dst(%dma_wait3A_114 : memref<128x128xf32, #tpu.memory_space<hbm>>)
      tpu.yield
    }) : () -> ()
    %add3A_97 = arith.constant 512 : i32
    %add3A_98 = arith.addi %mul3A_2, %add3A_97 : i32
    "tpu.region"() ({
      %run_scoped3A_102 = tpu.sem_alloc : memref<!tpu.dma_semaphore, #tpu.memory_space<semaphore_mem>>
      %dma_start3A_103 = arith.constant 0 : i32
      %dma_start3A_104 = tpu.memref_slice %arg7[%add3A_98, %dma_start3A_103] : memref<10240x128xf32, #tpu.memory_space<vmem_shared>> -> memref<128x128xf32, #tpu.memory_space<vmem_shared>>
      %dma_start3A_105 = arith.constant 0 : i32
      %dma_start3A_106 = tpu.memref_slice %arg7[%add3A_98, %dma_start3A_105] : memref<10240x128xf32, #tpu.memory_space<vmem_shared>> -> memref<128x128xf32, #tpu.memory_space<vmem_shared>>
      tpu.enqueue_dma source(%dma_start3A_106 : memref<128x128xf32, #tpu.memory_space<vmem_shared>>) target(%arg11 : memref<128x128xf32, #tpu.memory_space<vmem>>) target_semaphore(%run_scoped3A_102 : memref<!tpu.dma_semaphore, #tpu.memory_space<semaphore_mem>>)
      %dma_wait3A_107 = arith.constant 0 : i32
      %dma_wait3A_108 = tpu.memref_slice %arg7[%add3A_98, %dma_wait3A_107] : memref<10240x128xf32, #tpu.memory_space<vmem_shared>> -> memref<128x128xf32, #tpu.memory_space<vmem_shared>>
      %dma_wait3A_109 = arith.constant 0 : i32
      %dma_wait3A_110 = tpu.memref_slice %arg7[%add3A_98, %dma_wait3A_109] : memref<10240x128xf32, #tpu.memory_space<vmem_shared>> -> memref<128x128xf32, #tpu.memory_space<vmem_shared>>
      tpu.wait_dma2 semaphore(%run_scoped3A_102 : memref<!tpu.dma_semaphore, #tpu.memory_space<semaphore_mem>>) src(%dma_wait3A_110 : memref<128x128xf32, #tpu.memory_space<vmem_shared>>) dst(%arg11 : memref<128x128xf32, #tpu.memory_space<vmem>>)
      tpu.yield
    }) : () -> ()
    %add3A_99 = arith.constant 512 : i32
    %add3A_100 = arith.addi %mul3A_2, %add3A_99 : i32
    %run_scoped3A_101 = arith.constant 1 : i32
    "tpu.region"() ({
      %run_scoped3A_102 = tpu.sem_alloc : memref<!tpu.dma_semaphore, #tpu.memory_space<semaphore_mem>>
      %dma_start3A_103 = arith.constant 0 : i32
      %dma_start3A_104 = tpu.memref_slice %arg6[%run_scoped3A_101, %arg0, %add3A_100, %dma_start3A_103] : memref<2x2x10240x128xf32, #tpu.memory_space<hbm>> -> memref<1x1x128x128xf32, #tpu.memory_space<hbm>>
      %dma_start3A_105 = tpu.memref_squeeze %dma_start3A_104 : memref<1x1x128x128xf32, #tpu.memory_space<hbm>> -> memref<128x128xf32, #tpu.memory_space<hbm>>
      %dma_start3A_106 = arith.constant 0 : i32
      %dma_start3A_107 = tpu.memref_slice %arg6[%run_scoped3A_101, %arg0, %add3A_100, %dma_start3A_106] : memref<2x2x10240x128xf32, #tpu.memory_space<hbm>> -> memref<1x1x128x128xf32, #tpu.memory_space<hbm>>
      %dma_start3A_108 = tpu.memref_squeeze %dma_start3A_107 : memref<1x1x128x128xf32, #tpu.memory_space<hbm>> -> memref<128x128xf32, #tpu.memory_space<hbm>>
      tpu.enqueue_dma source(%arg11 : memref<128x128xf32, #tpu.memory_space<vmem>>) target(%dma_start3A_108 : memref<128x128xf32, #tpu.memory_space<hbm>>) target_semaphore(%run_scoped3A_102 : memref<!tpu.dma_semaphore, #tpu.memory_space<semaphore_mem>>)
      %dma_wait3A_109 = arith.constant 0 : i32
      %dma_wait3A_110 = tpu.memref_slice %arg6[%run_scoped3A_101, %arg0, %add3A_100, %dma_wait3A_109] : memref<2x2x10240x128xf32, #tpu.memory_space<hbm>> -> memref<1x1x128x128xf32, #tpu.memory_space<hbm>>
      %dma_wait3A_111 = tpu.memref_squeeze %dma_wait3A_110 : memref<1x1x128x128xf32, #tpu.memory_space<hbm>> -> memref<128x128xf32, #tpu.memory_space<hbm>>
      %dma_wait3A_112 = arith.constant 0 : i32
      %dma_wait3A_113 = tpu.memref_slice %arg6[%run_scoped3A_101, %arg0, %add3A_100, %dma_wait3A_112] : memref<2x2x10240x128xf32, #tpu.memory_space<hbm>> -> memref<1x1x128x128xf32, #tpu.memory_space<hbm>>
      %dma_wait3A_114 = tpu.memref_squeeze %dma_wait3A_113 : memref<1x1x128x128xf32, #tpu.memory_space<hbm>> -> memref<128x128xf32, #tpu.memory_space<hbm>>
      tpu.wait_dma2 semaphore(%run_scoped3A_102 : memref<!tpu.dma_semaphore, #tpu.memory_space<semaphore_mem>>) src(%arg11 : memref<128x128xf32, #tpu.memory_space<vmem>>) dst(%dma_wait3A_114 : memref<128x128xf32, #tpu.memory_space<hbm>>)
      tpu.yield
    }) : () -> ()
    return
  }
}

#map = affine_map<(d0, d1) -> (0, 0)>
#map1 = affine_map<(d0, d1) -> (0)>
#map2 = affine_map<(d0, d1) -> (0, 0, 0)>
module attributes {stable_mosaic.version = 14 : i64} {
  func.func @k(%arg0: i32, %arg1: i32, %arg2: memref<10000x128xf32, #tpu.memory_space<hbm>>, %arg3: memref<327680xi32, #tpu.memory_space<hbm>>, %arg4: memref<327680xi32, #tpu.memory_space<hbm>>, %arg5: memref<128x128xf32, #tpu.memory_space<hbm>>, %arg6: memref<2x10240x128xf32, #tpu.memory_space<hbm>>, %arg7: memref<10240x128xf32, #tpu.memory_space<vmem_shared>>, %arg8: memref<128xi32, #tpu.memory_space<vmem>>, %arg9: memref<128xi32, #tpu.memory_space<vmem>>, %arg10: memref<128xi32, #tpu.memory_space<vmem>>, %arg11: memref<128xi32, #tpu.memory_space<vmem>>, %arg12: memref<128x128xf32, #tpu.memory_space<vmem>>, %arg13: memref<128x128xf32, #tpu.memory_space<vmem>>, %arg14: memref<!tpu.dma_semaphore, #tpu.memory_space<semaphore_mem>>, %arg15: memref<!tpu.dma_semaphore, #tpu.memory_space<semaphore_mem>>, %arg16: memref<!tpu.dma_semaphore, #tpu.memory_space<semaphore_mem>>, %arg17: memref<!tpu.dma_semaphore, #tpu.memory_space<semaphore_mem>>) attributes {dimension_semantics = [#tpu.dimension_semantics<core_parallel>, #tpu.dimension_semantics<subcore_parallel>], iteration_bounds = array<i64: 2, 16>, scalar_prefetch = 0 : i64, scratch_operands = 11 : i64, tpu.core_type = #tpu.core_type<sc_vector_subcore>, window_params = [{transform_indices = #map}, {transform_indices = #map1}, {transform_indices = #map1}, {transform_indices = #map}, {transform_indices = #map2}]} {
    %mul3A = arith.constant 2 : i32
    %mul3A_0 = arith.muli %arg1, %mul3A : i32
    %add3A = arith.addi %mul3A_0, %arg0 : i32
    %mul3A_1 = arith.constant 640 : i32
    %mul3A_2 = arith.muli %arg1, %mul3A_1 : i32
    %mul3A_3 = arith.constant 10240 : i32
    %mul3A_4 = arith.muli %add3A, %mul3A_3 : i32
    "tpu.region"() ({
      %run_scoped3A = tpu.sem_alloc : memref<!tpu.dma_semaphore, #tpu.memory_space<semaphore_mem>>
      tpu.enqueue_dma source(%arg5 : memref<128x128xf32, #tpu.memory_space<hbm>>) target(%arg12 : memref<128x128xf32, #tpu.memory_space<vmem>>) target_semaphore(%run_scoped3A : memref<!tpu.dma_semaphore, #tpu.memory_space<semaphore_mem>>)
      tpu.wait_dma2 semaphore(%run_scoped3A : memref<!tpu.dma_semaphore, #tpu.memory_space<semaphore_mem>>) src(%arg5 : memref<128x128xf32, #tpu.memory_space<hbm>>) dst(%arg12 : memref<128x128xf32, #tpu.memory_space<vmem>>)
      tpu.yield
    }) : () -> ()
    %add3A_5 = arith.constant 0 : i32
    %add3A_6 = arith.addi %mul3A_2, %add3A_5 : i32
    "tpu.region"() ({
      %run_scoped3A = tpu.sem_alloc : memref<!tpu.dma_semaphore, #tpu.memory_space<semaphore_mem>>
      %dma_start3A_61 = arith.constant 0 : i32
      %dma_start3A_62 = tpu.memref_slice %arg7[%add3A_6, %dma_start3A_61] : memref<10240x128xf32, #tpu.memory_space<vmem_shared>> -> memref<128x128xf32, #tpu.memory_space<vmem_shared>>
      %dma_start3A_63 = arith.constant 0 : i32
      %dma_start3A_64 = tpu.memref_slice %arg7[%add3A_6, %dma_start3A_63] : memref<10240x128xf32, #tpu.memory_space<vmem_shared>> -> memref<128x128xf32, #tpu.memory_space<vmem_shared>>
      tpu.enqueue_dma source(%arg12 : memref<128x128xf32, #tpu.memory_space<vmem>>) target(%dma_start3A_64 : memref<128x128xf32, #tpu.memory_space<vmem_shared>>) target_semaphore(%run_scoped3A : memref<!tpu.dma_semaphore, #tpu.memory_space<semaphore_mem>>)
      %dma_wait3A_65 = arith.constant 0 : i32
      %dma_wait3A_66 = tpu.memref_slice %arg7[%add3A_6, %dma_wait3A_65] : memref<10240x128xf32, #tpu.memory_space<vmem_shared>> -> memref<128x128xf32, #tpu.memory_space<vmem_shared>>
      %dma_wait3A_67 = arith.constant 0 : i32
      %dma_wait3A_68 = tpu.memref_slice %arg7[%add3A_6, %dma_wait3A_67] : memref<10240x128xf32, #tpu.memory_space<vmem_shared>> -> memref<128x128xf32, #tpu.memory_space<vmem_shared>>
      tpu.wait_dma2 semaphore(%run_scoped3A : memref<!tpu.dma_semaphore, #tpu.memory_space<semaphore_mem>>) src(%arg12 : memref<128x128xf32, #tpu.memory_space<vmem>>) dst(%dma_wait3A_68 : memref<128x128xf32, #tpu.memory_space<vmem_shared>>)
      tpu.yield
    }) : () -> ()
    %add3A_7 = arith.constant 128 : i32
    %add3A_8 = arith.addi %mul3A_2, %add3A_7 : i32
    "tpu.region"() ({
      %run_scoped3A = tpu.sem_alloc : memref<!tpu.dma_semaphore, #tpu.memory_space<semaphore_mem>>
      %dma_start3A_61 = arith.constant 0 : i32
      %dma_start3A_62 = tpu.memref_slice %arg7[%add3A_8, %dma_start3A_61] : memref<10240x128xf32, #tpu.memory_space<vmem_shared>> -> memref<128x128xf32, #tpu.memory_space<vmem_shared>>
      %dma_start3A_63 = arith.constant 0 : i32
      %dma_start3A_64 = tpu.memref_slice %arg7[%add3A_8, %dma_start3A_63] : memref<10240x128xf32, #tpu.memory_space<vmem_shared>> -> memref<128x128xf32, #tpu.memory_space<vmem_shared>>
      tpu.enqueue_dma source(%arg12 : memref<128x128xf32, #tpu.memory_space<vmem>>) target(%dma_start3A_64 : memref<128x128xf32, #tpu.memory_space<vmem_shared>>) target_semaphore(%run_scoped3A : memref<!tpu.dma_semaphore, #tpu.memory_space<semaphore_mem>>)
      %dma_wait3A_65 = arith.constant 0 : i32
      %dma_wait3A_66 = tpu.memref_slice %arg7[%add3A_8, %dma_wait3A_65] : memref<10240x128xf32, #tpu.memory_space<vmem_shared>> -> memref<128x128xf32, #tpu.memory_space<vmem_shared>>
      %dma_wait3A_67 = arith.constant 0 : i32
      %dma_wait3A_68 = tpu.memref_slice %arg7[%add3A_8, %dma_wait3A_67] : memref<10240x128xf32, #tpu.memory_space<vmem_shared>> -> memref<128x128xf32, #tpu.memory_space<vmem_shared>>
      tpu.wait_dma2 semaphore(%run_scoped3A : memref<!tpu.dma_semaphore, #tpu.memory_space<semaphore_mem>>) src(%arg12 : memref<128x128xf32, #tpu.memory_space<vmem>>) dst(%dma_wait3A_68 : memref<128x128xf32, #tpu.memory_space<vmem_shared>>)
      tpu.yield
    }) : () -> ()
    %add3A_9 = arith.constant 256 : i32
    %add3A_10 = arith.addi %mul3A_2, %add3A_9 : i32
    "tpu.region"() ({
      %run_scoped3A = tpu.sem_alloc : memref<!tpu.dma_semaphore, #tpu.memory_space<semaphore_mem>>
      %dma_start3A_61 = arith.constant 0 : i32
      %dma_start3A_62 = tpu.memref_slice %arg7[%add3A_10, %dma_start3A_61] : memref<10240x128xf32, #tpu.memory_space<vmem_shared>> -> memref<128x128xf32, #tpu.memory_space<vmem_shared>>
      %dma_start3A_63 = arith.constant 0 : i32
      %dma_start3A_64 = tpu.memref_slice %arg7[%add3A_10, %dma_start3A_63] : memref<10240x128xf32, #tpu.memory_space<vmem_shared>> -> memref<128x128xf32, #tpu.memory_space<vmem_shared>>
      tpu.enqueue_dma source(%arg12 : memref<128x128xf32, #tpu.memory_space<vmem>>) target(%dma_start3A_64 : memref<128x128xf32, #tpu.memory_space<vmem_shared>>) target_semaphore(%run_scoped3A : memref<!tpu.dma_semaphore, #tpu.memory_space<semaphore_mem>>)
      %dma_wait3A_65 = arith.constant 0 : i32
      %dma_wait3A_66 = tpu.memref_slice %arg7[%add3A_10, %dma_wait3A_65] : memref<10240x128xf32, #tpu.memory_space<vmem_shared>> -> memref<128x128xf32, #tpu.memory_space<vmem_shared>>
      %dma_wait3A_67 = arith.constant 0 : i32
      %dma_wait3A_68 = tpu.memref_slice %arg7[%add3A_10, %dma_wait3A_67] : memref<10240x128xf32, #tpu.memory_space<vmem_shared>> -> memref<128x128xf32, #tpu.memory_space<vmem_shared>>
      tpu.wait_dma2 semaphore(%run_scoped3A : memref<!tpu.dma_semaphore, #tpu.memory_space<semaphore_mem>>) src(%arg12 : memref<128x128xf32, #tpu.memory_space<vmem>>) dst(%dma_wait3A_68 : memref<128x128xf32, #tpu.memory_space<vmem_shared>>)
      tpu.yield
    }) : () -> ()
    %add3A_11 = arith.constant 384 : i32
    %add3A_12 = arith.addi %mul3A_2, %add3A_11 : i32
    "tpu.region"() ({
      %run_scoped3A = tpu.sem_alloc : memref<!tpu.dma_semaphore, #tpu.memory_space<semaphore_mem>>
      %dma_start3A_61 = arith.constant 0 : i32
      %dma_start3A_62 = tpu.memref_slice %arg7[%add3A_12, %dma_start3A_61] : memref<10240x128xf32, #tpu.memory_space<vmem_shared>> -> memref<128x128xf32, #tpu.memory_space<vmem_shared>>
      %dma_start3A_63 = arith.constant 0 : i32
      %dma_start3A_64 = tpu.memref_slice %arg7[%add3A_12, %dma_start3A_63] : memref<10240x128xf32, #tpu.memory_space<vmem_shared>> -> memref<128x128xf32, #tpu.memory_space<vmem_shared>>
      tpu.enqueue_dma source(%arg12 : memref<128x128xf32, #tpu.memory_space<vmem>>) target(%dma_start3A_64 : memref<128x128xf32, #tpu.memory_space<vmem_shared>>) target_semaphore(%run_scoped3A : memref<!tpu.dma_semaphore, #tpu.memory_space<semaphore_mem>>)
      %dma_wait3A_65 = arith.constant 0 : i32
      %dma_wait3A_66 = tpu.memref_slice %arg7[%add3A_12, %dma_wait3A_65] : memref<10240x128xf32, #tpu.memory_space<vmem_shared>> -> memref<128x128xf32, #tpu.memory_space<vmem_shared>>
      %dma_wait3A_67 = arith.constant 0 : i32
      %dma_wait3A_68 = tpu.memref_slice %arg7[%add3A_12, %dma_wait3A_67] : memref<10240x128xf32, #tpu.memory_space<vmem_shared>> -> memref<128x128xf32, #tpu.memory_space<vmem_shared>>
      tpu.wait_dma2 semaphore(%run_scoped3A : memref<!tpu.dma_semaphore, #tpu.memory_space<semaphore_mem>>) src(%arg12 : memref<128x128xf32, #tpu.memory_space<vmem>>) dst(%dma_wait3A_68 : memref<128x128xf32, #tpu.memory_space<vmem_shared>>)
      tpu.yield
    }) : () -> ()
    %add3A_13 = arith.constant 512 : i32
    %add3A_14 = arith.addi %mul3A_2, %add3A_13 : i32
    "tpu.region"() ({
      %run_scoped3A = tpu.sem_alloc : memref<!tpu.dma_semaphore, #tpu.memory_space<semaphore_mem>>
      %dma_start3A_61 = arith.constant 0 : i32
      %dma_start3A_62 = tpu.memref_slice %arg7[%add3A_14, %dma_start3A_61] : memref<10240x128xf32, #tpu.memory_space<vmem_shared>> -> memref<128x128xf32, #tpu.memory_space<vmem_shared>>
      %dma_start3A_63 = arith.constant 0 : i32
      %dma_start3A_64 = tpu.memref_slice %arg7[%add3A_14, %dma_start3A_63] : memref<10240x128xf32, #tpu.memory_space<vmem_shared>> -> memref<128x128xf32, #tpu.memory_space<vmem_shared>>
      tpu.enqueue_dma source(%arg12 : memref<128x128xf32, #tpu.memory_space<vmem>>) target(%dma_start3A_64 : memref<128x128xf32, #tpu.memory_space<vmem_shared>>) target_semaphore(%run_scoped3A : memref<!tpu.dma_semaphore, #tpu.memory_space<semaphore_mem>>)
      %dma_wait3A_65 = arith.constant 0 : i32
      %dma_wait3A_66 = tpu.memref_slice %arg7[%add3A_14, %dma_wait3A_65] : memref<10240x128xf32, #tpu.memory_space<vmem_shared>> -> memref<128x128xf32, #tpu.memory_space<vmem_shared>>
      %dma_wait3A_67 = arith.constant 0 : i32
      %dma_wait3A_68 = tpu.memref_slice %arg7[%add3A_14, %dma_wait3A_67] : memref<10240x128xf32, #tpu.memory_space<vmem_shared>> -> memref<128x128xf32, #tpu.memory_space<vmem_shared>>
      tpu.wait_dma2 semaphore(%run_scoped3A : memref<!tpu.dma_semaphore, #tpu.memory_space<semaphore_mem>>) src(%arg12 : memref<128x128xf32, #tpu.memory_space<vmem>>) dst(%dma_wait3A_68 : memref<128x128xf32, #tpu.memory_space<vmem_shared>>)
      tpu.yield
    }) : () -> ()
    %barrier3A = arith.constant 0 : index
    tpu.barrier barrier_id(%barrier3A)
    %add3A_15 = arith.constant 0 : i32
    %add3A_16 = arith.addi %mul3A_4, %add3A_15 : i32
    "tpu.region"() ({
      %run_scoped3A = tpu.sem_alloc : memref<!tpu.dma_semaphore, #tpu.memory_space<semaphore_mem>>
      %dma_start3A_61 = tpu.memref_slice %arg3[%add3A_16] : memref<327680xi32, #tpu.memory_space<hbm>> -> memref<128xi32, #tpu.memory_space<hbm>>
      %dma_start3A_62 = tpu.memref_slice %arg3[%add3A_16] : memref<327680xi32, #tpu.memory_space<hbm>> -> memref<128xi32, #tpu.memory_space<hbm>>
      tpu.enqueue_dma source(%dma_start3A_62 : memref<128xi32, #tpu.memory_space<hbm>>) target(%arg8 : memref<128xi32, #tpu.memory_space<vmem>>) target_semaphore(%run_scoped3A : memref<!tpu.dma_semaphore, #tpu.memory_space<semaphore_mem>>)
      %dma_wait3A_63 = tpu.memref_slice %arg3[%add3A_16] : memref<327680xi32, #tpu.memory_space<hbm>> -> memref<128xi32, #tpu.memory_space<hbm>>
      %dma_wait3A_64 = tpu.memref_slice %arg3[%add3A_16] : memref<327680xi32, #tpu.memory_space<hbm>> -> memref<128xi32, #tpu.memory_space<hbm>>
      tpu.wait_dma2 semaphore(%run_scoped3A : memref<!tpu.dma_semaphore, #tpu.memory_space<semaphore_mem>>) src(%dma_wait3A_64 : memref<128xi32, #tpu.memory_space<hbm>>) dst(%arg8 : memref<128xi32, #tpu.memory_space<vmem>>)
      tpu.yield
    }) : () -> ()
    "tpu.region"() ({
      %run_scoped3A = tpu.sem_alloc : memref<!tpu.dma_semaphore, #tpu.memory_space<semaphore_mem>>
      %dma_start3A_61 = tpu.memref_slice %arg4[%add3A_16] : memref<327680xi32, #tpu.memory_space<hbm>> -> memref<128xi32, #tpu.memory_space<hbm>>
      %dma_start3A_62 = tpu.memref_slice %arg4[%add3A_16] : memref<327680xi32, #tpu.memory_space<hbm>> -> memref<128xi32, #tpu.memory_space<hbm>>
      tpu.enqueue_dma source(%dma_start3A_62 : memref<128xi32, #tpu.memory_space<hbm>>) target(%arg9 : memref<128xi32, #tpu.memory_space<vmem>>) target_semaphore(%run_scoped3A : memref<!tpu.dma_semaphore, #tpu.memory_space<semaphore_mem>>)
      %dma_wait3A_63 = tpu.memref_slice %arg4[%add3A_16] : memref<327680xi32, #tpu.memory_space<hbm>> -> memref<128xi32, #tpu.memory_space<hbm>>
      %dma_wait3A_64 = tpu.memref_slice %arg4[%add3A_16] : memref<327680xi32, #tpu.memory_space<hbm>> -> memref<128xi32, #tpu.memory_space<hbm>>
      tpu.wait_dma2 semaphore(%run_scoped3A : memref<!tpu.dma_semaphore, #tpu.memory_space<semaphore_mem>>) src(%dma_wait3A_64 : memref<128xi32, #tpu.memory_space<hbm>>) dst(%arg9 : memref<128xi32, #tpu.memory_space<vmem>>)
      tpu.yield
    }) : () -> ()
    %dma_start3A = arith.constant 0 : i32
    %dma_start3A_17 = arith.constant 0 : i32
    %dma_start3A_18 = tpu.memref_slice %arg2[%dma_start3A, %dma_start3A_17] : memref<10000x128xf32, #tpu.memory_space<hbm>> -> memref<10000x128xf32, #tpu.memory_space<hbm>>
    tpu.enqueue_indirect_dma source(%dma_start3A_18 : memref<10000x128xf32, #tpu.memory_space<hbm>>) target(%arg12 : memref<128x128xf32, #tpu.memory_space<vmem>>) offsets(%arg8 : memref<128xi32, #tpu.memory_space<vmem>>) semaphore(%arg14 : memref<!tpu.dma_semaphore, #tpu.memory_space<semaphore_mem>>)
    %add3A_19 = arith.constant 128 : i32
    %add3A_20 = arith.addi %mul3A_4, %add3A_19 : i32
    "tpu.region"() ({
      %run_scoped3A = tpu.sem_alloc : memref<!tpu.dma_semaphore, #tpu.memory_space<semaphore_mem>>
      %dma_start3A_61 = tpu.memref_slice %arg3[%add3A_20] : memref<327680xi32, #tpu.memory_space<hbm>> -> memref<128xi32, #tpu.memory_space<hbm>>
      %dma_start3A_62 = tpu.memref_slice %arg3[%add3A_20] : memref<327680xi32, #tpu.memory_space<hbm>> -> memref<128xi32, #tpu.memory_space<hbm>>
      tpu.enqueue_dma source(%dma_start3A_62 : memref<128xi32, #tpu.memory_space<hbm>>) target(%arg10 : memref<128xi32, #tpu.memory_space<vmem>>) target_semaphore(%run_scoped3A : memref<!tpu.dma_semaphore, #tpu.memory_space<semaphore_mem>>)
      %dma_wait3A_63 = tpu.memref_slice %arg3[%add3A_20] : memref<327680xi32, #tpu.memory_space<hbm>> -> memref<128xi32, #tpu.memory_space<hbm>>
      %dma_wait3A_64 = tpu.memref_slice %arg3[%add3A_20] : memref<327680xi32, #tpu.memory_space<hbm>> -> memref<128xi32, #tpu.memory_space<hbm>>
      tpu.wait_dma2 semaphore(%run_scoped3A : memref<!tpu.dma_semaphore, #tpu.memory_space<semaphore_mem>>) src(%dma_wait3A_64 : memref<128xi32, #tpu.memory_space<hbm>>) dst(%arg10 : memref<128xi32, #tpu.memory_space<vmem>>)
      tpu.yield
    }) : () -> ()
    "tpu.region"() ({
      %run_scoped3A = tpu.sem_alloc : memref<!tpu.dma_semaphore, #tpu.memory_space<semaphore_mem>>
      %dma_start3A_61 = tpu.memref_slice %arg4[%add3A_20] : memref<327680xi32, #tpu.memory_space<hbm>> -> memref<128xi32, #tpu.memory_space<hbm>>
      %dma_start3A_62 = tpu.memref_slice %arg4[%add3A_20] : memref<327680xi32, #tpu.memory_space<hbm>> -> memref<128xi32, #tpu.memory_space<hbm>>
      tpu.enqueue_dma source(%dma_start3A_62 : memref<128xi32, #tpu.memory_space<hbm>>) target(%arg11 : memref<128xi32, #tpu.memory_space<vmem>>) target_semaphore(%run_scoped3A : memref<!tpu.dma_semaphore, #tpu.memory_space<semaphore_mem>>)
      %dma_wait3A_63 = tpu.memref_slice %arg4[%add3A_20] : memref<327680xi32, #tpu.memory_space<hbm>> -> memref<128xi32, #tpu.memory_space<hbm>>
      %dma_wait3A_64 = tpu.memref_slice %arg4[%add3A_20] : memref<327680xi32, #tpu.memory_space<hbm>> -> memref<128xi32, #tpu.memory_space<hbm>>
      tpu.wait_dma2 semaphore(%run_scoped3A : memref<!tpu.dma_semaphore, #tpu.memory_space<semaphore_mem>>) src(%dma_wait3A_64 : memref<128xi32, #tpu.memory_space<hbm>>) dst(%arg11 : memref<128xi32, #tpu.memory_space<vmem>>)
      tpu.yield
    }) : () -> ()
    %dma_start3A_21 = arith.constant 0 : i32
    %dma_start3A_22 = arith.constant 0 : i32
    %dma_start3A_23 = tpu.memref_slice %arg2[%dma_start3A_21, %dma_start3A_22] : memref<10000x128xf32, #tpu.memory_space<hbm>> -> memref<10000x128xf32, #tpu.memory_space<hbm>>
    tpu.enqueue_indirect_dma source(%dma_start3A_23 : memref<10000x128xf32, #tpu.memory_space<hbm>>) target(%arg13 : memref<128x128xf32, #tpu.memory_space<vmem>>) offsets(%arg10 : memref<128xi32, #tpu.memory_space<vmem>>) semaphore(%arg15 : memref<!tpu.dma_semaphore, #tpu.memory_space<semaphore_mem>>)
    %scan3A = arith.constant 0 : i32
    %scan3A_24 = arith.constant 0 : i32
    %scan3A_25 = arith.constant 39 : i32
    %scan3A_26 = arith.addi %scan3A_24, %scan3A_25 : i32
    %scan3A_27 = arith.constant 1 : i32
    scf.for %scan3A_61 = %scan3A_24 to %scan3A_26 step %scan3A_27  : i32 {
      %mul3A_62 = arith.constant 2 : i32
      %mul3A_63 = arith.muli %mul3A_62, %scan3A_61 : i32
      %dma_wait3A_64 = arith.constant 0 : i32
      %dma_wait3A_65 = arith.constant 0 : i32
      %dma_wait3A_66 = tpu.memref_slice %arg2[%dma_wait3A_64, %dma_wait3A_65] : memref<10000x128xf32, #tpu.memory_space<hbm>> -> memref<128x128xf32, #tpu.memory_space<hbm>>
      %dma_wait3A_67 = arith.constant 0 : i32
      %dma_wait3A_68 = arith.constant 0 : i32
      %dma_wait3A_69 = tpu.memref_slice %arg2[%dma_wait3A_67, %dma_wait3A_68] : memref<10000x128xf32, #tpu.memory_space<hbm>> -> memref<128x128xf32, #tpu.memory_space<hbm>>
      tpu.wait_dma2 semaphore(%arg14 : memref<!tpu.dma_semaphore, #tpu.memory_space<semaphore_mem>>) src(%dma_wait3A_69 : memref<128x128xf32, #tpu.memory_space<hbm>>) dst(%arg12 : memref<128x128xf32, #tpu.memory_space<vmem>>)
      "tpu.region"() ({
        %run_scoped3A = tpu.sem_alloc : memref<!tpu.dma_semaphore, #tpu.memory_space<semaphore_mem>>
        %dma_start3A_92 = arith.constant 0 : i32
        %dma_start3A_93 = arith.constant 0 : i32
        %dma_start3A_94 = tpu.memref_slice %arg7[%dma_start3A_92, %dma_start3A_93] : memref<10240x128xf32, #tpu.memory_space<vmem_shared>> -> memref<10240x128xf32, #tpu.memory_space<vmem_shared>>
        tpu.enqueue_indirect_dma source(%arg12 : memref<128x128xf32, #tpu.memory_space<vmem>>) target(%dma_start3A_94 : memref<10240x128xf32, #tpu.memory_space<vmem_shared>>) offsets(%arg9 : memref<128xi32, #tpu.memory_space<vmem>>) semaphore(%run_scoped3A : memref<!tpu.dma_semaphore, #tpu.memory_space<semaphore_mem>>) {add = true}
        %dma_wait3A_95 = arith.constant 0 : i32
        %dma_wait3A_96 = arith.constant 0 : i32
        %dma_wait3A_97 = tpu.memref_slice %arg7[%dma_wait3A_95, %dma_wait3A_96] : memref<10240x128xf32, #tpu.memory_space<vmem_shared>> -> memref<10240x128xf32, #tpu.memory_space<vmem_shared>>
        tpu.wait_indirect_dma semaphore(%run_scoped3A : memref<!tpu.dma_semaphore, #tpu.memory_space<semaphore_mem>>) src(%arg12 : memref<128x128xf32, #tpu.memory_space<vmem>>) dst(%dma_wait3A_97 : memref<10240x128xf32, #tpu.memory_space<vmem_shared>>)
        tpu.yield
      }) : () -> ()
      %add3A_70 = arith.constant 2 : i32
      %add3A_71 = arith.addi %mul3A_63, %add3A_70 : i32
      %mul3A_72 = arith.constant 128 : i32
      %mul3A_73 = arith.muli %add3A_71, %mul3A_72 : i32
      %add3A_74 = arith.addi %mul3A_4, %mul3A_73 : i32
      "tpu.region"() ({
        %run_scoped3A = tpu.sem_alloc : memref<!tpu.dma_semaphore, #tpu.memory_space<semaphore_mem>>
        %dma_start3A_92 = tpu.memref_slice %arg3[%add3A_74] : memref<327680xi32, #tpu.memory_space<hbm>> -> memref<128xi32, #tpu.memory_space<hbm>>
        %dma_start3A_93 = tpu.memref_slice %arg3[%add3A_74] : memref<327680xi32, #tpu.memory_space<hbm>> -> memref<128xi32, #tpu.memory_space<hbm>>
        tpu.enqueue_dma source(%dma_start3A_93 : memref<128xi32, #tpu.memory_space<hbm>>) target(%arg8 : memref<128xi32, #tpu.memory_space<vmem>>) target_semaphore(%run_scoped3A : memref<!tpu.dma_semaphore, #tpu.memory_space<semaphore_mem>>)
        %dma_wait3A_94 = tpu.memref_slice %arg3[%add3A_74] : memref<327680xi32, #tpu.memory_space<hbm>> -> memref<128xi32, #tpu.memory_space<hbm>>
        %dma_wait3A_95 = tpu.memref_slice %arg3[%add3A_74] : memref<327680xi32, #tpu.memory_space<hbm>> -> memref<128xi32, #tpu.memory_space<hbm>>
        tpu.wait_dma2 semaphore(%run_scoped3A : memref<!tpu.dma_semaphore, #tpu.memory_space<semaphore_mem>>) src(%dma_wait3A_95 : memref<128xi32, #tpu.memory_space<hbm>>) dst(%arg8 : memref<128xi32, #tpu.memory_space<vmem>>)
        tpu.yield
      }) : () -> ()
      "tpu.region"() ({
        %run_scoped3A = tpu.sem_alloc : memref<!tpu.dma_semaphore, #tpu.memory_space<semaphore_mem>>
        %dma_start3A_92 = tpu.memref_slice %arg4[%add3A_74] : memref<327680xi32, #tpu.memory_space<hbm>> -> memref<128xi32, #tpu.memory_space<hbm>>
        %dma_start3A_93 = tpu.memref_slice %arg4[%add3A_74] : memref<327680xi32, #tpu.memory_space<hbm>> -> memref<128xi32, #tpu.memory_space<hbm>>
        tpu.enqueue_dma source(%dma_start3A_93 : memref<128xi32, #tpu.memory_space<hbm>>) target(%arg9 : memref<128xi32, #tpu.memory_space<vmem>>) target_semaphore(%run_scoped3A : memref<!tpu.dma_semaphore, #tpu.memory_space<semaphore_mem>>)
        %dma_wait3A_94 = tpu.memref_slice %arg4[%add3A_74] : memref<327680xi32, #tpu.memory_space<hbm>> -> memref<128xi32, #tpu.memory_space<hbm>>
        %dma_wait3A_95 = tpu.memref_slice %arg4[%add3A_74] : memref<327680xi32, #tpu.memory_space<hbm>> -> memref<128xi32, #tpu.memory_space<hbm>>
        tpu.wait_dma2 semaphore(%run_scoped3A : memref<!tpu.dma_semaphore, #tpu.memory_space<semaphore_mem>>) src(%dma_wait3A_95 : memref<128xi32, #tpu.memory_space<hbm>>) dst(%arg9 : memref<128xi32, #tpu.memory_space<vmem>>)
        tpu.yield
      }) : () -> ()
      %dma_start3A_75 = arith.constant 0 : i32
      %dma_start3A_76 = arith.constant 0 : i32
      %dma_start3A_77 = tpu.memref_slice %arg2[%dma_start3A_75, %dma_start3A_76] : memref<10000x128xf32, #tpu.memory_space<hbm>> -> memref<10000x128xf32, #tpu.memory_space<hbm>>
      tpu.enqueue_indirect_dma source(%dma_start3A_77 : memref<10000x128xf32, #tpu.memory_space<hbm>>) target(%arg12 : memref<128x128xf32, #tpu.memory_space<vmem>>) offsets(%arg8 : memref<128xi32, #tpu.memory_space<vmem>>) semaphore(%arg14 : memref<!tpu.dma_semaphore, #tpu.memory_space<semaphore_mem>>)
      %dma_wait3A_78 = arith.constant 0 : i32
      %dma_wait3A_79 = arith.constant 0 : i32
      %dma_wait3A_80 = tpu.memref_slice %arg2[%dma_wait3A_78, %dma_wait3A_79] : memref<10000x128xf32, #tpu.memory_space<hbm>> -> memref<128x128xf32, #tpu.memory_space<hbm>>
      %dma_wait3A_81 = arith.constant 0 : i32
      %dma_wait3A_82 = arith.constant 0 : i32
      %dma_wait3A_83 = tpu.memref_slice %arg2[%dma_wait3A_81, %dma_wait3A_82] : memref<10000x128xf32, #tpu.memory_space<hbm>> -> memref<128x128xf32, #tpu.memory_space<hbm>>
      tpu.wait_dma2 semaphore(%arg15 : memref<!tpu.dma_semaphore, #tpu.memory_space<semaphore_mem>>) src(%dma_wait3A_83 : memref<128x128xf32, #tpu.memory_space<hbm>>) dst(%arg13 : memref<128x128xf32, #tpu.memory_space<vmem>>)
      "tpu.region"() ({
        %run_scoped3A = tpu.sem_alloc : memref<!tpu.dma_semaphore, #tpu.memory_space<semaphore_mem>>
        %dma_start3A_92 = arith.constant 0 : i32
        %dma_start3A_93 = arith.constant 0 : i32
        %dma_start3A_94 = tpu.memref_slice %arg7[%dma_start3A_92, %dma_start3A_93] : memref<10240x128xf32, #tpu.memory_space<vmem_shared>> -> memref<10240x128xf32, #tpu.memory_space<vmem_shared>>
        tpu.enqueue_indirect_dma source(%arg13 : memref<128x128xf32, #tpu.memory_space<vmem>>) target(%dma_start3A_94 : memref<10240x128xf32, #tpu.memory_space<vmem_shared>>) offsets(%arg11 : memref<128xi32, #tpu.memory_space<vmem>>) semaphore(%run_scoped3A : memref<!tpu.dma_semaphore, #tpu.memory_space<semaphore_mem>>) {add = true}
        %dma_wait3A_95 = arith.constant 0 : i32
        %dma_wait3A_96 = arith.constant 0 : i32
        %dma_wait3A_97 = tpu.memref_slice %arg7[%dma_wait3A_95, %dma_wait3A_96] : memref<10240x128xf32, #tpu.memory_space<vmem_shared>> -> memref<10240x128xf32, #tpu.memory_space<vmem_shared>>
        tpu.wait_indirect_dma semaphore(%run_scoped3A : memref<!tpu.dma_semaphore, #tpu.memory_space<semaphore_mem>>) src(%arg13 : memref<128x128xf32, #tpu.memory_space<vmem>>) dst(%dma_wait3A_97 : memref<10240x128xf32, #tpu.memory_space<vmem_shared>>)
        tpu.yield
      }) : () -> ()
      %add3A_84 = arith.constant 3 : i32
      %add3A_85 = arith.addi %mul3A_63, %add3A_84 : i32
      %mul3A_86 = arith.constant 128 : i32
      %mul3A_87 = arith.muli %add3A_85, %mul3A_86 : i32
      %add3A_88 = arith.addi %mul3A_4, %mul3A_87 : i32
      "tpu.region"() ({
        %run_scoped3A = tpu.sem_alloc : memref<!tpu.dma_semaphore, #tpu.memory_space<semaphore_mem>>
        %dma_start3A_92 = tpu.memref_slice %arg3[%add3A_88] : memref<327680xi32, #tpu.memory_space<hbm>> -> memref<128xi32, #tpu.memory_space<hbm>>
        %dma_start3A_93 = tpu.memref_slice %arg3[%add3A_88] : memref<327680xi32, #tpu.memory_space<hbm>> -> memref<128xi32, #tpu.memory_space<hbm>>
        tpu.enqueue_dma source(%dma_start3A_93 : memref<128xi32, #tpu.memory_space<hbm>>) target(%arg10 : memref<128xi32, #tpu.memory_space<vmem>>) target_semaphore(%run_scoped3A : memref<!tpu.dma_semaphore, #tpu.memory_space<semaphore_mem>>)
        %dma_wait3A_94 = tpu.memref_slice %arg3[%add3A_88] : memref<327680xi32, #tpu.memory_space<hbm>> -> memref<128xi32, #tpu.memory_space<hbm>>
        %dma_wait3A_95 = tpu.memref_slice %arg3[%add3A_88] : memref<327680xi32, #tpu.memory_space<hbm>> -> memref<128xi32, #tpu.memory_space<hbm>>
        tpu.wait_dma2 semaphore(%run_scoped3A : memref<!tpu.dma_semaphore, #tpu.memory_space<semaphore_mem>>) src(%dma_wait3A_95 : memref<128xi32, #tpu.memory_space<hbm>>) dst(%arg10 : memref<128xi32, #tpu.memory_space<vmem>>)
        tpu.yield
      }) : () -> ()
      "tpu.region"() ({
        %run_scoped3A = tpu.sem_alloc : memref<!tpu.dma_semaphore, #tpu.memory_space<semaphore_mem>>
        %dma_start3A_92 = tpu.memref_slice %arg4[%add3A_88] : memref<327680xi32, #tpu.memory_space<hbm>> -> memref<128xi32, #tpu.memory_space<hbm>>
        %dma_start3A_93 = tpu.memref_slice %arg4[%add3A_88] : memref<327680xi32, #tpu.memory_space<hbm>> -> memref<128xi32, #tpu.memory_space<hbm>>
        tpu.enqueue_dma source(%dma_start3A_93 : memref<128xi32, #tpu.memory_space<hbm>>) target(%arg11 : memref<128xi32, #tpu.memory_space<vmem>>) target_semaphore(%run_scoped3A : memref<!tpu.dma_semaphore, #tpu.memory_space<semaphore_mem>>)
        %dma_wait3A_94 = tpu.memref_slice %arg4[%add3A_88] : memref<327680xi32, #tpu.memory_space<hbm>> -> memref<128xi32, #tpu.memory_space<hbm>>
        %dma_wait3A_95 = tpu.memref_slice %arg4[%add3A_88] : memref<327680xi32, #tpu.memory_space<hbm>> -> memref<128xi32, #tpu.memory_space<hbm>>
        tpu.wait_dma2 semaphore(%run_scoped3A : memref<!tpu.dma_semaphore, #tpu.memory_space<semaphore_mem>>) src(%dma_wait3A_95 : memref<128xi32, #tpu.memory_space<hbm>>) dst(%arg11 : memref<128xi32, #tpu.memory_space<vmem>>)
        tpu.yield
      }) : () -> ()
      %dma_start3A_89 = arith.constant 0 : i32
      %dma_start3A_90 = arith.constant 0 : i32
      %dma_start3A_91 = tpu.memref_slice %arg2[%dma_start3A_89, %dma_start3A_90] : memref<10000x128xf32, #tpu.memory_space<hbm>> -> memref<10000x128xf32, #tpu.memory_space<hbm>>
      tpu.enqueue_indirect_dma source(%dma_start3A_91 : memref<10000x128xf32, #tpu.memory_space<hbm>>) target(%arg13 : memref<128x128xf32, #tpu.memory_space<vmem>>) offsets(%arg10 : memref<128xi32, #tpu.memory_space<vmem>>) semaphore(%arg15 : memref<!tpu.dma_semaphore, #tpu.memory_space<semaphore_mem>>)
    }
    %scan3A_28 = arith.constant 39 : i32
    %dma_wait3A = arith.constant 0 : i32
    %dma_wait3A_29 = arith.constant 0 : i32
    %dma_wait3A_30 = tpu.memref_slice %arg2[%dma_wait3A, %dma_wait3A_29] : memref<10000x128xf32, #tpu.memory_space<hbm>> -> memref<128x128xf32, #tpu.memory_space<hbm>>
    %dma_wait3A_31 = arith.constant 0 : i32
    %dma_wait3A_32 = arith.constant 0 : i32
    %dma_wait3A_33 = tpu.memref_slice %arg2[%dma_wait3A_31, %dma_wait3A_32] : memref<10000x128xf32, #tpu.memory_space<hbm>> -> memref<128x128xf32, #tpu.memory_space<hbm>>
    tpu.wait_dma2 semaphore(%arg14 : memref<!tpu.dma_semaphore, #tpu.memory_space<semaphore_mem>>) src(%dma_wait3A_33 : memref<128x128xf32, #tpu.memory_space<hbm>>) dst(%arg12 : memref<128x128xf32, #tpu.memory_space<vmem>>)
    "tpu.region"() ({
      %run_scoped3A = tpu.sem_alloc : memref<!tpu.dma_semaphore, #tpu.memory_space<semaphore_mem>>
      %dma_start3A_61 = arith.constant 0 : i32
      %dma_start3A_62 = arith.constant 0 : i32
      %dma_start3A_63 = tpu.memref_slice %arg7[%dma_start3A_61, %dma_start3A_62] : memref<10240x128xf32, #tpu.memory_space<vmem_shared>> -> memref<10240x128xf32, #tpu.memory_space<vmem_shared>>
      tpu.enqueue_indirect_dma source(%arg12 : memref<128x128xf32, #tpu.memory_space<vmem>>) target(%dma_start3A_63 : memref<10240x128xf32, #tpu.memory_space<vmem_shared>>) offsets(%arg9 : memref<128xi32, #tpu.memory_space<vmem>>) semaphore(%run_scoped3A : memref<!tpu.dma_semaphore, #tpu.memory_space<semaphore_mem>>) {add = true}
      %dma_wait3A_64 = arith.constant 0 : i32
      %dma_wait3A_65 = arith.constant 0 : i32
      %dma_wait3A_66 = tpu.memref_slice %arg7[%dma_wait3A_64, %dma_wait3A_65] : memref<10240x128xf32, #tpu.memory_space<vmem_shared>> -> memref<10240x128xf32, #tpu.memory_space<vmem_shared>>
      tpu.wait_indirect_dma semaphore(%run_scoped3A : memref<!tpu.dma_semaphore, #tpu.memory_space<semaphore_mem>>) src(%arg12 : memref<128x128xf32, #tpu.memory_space<vmem>>) dst(%dma_wait3A_66 : memref<10240x128xf32, #tpu.memory_space<vmem_shared>>)
      tpu.yield
    }) : () -> ()
    %dma_wait3A_34 = arith.constant 0 : i32
    %dma_wait3A_35 = arith.constant 0 : i32
    %dma_wait3A_36 = tpu.memref_slice %arg2[%dma_wait3A_34, %dma_wait3A_35] : memref<10000x128xf32, #tpu.memory_space<hbm>> -> memref<128x128xf32, #tpu.memory_space<hbm>>
    %dma_wait3A_37 = arith.constant 0 : i32
    %dma_wait3A_38 = arith.constant 0 : i32
    %dma_wait3A_39 = tpu.memref_slice %arg2[%dma_wait3A_37, %dma_wait3A_38] : memref<10000x128xf32, #tpu.memory_space<hbm>> -> memref<128x128xf32, #tpu.memory_space<hbm>>
    tpu.wait_dma2 semaphore(%arg15 : memref<!tpu.dma_semaphore, #tpu.memory_space<semaphore_mem>>) src(%dma_wait3A_39 : memref<128x128xf32, #tpu.memory_space<hbm>>) dst(%arg13 : memref<128x128xf32, #tpu.memory_space<vmem>>)
    "tpu.region"() ({
      %run_scoped3A = tpu.sem_alloc : memref<!tpu.dma_semaphore, #tpu.memory_space<semaphore_mem>>
      %dma_start3A_61 = arith.constant 0 : i32
      %dma_start3A_62 = arith.constant 0 : i32
      %dma_start3A_63 = tpu.memref_slice %arg7[%dma_start3A_61, %dma_start3A_62] : memref<10240x128xf32, #tpu.memory_space<vmem_shared>> -> memref<10240x128xf32, #tpu.memory_space<vmem_shared>>
      tpu.enqueue_indirect_dma source(%arg13 : memref<128x128xf32, #tpu.memory_space<vmem>>) target(%dma_start3A_63 : memref<10240x128xf32, #tpu.memory_space<vmem_shared>>) offsets(%arg11 : memref<128xi32, #tpu.memory_space<vmem>>) semaphore(%run_scoped3A : memref<!tpu.dma_semaphore, #tpu.memory_space<semaphore_mem>>) {add = true}
      %dma_wait3A_64 = arith.constant 0 : i32
      %dma_wait3A_65 = arith.constant 0 : i32
      %dma_wait3A_66 = tpu.memref_slice %arg7[%dma_wait3A_64, %dma_wait3A_65] : memref<10240x128xf32, #tpu.memory_space<vmem_shared>> -> memref<10240x128xf32, #tpu.memory_space<vmem_shared>>
      tpu.wait_indirect_dma semaphore(%run_scoped3A : memref<!tpu.dma_semaphore, #tpu.memory_space<semaphore_mem>>) src(%arg13 : memref<128x128xf32, #tpu.memory_space<vmem>>) dst(%dma_wait3A_66 : memref<10240x128xf32, #tpu.memory_space<vmem_shared>>)
      tpu.yield
    }) : () -> ()
    %barrier3A_40 = arith.constant 0 : index
    tpu.barrier barrier_id(%barrier3A_40)
    %add3A_41 = arith.constant 0 : i32
    %add3A_42 = arith.addi %mul3A_2, %add3A_41 : i32
    "tpu.region"() ({
      %run_scoped3A = tpu.sem_alloc : memref<!tpu.dma_semaphore, #tpu.memory_space<semaphore_mem>>
      %dma_start3A_61 = arith.constant 0 : i32
      %dma_start3A_62 = tpu.memref_slice %arg7[%add3A_42, %dma_start3A_61] : memref<10240x128xf32, #tpu.memory_space<vmem_shared>> -> memref<128x128xf32, #tpu.memory_space<vmem_shared>>
      %dma_start3A_63 = arith.constant 0 : i32
      %dma_start3A_64 = tpu.memref_slice %arg7[%add3A_42, %dma_start3A_63] : memref<10240x128xf32, #tpu.memory_space<vmem_shared>> -> memref<128x128xf32, #tpu.memory_space<vmem_shared>>
      tpu.enqueue_dma source(%dma_start3A_64 : memref<128x128xf32, #tpu.memory_space<vmem_shared>>) target(%arg12 : memref<128x128xf32, #tpu.memory_space<vmem>>) target_semaphore(%run_scoped3A : memref<!tpu.dma_semaphore, #tpu.memory_space<semaphore_mem>>)
      %dma_wait3A_65 = arith.constant 0 : i32
      %dma_wait3A_66 = tpu.memref_slice %arg7[%add3A_42, %dma_wait3A_65] : memref<10240x128xf32, #tpu.memory_space<vmem_shared>> -> memref<128x128xf32, #tpu.memory_space<vmem_shared>>
      %dma_wait3A_67 = arith.constant 0 : i32
      %dma_wait3A_68 = tpu.memref_slice %arg7[%add3A_42, %dma_wait3A_67] : memref<10240x128xf32, #tpu.memory_space<vmem_shared>> -> memref<128x128xf32, #tpu.memory_space<vmem_shared>>
      tpu.wait_dma2 semaphore(%run_scoped3A : memref<!tpu.dma_semaphore, #tpu.memory_space<semaphore_mem>>) src(%dma_wait3A_68 : memref<128x128xf32, #tpu.memory_space<vmem_shared>>) dst(%arg12 : memref<128x128xf32, #tpu.memory_space<vmem>>)
      tpu.yield
    }) : () -> ()
    %add3A_43 = arith.constant 0 : i32
    %add3A_44 = arith.addi %mul3A_2, %add3A_43 : i32
    "tpu.region"() ({
      %run_scoped3A = tpu.sem_alloc : memref<!tpu.dma_semaphore, #tpu.memory_space<semaphore_mem>>
      %dma_start3A_61 = arith.constant 0 : i32
      %dma_start3A_62 = tpu.memref_slice %arg6[%arg0, %add3A_44, %dma_start3A_61] : memref<2x10240x128xf32, #tpu.memory_space<hbm>> -> memref<1x128x128xf32, #tpu.memory_space<hbm>>
      %dma_start3A_63 = tpu.memref_squeeze %dma_start3A_62 : memref<1x128x128xf32, #tpu.memory_space<hbm>> -> memref<128x128xf32, #tpu.memory_space<hbm>>
      %dma_start3A_64 = arith.constant 0 : i32
      %dma_start3A_65 = tpu.memref_slice %arg6[%arg0, %add3A_44, %dma_start3A_64] : memref<2x10240x128xf32, #tpu.memory_space<hbm>> -> memref<1x128x128xf32, #tpu.memory_space<hbm>>
      %dma_start3A_66 = tpu.memref_squeeze %dma_start3A_65 : memref<1x128x128xf32, #tpu.memory_space<hbm>> -> memref<128x128xf32, #tpu.memory_space<hbm>>
      tpu.enqueue_dma source(%arg12 : memref<128x128xf32, #tpu.memory_space<vmem>>) target(%dma_start3A_66 : memref<128x128xf32, #tpu.memory_space<hbm>>) target_semaphore(%run_scoped3A : memref<!tpu.dma_semaphore, #tpu.memory_space<semaphore_mem>>)
      %dma_wait3A_67 = arith.constant 0 : i32
      %dma_wait3A_68 = tpu.memref_slice %arg6[%arg0, %add3A_44, %dma_wait3A_67] : memref<2x10240x128xf32, #tpu.memory_space<hbm>> -> memref<1x128x128xf32, #tpu.memory_space<hbm>>
      %dma_wait3A_69 = tpu.memref_squeeze %dma_wait3A_68 : memref<1x128x128xf32, #tpu.memory_space<hbm>> -> memref<128x128xf32, #tpu.memory_space<hbm>>
      %dma_wait3A_70 = arith.constant 0 : i32
      %dma_wait3A_71 = tpu.memref_slice %arg6[%arg0, %add3A_44, %dma_wait3A_70] : memref<2x10240x128xf32, #tpu.memory_space<hbm>> -> memref<1x128x128xf32, #tpu.memory_space<hbm>>
      %dma_wait3A_72 = tpu.memref_squeeze %dma_wait3A_71 : memref<1x128x128xf32, #tpu.memory_space<hbm>> -> memref<128x128xf32, #tpu.memory_space<hbm>>
      tpu.wait_dma2 semaphore(%run_scoped3A : memref<!tpu.dma_semaphore, #tpu.memory_space<semaphore_mem>>) src(%arg12 : memref<128x128xf32, #tpu.memory_space<vmem>>) dst(%dma_wait3A_72 : memref<128x128xf32, #tpu.memory_space<hbm>>)
      tpu.yield
    }) : () -> ()
    %add3A_45 = arith.constant 128 : i32
    %add3A_46 = arith.addi %mul3A_2, %add3A_45 : i32
    "tpu.region"() ({
      %run_scoped3A = tpu.sem_alloc : memref<!tpu.dma_semaphore, #tpu.memory_space<semaphore_mem>>
      %dma_start3A_61 = arith.constant 0 : i32
      %dma_start3A_62 = tpu.memref_slice %arg7[%add3A_46, %dma_start3A_61] : memref<10240x128xf32, #tpu.memory_space<vmem_shared>> -> memref<128x128xf32, #tpu.memory_space<vmem_shared>>
      %dma_start3A_63 = arith.constant 0 : i32
      %dma_start3A_64 = tpu.memref_slice %arg7[%add3A_46, %dma_start3A_63] : memref<10240x128xf32, #tpu.memory_space<vmem_shared>> -> memref<128x128xf32, #tpu.memory_space<vmem_shared>>
      tpu.enqueue_dma source(%dma_start3A_64 : memref<128x128xf32, #tpu.memory_space<vmem_shared>>) target(%arg12 : memref<128x128xf32, #tpu.memory_space<vmem>>) target_semaphore(%run_scoped3A : memref<!tpu.dma_semaphore, #tpu.memory_space<semaphore_mem>>)
      %dma_wait3A_65 = arith.constant 0 : i32
      %dma_wait3A_66 = tpu.memref_slice %arg7[%add3A_46, %dma_wait3A_65] : memref<10240x128xf32, #tpu.memory_space<vmem_shared>> -> memref<128x128xf32, #tpu.memory_space<vmem_shared>>
      %dma_wait3A_67 = arith.constant 0 : i32
      %dma_wait3A_68 = tpu.memref_slice %arg7[%add3A_46, %dma_wait3A_67] : memref<10240x128xf32, #tpu.memory_space<vmem_shared>> -> memref<128x128xf32, #tpu.memory_space<vmem_shared>>
      tpu.wait_dma2 semaphore(%run_scoped3A : memref<!tpu.dma_semaphore, #tpu.memory_space<semaphore_mem>>) src(%dma_wait3A_68 : memref<128x128xf32, #tpu.memory_space<vmem_shared>>) dst(%arg12 : memref<128x128xf32, #tpu.memory_space<vmem>>)
      tpu.yield
    }) : () -> ()
    %add3A_47 = arith.constant 128 : i32
    %add3A_48 = arith.addi %mul3A_2, %add3A_47 : i32
    "tpu.region"() ({
      %run_scoped3A = tpu.sem_alloc : memref<!tpu.dma_semaphore, #tpu.memory_space<semaphore_mem>>
      %dma_start3A_61 = arith.constant 0 : i32
      %dma_start3A_62 = tpu.memref_slice %arg6[%arg0, %add3A_48, %dma_start3A_61] : memref<2x10240x128xf32, #tpu.memory_space<hbm>> -> memref<1x128x128xf32, #tpu.memory_space<hbm>>
      %dma_start3A_63 = tpu.memref_squeeze %dma_start3A_62 : memref<1x128x128xf32, #tpu.memory_space<hbm>> -> memref<128x128xf32, #tpu.memory_space<hbm>>
      %dma_start3A_64 = arith.constant 0 : i32
      %dma_start3A_65 = tpu.memref_slice %arg6[%arg0, %add3A_48, %dma_start3A_64] : memref<2x10240x128xf32, #tpu.memory_space<hbm>> -> memref<1x128x128xf32, #tpu.memory_space<hbm>>
      %dma_start3A_66 = tpu.memref_squeeze %dma_start3A_65 : memref<1x128x128xf32, #tpu.memory_space<hbm>> -> memref<128x128xf32, #tpu.memory_space<hbm>>
      tpu.enqueue_dma source(%arg12 : memref<128x128xf32, #tpu.memory_space<vmem>>) target(%dma_start3A_66 : memref<128x128xf32, #tpu.memory_space<hbm>>) target_semaphore(%run_scoped3A : memref<!tpu.dma_semaphore, #tpu.memory_space<semaphore_mem>>)
      %dma_wait3A_67 = arith.constant 0 : i32
      %dma_wait3A_68 = tpu.memref_slice %arg6[%arg0, %add3A_48, %dma_wait3A_67] : memref<2x10240x128xf32, #tpu.memory_space<hbm>> -> memref<1x128x128xf32, #tpu.memory_space<hbm>>
      %dma_wait3A_69 = tpu.memref_squeeze %dma_wait3A_68 : memref<1x128x128xf32, #tpu.memory_space<hbm>> -> memref<128x128xf32, #tpu.memory_space<hbm>>
      %dma_wait3A_70 = arith.constant 0 : i32
      %dma_wait3A_71 = tpu.memref_slice %arg6[%arg0, %add3A_48, %dma_wait3A_70] : memref<2x10240x128xf32, #tpu.memory_space<hbm>> -> memref<1x128x128xf32, #tpu.memory_space<hbm>>
      %dma_wait3A_72 = tpu.memref_squeeze %dma_wait3A_71 : memref<1x128x128xf32, #tpu.memory_space<hbm>> -> memref<128x128xf32, #tpu.memory_space<hbm>>
      tpu.wait_dma2 semaphore(%run_scoped3A : memref<!tpu.dma_semaphore, #tpu.memory_space<semaphore_mem>>) src(%arg12 : memref<128x128xf32, #tpu.memory_space<vmem>>) dst(%dma_wait3A_72 : memref<128x128xf32, #tpu.memory_space<hbm>>)
      tpu.yield
    }) : () -> ()
    %add3A_49 = arith.constant 256 : i32
    %add3A_50 = arith.addi %mul3A_2, %add3A_49 : i32
    "tpu.region"() ({
      %run_scoped3A = tpu.sem_alloc : memref<!tpu.dma_semaphore, #tpu.memory_space<semaphore_mem>>
      %dma_start3A_61 = arith.constant 0 : i32
      %dma_start3A_62 = tpu.memref_slice %arg7[%add3A_50, %dma_start3A_61] : memref<10240x128xf32, #tpu.memory_space<vmem_shared>> -> memref<128x128xf32, #tpu.memory_space<vmem_shared>>
      %dma_start3A_63 = arith.constant 0 : i32
      %dma_start3A_64 = tpu.memref_slice %arg7[%add3A_50, %dma_start3A_63] : memref<10240x128xf32, #tpu.memory_space<vmem_shared>> -> memref<128x128xf32, #tpu.memory_space<vmem_shared>>
      tpu.enqueue_dma source(%dma_start3A_64 : memref<128x128xf32, #tpu.memory_space<vmem_shared>>) target(%arg12 : memref<128x128xf32, #tpu.memory_space<vmem>>) target_semaphore(%run_scoped3A : memref<!tpu.dma_semaphore, #tpu.memory_space<semaphore_mem>>)
      %dma_wait3A_65 = arith.constant 0 : i32
      %dma_wait3A_66 = tpu.memref_slice %arg7[%add3A_50, %dma_wait3A_65] : memref<10240x128xf32, #tpu.memory_space<vmem_shared>> -> memref<128x128xf32, #tpu.memory_space<vmem_shared>>
      %dma_wait3A_67 = arith.constant 0 : i32
      %dma_wait3A_68 = tpu.memref_slice %arg7[%add3A_50, %dma_wait3A_67] : memref<10240x128xf32, #tpu.memory_space<vmem_shared>> -> memref<128x128xf32, #tpu.memory_space<vmem_shared>>
      tpu.wait_dma2 semaphore(%run_scoped3A : memref<!tpu.dma_semaphore, #tpu.memory_space<semaphore_mem>>) src(%dma_wait3A_68 : memref<128x128xf32, #tpu.memory_space<vmem_shared>>) dst(%arg12 : memref<128x128xf32, #tpu.memory_space<vmem>>)
      tpu.yield
    }) : () -> ()
    %add3A_51 = arith.constant 256 : i32
    %add3A_52 = arith.addi %mul3A_2, %add3A_51 : i32
    "tpu.region"() ({
      %run_scoped3A = tpu.sem_alloc : memref<!tpu.dma_semaphore, #tpu.memory_space<semaphore_mem>>
      %dma_start3A_61 = arith.constant 0 : i32
      %dma_start3A_62 = tpu.memref_slice %arg6[%arg0, %add3A_52, %dma_start3A_61] : memref<2x10240x128xf32, #tpu.memory_space<hbm>> -> memref<1x128x128xf32, #tpu.memory_space<hbm>>
      %dma_start3A_63 = tpu.memref_squeeze %dma_start3A_62 : memref<1x128x128xf32, #tpu.memory_space<hbm>> -> memref<128x128xf32, #tpu.memory_space<hbm>>
      %dma_start3A_64 = arith.constant 0 : i32
      %dma_start3A_65 = tpu.memref_slice %arg6[%arg0, %add3A_52, %dma_start3A_64] : memref<2x10240x128xf32, #tpu.memory_space<hbm>> -> memref<1x128x128xf32, #tpu.memory_space<hbm>>
      %dma_start3A_66 = tpu.memref_squeeze %dma_start3A_65 : memref<1x128x128xf32, #tpu.memory_space<hbm>> -> memref<128x128xf32, #tpu.memory_space<hbm>>
      tpu.enqueue_dma source(%arg12 : memref<128x128xf32, #tpu.memory_space<vmem>>) target(%dma_start3A_66 : memref<128x128xf32, #tpu.memory_space<hbm>>) target_semaphore(%run_scoped3A : memref<!tpu.dma_semaphore, #tpu.memory_space<semaphore_mem>>)
      %dma_wait3A_67 = arith.constant 0 : i32
      %dma_wait3A_68 = tpu.memref_slice %arg6[%arg0, %add3A_52, %dma_wait3A_67] : memref<2x10240x128xf32, #tpu.memory_space<hbm>> -> memref<1x128x128xf32, #tpu.memory_space<hbm>>
      %dma_wait3A_69 = tpu.memref_squeeze %dma_wait3A_68 : memref<1x128x128xf32, #tpu.memory_space<hbm>> -> memref<128x128xf32, #tpu.memory_space<hbm>>
      %dma_wait3A_70 = arith.constant 0 : i32
      %dma_wait3A_71 = tpu.memref_slice %arg6[%arg0, %add3A_52, %dma_wait3A_70] : memref<2x10240x128xf32, #tpu.memory_space<hbm>> -> memref<1x128x128xf32, #tpu.memory_space<hbm>>
      %dma_wait3A_72 = tpu.memref_squeeze %dma_wait3A_71 : memref<1x128x128xf32, #tpu.memory_space<hbm>> -> memref<128x128xf32, #tpu.memory_space<hbm>>
      tpu.wait_dma2 semaphore(%run_scoped3A : memref<!tpu.dma_semaphore, #tpu.memory_space<semaphore_mem>>) src(%arg12 : memref<128x128xf32, #tpu.memory_space<vmem>>) dst(%dma_wait3A_72 : memref<128x128xf32, #tpu.memory_space<hbm>>)
      tpu.yield
    }) : () -> ()
    %add3A_53 = arith.constant 384 : i32
    %add3A_54 = arith.addi %mul3A_2, %add3A_53 : i32
    "tpu.region"() ({
      %run_scoped3A = tpu.sem_alloc : memref<!tpu.dma_semaphore, #tpu.memory_space<semaphore_mem>>
      %dma_start3A_61 = arith.constant 0 : i32
      %dma_start3A_62 = tpu.memref_slice %arg7[%add3A_54, %dma_start3A_61] : memref<10240x128xf32, #tpu.memory_space<vmem_shared>> -> memref<128x128xf32, #tpu.memory_space<vmem_shared>>
      %dma_start3A_63 = arith.constant 0 : i32
      %dma_start3A_64 = tpu.memref_slice %arg7[%add3A_54, %dma_start3A_63] : memref<10240x128xf32, #tpu.memory_space<vmem_shared>> -> memref<128x128xf32, #tpu.memory_space<vmem_shared>>
      tpu.enqueue_dma source(%dma_start3A_64 : memref<128x128xf32, #tpu.memory_space<vmem_shared>>) target(%arg12 : memref<128x128xf32, #tpu.memory_space<vmem>>) target_semaphore(%run_scoped3A : memref<!tpu.dma_semaphore, #tpu.memory_space<semaphore_mem>>)
      %dma_wait3A_65 = arith.constant 0 : i32
      %dma_wait3A_66 = tpu.memref_slice %arg7[%add3A_54, %dma_wait3A_65] : memref<10240x128xf32, #tpu.memory_space<vmem_shared>> -> memref<128x128xf32, #tpu.memory_space<vmem_shared>>
      %dma_wait3A_67 = arith.constant 0 : i32
      %dma_wait3A_68 = tpu.memref_slice %arg7[%add3A_54, %dma_wait3A_67] : memref<10240x128xf32, #tpu.memory_space<vmem_shared>> -> memref<128x128xf32, #tpu.memory_space<vmem_shared>>
      tpu.wait_dma2 semaphore(%run_scoped3A : memref<!tpu.dma_semaphore, #tpu.memory_space<semaphore_mem>>) src(%dma_wait3A_68 : memref<128x128xf32, #tpu.memory_space<vmem_shared>>) dst(%arg12 : memref<128x128xf32, #tpu.memory_space<vmem>>)
      tpu.yield
    }) : () -> ()
    %add3A_55 = arith.constant 384 : i32
    %add3A_56 = arith.addi %mul3A_2, %add3A_55 : i32
    "tpu.region"() ({
      %run_scoped3A = tpu.sem_alloc : memref<!tpu.dma_semaphore, #tpu.memory_space<semaphore_mem>>
      %dma_start3A_61 = arith.constant 0 : i32
      %dma_start3A_62 = tpu.memref_slice %arg6[%arg0, %add3A_56, %dma_start3A_61] : memref<2x10240x128xf32, #tpu.memory_space<hbm>> -> memref<1x128x128xf32, #tpu.memory_space<hbm>>
      %dma_start3A_63 = tpu.memref_squeeze %dma_start3A_62 : memref<1x128x128xf32, #tpu.memory_space<hbm>> -> memref<128x128xf32, #tpu.memory_space<hbm>>
      %dma_start3A_64 = arith.constant 0 : i32
      %dma_start3A_65 = tpu.memref_slice %arg6[%arg0, %add3A_56, %dma_start3A_64] : memref<2x10240x128xf32, #tpu.memory_space<hbm>> -> memref<1x128x128xf32, #tpu.memory_space<hbm>>
      %dma_start3A_66 = tpu.memref_squeeze %dma_start3A_65 : memref<1x128x128xf32, #tpu.memory_space<hbm>> -> memref<128x128xf32, #tpu.memory_space<hbm>>
      tpu.enqueue_dma source(%arg12 : memref<128x128xf32, #tpu.memory_space<vmem>>) target(%dma_start3A_66 : memref<128x128xf32, #tpu.memory_space<hbm>>) target_semaphore(%run_scoped3A : memref<!tpu.dma_semaphore, #tpu.memory_space<semaphore_mem>>)
      %dma_wait3A_67 = arith.constant 0 : i32
      %dma_wait3A_68 = tpu.memref_slice %arg6[%arg0, %add3A_56, %dma_wait3A_67] : memref<2x10240x128xf32, #tpu.memory_space<hbm>> -> memref<1x128x128xf32, #tpu.memory_space<hbm>>
      %dma_wait3A_69 = tpu.memref_squeeze %dma_wait3A_68 : memref<1x128x128xf32, #tpu.memory_space<hbm>> -> memref<128x128xf32, #tpu.memory_space<hbm>>
      %dma_wait3A_70 = arith.constant 0 : i32
      %dma_wait3A_71 = tpu.memref_slice %arg6[%arg0, %add3A_56, %dma_wait3A_70] : memref<2x10240x128xf32, #tpu.memory_space<hbm>> -> memref<1x128x128xf32, #tpu.memory_space<hbm>>
      %dma_wait3A_72 = tpu.memref_squeeze %dma_wait3A_71 : memref<1x128x128xf32, #tpu.memory_space<hbm>> -> memref<128x128xf32, #tpu.memory_space<hbm>>
      tpu.wait_dma2 semaphore(%run_scoped3A : memref<!tpu.dma_semaphore, #tpu.memory_space<semaphore_mem>>) src(%arg12 : memref<128x128xf32, #tpu.memory_space<vmem>>) dst(%dma_wait3A_72 : memref<128x128xf32, #tpu.memory_space<hbm>>)
      tpu.yield
    }) : () -> ()
    %add3A_57 = arith.constant 512 : i32
    %add3A_58 = arith.addi %mul3A_2, %add3A_57 : i32
    "tpu.region"() ({
      %run_scoped3A = tpu.sem_alloc : memref<!tpu.dma_semaphore, #tpu.memory_space<semaphore_mem>>
      %dma_start3A_61 = arith.constant 0 : i32
      %dma_start3A_62 = tpu.memref_slice %arg7[%add3A_58, %dma_start3A_61] : memref<10240x128xf32, #tpu.memory_space<vmem_shared>> -> memref<128x128xf32, #tpu.memory_space<vmem_shared>>
      %dma_start3A_63 = arith.constant 0 : i32
      %dma_start3A_64 = tpu.memref_slice %arg7[%add3A_58, %dma_start3A_63] : memref<10240x128xf32, #tpu.memory_space<vmem_shared>> -> memref<128x128xf32, #tpu.memory_space<vmem_shared>>
      tpu.enqueue_dma source(%dma_start3A_64 : memref<128x128xf32, #tpu.memory_space<vmem_shared>>) target(%arg12 : memref<128x128xf32, #tpu.memory_space<vmem>>) target_semaphore(%run_scoped3A : memref<!tpu.dma_semaphore, #tpu.memory_space<semaphore_mem>>)
      %dma_wait3A_65 = arith.constant 0 : i32
      %dma_wait3A_66 = tpu.memref_slice %arg7[%add3A_58, %dma_wait3A_65] : memref<10240x128xf32, #tpu.memory_space<vmem_shared>> -> memref<128x128xf32, #tpu.memory_space<vmem_shared>>
      %dma_wait3A_67 = arith.constant 0 : i32
      %dma_wait3A_68 = tpu.memref_slice %arg7[%add3A_58, %dma_wait3A_67] : memref<10240x128xf32, #tpu.memory_space<vmem_shared>> -> memref<128x128xf32, #tpu.memory_space<vmem_shared>>
      tpu.wait_dma2 semaphore(%run_scoped3A : memref<!tpu.dma_semaphore, #tpu.memory_space<semaphore_mem>>) src(%dma_wait3A_68 : memref<128x128xf32, #tpu.memory_space<vmem_shared>>) dst(%arg12 : memref<128x128xf32, #tpu.memory_space<vmem>>)
      tpu.yield
    }) : () -> ()
    %add3A_59 = arith.constant 512 : i32
    %add3A_60 = arith.addi %mul3A_2, %add3A_59 : i32
    "tpu.region"() ({
      %run_scoped3A = tpu.sem_alloc : memref<!tpu.dma_semaphore, #tpu.memory_space<semaphore_mem>>
      %dma_start3A_61 = arith.constant 0 : i32
      %dma_start3A_62 = tpu.memref_slice %arg6[%arg0, %add3A_60, %dma_start3A_61] : memref<2x10240x128xf32, #tpu.memory_space<hbm>> -> memref<1x128x128xf32, #tpu.memory_space<hbm>>
      %dma_start3A_63 = tpu.memref_squeeze %dma_start3A_62 : memref<1x128x128xf32, #tpu.memory_space<hbm>> -> memref<128x128xf32, #tpu.memory_space<hbm>>
      %dma_start3A_64 = arith.constant 0 : i32
      %dma_start3A_65 = tpu.memref_slice %arg6[%arg0, %add3A_60, %dma_start3A_64] : memref<2x10240x128xf32, #tpu.memory_space<hbm>> -> memref<1x128x128xf32, #tpu.memory_space<hbm>>
      %dma_start3A_66 = tpu.memref_squeeze %dma_start3A_65 : memref<1x128x128xf32, #tpu.memory_space<hbm>> -> memref<128x128xf32, #tpu.memory_space<hbm>>
      tpu.enqueue_dma source(%arg12 : memref<128x128xf32, #tpu.memory_space<vmem>>) target(%dma_start3A_66 : memref<128x128xf32, #tpu.memory_space<hbm>>) target_semaphore(%run_scoped3A : memref<!tpu.dma_semaphore, #tpu.memory_space<semaphore_mem>>)
      %dma_wait3A_67 = arith.constant 0 : i32
      %dma_wait3A_68 = tpu.memref_slice %arg6[%arg0, %add3A_60, %dma_wait3A_67] : memref<2x10240x128xf32, #tpu.memory_space<hbm>> -> memref<1x128x128xf32, #tpu.memory_space<hbm>>
      %dma_wait3A_69 = tpu.memref_squeeze %dma_wait3A_68 : memref<1x128x128xf32, #tpu.memory_space<hbm>> -> memref<128x128xf32, #tpu.memory_space<hbm>>
      %dma_wait3A_70 = arith.constant 0 : i32
      %dma_wait3A_71 = tpu.memref_slice %arg6[%arg0, %add3A_60, %dma_wait3A_70] : memref<2x10240x128xf32, #tpu.memory_space<hbm>> -> memref<1x128x128xf32, #tpu.memory_space<hbm>>
      %dma_wait3A_72 = tpu.memref_squeeze %dma_wait3A_71 : memref<1x128x128xf32, #tpu.memory_space<hbm>> -> memref<128x128xf32, #tpu.memory_space<hbm>>
      tpu.wait_dma2 semaphore(%run_scoped3A : memref<!tpu.dma_semaphore, #tpu.memory_space<semaphore_mem>>) src(%arg12 : memref<128x128xf32, #tpu.memory_space<vmem>>) dst(%dma_wait3A_72 : memref<128x128xf32, #tpu.memory_space<hbm>>)
      tpu.yield
    }) : () -> ()
    return
  }
}

#map = affine_map<(d0, d1) -> (0, 0)>
#map1 = affine_map<(d0, d1) -> (0)>
module attributes {stable_mosaic.version = 14 : i64} {
  func.func @k(%arg0: i32, %arg1: i32, %arg2: memref<100000x128xf32, #tpu.memory_space<hbm>>, %arg3: memref<16384xi32, #tpu.memory_space<hbm>>, %arg4: memref<16384x128xf32, #tpu.memory_space<hbm>>, %arg5: memref<128xi32, #tpu.memory_space<vmem>>, %arg6: memref<128xi32, #tpu.memory_space<vmem>>, %arg7: memref<128x128xf32, #tpu.memory_space<vmem>>, %arg8: memref<128x128xf32, #tpu.memory_space<vmem>>, %arg9: memref<!tpu.dma_semaphore, #tpu.memory_space<semaphore_mem>>, %arg10: memref<!tpu.dma_semaphore, #tpu.memory_space<semaphore_mem>>) attributes {dimension_semantics = [#tpu.dimension_semantics<core_parallel>, #tpu.dimension_semantics<subcore_parallel>], iteration_bounds = array<i64: 2, 16>, scalar_prefetch = 0 : i64, scratch_operands = 6 : i64, tpu.core_type = #tpu.core_type<sc_vector_subcore>, window_params = [{transform_indices = #map}, {transform_indices = #map1}, {transform_indices = #map}]} {
    %mul3A = arith.constant 2 : i32
    %mul3A_0 = arith.muli %arg1, %mul3A : i32
    %add3A = arith.addi %mul3A_0, %arg0 : i32
    %mul3A_1 = arith.constant 512 : i32
    %mul3A_2 = arith.muli %add3A, %mul3A_1 : i32
    "tpu.region"() ({
      %run_scoped3A = tpu.sem_alloc : memref<!tpu.dma_semaphore, #tpu.memory_space<semaphore_mem>>
      %dma_start3A_65 = tpu.memref_slice %arg3[%mul3A_2] : memref<16384xi32, #tpu.memory_space<hbm>> -> memref<128xi32, #tpu.memory_space<hbm>>
      %dma_start3A_66 = tpu.memref_slice %arg3[%mul3A_2] : memref<16384xi32, #tpu.memory_space<hbm>> -> memref<128xi32, #tpu.memory_space<hbm>>
      tpu.enqueue_dma source(%dma_start3A_66 : memref<128xi32, #tpu.memory_space<hbm>>) target(%arg5 : memref<128xi32, #tpu.memory_space<vmem>>) target_semaphore(%run_scoped3A : memref<!tpu.dma_semaphore, #tpu.memory_space<semaphore_mem>>)
      %dma_wait3A_67 = tpu.memref_slice %arg3[%mul3A_2] : memref<16384xi32, #tpu.memory_space<hbm>> -> memref<128xi32, #tpu.memory_space<hbm>>
      %dma_wait3A_68 = tpu.memref_slice %arg3[%mul3A_2] : memref<16384xi32, #tpu.memory_space<hbm>> -> memref<128xi32, #tpu.memory_space<hbm>>
      tpu.wait_dma2 semaphore(%run_scoped3A : memref<!tpu.dma_semaphore, #tpu.memory_space<semaphore_mem>>) src(%dma_wait3A_68 : memref<128xi32, #tpu.memory_space<hbm>>) dst(%arg5 : memref<128xi32, #tpu.memory_space<vmem>>)
      tpu.yield
    }) : () -> ()
    %dma_start3A = arith.constant 0 : i32
    %dma_start3A_3 = arith.constant 0 : i32
    %dma_start3A_4 = tpu.memref_slice %arg2[%dma_start3A, %dma_start3A_3] : memref<100000x128xf32, #tpu.memory_space<hbm>> -> memref<100000x128xf32, #tpu.memory_space<hbm>>
    tpu.enqueue_indirect_dma source(%dma_start3A_4 : memref<100000x128xf32, #tpu.memory_space<hbm>>) target(%arg7 : memref<128x128xf32, #tpu.memory_space<vmem>>) offsets(%arg5 : memref<128xi32, #tpu.memory_space<vmem>>) semaphore(%arg9 : memref<!tpu.dma_semaphore, #tpu.memory_space<semaphore_mem>>)
    %add3A_5 = arith.constant 128 : i32
    %add3A_6 = arith.addi %mul3A_2, %add3A_5 : i32
    "tpu.region"() ({
      %run_scoped3A = tpu.sem_alloc : memref<!tpu.dma_semaphore, #tpu.memory_space<semaphore_mem>>
      %dma_start3A_65 = tpu.memref_slice %arg3[%add3A_6] : memref<16384xi32, #tpu.memory_space<hbm>> -> memref<128xi32, #tpu.memory_space<hbm>>
      %dma_start3A_66 = tpu.memref_slice %arg3[%add3A_6] : memref<16384xi32, #tpu.memory_space<hbm>> -> memref<128xi32, #tpu.memory_space<hbm>>
      tpu.enqueue_dma source(%dma_start3A_66 : memref<128xi32, #tpu.memory_space<hbm>>) target(%arg6 : memref<128xi32, #tpu.memory_space<vmem>>) target_semaphore(%run_scoped3A : memref<!tpu.dma_semaphore, #tpu.memory_space<semaphore_mem>>)
      %dma_wait3A_67 = tpu.memref_slice %arg3[%add3A_6] : memref<16384xi32, #tpu.memory_space<hbm>> -> memref<128xi32, #tpu.memory_space<hbm>>
      %dma_wait3A_68 = tpu.memref_slice %arg3[%add3A_6] : memref<16384xi32, #tpu.memory_space<hbm>> -> memref<128xi32, #tpu.memory_space<hbm>>
      tpu.wait_dma2 semaphore(%run_scoped3A : memref<!tpu.dma_semaphore, #tpu.memory_space<semaphore_mem>>) src(%dma_wait3A_68 : memref<128xi32, #tpu.memory_space<hbm>>) dst(%arg6 : memref<128xi32, #tpu.memory_space<vmem>>)
      tpu.yield
    }) : () -> ()
    %dma_start3A_7 = arith.constant 0 : i32
    %dma_start3A_8 = arith.constant 0 : i32
    %dma_start3A_9 = tpu.memref_slice %arg2[%dma_start3A_7, %dma_start3A_8] : memref<100000x128xf32, #tpu.memory_space<hbm>> -> memref<100000x128xf32, #tpu.memory_space<hbm>>
    tpu.enqueue_indirect_dma source(%dma_start3A_9 : memref<100000x128xf32, #tpu.memory_space<hbm>>) target(%arg8 : memref<128x128xf32, #tpu.memory_space<vmem>>) offsets(%arg6 : memref<128xi32, #tpu.memory_space<vmem>>) semaphore(%arg10 : memref<!tpu.dma_semaphore, #tpu.memory_space<semaphore_mem>>)
    %scan3A = arith.constant 0 : i32
    %scan3A_10 = arith.constant 0 : i32
    %mul3A_11 = arith.constant 2 : i32
    %mul3A_12 = arith.muli %mul3A_11, %scan3A_10 : i32
    %dma_wait3A = arith.constant 0 : i32
    %dma_wait3A_13 = arith.constant 0 : i32
    %dma_wait3A_14 = tpu.memref_slice %arg2[%dma_wait3A, %dma_wait3A_13] : memref<100000x128xf32, #tpu.memory_space<hbm>> -> memref<128x128xf32, #tpu.memory_space<hbm>>
    %dma_wait3A_15 = arith.constant 0 : i32
    %dma_wait3A_16 = arith.constant 0 : i32
    %dma_wait3A_17 = tpu.memref_slice %arg2[%dma_wait3A_15, %dma_wait3A_16] : memref<100000x128xf32, #tpu.memory_space<hbm>> -> memref<128x128xf32, #tpu.memory_space<hbm>>
    tpu.wait_dma2 semaphore(%arg9 : memref<!tpu.dma_semaphore, #tpu.memory_space<semaphore_mem>>) src(%dma_wait3A_17 : memref<128x128xf32, #tpu.memory_space<hbm>>) dst(%arg7 : memref<128x128xf32, #tpu.memory_space<vmem>>)
    %mul3A_18 = arith.constant 128 : i32
    %mul3A_19 = arith.muli %mul3A_12, %mul3A_18 : i32
    %add3A_20 = arith.addi %mul3A_2, %mul3A_19 : i32
    "tpu.region"() ({
      %run_scoped3A = tpu.sem_alloc : memref<!tpu.dma_semaphore, #tpu.memory_space<semaphore_mem>>
      %dma_start3A_65 = arith.constant 0 : i32
      %dma_start3A_66 = tpu.memref_slice %arg4[%add3A_20, %dma_start3A_65] : memref<16384x128xf32, #tpu.memory_space<hbm>> -> memref<128x128xf32, #tpu.memory_space<hbm>>
      %dma_start3A_67 = arith.constant 0 : i32
      %dma_start3A_68 = tpu.memref_slice %arg4[%add3A_20, %dma_start3A_67] : memref<16384x128xf32, #tpu.memory_space<hbm>> -> memref<128x128xf32, #tpu.memory_space<hbm>>
      tpu.enqueue_dma source(%arg7 : memref<128x128xf32, #tpu.memory_space<vmem>>) target(%dma_start3A_68 : memref<128x128xf32, #tpu.memory_space<hbm>>) target_semaphore(%run_scoped3A : memref<!tpu.dma_semaphore, #tpu.memory_space<semaphore_mem>>)
      %dma_wait3A_69 = arith.constant 0 : i32
      %dma_wait3A_70 = tpu.memref_slice %arg4[%add3A_20, %dma_wait3A_69] : memref<16384x128xf32, #tpu.memory_space<hbm>> -> memref<128x128xf32, #tpu.memory_space<hbm>>
      %dma_wait3A_71 = arith.constant 0 : i32
      %dma_wait3A_72 = tpu.memref_slice %arg4[%add3A_20, %dma_wait3A_71] : memref<16384x128xf32, #tpu.memory_space<hbm>> -> memref<128x128xf32, #tpu.memory_space<hbm>>
      tpu.wait_dma2 semaphore(%run_scoped3A : memref<!tpu.dma_semaphore, #tpu.memory_space<semaphore_mem>>) src(%arg7 : memref<128x128xf32, #tpu.memory_space<vmem>>) dst(%dma_wait3A_72 : memref<128x128xf32, #tpu.memory_space<hbm>>)
      tpu.yield
    }) : () -> ()
    %add3A_21 = arith.constant 2 : i32
    %add3A_22 = arith.addi %mul3A_12, %add3A_21 : i32
    %mul3A_23 = arith.constant 128 : i32
    %mul3A_24 = arith.muli %add3A_22, %mul3A_23 : i32
    %add3A_25 = arith.addi %mul3A_2, %mul3A_24 : i32
    "tpu.region"() ({
      %run_scoped3A = tpu.sem_alloc : memref<!tpu.dma_semaphore, #tpu.memory_space<semaphore_mem>>
      %dma_start3A_65 = tpu.memref_slice %arg3[%add3A_25] : memref<16384xi32, #tpu.memory_space<hbm>> -> memref<128xi32, #tpu.memory_space<hbm>>
      %dma_start3A_66 = tpu.memref_slice %arg3[%add3A_25] : memref<16384xi32, #tpu.memory_space<hbm>> -> memref<128xi32, #tpu.memory_space<hbm>>
      tpu.enqueue_dma source(%dma_start3A_66 : memref<128xi32, #tpu.memory_space<hbm>>) target(%arg5 : memref<128xi32, #tpu.memory_space<vmem>>) target_semaphore(%run_scoped3A : memref<!tpu.dma_semaphore, #tpu.memory_space<semaphore_mem>>)
      %dma_wait3A_67 = tpu.memref_slice %arg3[%add3A_25] : memref<16384xi32, #tpu.memory_space<hbm>> -> memref<128xi32, #tpu.memory_space<hbm>>
      %dma_wait3A_68 = tpu.memref_slice %arg3[%add3A_25] : memref<16384xi32, #tpu.memory_space<hbm>> -> memref<128xi32, #tpu.memory_space<hbm>>
      tpu.wait_dma2 semaphore(%run_scoped3A : memref<!tpu.dma_semaphore, #tpu.memory_space<semaphore_mem>>) src(%dma_wait3A_68 : memref<128xi32, #tpu.memory_space<hbm>>) dst(%arg5 : memref<128xi32, #tpu.memory_space<vmem>>)
      tpu.yield
    }) : () -> ()
    %dma_start3A_26 = arith.constant 0 : i32
    %dma_start3A_27 = arith.constant 0 : i32
    %dma_start3A_28 = tpu.memref_slice %arg2[%dma_start3A_26, %dma_start3A_27] : memref<100000x128xf32, #tpu.memory_space<hbm>> -> memref<100000x128xf32, #tpu.memory_space<hbm>>
    tpu.enqueue_indirect_dma source(%dma_start3A_28 : memref<100000x128xf32, #tpu.memory_space<hbm>>) target(%arg7 : memref<128x128xf32, #tpu.memory_space<vmem>>) offsets(%arg5 : memref<128xi32, #tpu.memory_space<vmem>>) semaphore(%arg9 : memref<!tpu.dma_semaphore, #tpu.memory_space<semaphore_mem>>)
    %dma_wait3A_29 = arith.constant 0 : i32
    %dma_wait3A_30 = arith.constant 0 : i32
    %dma_wait3A_31 = tpu.memref_slice %arg2[%dma_wait3A_29, %dma_wait3A_30] : memref<100000x128xf32, #tpu.memory_space<hbm>> -> memref<128x128xf32, #tpu.memory_space<hbm>>
    %dma_wait3A_32 = arith.constant 0 : i32
    %dma_wait3A_33 = arith.constant 0 : i32
    %dma_wait3A_34 = tpu.memref_slice %arg2[%dma_wait3A_32, %dma_wait3A_33] : memref<100000x128xf32, #tpu.memory_space<hbm>> -> memref<128x128xf32, #tpu.memory_space<hbm>>
    tpu.wait_dma2 semaphore(%arg10 : memref<!tpu.dma_semaphore, #tpu.memory_space<semaphore_mem>>) src(%dma_wait3A_34 : memref<128x128xf32, #tpu.memory_space<hbm>>) dst(%arg8 : memref<128x128xf32, #tpu.memory_space<vmem>>)
    %add3A_35 = arith.constant 1 : i32
    %add3A_36 = arith.addi %mul3A_12, %add3A_35 : i32
    %mul3A_37 = arith.constant 128 : i32
    %mul3A_38 = arith.muli %add3A_36, %mul3A_37 : i32
    %add3A_39 = arith.addi %mul3A_2, %mul3A_38 : i32
    "tpu.region"() ({
      %run_scoped3A = tpu.sem_alloc : memref<!tpu.dma_semaphore, #tpu.memory_space<semaphore_mem>>
      %dma_start3A_65 = arith.constant 0 : i32
      %dma_start3A_66 = tpu.memref_slice %arg4[%add3A_39, %dma_start3A_65] : memref<16384x128xf32, #tpu.memory_space<hbm>> -> memref<128x128xf32, #tpu.memory_space<hbm>>
      %dma_start3A_67 = arith.constant 0 : i32
      %dma_start3A_68 = tpu.memref_slice %arg4[%add3A_39, %dma_start3A_67] : memref<16384x128xf32, #tpu.memory_space<hbm>> -> memref<128x128xf32, #tpu.memory_space<hbm>>
      tpu.enqueue_dma source(%arg8 : memref<128x128xf32, #tpu.memory_space<vmem>>) target(%dma_start3A_68 : memref<128x128xf32, #tpu.memory_space<hbm>>) target_semaphore(%run_scoped3A : memref<!tpu.dma_semaphore, #tpu.memory_space<semaphore_mem>>)
      %dma_wait3A_69 = arith.constant 0 : i32
      %dma_wait3A_70 = tpu.memref_slice %arg4[%add3A_39, %dma_wait3A_69] : memref<16384x128xf32, #tpu.memory_space<hbm>> -> memref<128x128xf32, #tpu.memory_space<hbm>>
      %dma_wait3A_71 = arith.constant 0 : i32
      %dma_wait3A_72 = tpu.memref_slice %arg4[%add3A_39, %dma_wait3A_71] : memref<16384x128xf32, #tpu.memory_space<hbm>> -> memref<128x128xf32, #tpu.memory_space<hbm>>
      tpu.wait_dma2 semaphore(%run_scoped3A : memref<!tpu.dma_semaphore, #tpu.memory_space<semaphore_mem>>) src(%arg8 : memref<128x128xf32, #tpu.memory_space<vmem>>) dst(%dma_wait3A_72 : memref<128x128xf32, #tpu.memory_space<hbm>>)
      tpu.yield
    }) : () -> ()
    %add3A_40 = arith.constant 3 : i32
    %add3A_41 = arith.addi %mul3A_12, %add3A_40 : i32
    %mul3A_42 = arith.constant 128 : i32
    %mul3A_43 = arith.muli %add3A_41, %mul3A_42 : i32
    %add3A_44 = arith.addi %mul3A_2, %mul3A_43 : i32
    "tpu.region"() ({
      %run_scoped3A = tpu.sem_alloc : memref<!tpu.dma_semaphore, #tpu.memory_space<semaphore_mem>>
      %dma_start3A_65 = tpu.memref_slice %arg3[%add3A_44] : memref<16384xi32, #tpu.memory_space<hbm>> -> memref<128xi32, #tpu.memory_space<hbm>>
      %dma_start3A_66 = tpu.memref_slice %arg3[%add3A_44] : memref<16384xi32, #tpu.memory_space<hbm>> -> memref<128xi32, #tpu.memory_space<hbm>>
      tpu.enqueue_dma source(%dma_start3A_66 : memref<128xi32, #tpu.memory_space<hbm>>) target(%arg6 : memref<128xi32, #tpu.memory_space<vmem>>) target_semaphore(%run_scoped3A : memref<!tpu.dma_semaphore, #tpu.memory_space<semaphore_mem>>)
      %dma_wait3A_67 = tpu.memref_slice %arg3[%add3A_44] : memref<16384xi32, #tpu.memory_space<hbm>> -> memref<128xi32, #tpu.memory_space<hbm>>
      %dma_wait3A_68 = tpu.memref_slice %arg3[%add3A_44] : memref<16384xi32, #tpu.memory_space<hbm>> -> memref<128xi32, #tpu.memory_space<hbm>>
      tpu.wait_dma2 semaphore(%run_scoped3A : memref<!tpu.dma_semaphore, #tpu.memory_space<semaphore_mem>>) src(%dma_wait3A_68 : memref<128xi32, #tpu.memory_space<hbm>>) dst(%arg6 : memref<128xi32, #tpu.memory_space<vmem>>)
      tpu.yield
    }) : () -> ()
    %dma_start3A_45 = arith.constant 0 : i32
    %dma_start3A_46 = arith.constant 0 : i32
    %dma_start3A_47 = tpu.memref_slice %arg2[%dma_start3A_45, %dma_start3A_46] : memref<100000x128xf32, #tpu.memory_space<hbm>> -> memref<100000x128xf32, #tpu.memory_space<hbm>>
    tpu.enqueue_indirect_dma source(%dma_start3A_47 : memref<100000x128xf32, #tpu.memory_space<hbm>>) target(%arg8 : memref<128x128xf32, #tpu.memory_space<vmem>>) offsets(%arg6 : memref<128xi32, #tpu.memory_space<vmem>>) semaphore(%arg10 : memref<!tpu.dma_semaphore, #tpu.memory_space<semaphore_mem>>)
    %scan3A_48 = arith.constant 1 : i32
    %dma_wait3A_49 = arith.constant 0 : i32
    %dma_wait3A_50 = arith.constant 0 : i32
    %dma_wait3A_51 = tpu.memref_slice %arg2[%dma_wait3A_49, %dma_wait3A_50] : memref<100000x128xf32, #tpu.memory_space<hbm>> -> memref<128x128xf32, #tpu.memory_space<hbm>>
    %dma_wait3A_52 = arith.constant 0 : i32
    %dma_wait3A_53 = arith.constant 0 : i32
    %dma_wait3A_54 = tpu.memref_slice %arg2[%dma_wait3A_52, %dma_wait3A_53] : memref<100000x128xf32, #tpu.memory_space<hbm>> -> memref<128x128xf32, #tpu.memory_space<hbm>>
    tpu.wait_dma2 semaphore(%arg9 : memref<!tpu.dma_semaphore, #tpu.memory_space<semaphore_mem>>) src(%dma_wait3A_54 : memref<128x128xf32, #tpu.memory_space<hbm>>) dst(%arg7 : memref<128x128xf32, #tpu.memory_space<vmem>>)
    %add3A_55 = arith.constant 256 : i32
    %add3A_56 = arith.addi %mul3A_2, %add3A_55 : i32
    "tpu.region"() ({
      %run_scoped3A = tpu.sem_alloc : memref<!tpu.dma_semaphore, #tpu.memory_space<semaphore_mem>>
      %dma_start3A_65 = arith.constant 0 : i32
      %dma_start3A_66 = tpu.memref_slice %arg4[%add3A_56, %dma_start3A_65] : memref<16384x128xf32, #tpu.memory_space<hbm>> -> memref<128x128xf32, #tpu.memory_space<hbm>>
      %dma_start3A_67 = arith.constant 0 : i32
      %dma_start3A_68 = tpu.memref_slice %arg4[%add3A_56, %dma_start3A_67] : memref<16384x128xf32, #tpu.memory_space<hbm>> -> memref<128x128xf32, #tpu.memory_space<hbm>>
      tpu.enqueue_dma source(%arg7 : memref<128x128xf32, #tpu.memory_space<vmem>>) target(%dma_start3A_68 : memref<128x128xf32, #tpu.memory_space<hbm>>) target_semaphore(%run_scoped3A : memref<!tpu.dma_semaphore, #tpu.memory_space<semaphore_mem>>)
      %dma_wait3A_69 = arith.constant 0 : i32
      %dma_wait3A_70 = tpu.memref_slice %arg4[%add3A_56, %dma_wait3A_69] : memref<16384x128xf32, #tpu.memory_space<hbm>> -> memref<128x128xf32, #tpu.memory_space<hbm>>
      %dma_wait3A_71 = arith.constant 0 : i32
      %dma_wait3A_72 = tpu.memref_slice %arg4[%add3A_56, %dma_wait3A_71] : memref<16384x128xf32, #tpu.memory_space<hbm>> -> memref<128x128xf32, #tpu.memory_space<hbm>>
      tpu.wait_dma2 semaphore(%run_scoped3A : memref<!tpu.dma_semaphore, #tpu.memory_space<semaphore_mem>>) src(%arg7 : memref<128x128xf32, #tpu.memory_space<vmem>>) dst(%dma_wait3A_72 : memref<128x128xf32, #tpu.memory_space<hbm>>)
      tpu.yield
    }) : () -> ()
    %dma_wait3A_57 = arith.constant 0 : i32
    %dma_wait3A_58 = arith.constant 0 : i32
    %dma_wait3A_59 = tpu.memref_slice %arg2[%dma_wait3A_57, %dma_wait3A_58] : memref<100000x128xf32, #tpu.memory_space<hbm>> -> memref<128x128xf32, #tpu.memory_space<hbm>>
    %dma_wait3A_60 = arith.constant 0 : i32
    %dma_wait3A_61 = arith.constant 0 : i32
    %dma_wait3A_62 = tpu.memref_slice %arg2[%dma_wait3A_60, %dma_wait3A_61] : memref<100000x128xf32, #tpu.memory_space<hbm>> -> memref<128x128xf32, #tpu.memory_space<hbm>>
    tpu.wait_dma2 semaphore(%arg10 : memref<!tpu.dma_semaphore, #tpu.memory_space<semaphore_mem>>) src(%dma_wait3A_62 : memref<128x128xf32, #tpu.memory_space<hbm>>) dst(%arg8 : memref<128x128xf32, #tpu.memory_space<vmem>>)
    %add3A_63 = arith.constant 384 : i32
    %add3A_64 = arith.addi %mul3A_2, %add3A_63 : i32
    "tpu.region"() ({
      %run_scoped3A = tpu.sem_alloc : memref<!tpu.dma_semaphore, #tpu.memory_space<semaphore_mem>>
      %dma_start3A_65 = arith.constant 0 : i32
      %dma_start3A_66 = tpu.memref_slice %arg4[%add3A_64, %dma_start3A_65] : memref<16384x128xf32, #tpu.memory_space<hbm>> -> memref<128x128xf32, #tpu.memory_space<hbm>>
      %dma_start3A_67 = arith.constant 0 : i32
      %dma_start3A_68 = tpu.memref_slice %arg4[%add3A_64, %dma_start3A_67] : memref<16384x128xf32, #tpu.memory_space<hbm>> -> memref<128x128xf32, #tpu.memory_space<hbm>>
      tpu.enqueue_dma source(%arg8 : memref<128x128xf32, #tpu.memory_space<vmem>>) target(%dma_start3A_68 : memref<128x128xf32, #tpu.memory_space<hbm>>) target_semaphore(%run_scoped3A : memref<!tpu.dma_semaphore, #tpu.memory_space<semaphore_mem>>)
      %dma_wait3A_69 = arith.constant 0 : i32
      %dma_wait3A_70 = tpu.memref_slice %arg4[%add3A_64, %dma_wait3A_69] : memref<16384x128xf32, #tpu.memory_space<hbm>> -> memref<128x128xf32, #tpu.memory_space<hbm>>
      %dma_wait3A_71 = arith.constant 0 : i32
      %dma_wait3A_72 = tpu.memref_slice %arg4[%add3A_64, %dma_wait3A_71] : memref<16384x128xf32, #tpu.memory_space<hbm>> -> memref<128x128xf32, #tpu.memory_space<hbm>>
      tpu.wait_dma2 semaphore(%run_scoped3A : memref<!tpu.dma_semaphore, #tpu.memory_space<semaphore_mem>>) src(%arg8 : memref<128x128xf32, #tpu.memory_space<vmem>>) dst(%dma_wait3A_72 : memref<128x128xf32, #tpu.memory_space<hbm>>)
      tpu.yield
    }) : () -> ()
    return
  }
}

#map = affine_map<(d0, d1) -> (0, 0)>
#map1 = affine_map<(d0, d1) -> (0)>
module attributes {stable_mosaic.version = 14 : i64} {
  func.func @k(%arg0: i32, %arg1: i32, %arg2: memref<10000x128xf32, #tpu.memory_space<hbm>>, %arg3: memref<32768xi32, #tpu.memory_space<hbm>>, %arg4: memref<32768x128xf32, #tpu.memory_space<hbm>>, %arg5: memref<128xi32, #tpu.memory_space<vmem>>, %arg6: memref<128xi32, #tpu.memory_space<vmem>>, %arg7: memref<128x128xf32, #tpu.memory_space<vmem>>, %arg8: memref<128x128xf32, #tpu.memory_space<vmem>>, %arg9: memref<!tpu.dma_semaphore, #tpu.memory_space<semaphore_mem>>, %arg10: memref<!tpu.dma_semaphore, #tpu.memory_space<semaphore_mem>>) attributes {dimension_semantics = [#tpu.dimension_semantics<core_parallel>, #tpu.dimension_semantics<subcore_parallel>], iteration_bounds = array<i64: 2, 16>, scalar_prefetch = 0 : i64, scratch_operands = 6 : i64, tpu.core_type = #tpu.core_type<sc_vector_subcore>, window_params = [{transform_indices = #map}, {transform_indices = #map1}, {transform_indices = #map}]} {
    %mul3A = arith.constant 2 : i32
    %mul3A_0 = arith.muli %arg1, %mul3A : i32
    %add3A = arith.addi %mul3A_0, %arg0 : i32
    %mul3A_1 = arith.constant 1024 : i32
    %mul3A_2 = arith.muli %add3A, %mul3A_1 : i32
    "tpu.region"() ({
      %run_scoped3A = tpu.sem_alloc : memref<!tpu.dma_semaphore, #tpu.memory_space<semaphore_mem>>
      %dma_start3A_30 = tpu.memref_slice %arg3[%mul3A_2] : memref<32768xi32, #tpu.memory_space<hbm>> -> memref<128xi32, #tpu.memory_space<hbm>>
      %dma_start3A_31 = tpu.memref_slice %arg3[%mul3A_2] : memref<32768xi32, #tpu.memory_space<hbm>> -> memref<128xi32, #tpu.memory_space<hbm>>
      tpu.enqueue_dma source(%dma_start3A_31 : memref<128xi32, #tpu.memory_space<hbm>>) target(%arg5 : memref<128xi32, #tpu.memory_space<vmem>>) target_semaphore(%run_scoped3A : memref<!tpu.dma_semaphore, #tpu.memory_space<semaphore_mem>>)
      %dma_wait3A_32 = tpu.memref_slice %arg3[%mul3A_2] : memref<32768xi32, #tpu.memory_space<hbm>> -> memref<128xi32, #tpu.memory_space<hbm>>
      %dma_wait3A_33 = tpu.memref_slice %arg3[%mul3A_2] : memref<32768xi32, #tpu.memory_space<hbm>> -> memref<128xi32, #tpu.memory_space<hbm>>
      tpu.wait_dma2 semaphore(%run_scoped3A : memref<!tpu.dma_semaphore, #tpu.memory_space<semaphore_mem>>) src(%dma_wait3A_33 : memref<128xi32, #tpu.memory_space<hbm>>) dst(%arg5 : memref<128xi32, #tpu.memory_space<vmem>>)
      tpu.yield
    }) : () -> ()
    %dma_start3A = arith.constant 0 : i32
    %dma_start3A_3 = arith.constant 0 : i32
    %dma_start3A_4 = tpu.memref_slice %arg2[%dma_start3A, %dma_start3A_3] : memref<10000x128xf32, #tpu.memory_space<hbm>> -> memref<10000x128xf32, #tpu.memory_space<hbm>>
    tpu.enqueue_indirect_dma source(%dma_start3A_4 : memref<10000x128xf32, #tpu.memory_space<hbm>>) target(%arg7 : memref<128x128xf32, #tpu.memory_space<vmem>>) offsets(%arg5 : memref<128xi32, #tpu.memory_space<vmem>>) semaphore(%arg9 : memref<!tpu.dma_semaphore, #tpu.memory_space<semaphore_mem>>)
    %add3A_5 = arith.constant 128 : i32
    %add3A_6 = arith.addi %mul3A_2, %add3A_5 : i32
    "tpu.region"() ({
      %run_scoped3A = tpu.sem_alloc : memref<!tpu.dma_semaphore, #tpu.memory_space<semaphore_mem>>
      %dma_start3A_30 = tpu.memref_slice %arg3[%add3A_6] : memref<32768xi32, #tpu.memory_space<hbm>> -> memref<128xi32, #tpu.memory_space<hbm>>
      %dma_start3A_31 = tpu.memref_slice %arg3[%add3A_6] : memref<32768xi32, #tpu.memory_space<hbm>> -> memref<128xi32, #tpu.memory_space<hbm>>
      tpu.enqueue_dma source(%dma_start3A_31 : memref<128xi32, #tpu.memory_space<hbm>>) target(%arg6 : memref<128xi32, #tpu.memory_space<vmem>>) target_semaphore(%run_scoped3A : memref<!tpu.dma_semaphore, #tpu.memory_space<semaphore_mem>>)
      %dma_wait3A_32 = tpu.memref_slice %arg3[%add3A_6] : memref<32768xi32, #tpu.memory_space<hbm>> -> memref<128xi32, #tpu.memory_space<hbm>>
      %dma_wait3A_33 = tpu.memref_slice %arg3[%add3A_6] : memref<32768xi32, #tpu.memory_space<hbm>> -> memref<128xi32, #tpu.memory_space<hbm>>
      tpu.wait_dma2 semaphore(%run_scoped3A : memref<!tpu.dma_semaphore, #tpu.memory_space<semaphore_mem>>) src(%dma_wait3A_33 : memref<128xi32, #tpu.memory_space<hbm>>) dst(%arg6 : memref<128xi32, #tpu.memory_space<vmem>>)
      tpu.yield
    }) : () -> ()
    %dma_start3A_7 = arith.constant 0 : i32
    %dma_start3A_8 = arith.constant 0 : i32
    %dma_start3A_9 = tpu.memref_slice %arg2[%dma_start3A_7, %dma_start3A_8] : memref<10000x128xf32, #tpu.memory_space<hbm>> -> memref<10000x128xf32, #tpu.memory_space<hbm>>
    tpu.enqueue_indirect_dma source(%dma_start3A_9 : memref<10000x128xf32, #tpu.memory_space<hbm>>) target(%arg8 : memref<128x128xf32, #tpu.memory_space<vmem>>) offsets(%arg6 : memref<128xi32, #tpu.memory_space<vmem>>) semaphore(%arg10 : memref<!tpu.dma_semaphore, #tpu.memory_space<semaphore_mem>>)
    %scan3A = arith.constant 0 : i32
    %scan3A_10 = arith.constant 0 : i32
    %scan3A_11 = arith.constant 3 : i32
    %scan3A_12 = arith.addi %scan3A_10, %scan3A_11 : i32
    %scan3A_13 = arith.constant 1 : i32
    scf.for %scan3A_30 = %scan3A_10 to %scan3A_12 step %scan3A_13  : i32 {
      %mul3A_31 = arith.constant 2 : i32
      %mul3A_32 = arith.muli %mul3A_31, %scan3A_30 : i32
      %dma_wait3A_33 = arith.constant 0 : i32
      %dma_wait3A_34 = arith.constant 0 : i32
      %dma_wait3A_35 = tpu.memref_slice %arg2[%dma_wait3A_33, %dma_wait3A_34] : memref<10000x128xf32, #tpu.memory_space<hbm>> -> memref<128x128xf32, #tpu.memory_space<hbm>>
      %dma_wait3A_36 = arith.constant 0 : i32
      %dma_wait3A_37 = arith.constant 0 : i32
      %dma_wait3A_38 = tpu.memref_slice %arg2[%dma_wait3A_36, %dma_wait3A_37] : memref<10000x128xf32, #tpu.memory_space<hbm>> -> memref<128x128xf32, #tpu.memory_space<hbm>>
      tpu.wait_dma2 semaphore(%arg9 : memref<!tpu.dma_semaphore, #tpu.memory_space<semaphore_mem>>) src(%dma_wait3A_38 : memref<128x128xf32, #tpu.memory_space<hbm>>) dst(%arg7 : memref<128x128xf32, #tpu.memory_space<vmem>>)
      %mul3A_39 = arith.constant 128 : i32
      %mul3A_40 = arith.muli %mul3A_32, %mul3A_39 : i32
      %add3A_41 = arith.addi %mul3A_2, %mul3A_40 : i32
      "tpu.region"() ({
        %run_scoped3A = tpu.sem_alloc : memref<!tpu.dma_semaphore, #tpu.memory_space<semaphore_mem>>
        %dma_start3A_69 = arith.constant 0 : i32
        %dma_start3A_70 = tpu.memref_slice %arg4[%add3A_41, %dma_start3A_69] : memref<32768x128xf32, #tpu.memory_space<hbm>> -> memref<128x128xf32, #tpu.memory_space<hbm>>
        %dma_start3A_71 = arith.constant 0 : i32
        %dma_start3A_72 = tpu.memref_slice %arg4[%add3A_41, %dma_start3A_71] : memref<32768x128xf32, #tpu.memory_space<hbm>> -> memref<128x128xf32, #tpu.memory_space<hbm>>
        tpu.enqueue_dma source(%arg7 : memref<128x128xf32, #tpu.memory_space<vmem>>) target(%dma_start3A_72 : memref<128x128xf32, #tpu.memory_space<hbm>>) target_semaphore(%run_scoped3A : memref<!tpu.dma_semaphore, #tpu.memory_space<semaphore_mem>>)
        %dma_wait3A_73 = arith.constant 0 : i32
        %dma_wait3A_74 = tpu.memref_slice %arg4[%add3A_41, %dma_wait3A_73] : memref<32768x128xf32, #tpu.memory_space<hbm>> -> memref<128x128xf32, #tpu.memory_space<hbm>>
        %dma_wait3A_75 = arith.constant 0 : i32
        %dma_wait3A_76 = tpu.memref_slice %arg4[%add3A_41, %dma_wait3A_75] : memref<32768x128xf32, #tpu.memory_space<hbm>> -> memref<128x128xf32, #tpu.memory_space<hbm>>
        tpu.wait_dma2 semaphore(%run_scoped3A : memref<!tpu.dma_semaphore, #tpu.memory_space<semaphore_mem>>) src(%arg7 : memref<128x128xf32, #tpu.memory_space<vmem>>) dst(%dma_wait3A_76 : memref<128x128xf32, #tpu.memory_space<hbm>>)
        tpu.yield
      }) : () -> ()
      %add3A_42 = arith.constant 2 : i32
      %add3A_43 = arith.addi %mul3A_32, %add3A_42 : i32
      %mul3A_44 = arith.constant 128 : i32
      %mul3A_45 = arith.muli %add3A_43, %mul3A_44 : i32
      %add3A_46 = arith.addi %mul3A_2, %mul3A_45 : i32
      "tpu.region"() ({
        %run_scoped3A = tpu.sem_alloc : memref<!tpu.dma_semaphore, #tpu.memory_space<semaphore_mem>>
        %dma_start3A_69 = tpu.memref_slice %arg3[%add3A_46] : memref<32768xi32, #tpu.memory_space<hbm>> -> memref<128xi32, #tpu.memory_space<hbm>>
        %dma_start3A_70 = tpu.memref_slice %arg3[%add3A_46] : memref<32768xi32, #tpu.memory_space<hbm>> -> memref<128xi32, #tpu.memory_space<hbm>>
        tpu.enqueue_dma source(%dma_start3A_70 : memref<128xi32, #tpu.memory_space<hbm>>) target(%arg5 : memref<128xi32, #tpu.memory_space<vmem>>) target_semaphore(%run_scoped3A : memref<!tpu.dma_semaphore, #tpu.memory_space<semaphore_mem>>)
        %dma_wait3A_71 = tpu.memref_slice %arg3[%add3A_46] : memref<32768xi32, #tpu.memory_space<hbm>> -> memref<128xi32, #tpu.memory_space<hbm>>
        %dma_wait3A_72 = tpu.memref_slice %arg3[%add3A_46] : memref<32768xi32, #tpu.memory_space<hbm>> -> memref<128xi32, #tpu.memory_space<hbm>>
        tpu.wait_dma2 semaphore(%run_scoped3A : memref<!tpu.dma_semaphore, #tpu.memory_space<semaphore_mem>>) src(%dma_wait3A_72 : memref<128xi32, #tpu.memory_space<hbm>>) dst(%arg5 : memref<128xi32, #tpu.memory_space<vmem>>)
        tpu.yield
      }) : () -> ()
      %dma_start3A_47 = arith.constant 0 : i32
      %dma_start3A_48 = arith.constant 0 : i32
      %dma_start3A_49 = tpu.memref_slice %arg2[%dma_start3A_47, %dma_start3A_48] : memref<10000x128xf32, #tpu.memory_space<hbm>> -> memref<10000x128xf32, #tpu.memory_space<hbm>>
      tpu.enqueue_indirect_dma source(%dma_start3A_49 : memref<10000x128xf32, #tpu.memory_space<hbm>>) target(%arg7 : memref<128x128xf32, #tpu.memory_space<vmem>>) offsets(%arg5 : memref<128xi32, #tpu.memory_space<vmem>>) semaphore(%arg9 : memref<!tpu.dma_semaphore, #tpu.memory_space<semaphore_mem>>)
      %dma_wait3A_50 = arith.constant 0 : i32
      %dma_wait3A_51 = arith.constant 0 : i32
      %dma_wait3A_52 = tpu.memref_slice %arg2[%dma_wait3A_50, %dma_wait3A_51] : memref<10000x128xf32, #tpu.memory_space<hbm>> -> memref<128x128xf32, #tpu.memory_space<hbm>>
      %dma_wait3A_53 = arith.constant 0 : i32
      %dma_wait3A_54 = arith.constant 0 : i32
      %dma_wait3A_55 = tpu.memref_slice %arg2[%dma_wait3A_53, %dma_wait3A_54] : memref<10000x128xf32, #tpu.memory_space<hbm>> -> memref<128x128xf32, #tpu.memory_space<hbm>>
      tpu.wait_dma2 semaphore(%arg10 : memref<!tpu.dma_semaphore, #tpu.memory_space<semaphore_mem>>) src(%dma_wait3A_55 : memref<128x128xf32, #tpu.memory_space<hbm>>) dst(%arg8 : memref<128x128xf32, #tpu.memory_space<vmem>>)
      %add3A_56 = arith.constant 1 : i32
      %add3A_57 = arith.addi %mul3A_32, %add3A_56 : i32
      %mul3A_58 = arith.constant 128 : i32
      %mul3A_59 = arith.muli %add3A_57, %mul3A_58 : i32
      %add3A_60 = arith.addi %mul3A_2, %mul3A_59 : i32
      "tpu.region"() ({
        %run_scoped3A = tpu.sem_alloc : memref<!tpu.dma_semaphore, #tpu.memory_space<semaphore_mem>>
        %dma_start3A_69 = arith.constant 0 : i32
        %dma_start3A_70 = tpu.memref_slice %arg4[%add3A_60, %dma_start3A_69] : memref<32768x128xf32, #tpu.memory_space<hbm>> -> memref<128x128xf32, #tpu.memory_space<hbm>>
        %dma_start3A_71 = arith.constant 0 : i32
        %dma_start3A_72 = tpu.memref_slice %arg4[%add3A_60, %dma_start3A_71] : memref<32768x128xf32, #tpu.memory_space<hbm>> -> memref<128x128xf32, #tpu.memory_space<hbm>>
        tpu.enqueue_dma source(%arg8 : memref<128x128xf32, #tpu.memory_space<vmem>>) target(%dma_start3A_72 : memref<128x128xf32, #tpu.memory_space<hbm>>) target_semaphore(%run_scoped3A : memref<!tpu.dma_semaphore, #tpu.memory_space<semaphore_mem>>)
        %dma_wait3A_73 = arith.constant 0 : i32
        %dma_wait3A_74 = tpu.memref_slice %arg4[%add3A_60, %dma_wait3A_73] : memref<32768x128xf32, #tpu.memory_space<hbm>> -> memref<128x128xf32, #tpu.memory_space<hbm>>
        %dma_wait3A_75 = arith.constant 0 : i32
        %dma_wait3A_76 = tpu.memref_slice %arg4[%add3A_60, %dma_wait3A_75] : memref<32768x128xf32, #tpu.memory_space<hbm>> -> memref<128x128xf32, #tpu.memory_space<hbm>>
        tpu.wait_dma2 semaphore(%run_scoped3A : memref<!tpu.dma_semaphore, #tpu.memory_space<semaphore_mem>>) src(%arg8 : memref<128x128xf32, #tpu.memory_space<vmem>>) dst(%dma_wait3A_76 : memref<128x128xf32, #tpu.memory_space<hbm>>)
        tpu.yield
      }) : () -> ()
      %add3A_61 = arith.constant 3 : i32
      %add3A_62 = arith.addi %mul3A_32, %add3A_61 : i32
      %mul3A_63 = arith.constant 128 : i32
      %mul3A_64 = arith.muli %add3A_62, %mul3A_63 : i32
      %add3A_65 = arith.addi %mul3A_2, %mul3A_64 : i32
      "tpu.region"() ({
        %run_scoped3A = tpu.sem_alloc : memref<!tpu.dma_semaphore, #tpu.memory_space<semaphore_mem>>
        %dma_start3A_69 = tpu.memref_slice %arg3[%add3A_65] : memref<32768xi32, #tpu.memory_space<hbm>> -> memref<128xi32, #tpu.memory_space<hbm>>
        %dma_start3A_70 = tpu.memref_slice %arg3[%add3A_65] : memref<32768xi32, #tpu.memory_space<hbm>> -> memref<128xi32, #tpu.memory_space<hbm>>
        tpu.enqueue_dma source(%dma_start3A_70 : memref<128xi32, #tpu.memory_space<hbm>>) target(%arg6 : memref<128xi32, #tpu.memory_space<vmem>>) target_semaphore(%run_scoped3A : memref<!tpu.dma_semaphore, #tpu.memory_space<semaphore_mem>>)
        %dma_wait3A_71 = tpu.memref_slice %arg3[%add3A_65] : memref<32768xi32, #tpu.memory_space<hbm>> -> memref<128xi32, #tpu.memory_space<hbm>>
        %dma_wait3A_72 = tpu.memref_slice %arg3[%add3A_65] : memref<32768xi32, #tpu.memory_space<hbm>> -> memref<128xi32, #tpu.memory_space<hbm>>
        tpu.wait_dma2 semaphore(%run_scoped3A : memref<!tpu.dma_semaphore, #tpu.memory_space<semaphore_mem>>) src(%dma_wait3A_72 : memref<128xi32, #tpu.memory_space<hbm>>) dst(%arg6 : memref<128xi32, #tpu.memory_space<vmem>>)
        tpu.yield
      }) : () -> ()
      %dma_start3A_66 = arith.constant 0 : i32
      %dma_start3A_67 = arith.constant 0 : i32
      %dma_start3A_68 = tpu.memref_slice %arg2[%dma_start3A_66, %dma_start3A_67] : memref<10000x128xf32, #tpu.memory_space<hbm>> -> memref<10000x128xf32, #tpu.memory_space<hbm>>
      tpu.enqueue_indirect_dma source(%dma_start3A_68 : memref<10000x128xf32, #tpu.memory_space<hbm>>) target(%arg8 : memref<128x128xf32, #tpu.memory_space<vmem>>) offsets(%arg6 : memref<128xi32, #tpu.memory_space<vmem>>) semaphore(%arg10 : memref<!tpu.dma_semaphore, #tpu.memory_space<semaphore_mem>>)
    }
    %scan3A_14 = arith.constant 3 : i32
    %dma_wait3A = arith.constant 0 : i32
    %dma_wait3A_15 = arith.constant 0 : i32
    %dma_wait3A_16 = tpu.memref_slice %arg2[%dma_wait3A, %dma_wait3A_15] : memref<10000x128xf32, #tpu.memory_space<hbm>> -> memref<128x128xf32, #tpu.memory_space<hbm>>
    %dma_wait3A_17 = arith.constant 0 : i32
    %dma_wait3A_18 = arith.constant 0 : i32
    %dma_wait3A_19 = tpu.memref_slice %arg2[%dma_wait3A_17, %dma_wait3A_18] : memref<10000x128xf32, #tpu.memory_space<hbm>> -> memref<128x128xf32, #tpu.memory_space<hbm>>
    tpu.wait_dma2 semaphore(%arg9 : memref<!tpu.dma_semaphore, #tpu.memory_space<semaphore_mem>>) src(%dma_wait3A_19 : memref<128x128xf32, #tpu.memory_space<hbm>>) dst(%arg7 : memref<128x128xf32, #tpu.memory_space<vmem>>)
    %add3A_20 = arith.constant 768 : i32
    %add3A_21 = arith.addi %mul3A_2, %add3A_20 : i32
    "tpu.region"() ({
      %run_scoped3A = tpu.sem_alloc : memref<!tpu.dma_semaphore, #tpu.memory_space<semaphore_mem>>
      %dma_start3A_30 = arith.constant 0 : i32
      %dma_start3A_31 = tpu.memref_slice %arg4[%add3A_21, %dma_start3A_30] : memref<32768x128xf32, #tpu.memory_space<hbm>> -> memref<128x128xf32, #tpu.memory_space<hbm>>
      %dma_start3A_32 = arith.constant 0 : i32
      %dma_start3A_33 = tpu.memref_slice %arg4[%add3A_21, %dma_start3A_32] : memref<32768x128xf32, #tpu.memory_space<hbm>> -> memref<128x128xf32, #tpu.memory_space<hbm>>
      tpu.enqueue_dma source(%arg7 : memref<128x128xf32, #tpu.memory_space<vmem>>) target(%dma_start3A_33 : memref<128x128xf32, #tpu.memory_space<hbm>>) target_semaphore(%run_scoped3A : memref<!tpu.dma_semaphore, #tpu.memory_space<semaphore_mem>>)
      %dma_wait3A_34 = arith.constant 0 : i32
      %dma_wait3A_35 = tpu.memref_slice %arg4[%add3A_21, %dma_wait3A_34] : memref<32768x128xf32, #tpu.memory_space<hbm>> -> memref<128x128xf32, #tpu.memory_space<hbm>>
      %dma_wait3A_36 = arith.constant 0 : i32
      %dma_wait3A_37 = tpu.memref_slice %arg4[%add3A_21, %dma_wait3A_36] : memref<32768x128xf32, #tpu.memory_space<hbm>> -> memref<128x128xf32, #tpu.memory_space<hbm>>
      tpu.wait_dma2 semaphore(%run_scoped3A : memref<!tpu.dma_semaphore, #tpu.memory_space<semaphore_mem>>) src(%arg7 : memref<128x128xf32, #tpu.memory_space<vmem>>) dst(%dma_wait3A_37 : memref<128x128xf32, #tpu.memory_space<hbm>>)
      tpu.yield
    }) : () -> ()
    %dma_wait3A_22 = arith.constant 0 : i32
    %dma_wait3A_23 = arith.constant 0 : i32
    %dma_wait3A_24 = tpu.memref_slice %arg2[%dma_wait3A_22, %dma_wait3A_23] : memref<10000x128xf32, #tpu.memory_space<hbm>> -> memref<128x128xf32, #tpu.memory_space<hbm>>
    %dma_wait3A_25 = arith.constant 0 : i32
    %dma_wait3A_26 = arith.constant 0 : i32
    %dma_wait3A_27 = tpu.memref_slice %arg2[%dma_wait3A_25, %dma_wait3A_26] : memref<10000x128xf32, #tpu.memory_space<hbm>> -> memref<128x128xf32, #tpu.memory_space<hbm>>
    tpu.wait_dma2 semaphore(%arg10 : memref<!tpu.dma_semaphore, #tpu.memory_space<semaphore_mem>>) src(%dma_wait3A_27 : memref<128x128xf32, #tpu.memory_space<hbm>>) dst(%arg8 : memref<128x128xf32, #tpu.memory_space<vmem>>)
    %add3A_28 = arith.constant 896 : i32
    %add3A_29 = arith.addi %mul3A_2, %add3A_28 : i32
    "tpu.region"() ({
      %run_scoped3A = tpu.sem_alloc : memref<!tpu.dma_semaphore, #tpu.memory_space<semaphore_mem>>
      %dma_start3A_30 = arith.constant 0 : i32
      %dma_start3A_31 = tpu.memref_slice %arg4[%add3A_29, %dma_start3A_30] : memref<32768x128xf32, #tpu.memory_space<hbm>> -> memref<128x128xf32, #tpu.memory_space<hbm>>
      %dma_start3A_32 = arith.constant 0 : i32
      %dma_start3A_33 = tpu.memref_slice %arg4[%add3A_29, %dma_start3A_32] : memref<32768x128xf32, #tpu.memory_space<hbm>> -> memref<128x128xf32, #tpu.memory_space<hbm>>
      tpu.enqueue_dma source(%arg8 : memref<128x128xf32, #tpu.memory_space<vmem>>) target(%dma_start3A_33 : memref<128x128xf32, #tpu.memory_space<hbm>>) target_semaphore(%run_scoped3A : memref<!tpu.dma_semaphore, #tpu.memory_space<semaphore_mem>>)
      %dma_wait3A_34 = arith.constant 0 : i32
      %dma_wait3A_35 = tpu.memref_slice %arg4[%add3A_29, %dma_wait3A_34] : memref<32768x128xf32, #tpu.memory_space<hbm>> -> memref<128x128xf32, #tpu.memory_space<hbm>>
      %dma_wait3A_36 = arith.constant 0 : i32
      %dma_wait3A_37 = tpu.memref_slice %arg4[%add3A_29, %dma_wait3A_36] : memref<32768x128xf32, #tpu.memory_space<hbm>> -> memref<128x128xf32, #tpu.memory_space<hbm>>
      tpu.wait_dma2 semaphore(%run_scoped3A : memref<!tpu.dma_semaphore, #tpu.memory_space<semaphore_mem>>) src(%arg8 : memref<128x128xf32, #tpu.memory_space<vmem>>) dst(%dma_wait3A_37 : memref<128x128xf32, #tpu.memory_space<hbm>>)
      tpu.yield
    }) : () -> ()
    return
  }
}

module attributes {stable_mosaic.version = 14 : i64} {
  func.func @body(%arg0: i32, %arg1: memref<1000x128xf32, #tpu.memory_space<vmem>>, %arg2: memref<1x1000x128xf32, #tpu.memory_space<vmem>>, %arg3: memref<1x1000x128xf32, #tpu.memory_space<vmem>>, %arg4: memref<1x1x1000x128xf32, #tpu.memory_space<vmem>>, %arg5: memref<1x1x1000x128xf32, #tpu.memory_space<vmem>>, %arg6: memref<128x128xf32, #tpu.memory_space<vmem>>, %arg7: memref<128x128xf32, #tpu.memory_space<vmem>>, %arg8: memref<1x128xf32, #tpu.memory_space<vmem>>, %arg9: memref<1000x128xf32, #tpu.memory_space<vmem>>) attributes {dimension_semantics = [#tpu.dimension_semantics<arbitrary>], iteration_bounds = array<i64: 10>, scalar_prefetch = 0 : i64, scratch_operands = 0 : i64, tpu.core_type = #tpu.core_type<tc>, window_params = [{transform_indices = @transform_0, window_bounds = array<i64: 1000, 128>}, {transform_indices = @transform_1, window_bounds = array<i64: 1, 1000, 128>}, {transform_indices = @transform_2, window_bounds = array<i64: 1, 1000, 128>}, {transform_indices = @transform_3, window_bounds = array<i64: 1, 1, 1000, 128>}, {transform_indices = @transform_4, window_bounds = array<i64: 1, 1, 1000, 128>}, {pipeline_mode = #tpu.pipeline_mode<synchronous>, transform_indices = @transform_5, window_bounds = array<i64: 128, 128>}, {pipeline_mode = #tpu.pipeline_mode<synchronous>, transform_indices = @transform_6, window_bounds = array<i64: 128, 128>}, {pipeline_mode = #tpu.pipeline_mode<synchronous>, transform_indices = @transform_7, window_bounds = array<i64: 1, 128>}, {transform_indices = @transform_8, window_bounds = array<i64: 1000, 128>}]} {
    %get3A = arith.constant 0 : index
    %get3A_0 = arith.constant 0 : index
    %get3A_1 = arith.constant 0 : index
    %get3A_2 = arith.constant 0 : index
    %get3A_3 = vector.load %arg4[%get3A, %get3A_0, %get3A_1, %get3A_2] : memref<1x1x1000x128xf32, #tpu.memory_space<vmem>>, vector<1x1x1000x1xf32>
    %get3A_4 = vector.shape_cast %get3A_3 : vector<1x1x1000x1xf32> to vector<1000x1xf32>
    %get3A_5 = arith.constant 0 : index
    %get3A_6 = arith.constant 0 : index
    %get3A_7 = arith.constant 0 : index
    %get3A_8 = arith.constant 0 : index
    %get3A_9 = vector.load %arg5[%get3A_5, %get3A_6, %get3A_7, %get3A_8] : memref<1x1x1000x128xf32, #tpu.memory_space<vmem>>, vector<1x1x1000x1xf32>
    %get3A_10 = vector.shape_cast %get3A_9 : vector<1x1x1000x1xf32> to vector<1000x1xf32>
    %add3A = arith.addf %get3A_4, %get3A_10 : vector<1000x1xf32>
    %get3A_11 = arith.constant 0 : index
    %get3A_12 = arith.constant 0 : index
    %get3A_13 = arith.constant 0 : index
    %get3A_14 = vector.load %arg2[%get3A_11, %get3A_12, %get3A_13] : memref<1x1000x128xf32, #tpu.memory_space<vmem>>, vector<1x1000x128xf32>
    %get3A_15 = vector.shape_cast %get3A_14 : vector<1x1000x128xf32> to vector<1000x128xf32>
    %get3A_16 = arith.constant 0 : index
    %get3A_17 = arith.constant 0 : index
    %get3A_18 = arith.constant 0 : index
    %get3A_19 = vector.load %arg3[%get3A_16, %get3A_17, %get3A_18] : memref<1x1000x128xf32, #tpu.memory_space<vmem>>, vector<1x1000x128xf32>
    %get3A_20 = vector.shape_cast %get3A_19 : vector<1x1000x128xf32> to vector<1000x128xf32>
    %add3A_21 = arith.addf %get3A_15, %get3A_20 : vector<1000x128xf32>
    %max3A = arith.constant 1.000000e+00 : f32
    %max3A_22 = vector.broadcast %max3A : f32 to vector<1000x1xf32>
    %max3A_23 = arith.maximumf %add3A, %max3A_22 : vector<1000x1xf32>
    %div3A = vector.broadcast %max3A_23 : vector<1000x1xf32> to vector<1000x128xf32>
    %div3A_24 = arith.divf %add3A_21, %div3A : vector<1000x128xf32>
    %get3A_25 = arith.constant 0 : index
    %get3A_26 = arith.constant 0 : index
    %get3A_27 = vector.load %arg1[%get3A_25, %get3A_26] : memref<1000x128xf32, #tpu.memory_space<vmem>>, vector<1000x128xf32>
    %get3A_28 = arith.constant 0 : index
    %get3A_29 = arith.constant 0 : index
    %get3A_30 = vector.load %arg6[%get3A_28, %get3A_29] : memref<128x128xf32, #tpu.memory_space<vmem>>, vector<128x128xf32>
    %dot_general3A = arith.constant dense<0.000000e+00> : vector<1000x128xf32>
    %dot_general3A_31 = tpu.matmul %get3A_27, %get3A_30, %dot_general3A {dimension_numbers = #tpu.dot_dimension_numbers<[1], [0], [0], [1], [0, 0, 1, 1], [], []>, transpose_lhs_hint = false} : vector<1000x128xf32>, vector<128x128xf32>, vector<1000x128xf32> -> vector<1000x128xf32>
    %get3A_32 = arith.constant 0 : index
    %get3A_33 = arith.constant 0 : index
    %get3A_34 = vector.load %arg7[%get3A_32, %get3A_33] : memref<128x128xf32, #tpu.memory_space<vmem>>, vector<128x128xf32>
    %dot_general3A_35 = arith.constant dense<0.000000e+00> : vector<1000x128xf32>
    %dot_general3A_36 = tpu.matmul %div3A_24, %get3A_34, %dot_general3A_35 {dimension_numbers = #tpu.dot_dimension_numbers<[1], [0], [0], [1], [0, 0, 1, 1], [], []>, transpose_lhs_hint = false} : vector<1000x128xf32>, vector<128x128xf32>, vector<1000x128xf32> -> vector<1000x128xf32>
    %add3A_37 = arith.addf %dot_general3A_31, %dot_general3A_36 : vector<1000x128xf32>
    %get3A_38 = arith.constant 0 : index
    %get3A_39 = arith.constant 0 : index
    %get3A_40 = vector.load %arg8[%get3A_38, %get3A_39] : memref<1x128xf32, #tpu.memory_space<vmem>>, vector<1x128xf32>
    %add3A_41 = vector.broadcast %get3A_40 : vector<1x128xf32> to vector<1000x128xf32>
    %add3A_42 = arith.addf %add3A_37, %add3A_41 : vector<1000x128xf32>
    %max3A_43 = arith.constant 0.000000e+00 : f32
    %max3A_44 = vector.broadcast %max3A_43 : f32 to vector<1000x128xf32>
    %max3A_45 = arith.maximumf %add3A_42, %max3A_44 : vector<1000x128xf32>
    %swap3A = arith.constant 0 : index
    %swap3A_46 = arith.constant 0 : index
    %swap3A_47 = vector.load %arg9[%swap3A, %swap3A_46] : memref<1000x128xf32, #tpu.memory_space<vmem>>, vector<1000x128xf32>
    tpu.vector_store %arg9[%swap3A, %swap3A_46], %max3A_45 {strides = array<i32>} : memref<1000x128xf32, #tpu.memory_space<vmem>>, vector<1000x128xf32>,
    return
  }
  func.func @transform_0(%arg0: i32) -> (i32, i32) {
    %c0_i32 = arith.constant 0 : i32
    %c0_i32_0 = arith.constant 0 : i32
    return %arg0, %c0_i32 : i32, i32
  }
  func.func @transform_1(%arg0: i32) -> (i32, i32, i32) {
    %c0_i32 = arith.constant 0 : i32
    %c0_i32_0 = arith.constant 0 : i32
    %c0_i32_1 = arith.constant 0 : i32
    return %c0_i32, %arg0, %c0_i32_0 : i32, i32, i32
  }
  func.func @transform_2(%arg0: i32) -> (i32, i32, i32) {
    %c1_i32 = arith.constant 1 : i32
    %c0_i32 = arith.constant 0 : i32
    %c0_i32_0 = arith.constant 0 : i32
    return %c1_i32, %arg0, %c0_i32 : i32, i32, i32
  }
  func.func @transform_3(%arg0: i32) -> (i32, i32, i32, i32) {
    %c0_i32 = arith.constant 0 : i32
    %c0_i32_0 = arith.constant 0 : i32
    %c0_i32_1 = arith.constant 0 : i32
    %c0_i32_2 = arith.constant 0 : i32
    return %c0_i32, %c0_i32_0, %arg0, %c0_i32_1 : i32, i32, i32, i32
  }
  func.func @transform_4(%arg0: i32) -> (i32, i32, i32, i32) {
    %c0_i32 = arith.constant 0 : i32
    %c1_i32 = arith.constant 1 : i32
    %c0_i32_0 = arith.constant 0 : i32
    %c0_i32_1 = arith.constant 0 : i32
    return %c0_i32, %c1_i32, %arg0, %c0_i32_0 : i32, i32, i32, i32
  }
  func.func @transform_5(%arg0: i32) -> (i32, i32) {
    %c0_i32 = arith.constant 0 : i32
    %c0_i32_0 = arith.constant 0 : i32
    %c0_i32_1 = arith.constant 0 : i32
    return %c0_i32, %c0_i32_0 : i32, i32
  }
  func.func @transform_6(%arg0: i32) -> (i32, i32) {
    %c0_i32 = arith.constant 0 : i32
    %c0_i32_0 = arith.constant 0 : i32
    %c0_i32_1 = arith.constant 0 : i32
    return %c0_i32, %c0_i32_0 : i32, i32
  }
  func.func @transform_7(%arg0: i32) -> (i32, i32) {
    %c0_i32 = arith.constant 0 : i32
    %c0_i32_0 = arith.constant 0 : i32
    %c0_i32_1 = arith.constant 0 : i32
    return %c0_i32, %c0_i32_0 : i32, i32
  }
  func.func @transform_8(%arg0: i32) -> (i32, i32) {
    %c0_i32 = arith.constant 0 : i32
    %c0_i32_0 = arith.constant 0 : i32
    return %arg0, %c0_i32 : i32, i32
  }
}

module attributes {stable_mosaic.version = 14 : i64} {
  func.func @body(%arg0: i32, %arg1: memref<1000x128xf32, #tpu.memory_space<vmem>>, %arg2: memref<1x1000x128xf32, #tpu.memory_space<vmem>>, %arg3: memref<1x1000x128xf32, #tpu.memory_space<vmem>>, %arg4: memref<1x1x1000x128xf32, #tpu.memory_space<vmem>>, %arg5: memref<1x1x1000x128xf32, #tpu.memory_space<vmem>>, %arg6: memref<128x128xf32, #tpu.memory_space<vmem>>, %arg7: memref<128x128xf32, #tpu.memory_space<vmem>>, %arg8: memref<1x128xf32, #tpu.memory_space<vmem>>, %arg9: memref<1000x128xf32, #tpu.memory_space<vmem>>) attributes {dimension_semantics = [#tpu.dimension_semantics<arbitrary>], iteration_bounds = array<i64: 10>, scalar_prefetch = 0 : i64, scratch_operands = 0 : i64, tpu.core_type = #tpu.core_type<tc>, window_params = [{transform_indices = @transform_0, window_bounds = array<i64: 1000, 128>}, {transform_indices = @transform_1, window_bounds = array<i64: 1, 1000, 128>}, {transform_indices = @transform_2, window_bounds = array<i64: 1, 1000, 128>}, {transform_indices = @transform_3, window_bounds = array<i64: 1, 1, 1000, 128>}, {transform_indices = @transform_4, window_bounds = array<i64: 1, 1, 1000, 128>}, {pipeline_mode = #tpu.pipeline_mode<synchronous>, transform_indices = @transform_5, window_bounds = array<i64: 128, 128>}, {pipeline_mode = #tpu.pipeline_mode<synchronous>, transform_indices = @transform_6, window_bounds = array<i64: 128, 128>}, {pipeline_mode = #tpu.pipeline_mode<synchronous>, transform_indices = @transform_7, window_bounds = array<i64: 1, 128>}, {transform_indices = @transform_8, window_bounds = array<i64: 1000, 128>}]} {
    %get3A = arith.constant 0 : index
    %get3A_0 = arith.constant 0 : index
    %get3A_1 = arith.constant 0 : index
    %get3A_2 = arith.constant 0 : index
    %get3A_3 = vector.load %arg4[%get3A, %get3A_0, %get3A_1, %get3A_2] : memref<1x1x1000x128xf32, #tpu.memory_space<vmem>>, vector<1x1x1000x1xf32>
    %get3A_4 = vector.shape_cast %get3A_3 : vector<1x1x1000x1xf32> to vector<1000x1xf32>
    %get3A_5 = arith.constant 0 : index
    %get3A_6 = arith.constant 0 : index
    %get3A_7 = arith.constant 0 : index
    %get3A_8 = arith.constant 0 : index
    %get3A_9 = vector.load %arg5[%get3A_5, %get3A_6, %get3A_7, %get3A_8] : memref<1x1x1000x128xf32, #tpu.memory_space<vmem>>, vector<1x1x1000x1xf32>
    %get3A_10 = vector.shape_cast %get3A_9 : vector<1x1x1000x1xf32> to vector<1000x1xf32>
    %add3A = arith.addf %get3A_4, %get3A_10 : vector<1000x1xf32>
    %get3A_11 = arith.constant 0 : index
    %get3A_12 = arith.constant 0 : index
    %get3A_13 = arith.constant 0 : index
    %get3A_14 = vector.load %arg2[%get3A_11, %get3A_12, %get3A_13] : memref<1x1000x128xf32, #tpu.memory_space<vmem>>, vector<1x1000x128xf32>
    %get3A_15 = vector.shape_cast %get3A_14 : vector<1x1000x128xf32> to vector<1000x128xf32>
    %get3A_16 = arith.constant 0 : index
    %get3A_17 = arith.constant 0 : index
    %get3A_18 = arith.constant 0 : index
    %get3A_19 = vector.load %arg3[%get3A_16, %get3A_17, %get3A_18] : memref<1x1000x128xf32, #tpu.memory_space<vmem>>, vector<1x1000x128xf32>
    %get3A_20 = vector.shape_cast %get3A_19 : vector<1x1000x128xf32> to vector<1000x128xf32>
    %add3A_21 = arith.addf %get3A_15, %get3A_20 : vector<1000x128xf32>
    %max3A = arith.constant 1.000000e+00 : f32
    %max3A_22 = vector.broadcast %max3A : f32 to vector<1000x1xf32>
    %max3A_23 = arith.maximumf %add3A, %max3A_22 : vector<1000x1xf32>
    %div3A = vector.broadcast %max3A_23 : vector<1000x1xf32> to vector<1000x128xf32>
    %div3A_24 = arith.divf %add3A_21, %div3A : vector<1000x128xf32>
    %get3A_25 = arith.constant 0 : index
    %get3A_26 = arith.constant 0 : index
    %get3A_27 = vector.load %arg1[%get3A_25, %get3A_26] : memref<1000x128xf32, #tpu.memory_space<vmem>>, vector<1000x128xf32>
    %get3A_28 = arith.constant 0 : index
    %get3A_29 = arith.constant 0 : index
    %get3A_30 = vector.load %arg6[%get3A_28, %get3A_29] : memref<128x128xf32, #tpu.memory_space<vmem>>, vector<128x128xf32>
    %dot_general3A = arith.constant dense<0.000000e+00> : vector<1000x128xf32>
    %dot_general3A_31 = tpu.matmul %get3A_27, %get3A_30, %dot_general3A {dimension_numbers = #tpu.dot_dimension_numbers<[1], [0], [0], [1], [0, 0, 1, 1], [], []>, transpose_lhs_hint = false} : vector<1000x128xf32>, vector<128x128xf32>, vector<1000x128xf32> -> vector<1000x128xf32>
    %get3A_32 = arith.constant 0 : index
    %get3A_33 = arith.constant 0 : index
    %get3A_34 = vector.load %arg7[%get3A_32, %get3A_33] : memref<128x128xf32, #tpu.memory_space<vmem>>, vector<128x128xf32>
    %dot_general3A_35 = arith.constant dense<0.000000e+00> : vector<1000x128xf32>
    %dot_general3A_36 = tpu.matmul %div3A_24, %get3A_34, %dot_general3A_35 {dimension_numbers = #tpu.dot_dimension_numbers<[1], [0], [0], [1], [0, 0, 1, 1], [], []>, transpose_lhs_hint = false} : vector<1000x128xf32>, vector<128x128xf32>, vector<1000x128xf32> -> vector<1000x128xf32>
    %add3A_37 = arith.addf %dot_general3A_31, %dot_general3A_36 : vector<1000x128xf32>
    %get3A_38 = arith.constant 0 : index
    %get3A_39 = arith.constant 0 : index
    %get3A_40 = vector.load %arg8[%get3A_38, %get3A_39] : memref<1x128xf32, #tpu.memory_space<vmem>>, vector<1x128xf32>
    %add3A_41 = vector.broadcast %get3A_40 : vector<1x128xf32> to vector<1000x128xf32>
    %add3A_42 = arith.addf %add3A_37, %add3A_41 : vector<1000x128xf32>
    %swap3A = arith.constant 0 : index
    %swap3A_43 = arith.constant 0 : index
    %swap3A_44 = vector.load %arg9[%swap3A, %swap3A_43] : memref<1000x128xf32, #tpu.memory_space<vmem>>, vector<1000x128xf32>
    tpu.vector_store %arg9[%swap3A, %swap3A_43], %add3A_42 {strides = array<i32>} : memref<1000x128xf32, #tpu.memory_space<vmem>>, vector<1000x128xf32>,
    return
  }
  func.func @transform_0(%arg0: i32) -> (i32, i32) {
    %c0_i32 = arith.constant 0 : i32
    %c0_i32_0 = arith.constant 0 : i32
    return %arg0, %c0_i32 : i32, i32
  }
  func.func @transform_1(%arg0: i32) -> (i32, i32, i32) {
    %c0_i32 = arith.constant 0 : i32
    %c0_i32_0 = arith.constant 0 : i32
    %c0_i32_1 = arith.constant 0 : i32
    return %c0_i32, %arg0, %c0_i32_0 : i32, i32, i32
  }
  func.func @transform_2(%arg0: i32) -> (i32, i32, i32) {
    %c1_i32 = arith.constant 1 : i32
    %c0_i32 = arith.constant 0 : i32
    %c0_i32_0 = arith.constant 0 : i32
    return %c1_i32, %arg0, %c0_i32 : i32, i32, i32
  }
  func.func @transform_3(%arg0: i32) -> (i32, i32, i32, i32) {
    %c1_i32 = arith.constant 1 : i32
    %c0_i32 = arith.constant 0 : i32
    %c0_i32_0 = arith.constant 0 : i32
    %c0_i32_1 = arith.constant 0 : i32
    return %c1_i32, %c0_i32, %arg0, %c0_i32_0 : i32, i32, i32, i32
  }
  func.func @transform_4(%arg0: i32) -> (i32, i32, i32, i32) {
    %c1_i32 = arith.constant 1 : i32
    %c1_i32_0 = arith.constant 1 : i32
    %c0_i32 = arith.constant 0 : i32
    %c0_i32_1 = arith.constant 0 : i32
    return %c1_i32, %c1_i32_0, %arg0, %c0_i32 : i32, i32, i32, i32
  }
  func.func @transform_5(%arg0: i32) -> (i32, i32) {
    %c0_i32 = arith.constant 0 : i32
    %c0_i32_0 = arith.constant 0 : i32
    %c0_i32_1 = arith.constant 0 : i32
    return %c0_i32, %c0_i32_0 : i32, i32
  }
  func.func @transform_6(%arg0: i32) -> (i32, i32) {
    %c0_i32 = arith.constant 0 : i32
    %c0_i32_0 = arith.constant 0 : i32
    %c0_i32_1 = arith.constant 0 : i32
    return %c0_i32, %c0_i32_0 : i32, i32
  }
  func.func @transform_7(%arg0: i32) -> (i32, i32) {
    %c0_i32 = arith.constant 0 : i32
    %c0_i32_0 = arith.constant 0 : i32
    %c0_i32_1 = arith.constant 0 : i32
    return %c0_i32, %c0_i32_0 : i32, i32
  }
  func.func @transform_8(%arg0: i32) -> (i32, i32) {
    %c0_i32 = arith.constant 0 : i32
    %c0_i32_0 = arith.constant 0 : i32
    return %arg0, %c0_i32 : i32, i32
  }
}

module attributes {stable_mosaic.version = 14 : i64} {
  func.func @body(%arg0: i32, %arg1: memref<1024x128xf32, #tpu.memory_space<vmem>>, %arg2: memref<1024x128xf32, #tpu.memory_space<vmem>>, %arg3: memref<128x128xf32, #tpu.memory_space<vmem>>, %arg4: memref<1x128xf32, #tpu.memory_space<vmem>>, %arg5: memref<128x128xf32, #tpu.memory_space<vmem>>, %arg6: memref<1x128xf32, #tpu.memory_space<vmem>>, %arg7: memref<128x128xf32, #tpu.memory_space<vmem>>, %arg8: memref<1x128xf32, #tpu.memory_space<vmem>>, %arg9: memref<1024x128xf32, #tpu.memory_space<vmem>>) attributes {dimension_semantics = [#tpu.dimension_semantics<arbitrary>], iteration_bounds = array<i64: 16>, scalar_prefetch = 0 : i64, scratch_operands = 0 : i64, tpu.core_type = #tpu.core_type<tc>, window_params = [{transform_indices = @transform_0, window_bounds = array<i64: 1024, 128>}, {transform_indices = @transform_1, window_bounds = array<i64: 1024, 128>}, {pipeline_mode = #tpu.pipeline_mode<synchronous>, transform_indices = @transform_2, window_bounds = array<i64: 128, 128>}, {pipeline_mode = #tpu.pipeline_mode<synchronous>, transform_indices = @transform_3, window_bounds = array<i64: 1, 128>}, {pipeline_mode = #tpu.pipeline_mode<synchronous>, transform_indices = @transform_4, window_bounds = array<i64: 128, 128>}, {pipeline_mode = #tpu.pipeline_mode<synchronous>, transform_indices = @transform_5, window_bounds = array<i64: 1, 128>}, {pipeline_mode = #tpu.pipeline_mode<synchronous>, transform_indices = @transform_6, window_bounds = array<i64: 128, 128>}, {pipeline_mode = #tpu.pipeline_mode<synchronous>, transform_indices = @transform_7, window_bounds = array<i64: 1, 128>}, {transform_indices = @transform_8, window_bounds = array<i64: 1024, 128>}]} {
    %get3A = arith.constant 0 : index
    %get3A_0 = arith.constant 0 : index
    %get3A_1 = vector.load %arg1[%get3A, %get3A_0] : memref<1024x128xf32, #tpu.memory_space<vmem>>, vector<1024x128xf32>
    %get3A_2 = arith.constant 0 : index
    %get3A_3 = arith.constant 0 : index
    %get3A_4 = vector.load %arg2[%get3A_2, %get3A_3] : memref<1024x128xf32, #tpu.memory_space<vmem>>, vector<1024x128xf32>
    %mul3A = arith.mulf %get3A_1, %get3A_4 : vector<1024x128xf32>
    %get3A_5 = arith.constant 0 : index
    %get3A_6 = arith.constant 0 : index
    %get3A_7 = vector.load %arg3[%get3A_5, %get3A_6] : memref<128x128xf32, #tpu.memory_space<vmem>>, vector<128x128xf32>
    %dot_general3A = arith.constant dense<0.000000e+00> : vector<1024x128xf32>
    %dot_general3A_8 = tpu.matmul %mul3A, %get3A_7, %dot_general3A {dimension_numbers = #tpu.dot_dimension_numbers<[1], [0], [0], [1], [0, 0, 1, 1], [], []>, transpose_lhs_hint = false} : vector<1024x128xf32>, vector<128x128xf32>, vector<1024x128xf32> -> vector<1024x128xf32>
    %get3A_9 = arith.constant 0 : index
    %get3A_10 = arith.constant 0 : index
    %get3A_11 = vector.load %arg4[%get3A_9, %get3A_10] : memref<1x128xf32, #tpu.memory_space<vmem>>, vector<1x128xf32>
    %add3A = vector.broadcast %get3A_11 : vector<1x128xf32> to vector<1024x128xf32>
    %add3A_12 = arith.addf %dot_general3A_8, %add3A : vector<1024x128xf32>
    %max3A = arith.constant 0.000000e+00 : f32
    %max3A_13 = vector.broadcast %max3A : f32 to vector<1024x128xf32>
    %max3A_14 = arith.maximumf %add3A_12, %max3A_13 : vector<1024x128xf32>
    %get3A_15 = arith.constant 0 : index
    %get3A_16 = arith.constant 0 : index
    %get3A_17 = vector.load %arg5[%get3A_15, %get3A_16] : memref<128x128xf32, #tpu.memory_space<vmem>>, vector<128x128xf32>
    %dot_general3A_18 = arith.constant dense<0.000000e+00> : vector<1024x128xf32>
    %dot_general3A_19 = tpu.matmul %max3A_14, %get3A_17, %dot_general3A_18 {dimension_numbers = #tpu.dot_dimension_numbers<[1], [0], [0], [1], [0, 0, 1, 1], [], []>, transpose_lhs_hint = false} : vector<1024x128xf32>, vector<128x128xf32>, vector<1024x128xf32> -> vector<1024x128xf32>
    %get3A_20 = arith.constant 0 : index
    %get3A_21 = arith.constant 0 : index
    %get3A_22 = vector.load %arg6[%get3A_20, %get3A_21] : memref<1x128xf32, #tpu.memory_space<vmem>>, vector<1x128xf32>
    %add3A_23 = vector.broadcast %get3A_22 : vector<1x128xf32> to vector<1024x128xf32>
    %add3A_24 = arith.addf %dot_general3A_19, %add3A_23 : vector<1024x128xf32>
    %max3A_25 = arith.constant 0.000000e+00 : f32
    %max3A_26 = vector.broadcast %max3A_25 : f32 to vector<1024x128xf32>
    %max3A_27 = arith.maximumf %add3A_24, %max3A_26 : vector<1024x128xf32>
    %get3A_28 = arith.constant 0 : index
    %get3A_29 = arith.constant 0 : index
    %get3A_30 = vector.load %arg7[%get3A_28, %get3A_29] : memref<128x128xf32, #tpu.memory_space<vmem>>, vector<128x128xf32>
    %dot_general3A_31 = arith.constant dense<0.000000e+00> : vector<1024x128xf32>
    %dot_general3A_32 = tpu.matmul %max3A_27, %get3A_30, %dot_general3A_31 {dimension_numbers = #tpu.dot_dimension_numbers<[1], [0], [0], [1], [0, 0, 1, 1], [], []>, transpose_lhs_hint = false} : vector<1024x128xf32>, vector<128x128xf32>, vector<1024x128xf32> -> vector<1024x128xf32>
    %get3A_33 = arith.constant 0 : index
    %get3A_34 = arith.constant 0 : index
    %get3A_35 = vector.load %arg8[%get3A_33, %get3A_34] : memref<1x128xf32, #tpu.memory_space<vmem>>, vector<1x128xf32>
    %add3A_36 = vector.broadcast %get3A_35 : vector<1x128xf32> to vector<1024x128xf32>
    %add3A_37 = arith.addf %dot_general3A_32, %add3A_36 : vector<1024x128xf32>
    %swap3A = arith.constant 0 : index
    %swap3A_38 = arith.constant 0 : index
    %swap3A_39 = vector.load %arg9[%swap3A, %swap3A_38] : memref<1024x128xf32, #tpu.memory_space<vmem>>, vector<1024x128xf32>
    tpu.vector_store %arg9[%swap3A, %swap3A_38], %add3A_37 {strides = array<i32>} : memref<1024x128xf32, #tpu.memory_space<vmem>>, vector<1024x128xf32>,
    return
  }
  func.func @transform_0(%arg0: i32) -> (i32, i32) {
    %lt3A = arith.constant 8 : i32
    %lt3A_0 = arith.cmpi slt, %arg0, %lt3A : i32
    %add3A = arith.constant 8 : i32
    %add3A_1 = arith.addi %arg0, %add3A : i32
    %select_n3A = arith.select %lt3A_0, %arg0, %add3A_1 : i32
    %c0_i32 = arith.constant 0 : i32
    %c0_i32_2 = arith.constant 0 : i32
    return %select_n3A, %c0_i32 : i32, i32
  }
  func.func @transform_1(%arg0: i32) -> (i32, i32) {
    %lt3A = arith.constant 8 : i32
    %lt3A_0 = arith.cmpi slt, %arg0, %lt3A : i32
    %add3A = arith.constant 8 : i32
    %add3A_1 = arith.addi %arg0, %add3A : i32
    %add3A_2 = arith.constant 16 : i32
    %add3A_3 = arith.addi %arg0, %add3A_2 : i32
    %select_n3A = arith.select %lt3A_0, %add3A_1, %add3A_3 : i32
    %c0_i32 = arith.constant 0 : i32
    %c0_i32_4 = arith.constant 0 : i32
    return %select_n3A, %c0_i32 : i32, i32
  }
  func.func @transform_2(%arg0: i32) -> (i32, i32) {
    %c0_i32 = arith.constant 0 : i32
    %c0_i32_0 = arith.constant 0 : i32
    %c0_i32_1 = arith.constant 0 : i32
    return %c0_i32, %c0_i32_0 : i32, i32
  }
  func.func @transform_3(%arg0: i32) -> (i32, i32) {
    %c0_i32 = arith.constant 0 : i32
    %c0_i32_0 = arith.constant 0 : i32
    %c0_i32_1 = arith.constant 0 : i32
    return %c0_i32, %c0_i32_0 : i32, i32
  }
  func.func @transform_4(%arg0: i32) -> (i32, i32) {
    %c0_i32 = arith.constant 0 : i32
    %c0_i32_0 = arith.constant 0 : i32
    %c0_i32_1 = arith.constant 0 : i32
    return %c0_i32, %c0_i32_0 : i32, i32
  }
  func.func @transform_5(%arg0: i32) -> (i32, i32) {
    %c0_i32 = arith.constant 0 : i32
    %c0_i32_0 = arith.constant 0 : i32
    %c0_i32_1 = arith.constant 0 : i32
    return %c0_i32, %c0_i32_0 : i32, i32
  }
  func.func @transform_6(%arg0: i32) -> (i32, i32) {
    %c0_i32 = arith.constant 0 : i32
    %c0_i32_0 = arith.constant 0 : i32
    %c0_i32_1 = arith.constant 0 : i32
    return %c0_i32, %c0_i32_0 : i32, i32
  }
  func.func @transform_7(%arg0: i32) -> (i32, i32) {
    %c0_i32 = arith.constant 0 : i32
    %c0_i32_0 = arith.constant 0 : i32
    %c0_i32_1 = arith.constant 0 : i32
    return %c0_i32, %c0_i32_0 : i32, i32
  }
  func.func @transform_8(%arg0: i32) -> (i32, i32) {
    %c0_i32 = arith.constant 0 : i32
    %c0_i32_0 = arith.constant 0 : i32
    return %arg0, %c0_i32 : i32, i32
  }
}

</mosaic_0001>

<sc_bundles>
// kernel: kernel.10.cloned.1.call-start
scs
__scs_entry_jumppad:
0x0: {  	(pc) =	sbr.rel $0x88, $3  }
0x1: {  	(tag) =	ssettag $0x0;
	lr =	simm.s32 $0x1  }
0x2: {  	[smem:$0x3F8F] =	sst lr;
	_ =	strace $0xD0000000  }
0x3: {  	_ = 	snop  }
0x4: {  	_ = 	snop  }
0x5: {  	_ = 	snop  }
0x6: {  	_ = 	snop  }
0x7: {  	_ = 	snop  }
__scs_overlays_trampoline_lowered:
0x8: {  	[smem:$0x3F9E] =	sst s0  }
0x9: {  	[smem:$0x3F9F] =	sst s1  }
0xa: {  	[smem:$0x3FA0] =	sst s2  }
0xb: {  	[smem:$0x3FA1] =	sst s3  }
0xc: {  	[smem:$0x3FA2] =	sst s4  }
0xd: {  	[smem:$0x3FA3] =	sst s5  }
0xe: {  	[smem:$0x3FA4] =	sst s6  }
0xf: {  	[smem:$0x3FA5] =	sst s7  }
0x10: {  	[smem:$0x3FA6] =	sst s8  }
0x11: {  	[smem:$0x3FA7] =	sst s9;
	s0 =	simm.s32 @!p0 $0x0  }
0x12: {  	s1 =	sld [smem:$0x3F8D];
	s0 =	simm.s32 @p0 $0x1  }
0x13: {  	[smem:$0x3FA8] =	sst s0;
	s0 =	simm.s32 @!p1 $0x0  }
0x14: {  	s2 =	sld [smem:$0x3F8C];
	s0 =	simm.s32 @p1 $0x1  }
0x15: {  	[smem:$0x3FA9] =	sst s0;
	s0 =	simm.s32 @!p2 $0x0  }
0x16: {  	s3 =	sld [smem:$0x3FDB];
	s0 =	simm.s32 @p2 $0x1  }
0x17: {  	s4 =	simm.s32 $0x1BF5;
	[smem:$0x3FAB] =	sst s0  }
0x18: {  	s0 =	sld [smem:$0x3F8E];
	_ =	swait.ge [sflag:s4], $0x0  }
0x19: {  	s7 =	sld [smem:$0x3F8F]  }
0x1a: {  	s8 =	sadd.s32 $0xFFFFE003, lr  }
0x1b: {  	s9 =	sadd.s32 $0xFFFFFEF7, lr;
	s5 =	simm.s32 $0xFFFFFFFF;
	p2 =	slt.u32 s8, $0xFFFFF086  }
0x1c: {  	p1 =	slt.u32 s9, $0xF7A;
	s5 =	simm.s32 @!p2 $0x0  }
0x1d: {  	s5 =	simm.s32 @p1 $0x1;
	p0 =	seq.s32 s7, s2  }
0x1e: {  	s7 =	smul.u32 @!p0 $0xF7A, s2;
	p2 =	seq.s32 @!p0 s5, $0x0  }
0x1f: {  	s9 =	smul.u32 $0xF7A, s1;
	s8 =	simm.s32 @!p0 $0x1BF5;
	p2 =	por !p2, p0  }
0x20: {  	[sflag:s8] =	ssyncset.s32 @!p0 $0xFFFFF086;
	s6 =	sadd.s32 @!p0 s3, s7;
	s7 =	simm.s32 @!p0 $0x108  }
0x21: {  	s3 =	sadd.s32 s3, s9;
	s6 =	sadd.s32 @!p0 $0x88, s6;
	s7 =	simm.s32 @p2 $0x1082  }
0x22: {  	[simem:s7], [sflag:s8] =	dma.local @!p0 [hbm:s6], $0xF7A  }
0x23: {  	s9 =	sor.u32 $0xD0000000, s2;
	s6 =	simm.s32 $0x108;
	_ =	swait.ge @!p0 [sflag:s8], $0x0  }
0x24: {  	s3 =	sadd.s32 $0x88, s3;
	s6 =	simm.s32 @!p1 $0x1082;
	[sflag:s4] =	ssyncset.s32 $0xFFFFF086  }
0x25: {  	[simem:s6], [sflag:s4] =	dma.local [hbm:s3], $0xF7A  }
0x26: {  	[smem:$0x3F8F] =	sst s1;
	(tag) =	ssettag s2;
	_ =	strace s9  }
0x27: {  	s1 =	sld [smem:$0x3F9F]  }
0x28: {  	s2 =	sld [smem:$0x3FA0]  }
0x29: {  	s4 =	sld [smem:$0x3FA2]  }
0x2a: {  	p0 =	seq.s32 s5, $0x0;
	s5 =	sld [smem:$0x3FA3]  }
0x2b: {  	s6 =	sld [smem:$0x3FA4]  }
0x2c: {  	s7 =	sld [smem:$0x3FA5]  }
0x2d: {  	s3 =	simm.s32 $0x108;
	s8 =	sld [smem:$0x3FA6]  }
0x2e: {  	s3 =	simm.s32 @!p0 $0x1082;
	s9 =	sld [smem:$0x3FA7]  }
0x2f: {  	lr =	sadd.s32 s0, s3;
	s0 =	sld [smem:$0x3F9E]  }
0x30: {  	s3 =	sld [smem:$0x3FA1]  }
0x31: {  	[smem:$0x3FAA] =	sst s10  }
0x32: {  	s10 =	sld [smem:$0x3FA8];
	_ =	sdelay $0x3  }
0x33: {  	p0 =	seq.s32 s10, $0x1;
	s10 =	sld [smem:$0x3FAA];
	_ =	sdelay $0x3  }
0x34: {  	[smem:$0x3FAA] =	sst s10  }
0x35: {  	s10 =	sld [smem:$0x3FA9];
	_ =	sdelay $0x3  }
0x36: {  	p1 =	seq.s32 s10, $0x1;
	s10 =	sld [smem:$0x3FAA];
	_ =	sdelay $0x3  }
0x37: {  	[smem:$0x3FAA] =	sst s10  }
0x38: {  	s10 =	sld [smem:$0x3FAB]  }
0x39: {  	_ = 	snop;
	(pc) =	sbr.ind lr, $3  }
0x3a: {  	_ = 	snop  }
0x3b: {  	_ = 	snop  }
0x3c: {  	p2 =	seq.s32 s10, $0x1;
	s10 =	sld [smem:$0x3FAA]  }
0x3d: {  	_ =	shalt  }
0x3e: {  	_ =	shalt  }
0x3f: {  	_ =	shalt  }
0x40: {  	_ =	shalt  }
0x41: {  	_ =	shalt  }
0x42: {  	_ =	shalt  }
0x43: {  	_ =	shalt  }
0x44: {  	_ =	shalt  }
0x45: {  	_ =	shalt  }
0x46: {  	_ =	shalt  }
0x47: {  	_ =	shalt  }
0x48: {  	_ =	shalt  }
0x49: {  	_ =	shalt  }
0x4a: {  	_ =	shalt  }
0x4b: {  	_ =	shalt  }
0x4c: {  	_ =	shalt  }
0x4d: {  	_ =	shalt  }
0x4e: {  	_ =	shalt  }
0x4f: {  	_ =	shalt  }
0x50: {  	_ =	shalt  }
0x51: {  	_ =	shalt  }
0x52: {  	_ =	shalt  }
0x53: {  	_ =	shalt  }
0x54: {  	_ =	shalt  }
0x55: {  	_ =	shalt  }
0x56: {  	_ =	shalt  }
0x57: {  	_ =	shalt  }
0x58: {  	_ =	shalt  }
0x59: {  	_ =	shalt  }
0x5a: {  	_ =	shalt  }
0x5b: {  	_ =	shalt  }
0x5c: {  	_ =	shalt  }
0x5d: {  	_ =	shalt  }
0x5e: {  	_ =	shalt  }
0x5f: {  	_ =	shalt  }
0x60: {  	_ =	shalt  }
0x61: {  	_ =	shalt  }
0x62: {  	_ =	shalt  }
0x63: {  	_ =	shalt  }
0x64: {  	_ =	shalt  }
0x65: {  	_ =	shalt  }
0x66: {  	_ =	shalt  }
0x67: {  	_ =	shalt  }
0x68: {  	_ =	shalt  }
0x69: {  	_ =	shalt  }
0x6a: {  	_ =	shalt  }
0x6b: {  	_ =	shalt  }
0x6c: {  	_ =	shalt  }
0x6d: {  	_ =	shalt  }
0x6e: {  	_ =	shalt  }
0x6f: {  	_ =	shalt  }
0x70: {  	_ =	shalt  }
0x71: {  	_ =	shalt  }
0x72: {  	_ =	shalt  }
0x73: {  	_ =	shalt  }
0x74: {  	_ =	shalt  }
0x75: {  	_ =	shalt  }
0x76: {  	_ =	shalt  }
0x77: {  	_ =	shalt  }
0x78: {  	_ =	shalt  }
0x79: {  	_ =	shalt  }
0x7a: {  	_ =	shalt  }
0x7b: {  	_ =	shalt  }
0x7c: {  	_ =	shalt  }
0x7d: {  	_ =	shalt  }
0x7e: {  	_ =	shalt  }
0x7f: {  	_ =	shalt  }
0x80: {  	_ =	shalt  }
0x81: {  	_ =	shalt  }
0x82: {  	_ =	shalt  }
0x83: {  	_ =	shalt  }
0x84: {  	_ =	shalt  }
0x85: {  	_ =	shalt  }
0x86: {  	_ =	shalt  }
0x87: {  	_ =	shalt  }
.Lfunc_end0:
.L_simem_size_0:
called_computation_lowered:
.L_overlay_start_0:
0x88: {  	s2 =	sld [smem:$0x3FD9]  }
0x89: {  	s3 =	sld [smem:$0x3FFE];
	_ =	sdelay $0x1  }
0x8a: {  	s1 =	srdreg.scid  }
0x8b: {  	s0 =	sand.u32 $0x1, s1  }
0x8c: {  	s17 =	sshll.u32 s0, $0xA;
	s2 =	sadd.s32 s3, s2  }
0x8d: {  	s2 =	sadd.s32 s2, s17  }
0x8e: {  	[smem:$0x3FB6] =	sst s2  }
0x8f: {  	_ = 	snop  }
0x90: {  	s2 =	sld [smem:$0x3FC4];
	(tm) =	ssettm $0x1  }
0x91: {  	s18 =	sld [smem:$0x3FFB];
	_ =	sdelay $0x3  }
0x92: {  	_ =	strace s18  }
0x93: {  	s3 =	sld [smem:$0x3FFC];
	_ =	sdelay $0x3  }
0x94: {  	_ =	strace s3  }
0x95: {  	s3 =	sld [smem:$0x3FFD];
	_ =	sdelay $0x3  }
0x96: {  	_ =	strace s3  }
0x97: {  	_ =	strace $0x8FFFFFFF  }
0x98: {  	s19 =	sld [smem:$0x3FDB];
	_ =	sdelay $0x1  }
0x99: {  	s4 =	simm.s32 $_scs_section_size  }
0x9a: {  	s5 =	simm.s32 $_size__tile_overlayer_lowered;
	s6 =	simm.s32 $_tile_overlayer_lowered  }
0x9b: {  	s22 =	simm.s32 $0x1BFF;
	s21 =	sshll.u32 s6, $0x1;
	s3 =	sadd.s32 s4, s19  }
0x9c: {  	s7 =	simm.s32 $0x0;
	s20 =	sshll.u32 s5, $0x1;
	s5 =	sadd.s32 s21, s3  }
0x9d: {  	[timem:s7], [sflag:s22] =	dma.local [hbm:s5], s20  }
0x9e: {  	_ =	swait.ge [sflag:s22], s20  }
0x9f: {  	s4 =	ssub.s32 $0x0, s20;
	[sflag:s22] =	ssyncset.done $0x0  }
0xa0: {  	[sflag:s22] =	ssyncadd.s32 s4;
	_ =	sdelay $0x1  }
0xa1: {  	s23 =	simm.s32 $0x1B8B  }
0xa2: {  	_ =	swait.ge [sflag:s23], $0x1  }
0xa3: {  	[sflag:s23] =	ssyncset.done $0x0  }
0xa4: {  	s25 =	simm.s32 $0x1B8E;
	s24 =	sld [smem:$0x3FFE];
	[sflag:s23] =	ssyncadd.s32 $0xFFFFFFFF  }
0xa5: {  	s26 =	simm.s32 $execute0_lowered;
	[smem:$0x3FD2] =	sst s25  }
0xa6: {  	s5 =	sshll.u32 s26, $0x1;
	_ =	strace $0x80000046;
	[dreg:$0x1] =	wrdreg $0xFFFFFFFF  }
0xa7: {  	s28 =	simm.s32 $_size_execute0_lowered;
	s3 =	sadd.s32 s3, s5;
	[dreg:$0x0] =	wrdreg $0x0  }
0xa8: {  	s5 =	sshll.u32 s28, $0x1;
	[dreg:$0x2] =	wrdreg s3  }
0xa9: {  	[dreg:$0x3] =	wrdreg s5  }
0xaa: {  	[dreg:$0x4] =	wrdreg $0xC0  }
0xab: {  	_ =	task [dreg:s7], $0x5FFFF  }
0xac: {  	[dreg:$0x1] =	wrdreg $0xFFFFFFFF  }
0xad: {  	[dreg:$0x0] =	wrdreg $0x60  }
0xae: {  	[dreg:$0x2] =	wrdreg s2  }
0xaf: {  	[dreg:$0x3] =	wrdreg s24  }
0xb0: {  	[dreg:$0x4] =	wrdreg $0xA  }
0xb1: {  	_ =	task.clear_ibuf [dreg:s7], $0x5FFFF;
	_ =	strace $0x90000046  }
0xb2: {  	s29 =	simm.s32 $0xA;
	_ =	strace $0x80000048  }
0xb3: {  	_ =	swait.ge [sflag:s29], $0x1  }
0xb4: {  	[sflag:s29] =	ssyncadd.s32 $0xFFFFFFFF  }
0xb5: {  	_ =	strace $0x90000048  }
0xb6: {  	_ =	sfence  }
0xb7: {  	s30 =	sld [smem:$0x0];
	_ =	sdelay $0x2  }
0xb8: {  	s31 =	sshll.u32 s1, $0xD;
	s1 =	sshrl.u32 s1, $0x2  }
0xb9: {  	s3 =	sand.u32 $0x4000, s31;
	s1 =	sadd.s32 s1, s30  }
0xba: {  	s0 =	sor.u32 s3, s0;
	s1 =	sshll.u32 s1, $0x11  }
0xbb: {  	s0 =	sor.u32 s1, s0  }
0xbc: {  	s0 =	sadd.s32 $0x8F2B, s0  }
0xbd: {  	[sflag:s0] =	ssyncadd.remote.s32 $0x1  }
0xbe: {  	_ =	sfence.sel $0xFFFF  }
0xbf: {  	[dreg:$0x0] =	wrdreg $0xFFFFFFFF;
	(pc) =	sbr.abs _section_cstart, $3  }
0xc0: {  	[dreg:$0x1] =	wrdreg $0xFFFFFFFF  }
0xc1: {  	_ =	task.clear_ibuf [dreg:s7], $0x2FFFF;
	_ =	strace $0x9FFFFFFF  }
0xc2: {  	(tm) =	ssettm $0x7FFFFFFF  }
0xc3: {  	_ =	shalt  }
tec
execute0_lowered:
.L_overlay_start_1:
0x0: {  	(tag) =	ssettag $0x1  }
0x1: {  	s1 =	srdreg.scid  }
0x2: {  	s2 =	rddreg [dreg:$0x0];
	s0 =	stileid.u32;
	s17 =	sand.u32 $0x1, s1  }
0x3: {  	s11 =	rddreg [dreg:$0x1];
	s4 =	sshll.u32 s0, $0xA;
	s5 =	sshll.u32 s17, $0x9  }
0x4: {  	s3 =	simm.s32 $0x0;
	s1 =	rddreg [dreg:$0x2];
	s15 =	sor.u32 s5, s4  }
0x5: {  	[smem:$0x7FF] =	sst s3;
	s16 =	sadd.s32 $0x3E00, s11;
	s4 =	sshrl.u32 s15, $0x3  }
0x6: {  	_ =	strace $0x80000047;
	s5 =	sadd.s32 s16, s4;
	s4 =	simm.s32 $0x3  }
0x7: {  	[tilespmem:s3], [sflag:$0x3] =	stream.linear.gather [hbm4b:s5+s3], $0x80, $0x38;
	[tilespmem:$0x8100] =	vst v63  }
0x8: {  	_ =	swait.ge [sflag:s4], $0x80  }
0x9: {  	s6 =	simm.s32 $0x80;
	s14 =	sor.u32 $0x80, s15;
	[sflag:s4] =	ssyncset.done $0x0  }
0xa: {  	s7 =	simm.s32 $0x100;
	s8 =	sshrl.u32 s14, $0x3;
	[sflag:s4] =	ssyncadd.s32 $0xFFFFFF80  }
0xb: {  	[tilespmem:s7], [sflag:$0x1] =	stream.indirect.gather [hbm4b:s2+s6], $0x80, s3, s6, $0xb8;
	[tilespmem:$0x8100] =	vst v63  }
0xc: {  	s8 =	sadd.s32 s16, s8  }
0xd: {  	[tilespmem:s6], [sflag:$0x3] =	stream.linear.gather [hbm4b:s8+s3], $0x80, $0x38;
	[tilespmem:$0x8100] =	vst v63  }
0xe: {  	_ =	swait.ge [sflag:s4], $0x80  }
0xf: {  	[sflag:s4] =	ssyncset.done $0x0  }
0x10: {  	s9 =	simm.s32 $0x4100;
	s10 =	simm.s32 $0x1;
	[sflag:s4] =	ssyncadd.s32 $0xFFFFFF80  }
0x11: {  	[tilespmem:s9], [sflag:$0x2] =	stream.indirect.gather [hbm4b:s2+s6], $0x80, s6, s6, $0xb8;
	[tilespmem:$0x8100] =	vst v63  }
0x12: {  	_ =	swait.ge [sflag:s10], $0x4000  }
0x13: {  	s18 =	sadd.s32 $0x4600, s11;
	s26 =	sshll.u32 s15, $0x4;
	[sflag:s10] =	ssyncset.done $0x0  }
0x14: {  	s11 =	sadd.s32 s18, s26;
	[sflag:s10] =	ssyncadd.s32 $0xFFFFC000  }
0x15: {  	[hbm4b:s11+s3] =	stream.linear.scatter [tilespmem:s7], [sflag:$0x3], $0x4000, $0x38;
	[tilespmem:$0x8100] =	vst v63  }
0x16: {  	s19 =	sor.u32 $0x100, s15;
	_ =	swait.ge [sflag:s4], $0x4000  }
0x17: {  	s12 =	sshrl.u32 s19, $0x3;
	[sflag:s4] =	ssyncset.done $0x0  }
0x18: {  	s12 =	sadd.s32 s16, s12;
	[sflag:s4] =	ssyncadd.s32 $0xFFFFC000  }
0x19: {  	[tilespmem:s3], [sflag:$0x3] =	stream.linear.gather [hbm4b:s12+s3], $0x80, $0x38;
	[tilespmem:$0x8100] =	vst v63  }
0x1a: {  	_ =	swait.ge [sflag:s4], $0x80  }
0x1b: {  	[sflag:s4] =	ssyncset.done $0x0  }
0x1c: {  	s13 =	simm.s32 $0x2;
	[sflag:s4] =	ssyncadd.s32 $0xFFFFFF80  }
0x1d: {  	[tilespmem:s7], [sflag:$0x1] =	stream.indirect.gather [hbm4b:s2+s6], $0x80, s3, s6, $0xb8;
	[tilespmem:$0x8100] =	vst v63  }
0x1e: {  	_ =	swait.ge [sflag:s13], $0x4000  }
0x1f: {  	s14 =	sshll.u32 s14, $0x4;
	[sflag:s13] =	ssyncset.done $0x0  }
0x20: {  	s14 =	sadd.s32 s18, s14;
	[sflag:s13] =	ssyncadd.s32 $0xFFFFC000  }
0x21: {  	[hbm4b:s14+s3] =	stream.linear.scatter [tilespmem:s9], [sflag:$0x3], $0x4000, $0x38;
	[tilespmem:$0x8100] =	vst v63  }
0x22: {  	s20 =	sor.u32 $0x180, s15;
	_ =	swait.ge [sflag:s4], $0x4000  }
0x23: {  	s15 =	sshrl.u32 s20, $0x3;
	[sflag:s4] =	ssyncset.done $0x0  }
0x24: {  	s15 =	sadd.s32 s16, s15;
	[sflag:s4] =	ssyncadd.s32 $0xFFFFC000  }
0x25: {  	[tilespmem:s6], [sflag:$0x3] =	stream.linear.gather [hbm4b:s15+s3], $0x80, $0x38;
	[tilespmem:$0x8100] =	vst v63  }
0x26: {  	_ =	swait.ge [sflag:s4], $0x80  }
0x27: {  	[sflag:s4] =	ssyncset.done $0x0  }
0x28: {  	[sflag:s4] =	ssyncadd.s32 $0xFFFFFF80  }
0x29: {  	[tilespmem:s9], [sflag:$0x2] =	stream.indirect.gather [hbm4b:s2+s6], $0x80, s6, s6, $0xb8;
	[tilespmem:$0x8100] =	vst v63  }
0x2a: {  	_ =	swait.ge [sflag:s10], $0x4000  }
0x2b: {  	s28 =	sshll.u32 s19, $0x4;
	[sflag:s10] =	ssyncset.done $0x0  }
0x2c: {  	s17 =	ssub.s32 $0x2, s17;
	s16 =	sadd.s32 s18, s28;
	[sflag:s10] =	ssyncadd.s32 $0xFFFFC000  }
0x2d: {  	[hbm4b:s16+s3] =	stream.linear.scatter [tilespmem:s7], [sflag:$0x3], $0x4000, $0x38;
	[tilespmem:$0x8100] =	vst v63  }
0x2e: {  	s29 =	sshrl.u32 s17, $0x1;
	_ =	swait.ge [sflag:s4], $0x4000  }
0x2f: {  	s19 =	ssub.s32 s17, s29;
	[sflag:s4] =	ssyncset.done $0x0  }
0x30: {  	s31 =	smax.u32 s19, $0x1;
	[sflag:s4] =	ssyncadd.s32 $0xFFFFC000  }
0x31: {  	p0 =	sne.s32 s31, $0x1;
	_ =	swait.ge [sflag:s13], $0x4000  }
.Ltmp0:
0x32: {  	s30 =	sshll.u32 s20, $0x4;
	[sflag:s13] =	ssyncset.done $0x0;
	(pc) =	sbr.rel @!p0 .LBB2_2-.Ltmp0, $4  }
0x33: {  	s17 =	sadd.s32 s18, s30;
	[sflag:s13] =	ssyncadd.s32 $0xFFFFC000  }
0x34: {  	[hbm4b:s17+s3] =	stream.linear.scatter [tilespmem:s9], [sflag:$0x3], $0x4000, $0x38;
	[tilespmem:$0x8100] =	vst v63  }
0x35: {  	_ =	swait.ge [sflag:s4], $0x4000  }
0x36: {  	s18 =	sadd.s32 $0xFFFFFFFF, s31;
	[sflag:s4] =	ssyncset.done $0x0  }
.LBB2_1:
0x37: {  	p0 =	sne.s32 s18, $0x1;
	s18 =	sadd.s32 $0xFFFFFFFF, s18;
	[sflag:s4] =	ssyncadd.s32 $0xFFFFC000  }
0x38: {  	[tilespmem:s3], [sflag:$0x3] =	stream.linear.gather [hbm4b:s5+s3], $0x80, $0x38;
	[tilespmem:$0x8100] =	vst v63  }
0x39: {  	_ =	swait.ge [sflag:s4], $0x80  }
0x3a: {  	[sflag:s4] =	ssyncset.done $0x0  }
0x3b: {  	[sflag:s4] =	ssyncadd.s32 $0xFFFFFF80  }
0x3c: {  	[tilespmem:s7], [sflag:$0x1] =	stream.indirect.gather [hbm4b:s2+s6], $0x80, s3, s6, $0xb8;
	[tilespmem:$0x8100] =	vst v63  }
0x3d: {  	_ = 	snop  }
0x3e: {  	[tilespmem:s6], [sflag:$0x3] =	stream.linear.gather [hbm4b:s8+s3], $0x80, $0x38;
	[tilespmem:$0x8100] =	vst v63  }
0x3f: {  	_ =	swait.ge [sflag:s4], $0x80  }
0x40: {  	[sflag:s4] =	ssyncset.done $0x0  }
0x41: {  	[sflag:s4] =	ssyncadd.s32 $0xFFFFFF80  }
0x42: {  	[tilespmem:s9], [sflag:$0x2] =	stream.indirect.gather [hbm4b:s2+s6], $0x80, s6, s6, $0xb8;
	[tilespmem:$0x8100] =	vst v63  }
0x43: {  	_ =	swait.ge [sflag:s10], $0x4000  }
0x44: {  	[sflag:s10] =	ssyncset.done $0x0  }
0x45: {  	[sflag:s10] =	ssyncadd.s32 $0xFFFFC000  }
0x46: {  	[hbm4b:s11+s3] =	stream.linear.scatter [tilespmem:s7], [sflag:$0x3], $0x4000, $0x38;
	[tilespmem:$0x8100] =	vst v63  }
0x47: {  	_ =	swait.ge [sflag:s4], $0x4000  }
0x48: {  	[sflag:s4] =	ssyncset.done $0x0  }
0x49: {  	[sflag:s4] =	ssyncadd.s32 $0xFFFFC000  }
0x4a: {  	[tilespmem:s3], [sflag:$0x3] =	stream.linear.gather [hbm4b:s12+s3], $0x80, $0x38;
	[tilespmem:$0x8100] =	vst v63  }
0x4b: {  	_ =	swait.ge [sflag:s4], $0x80  }
0x4c: {  	[sflag:s4] =	ssyncset.done $0x0  }
0x4d: {  	[sflag:s4] =	ssyncadd.s32 $0xFFFFFF80  }
0x4e: {  	[tilespmem:s7], [sflag:$0x1] =	stream.indirect.gather [hbm4b:s2+s6], $0x80, s3, s6, $0xb8;
	[tilespmem:$0x8100] =	vst v63  }
0x4f: {  	_ =	swait.ge [sflag:s13], $0x4000  }
0x50: {  	[sflag:s13] =	ssyncset.done $0x0  }
0x51: {  	[sflag:s13] =	ssyncadd.s32 $0xFFFFC000  }
0x52: {  	[hbm4b:s14+s3] =	stream.linear.scatter [tilespmem:s9], [sflag:$0x3], $0x4000, $0x38;
	[tilespmem:$0x8100] =	vst v63  }
0x53: {  	_ =	swait.ge [sflag:s4], $0x4000  }
0x54: {  	[sflag:s4] =	ssyncset.done $0x0  }
0x55: {  	[sflag:s4] =	ssyncadd.s32 $0xFFFFC000  }
0x56: {  	[tilespmem:s6], [sflag:$0x3] =	stream.linear.gather [hbm4b:s15+s3], $0x80, $0x38;
	[tilespmem:$0x8100] =	vst v63  }
0x57: {  	_ =	swait.ge [sflag:s4], $0x80  }
0x58: {  	[sflag:s4] =	ssyncset.done $0x0  }
0x59: {  	[sflag:s4] =	ssyncadd.s32 $0xFFFFFF80  }
0x5a: {  	[tilespmem:s9], [sflag:$0x2] =	stream.indirect.gather [hbm4b:s2+s6], $0x80, s6, s6, $0xb8;
	[tilespmem:$0x8100] =	vst v63  }
0x5b: {  	_ =	swait.ge [sflag:s10], $0x4000  }
0x5c: {  	[sflag:s10] =	ssyncset.done $0x0  }
0x5d: {  	[sflag:s10] =	ssyncadd.s32 $0xFFFFC000  }
0x5e: {  	[hbm4b:s16+s3] =	stream.linear.scatter [tilespmem:s7], [sflag:$0x3], $0x4000, $0x38;
	[tilespmem:$0x8100] =	vst v63  }
0x5f: {  	_ =	swait.ge [sflag:s4], $0x4000  }
0x60: {  	[sflag:s4] =	ssyncset.done $0x0  }
0x61: {  	[sflag:s4] =	ssyncadd.s32 $0xFFFFC000  }
0x62: {  	_ =	swait.ge [sflag:s13], $0x4000  }
.Ltmp1:
0x63: {  	[sflag:s13] =	ssyncset.done $0x0;
	(pc) =	sbr.rel @p0 .LBB2_1-.Ltmp1, $4  }
0x64: {  	[sflag:s13] =	ssyncadd.s32 $0xFFFFC000  }
0x65: {  	[hbm4b:s17+s3] =	stream.linear.scatter [tilespmem:s9], [sflag:$0x3], $0x4000, $0x38;
	[tilespmem:$0x8100] =	vst v63  }
0x66: {  	_ =	swait.ge [sflag:s4], $0x4000  }
0x67: {  	[sflag:s4] =	ssyncset.done $0x0  }
.LBB2_2:
0x68: {  	[sflag:s4] =	ssyncadd.s32 $0xFFFFC000  }
0x69: {  	_ =	sfence.sel $0x180000  }
0x6a: {  	[bflag:$0x0] =	sbarrier.arrive $0xFFFF  }
0x6b: {  	p0 =	sne.s32 s0, $0x0;
	_ =	strace $0x90000047  }
0x6c: {  	s0 =	sadd.s32 @!p0 $0x100000, s1;
	[bflag:$0x2] =	sbarrier.arrive $0xFFFF  }
0x6d: {  	[sflag:s0] =	ssyncadd.tile.s32 @!p0 $0x1;
	_ =	shalt  }
.Lfunc_end2:
_tile_overlayer_lowered:
.L_overlay_start_2:
0x6e: {  	(tag) =	ssettag $0x2  }
0x6f: {  	s0 =	rddreg [dreg:$0x0];
	s2 =	stileid.u32  }
0x70: {  	s1 =	rddreg [dreg:$0x1];
	p0 =	sne.s32 s2, $0x0  }
0x71: {  	s3 =	rddreg [dreg:$0x2];
	[bflag:$0x3] =	sbarrier.arrive $0xFFFF;
	s2 =	simm.s32 @!p0 $0x1C03  }
0x72: {  	[timem:s3], [sflag:s2] =	dma.local @!p0 [hbm:s0], s1  }
0x73: {  	s0 =	simm.s32 @!p0 $0x3  }
0x74: {  	_ =	swait.ge @!p0 [sflag:s0], s1  }
0x75: {  	s1 =	ssub.s32 @!p0 $0x0, s1;
	[sflag:s0] =	ssyncset.done @!p0 $0x0  }
0x76: {  	[sflag:s0] =	ssyncadd.s32 @!p0 s1  }
0x77: {  	[bflag:$0x3] =	sbarrier.arrive $0xFFFF  }
0x78: {  	_ =	shalt  }

// kernel: kernel.13.cloned.1.call-start
scs
__scs_entry_jumppad:
0x0: {  	(pc) =	sbr.rel $0x88, $3  }
0x1: {  	(tag) =	ssettag $0x0;
	lr =	simm.s32 $0x1  }
0x2: {  	[smem:$0x3F8F] =	sst lr;
	_ =	strace $0xD0000000  }
0x3: {  	_ = 	snop  }
0x4: {  	_ = 	snop  }
0x5: {  	_ = 	snop  }
0x6: {  	_ = 	snop  }
0x7: {  	_ = 	snop  }
__scs_overlays_trampoline_lowered:
0x8: {  	[smem:$0x3F9E] =	sst s0  }
0x9: {  	[smem:$0x3F9F] =	sst s1  }
0xa: {  	[smem:$0x3FA0] =	sst s2  }
0xb: {  	[smem:$0x3FA1] =	sst s3  }
0xc: {  	[smem:$0x3FA2] =	sst s4  }
0xd: {  	[smem:$0x3FA3] =	sst s5  }
0xe: {  	[smem:$0x3FA4] =	sst s6  }
0xf: {  	[smem:$0x3FA5] =	sst s7  }
0x10: {  	[smem:$0x3FA6] =	sst s8  }
0x11: {  	[smem:$0x3FA7] =	sst s9;
	s0 =	simm.s32 @!p0 $0x0  }
0x12: {  	s1 =	sld [smem:$0x3F8D];
	s0 =	simm.s32 @p0 $0x1  }
0x13: {  	[smem:$0x3FA8] =	sst s0;
	s0 =	simm.s32 @!p1 $0x0  }
0x14: {  	s2 =	sld [smem:$0x3F8C];
	s0 =	simm.s32 @p1 $0x1  }
0x15: {  	[smem:$0x3FA9] =	sst s0;
	s0 =	simm.s32 @!p2 $0x0  }
0x16: {  	s3 =	sld [smem:$0x3FDB];
	s0 =	simm.s32 @p2 $0x1  }
0x17: {  	s4 =	simm.s32 $0x1BF5;
	[smem:$0x3FAB] =	sst s0  }
0x18: {  	s0 =	sld [smem:$0x3F8E];
	_ =	swait.ge [sflag:s4], $0x0  }
0x19: {  	s7 =	sld [smem:$0x3F8F]  }
0x1a: {  	s8 =	sadd.s32 $0xFFFFE003, lr  }
0x1b: {  	s9 =	sadd.s32 $0xFFFFFEF7, lr;
	s5 =	simm.s32 $0xFFFFFFFF;
	p2 =	slt.u32 s8, $0xFFFFF086  }
0x1c: {  	p1 =	slt.u32 s9, $0xF7A;
	s5 =	simm.s32 @!p2 $0x0  }
0x1d: {  	s5 =	simm.s32 @p1 $0x1;
	p0 =	seq.s32 s7, s2  }
0x1e: {  	s7 =	smul.u32 @!p0 $0xF7A, s2;
	p2 =	seq.s32 @!p0 s5, $0x0  }
0x1f: {  	s9 =	smul.u32 $0xF7A, s1;
	s8 =	simm.s32 @!p0 $0x1BF5;
	p2 =	por !p2, p0  }
0x20: {  	[sflag:s8] =	ssyncset.s32 @!p0 $0xFFFFF086;
	s6 =	sadd.s32 @!p0 s3, s7;
	s7 =	simm.s32 @!p0 $0x108  }
0x21: {  	s3 =	sadd.s32 s3, s9;
	s6 =	sadd.s32 @!p0 $0x88, s6;
	s7 =	simm.s32 @p2 $0x1082  }
0x22: {  	[simem:s7], [sflag:s8] =	dma.local @!p0 [hbm:s6], $0xF7A  }
0x23: {  	s9 =	sor.u32 $0xD0000000, s2;
	s6 =	simm.s32 $0x108;
	_ =	swait.ge @!p0 [sflag:s8], $0x0  }
0x24: {  	s3 =	sadd.s32 $0x88, s3;
	s6 =	simm.s32 @!p1 $0x1082;
	[sflag:s4] =	ssyncset.s32 $0xFFFFF086  }
0x25: {  	[simem:s6], [sflag:s4] =	dma.local [hbm:s3], $0xF7A  }
0x26: {  	[smem:$0x3F8F] =	sst s1;
	(tag) =	ssettag s2;
	_ =	strace s9  }
0x27: {  	s1 =	sld [smem:$0x3F9F]  }
0x28: {  	s2 =	sld [smem:$0x3FA0]  }
0x29: {  	s4 =	sld [smem:$0x3FA2]  }
0x2a: {  	p0 =	seq.s32 s5, $0x0;
	s5 =	sld [smem:$0x3FA3]  }
0x2b: {  	s6 =	sld [smem:$0x3FA4]  }
0x2c: {  	s7 =	sld [smem:$0x3FA5]  }
0x2d: {  	s3 =	simm.s32 $0x108;
	s8 =	sld [smem:$0x3FA6]  }
0x2e: {  	s3 =	simm.s32 @!p0 $0x1082;
	s9 =	sld [smem:$0x3FA7]  }
0x2f: {  	lr =	sadd.s32 s0, s3;
	s0 =	sld [smem:$0x3F9E]  }
0x30: {  	s3 =	sld [smem:$0x3FA1]  }
0x31: {  	[smem:$0x3FAA] =	sst s10  }
0x32: {  	s10 =	sld [smem:$0x3FA8];
	_ =	sdelay $0x3  }
0x33: {  	p0 =	seq.s32 s10, $0x1;
	s10 =	sld [smem:$0x3FAA];
	_ =	sdelay $0x3  }
0x34: {  	[smem:$0x3FAA] =	sst s10  }
0x35: {  	s10 =	sld [smem:$0x3FA9];
	_ =	sdelay $0x3  }
0x36: {  	p1 =	seq.s32 s10, $0x1;
	s10 =	sld [smem:$0x3FAA];
	_ =	sdelay $0x3  }
0x37: {  	[smem:$0x3FAA] =	sst s10  }
0x38: {  	s10 =	sld [smem:$0x3FAB]  }
0x39: {  	_ = 	snop;
	(pc) =	sbr.ind lr, $3  }
0x3a: {  	_ = 	snop  }
0x3b: {  	_ = 	snop  }
0x3c: {  	p2 =	seq.s32 s10, $0x1;
	s10 =	sld [smem:$0x3FAA]  }
0x3d: {  	_ =	shalt  }
0x3e: {  	_ =	shalt  }
0x3f: {  	_ =	shalt  }
0x40: {  	_ =	shalt  }
0x41: {  	_ =	shalt  }
0x42: {  	_ =	shalt  }
0x43: {  	_ =	shalt  }
0x44: {  	_ =	shalt  }
0x45: {  	_ =	shalt  }
0x46: {  	_ =	shalt  }
0x47: {  	_ =	shalt  }
0x48: {  	_ =	shalt  }
0x49: {  	_ =	shalt  }
0x4a: {  	_ =	shalt  }
0x4b: {  	_ =	shalt  }
0x4c: {  	_ =	shalt  }
0x4d: {  	_ =	shalt  }
0x4e: {  	_ =	shalt  }
0x4f: {  	_ =	shalt  }
0x50: {  	_ =	shalt  }
0x51: {  	_ =	shalt  }
0x52: {  	_ =	shalt  }
0x53: {  	_ =	shalt  }
0x54: {  	_ =	shalt  }
0x55: {  	_ =	shalt  }
0x56: {  	_ =	shalt  }
0x57: {  	_ =	shalt  }
0x58: {  	_ =	shalt  }
0x59: {  	_ =	shalt  }
0x5a: {  	_ =	shalt  }
0x5b: {  	_ =	shalt  }
0x5c: {  	_ =	shalt  }
0x5d: {  	_ =	shalt  }
0x5e: {  	_ =	shalt  }
0x5f: {  	_ =	shalt  }
0x60: {  	_ =	shalt  }
0x61: {  	_ =	shalt  }
0x62: {  	_ =	shalt  }
0x63: {  	_ =	shalt  }
0x64: {  	_ =	shalt  }
0x65: {  	_ =	shalt  }
0x66: {  	_ =	shalt  }
0x67: {  	_ =	shalt  }
0x68: {  	_ =	shalt  }
0x69: {  	_ =	shalt  }
0x6a: {  	_ =	shalt  }
0x6b: {  	_ =	shalt  }
0x6c: {  	_ =	shalt  }
0x6d: {  	_ =	shalt  }
0x6e: {  	_ =	shalt  }
0x6f: {  	_ =	shalt  }
0x70: {  	_ =	shalt  }
0x71: {  	_ =	shalt  }
0x72: {  	_ =	shalt  }
0x73: {  	_ =	shalt  }
0x74: {  	_ =	shalt  }
0x75: {  	_ =	shalt  }
0x76: {  	_ =	shalt  }
0x77: {  	_ =	shalt  }
0x78: {  	_ =	shalt  }
0x79: {  	_ =	shalt  }
0x7a: {  	_ =	shalt  }
0x7b: {  	_ =	shalt  }
0x7c: {  	_ =	shalt  }
0x7d: {  	_ =	shalt  }
0x7e: {  	_ =	shalt  }
0x7f: {  	_ =	shalt  }
0x80: {  	_ =	shalt  }
0x81: {  	_ =	shalt  }
0x82: {  	_ =	shalt  }
0x83: {  	_ =	shalt  }
0x84: {  	_ =	shalt  }
0x85: {  	_ =	shalt  }
0x86: {  	_ =	shalt  }
0x87: {  	_ =	shalt  }
.Lfunc_end0:
.L_simem_size_0:
called_computation.1_lowered:
.L_overlay_start_0:
0x88: {  	s2 =	sld [smem:$0x3FD9]  }
0x89: {  	s3 =	sld [smem:$0x3FFE];
	_ =	sdelay $0x1  }
0x8a: {  	s1 =	srdreg.scid  }
0x8b: {  	s0 =	sand.u32 $0x1, s1  }
0x8c: {  	s17 =	sshll.u32 s0, $0xA;
	s2 =	sadd.s32 s3, s2  }
0x8d: {  	s2 =	sadd.s32 s2, s17  }
0x8e: {  	[smem:$0x3FB6] =	sst s2  }
0x8f: {  	_ = 	snop  }
0x90: {  	(tm) =	ssettm $0x1  }
0x91: {  	s18 =	sld [smem:$0x3FFB];
	_ =	sdelay $0x3  }
0x92: {  	_ =	strace s18  }
0x93: {  	s2 =	sld [smem:$0x3FFC];
	_ =	sdelay $0x3  }
0x94: {  	_ =	strace s2  }
0x95: {  	s2 =	sld [smem:$0x3FFD];
	_ =	sdelay $0x3  }
0x96: {  	_ =	strace s2  }
0x97: {  	_ =	strace $0x8FFFFFFF  }
0x98: {  	s19 =	sld [smem:$0x3FDB];
	_ =	sdelay $0x1  }
0x99: {  	s20 =	simm.s32 $_scs_section_size  }
0x9a: {  	s4 =	simm.s32 $_size__tile_overlayer_lowered;
	s5 =	simm.s32 $_tile_overlayer_lowered  }
0x9b: {  	s6 =	simm.s32 $0x1BFF;
	s21 =	sshll.u32 s5, $0x1;
	s3 =	sadd.s32 s20, s19  }
0x9c: {  	s22 =	simm.s32 $0x0;
	s4 =	sshll.u32 s4, $0x1;
	s5 =	sadd.s32 s21, s3  }
0x9d: {  	[timem:s22], [sflag:s6] =	dma.local [hbm:s5], s4  }
0x9e: {  	_ =	swait.ge [sflag:s6], s4  }
0x9f: {  	s4 =	ssub.s32 $0x0, s4;
	[sflag:s6] =	ssyncset.done $0x0  }
0xa0: {  	[sflag:s6] =	ssyncadd.s32 s4;
	_ =	sdelay $0x1  }
0xa1: {  	s23 =	simm.s32 $0x1B8B  }
0xa2: {  	_ =	swait.ge [sflag:s23], $0x1  }
0xa3: {  	[sflag:s23] =	ssyncset.done $0x0  }
0xa4: {  	[sflag:s23] =	ssyncadd.s32 $0xFFFFFFFF  }
0xa5: {  	s4 =	sld [smem:$0x0]  }
0xa6: {  	s5 =	sand.u32 $0xFFFFFFFE, s1  }
0xa7: {  	p0 =	sne.s32 s1, s5  }
0xa8: {  	s5 =	sshll.u32 @p0 s5, $0xE  }
0xa9: {  	s5 =	sadd.s32 @p0 $0x11B8D, s5;
	s6 =	sshll.u32 @p0 s4, $0x11  }
0xaa: {  	s5 =	sor.u32 @p0 s6, s5  }
0xab: {  	[sflag:s5] =	ssyncadd.remote.s32 @p0 $0x1;
	_ =	sdelay $0x1  }
0xac: {  	s5 =	simm.s32 @p0 $0x1B8D  }
0xad: {  	_ =	swait.eq @p0 [sflag:s5], $0x1  }
0xae: {  	[sflag:s5] =	ssyncadd.s32 @p0 $0xFFFFFFFF  }
0xaf: {  	s6 =	sshll.u32 @!p0 s1, $0xE  }
0xb0: {  	s6 =	sor.u32 @!p0 $0x4000, s6;
	s5 =	simm.s32 @!p0 $0x1B8D  }
0xb1: {  	s4 =	sshll.u32 @!p0 s4, $0x11;
	s6 =	sadd.s32 @!p0 $0x11B8D, s6;
	_ =	swait.eq @!p0 [sflag:s5], $0x1  }
0xb2: {  	s4 =	sor.u32 @!p0 s4, s6;
	[sflag:s5] =	ssyncadd.s32 @!p0 $0xFFFFFFFF  }
0xb3: {  	s25 =	simm.s32 $0x1B8E;
	s24 =	sld [smem:$0x3FFE];
	[sflag:s4] =	ssyncadd.remote.s32 @!p0 $0x1  }
0xb4: {  	s26 =	simm.s32 $execute0_lowered;
	[smem:$0x3FD2] =	sst s25  }
0xb5: {  	s5 =	sshll.u32 s26, $0x1;
	_ =	strace $0x80000049;
	[dreg:$0x1] =	wrdreg $0xFFFFFFFF  }
0xb6: {  	s28 =	simm.s32 $_size_execute0_lowered;
	s3 =	sadd.s32 s3, s5;
	[dreg:$0x0] =	wrdreg $0x0  }
0xb7: {  	s5 =	sshll.u32 s28, $0x1;
	[dreg:$0x2] =	wrdreg s3  }
0xb8: {  	[dreg:$0x3] =	wrdreg s5  }
0xb9: {  	[dreg:$0x4] =	wrdreg $0xC0  }
0xba: {  	_ =	task [dreg:s22], $0x5FFFF  }
0xbb: {  	[dreg:$0x1] =	wrdreg $0xFFFFFFFF  }
0xbc: {  	[dreg:$0x0] =	wrdreg $0x60  }
0xbd: {  	[dreg:$0x2] =	wrdreg s24  }
0xbe: {  	[dreg:$0x3] =	wrdreg $0x0  }
0xbf: {  	[dreg:$0x4] =	wrdreg $0x9  }
0xc0: {  	_ =	task.clear_ibuf [dreg:s22], $0x5FFFF;
	_ =	strace $0x90000049  }
0xc1: {  	s29 =	simm.s32 $0x9;
	_ =	strace $0x8000004B  }
0xc2: {  	_ =	swait.ge [sflag:s29], $0x1  }
0xc3: {  	[sflag:s29] =	ssyncadd.s32 $0xFFFFFFFF  }
0xc4: {  	_ =	strace $0x9000004B  }
0xc5: {  	_ =	sfence  }
0xc6: {  	s30 =	sld [smem:$0x0];
	_ =	sdelay $0x2  }
0xc7: {  	s31 =	sshll.u32 s1, $0xD;
	s1 =	sshrl.u32 s1, $0x2  }
0xc8: {  	s4 =	sand.u32 $0x4000, s31;
	s1 =	sadd.s32 s1, s30  }
0xc9: {  	s0 =	sor.u32 s4, s0;
	s1 =	sshll.u32 s1, $0x11  }
0xca: {  	s0 =	sor.u32 s1, s0  }
0xcb: {  	s0 =	sadd.s32 $0x8F2B, s0  }
0xcc: {  	[sflag:s0] =	ssyncadd.remote.s32 $0x1  }
0xcd: {  	_ =	sfence.sel $0xFFFF  }
0xce: {  	[dreg:$0x0] =	wrdreg $0xFFFFFFFF;
	(pc) =	sbr.abs _section_cstart, $3  }
0xcf: {  	[dreg:$0x1] =	wrdreg $0xFFFFFFFF  }
0xd0: {  	_ =	task.clear_ibuf [dreg:s22], $0x2FFFF;
	_ =	strace $0x9FFFFFFF  }
0xd1: {  	(tm) =	ssettm $0x7FFFFFFF  }
tec
execute0_lowered:
.L_overlay_start_1:
0x0: {  	(tag) =	ssettag $0x1  }
0x1: {  	s0 =	rddreg [dreg:$0x0]  }
0x2: {  	s1 =	rddreg [dreg:$0x1]  }
0x3: {  	s2 =	simm.s32 $0x0;
	s20 =	srdreg.scid;
	s21 =	stileid.u32  }
0x4: {  	s31 =	simm.s32 $0x14100;
	[smem:$0x7FF] =	sst s2;
	s3 =	sadd.s32 $0x4E600, s0  }
0x5: {  	s5 =	sadd.s32 $0x62600, s0;
	s4 =	sadd.s32 $0x6C600, s0;
	s8 =	smul.u32 $0x50000, s21  }
0x6: {  	s6 =	sadd.s32 $0x6CE00, s0;
	s0 =	sadd.s32 $0x6D600, s0;
	s12 =	smul.u32 $0x14000, s21  }
0x7: {  	s11 =	sand.u32 $0x1, s20;
	s7 =	sshll.u32 s21, $0x1;
	s25 =	smul.u32 $0x5000, s21  }
0x8: {  	_ =	strace $0x8000004A;
	[dreg:$0x3] =	wrdreg s6;
	s19 =	smul.u32 $0x140000, s11  }
0x9: {  	s6 =	ssub.s32 $0x2, s11;
	s7 =	sor.u32 s11, s7;
	s11 =	smul.u32 $0x2800, s11  }
0xa: {  	s9 =	sshrl.u32 s6, $0x1;
	s22 =	smul.u32 $0x2800, s7;
	s23 =	sshrl.u32 s8, $0x2  }
0xb: {  	s14 =	sadd.s32 $0x4000, s12;
	s15 =	sadd.s32 $0x8000, s12;
	s16 =	sadd.s32 $0xC000, s12  }
0xc: {  	s17 =	sadd.s32 $0x10000, s12;
	s13 =	ssub.s32 s6, s9;
	s6 =	sadd.s32 s23, s1  }
0xd: {  	s7 =	sadd.s32 s14, s1;
	s8 =	sadd.s32 s15, s1;
	s9 =	sadd.s32 s16, s1  }
0xe: {  	s10 =	sadd.s32 s17, s1;
	s12 =	sadd.s32 s12, s19;
	s14 =	sadd.s32 s19, s14  }
0xf: {  	s15 =	sadd.s32 s19, s15;
	s16 =	sadd.s32 s19, s16;
	s17 =	sadd.s32 s19, s17  }
0x10: {  	s11 =	sadd.s32 s11, s25;
	s18 =	sshrl.u32 s22, $0x3;
	s12 =	sshrl.u32 s12, $0x3  }
0x11: {  	s14 =	sshrl.u32 s14, $0x3;
	s15 =	sshrl.u32 s15, $0x3;
	s16 =	sshrl.u32 s16, $0x3  }
0x12: {  	s17 =	sshrl.u32 s17, $0x3;
	s21 =	sor.u32 $0x180, s11;
	s11 =	sor.u32 $0x100, s11  }
0x13: {  	s25 =	smax.u32 s13, $0x1;
	s13 =	simm.s32 $0x1;
	s20 =	sor.u32 $0x10, s18  }
0x14: {  	s22 =	sadd.s32 s3, s18;
	s26 =	sadd.s32 s0, s14;
	s15 =	sadd.s32 s0, s15  }
0x15: {  	s14 =	sadd.s32 s0, s17;
	s11 =	sshrl.u32 s11, $0x3;
	[dreg:$0xa] =	wrdreg s25  }
0x16: {  	[dreg:$0x4] =	wrdreg s22;
	s24 =	sadd.s32 s3, s20;
	s22 =	sadd.s32 s5, s18  }
0x17: {  	s23 =	sadd.s32 s5, s20;
	s25 =	smov.u32 s15;
	s28 =	sadd.s32 $0x50000, s15  }
0x18: {  	s17 =	smov.u32 s14;
	s30 =	sadd.s32 $0x50000, s14;
	s18 =	simm.s32 $0x2  }
0x19: {  	s14 =	simm.s32 $0x0;
	[dreg:$0x5] =	wrdreg s24;
	s24 =	sadd.s32 s0, s12  }
0x1a: {  	s12 =	sadd.s32 s0, s16;
	[dreg:$0x7] =	wrdreg s22;
	s0 =	sshrl.u32 s21, $0x3  }
0x1b: {  	[dreg:$0x8] =	wrdreg s23;
	s21 =	sadd.s32 s11, s3;
	s23 =	sadd.s32 s11, s5  }
0x1c: {  	s11 =	simm.s32 $0x14080;
	s20 =	sadd.s32 s0, s3;
	s22 =	sadd.s32 s0, s5  }
0x1d: {  	[dreg:$0x6] =	wrdreg s24;
	s24 =	sadd.s32 $0x50000, s24;
	s29 =	sadd.s32 $0x50000, s12  }
0x1e: {  	s0 =	simm.s32 $0x3;
	s3 =	simm.s32 $0x18100;
	s5 =	simm.s32 $0x14000  }
0x1f: {  	[dreg:$0x9] =	wrdreg s24;
	s24 =	smov.u32 s26;
	s26 =	sadd.s32 $0x50000, s26  }
0x20: {  	[dreg:$0xb] =	wrdreg s26;
	s26 =	smov.u32 s12;
	s12 =	simm.s32 $0x80  }
.LBB2_1:
0x21: {  	s15 =	rddreg [dreg:$0x3]  }
0x22: {  	[tilespmem:s31], [sflag:$0x3] =	stream.linear.gather [hbm4b:s15+s2], $0x4000, $0x38;
	[tilespmem:$0x1C100] =	vst v63  }
0x23: {  	_ =	swait.ge [sflag:s0], $0x4000  }
0x24: {  	[sflag:s0] =	ssyncset.done $0x0  }
0x25: {  	[sflag:s0] =	ssyncadd.s32 $0xFFFFC000  }
0x26: {  	[tilespmem:s3], [sflag:$0x3] =	stream.linear.gather [hbm4b:s4+s2], $0x4000, $0x38;
	[tilespmem:$0x1C100] =	vst v63  }
0x27: {  	_ =	swait.ge [sflag:s0], $0x4000  }
0x28: {  	[sflag:s0] =	ssyncset.done $0x0  }
0x29: {  	[sflag:s0] =	ssyncadd.s32 $0xFFFFC000  }
0x2a: {  	[spmem:s6] =	stream.linear.scatter [tilespmem:s3], [sflag:$0x3], $0x4000, $0x38;
	[tilespmem:$0x1C100] =	vst v63  }
0x2b: {  	_ =	swait.ge [sflag:s0], $0x4000  }
0x2c: {  	[sflag:s0] =	ssyncset.done $0x0  }
0x2d: {  	[sflag:s0] =	ssyncadd.s32 $0xFFFFC000  }
0x2e: {  	[spmem:s7] =	stream.linear.scatter [tilespmem:s3], [sflag:$0x3], $0x4000, $0x38;
	[tilespmem:$0x1C100] =	vst v63  }
0x2f: {  	_ =	swait.ge [sflag:s0], $0x4000  }
0x30: {  	[sflag:s0] =	ssyncset.done $0x0  }
0x31: {  	[sflag:s0] =	ssyncadd.s32 $0xFFFFC000  }
0x32: {  	[spmem:s8] =	stream.linear.scatter [tilespmem:s3], [sflag:$0x3], $0x4000, $0x38;
	[tilespmem:$0x1C100] =	vst v63  }
0x33: {  	_ =	swait.ge [sflag:s0], $0x4000  }
0x34: {  	[sflag:s0] =	ssyncset.done $0x0  }
0x35: {  	[sflag:s0] =	ssyncadd.s32 $0xFFFFC000  }
0x36: {  	[spmem:s9] =	stream.linear.scatter [tilespmem:s3], [sflag:$0x3], $0x4000, $0x38;
	[tilespmem:$0x1C100] =	vst v63  }
0x37: {  	_ =	swait.ge [sflag:s0], $0x4000  }
0x38: {  	[sflag:s0] =	ssyncset.done $0x0  }
0x39: {  	[sflag:s0] =	ssyncadd.s32 $0xFFFFC000  }
0x3a: {  	[spmem:s10] =	stream.linear.scatter [tilespmem:s3], [sflag:$0x3], $0x4000, $0x38;
	[tilespmem:$0x1C100] =	vst v63  }
0x3b: {  	_ =	swait.ge [sflag:s0], $0x4000  }
0x3c: {  	[sflag:s0] =	ssyncset.done $0x0  }
0x3d: {  	[sflag:s0] =	ssyncadd.s32 $0xFFFFC000  }
0x3e: {  	[bflag:$0x0] =	sbarrier.arrive $0xFFFF  }
0x3f: {  	s19 =	rddreg [dreg:$0x4]  }
0x40: {  	[tilespmem:s5], [sflag:$0x3] =	stream.linear.gather [hbm4b:s19+s2], $0x80, $0x38;
	[tilespmem:$0x1C100] =	vst v63  }
0x41: {  	_ =	swait.ge [sflag:s0], $0x80  }
0x42: {  	[sflag:s0] =	ssyncset.done $0x0  }
0x43: {  	s16 =	rddreg [dreg:$0x5];
	[sflag:s0] =	ssyncadd.s32 $0xFFFFFF80  }
0x44: {  	[tilespmem:s11], [sflag:$0x2] =	stream.linear.gather [hbm4b:s16+s2], $0x80, $0x38;
	[tilespmem:$0x1C100] =	vst v63  }
0x45: {  	_ = 	snop  }
0x46: {  	[spmem:s1] =	stream.indirect.scatter.add.f32 [tilespmem:s31], [sflag:$0x3], $0x80, s5, s12, $0xb8;
	[tilespmem:$0x1C100] =	vst v63  }
0x47: {  	_ =	swait.ge [sflag:s0], $0x4000  }
0x48: {  	[sflag:s0] =	ssyncset.done $0x0  }
0x49: {  	[sflag:s0] =	ssyncadd.s32 $0xFFFFC000  }
0x4a: {  	_ =	swait.ge [sflag:s18], $0x80  }
0x4b: {  	[sflag:s18] =	ssyncset.done $0x0  }
0x4c: {  	s19 =	sadd.s32 $0x0, s21;
	[sflag:s18] =	ssyncadd.s32 $0xFFFFFF80  }
0x4d: {  	[tilespmem:s5], [sflag:$0x1] =	stream.linear.gather [hbm4b:s19+s2], $0x80, $0x38;
	[tilespmem:$0x1C100] =	vst v63  }
0x4e: {  	_ = 	snop  }
0x4f: {  	[spmem:s1] =	stream.indirect.scatter.add.f32 [tilespmem:s31], [sflag:$0x3], $0x80, s11, s12, $0xb8;
	[tilespmem:$0x1C100] =	vst v63  }
0x50: {  	_ =	swait.ge [sflag:s0], $0x4000  }
0x51: {  	[sflag:s0] =	ssyncset.done $0x0  }
0x52: {  	[sflag:s0] =	ssyncadd.s32 $0xFFFFC000  }
0x53: {  	_ =	swait.ge [sflag:s13], $0x80  }
0x54: {  	[sflag:s13] =	ssyncset.done $0x0  }
0x55: {  	s15 =	sadd.s32 $0x0, s20;
	s19 =	simm.s32 $0x20;
	[sflag:s13] =	ssyncadd.s32 $0xFFFFFF80  }
.LBB2_2:
0x56: {  	[tilespmem:s11], [sflag:$0x2] =	stream.linear.gather [hbm4b:s15+s2], $0x80, $0x38;
	[tilespmem:$0x1C100] =	vst v63  }
0x57: {  	p0 =	sne.s32 s19, $0x4C0;
	s15 =	smov.u32 s19;
	s19 =	sadd.s32 $0x20, s19  }
0x58: {  	[spmem:s1] =	stream.indirect.scatter.add.f32 [tilespmem:s31], [sflag:$0x3], $0x80, s5, s12, $0xb8;
	[tilespmem:$0x1C100] =	vst v63  }
0x59: {  	_ =	swait.ge [sflag:s0], $0x4000  }
0x5a: {  	[sflag:s0] =	ssyncset.done $0x0  }
0x5b: {  	[sflag:s0] =	ssyncadd.s32 $0xFFFFC000  }
0x5c: {  	_ =	swait.ge [sflag:s18], $0x80  }
0x5d: {  	[sflag:s18] =	ssyncset.done $0x0  }
0x5e: {  	s16 =	sadd.s32 s15, s21;
	[sflag:s18] =	ssyncadd.s32 $0xFFFFFF80  }
0x5f: {  	[tilespmem:s5], [sflag:$0x1] =	stream.linear.gather [hbm4b:s16+s2], $0x80, $0x38;
	[tilespmem:$0x1C100] =	vst v63  }
0x60: {  	_ = 	snop  }
0x61: {  	[spmem:s1] =	stream.indirect.scatter.add.f32 [tilespmem:s31], [sflag:$0x3], $0x80, s11, s12, $0xb8;
	[tilespmem:$0x1C100] =	vst v63  }
0x62: {  	_ =	swait.ge [sflag:s0], $0x4000  }
.Ltmp0:
0x63: {  	[sflag:s0] =	ssyncset.done $0x0;
	(pc) =	sbr.rel @p0 .LBB2_2-.Ltmp0, $4  }
0x64: {  	[sflag:s0] =	ssyncadd.s32 $0xFFFFC000  }
0x65: {  	_ =	swait.ge [sflag:s13], $0x80  }
0x66: {  	[sflag:s13] =	ssyncset.done $0x0  }
0x67: {  	s15 =	sadd.s32 s15, s20;
	[sflag:s13] =	ssyncadd.s32 $0xFFFFFF80  }
0x68: {  	[tilespmem:s11], [sflag:$0x2] =	stream.linear.gather [hbm4b:s15+s2], $0x80, $0x38;
	[tilespmem:$0x1C100] =	vst v63  }
0x69: {  	_ = 	snop  }
0x6a: {  	[spmem:s1] =	stream.indirect.scatter.add.f32 [tilespmem:s31], [sflag:$0x3], $0x80, s5, s12, $0xb8;
	[tilespmem:$0x1C100] =	vst v63  }
0x6b: {  	_ =	swait.ge [sflag:s0], $0x4000  }
0x6c: {  	[sflag:s0] =	ssyncset.done $0x0  }
0x6d: {  	[sflag:s0] =	ssyncadd.s32 $0xFFFFC000  }
0x6e: {  	_ =	swait.ge [sflag:s18], $0x80  }
0x6f: {  	[sflag:s18] =	ssyncset.done $0x0  }
0x70: {  	[sflag:s18] =	ssyncadd.s32 $0xFFFFFF80  }
0x71: {  	[spmem:s1] =	stream.indirect.scatter.add.f32 [tilespmem:s31], [sflag:$0x3], $0x80, s11, s12, $0xb8;
	[tilespmem:$0x1C100] =	vst v63  }
0x72: {  	_ =	swait.ge [sflag:s0], $0x4000  }
0x73: {  	[sflag:s0] =	ssyncset.done $0x0  }
0x74: {  	[sflag:s0] =	ssyncadd.s32 $0xFFFFC000  }
0x75: {  	[bflag:$0x0] =	sbarrier.arrive $0xFFFF  }
0x76: {  	[tilespmem:s3], [sflag:$0x3] =	stream.linear.gather [spmem:s6], $0x4000, $0x38;
	[tilespmem:$0x1C100] =	vst v63  }
0x77: {  	_ =	swait.ge [sflag:s0], $0x4000  }
0x78: {  	[sflag:s0] =	ssyncset.done $0x0  }
0x79: {  	s19 =	simm.s32 $0x0;
	s16 =	rddreg [dreg:$0x6];
	[sflag:s0] =	ssyncadd.s32 $0xFFFFC000  }
0x7a: {  	[hbm4b:s16+s19] =	stream.linear.scatter [tilespmem:s3], [sflag:$0x3], $0x4000, $0x38;
	[tilespmem:$0x1C100] =	vst v63  }
0x7b: {  	_ =	swait.ge [sflag:s0], $0x4000  }
0x7c: {  	[sflag:s0] =	ssyncset.done $0x0  }
0x7d: {  	[sflag:s0] =	ssyncadd.s32 $0xFFFFC000  }
0x7e: {  	[tilespmem:s3], [sflag:$0x3] =	stream.linear.gather [spmem:s7], $0x4000, $0x38;
	[tilespmem:$0x1C100] =	vst v63  }
0x7f: {  	_ =	swait.ge [sflag:s0], $0x4000  }
0x80: {  	[sflag:s0] =	ssyncset.done $0x0  }
0x81: {  	[sflag:s0] =	ssyncadd.s32 $0xFFFFC000  }
0x82: {  	[hbm4b:s24+s19] =	stream.linear.scatter [tilespmem:s3], [sflag:$0x3], $0x4000, $0x38;
	[tilespmem:$0x1C100] =	vst v63  }
0x83: {  	_ =	swait.ge [sflag:s0], $0x4000  }
0x84: {  	[sflag:s0] =	ssyncset.done $0x0  }
0x85: {  	[sflag:s0] =	ssyncadd.s32 $0xFFFFC000  }
0x86: {  	[tilespmem:s3], [sflag:$0x3] =	stream.linear.gather [spmem:s8], $0x4000, $0x38;
	[tilespmem:$0x1C100] =	vst v63  }
0x87: {  	_ =	swait.ge [sflag:s0], $0x4000  }
0x88: {  	[sflag:s0] =	ssyncset.done $0x0  }
0x89: {  	[sflag:s0] =	ssyncadd.s32 $0xFFFFC000  }
0x8a: {  	[hbm4b:s25+s19] =	stream.linear.scatter [tilespmem:s3], [sflag:$0x3], $0x4000, $0x38;
	[tilespmem:$0x1C100] =	vst v63  }
0x8b: {  	_ =	swait.ge [sflag:s0], $0x4000  }
0x8c: {  	[sflag:s0] =	ssyncset.done $0x0  }
0x8d: {  	[sflag:s0] =	ssyncadd.s32 $0xFFFFC000  }
0x8e: {  	[tilespmem:s3], [sflag:$0x3] =	stream.linear.gather [spmem:s9], $0x4000, $0x38;
	[tilespmem:$0x1C100] =	vst v63  }
0x8f: {  	_ =	swait.ge [sflag:s0], $0x4000  }
0x90: {  	[sflag:s0] =	ssyncset.done $0x0  }
0x91: {  	[sflag:s0] =	ssyncadd.s32 $0xFFFFC000  }
0x92: {  	[hbm4b:s26+s19] =	stream.linear.scatter [tilespmem:s3], [sflag:$0x3], $0x4000, $0x38;
	[tilespmem:$0x1C100] =	vst v63  }
0x93: {  	_ =	swait.ge [sflag:s0], $0x4000  }
0x94: {  	[sflag:s0] =	ssyncset.done $0x0  }
0x95: {  	[sflag:s0] =	ssyncadd.s32 $0xFFFFC000  }
0x96: {  	[tilespmem:s3], [sflag:$0x3] =	stream.linear.gather [spmem:s10], $0x4000, $0x38;
	[tilespmem:$0x1C100] =	vst v63  }
0x97: {  	_ =	swait.ge [sflag:s0], $0x4000  }
0x98: {  	[sflag:s0] =	ssyncset.done $0x0  }
0x99: {  	[sflag:s0] =	ssyncadd.s32 $0xFFFFC000  }
0x9a: {  	[hbm4b:s17+s19] =	stream.linear.scatter [tilespmem:s3], [sflag:$0x3], $0x4000, $0x38;
	[tilespmem:$0x1C100] =	vst v63  }
0x9b: {  	_ =	swait.ge [sflag:s0], $0x4000  }
0x9c: {  	[sflag:s0] =	ssyncset.done $0x0  }
0x9d: {  	[sflag:s0] =	ssyncadd.s32 $0xFFFFC000  }
0x9e: {  	[tilespmem:s3], [sflag:$0x3] =	stream.linear.gather [hbm4b:s4+s19], $0x4000, $0x38;
	[tilespmem:$0x1C100] =	vst v63  }
0x9f: {  	_ =	swait.ge [sflag:s0], $0x4000  }
0xa0: {  	[sflag:s0] =	ssyncset.done $0x0  }
0xa1: {  	[sflag:s0] =	ssyncadd.s32 $0xFFFFC000  }
0xa2: {  	[spmem:s6] =	stream.linear.scatter [tilespmem:s3], [sflag:$0x3], $0x4000, $0x38;
	[tilespmem:$0x1C100] =	vst v63  }
0xa3: {  	_ =	swait.ge [sflag:s0], $0x4000  }
0xa4: {  	[sflag:s0] =	ssyncset.done $0x0  }
0xa5: {  	[sflag:s0] =	ssyncadd.s32 $0xFFFFC000  }
0xa6: {  	[spmem:s7] =	stream.linear.scatter [tilespmem:s3], [sflag:$0x3], $0x4000, $0x38;
	[tilespmem:$0x1C100] =	vst v63  }
0xa7: {  	_ =	swait.ge [sflag:s0], $0x4000  }
0xa8: {  	[sflag:s0] =	ssyncset.done $0x0  }
0xa9: {  	[sflag:s0] =	ssyncadd.s32 $0xFFFFC000  }
0xaa: {  	[spmem:s8] =	stream.linear.scatter [tilespmem:s3], [sflag:$0x3], $0x4000, $0x38;
	[tilespmem:$0x1C100] =	vst v63  }
0xab: {  	_ =	swait.ge [sflag:s0], $0x4000  }
0xac: {  	[sflag:s0] =	ssyncset.done $0x0  }
0xad: {  	[sflag:s0] =	ssyncadd.s32 $0xFFFFC000  }
0xae: {  	[spmem:s9] =	stream.linear.scatter [tilespmem:s3], [sflag:$0x3], $0x4000, $0x38;
	[tilespmem:$0x1C100] =	vst v63  }
0xaf: {  	_ =	swait.ge [sflag:s0], $0x4000  }
0xb0: {  	[sflag:s0] =	ssyncset.done $0x0  }
0xb1: {  	[sflag:s0] =	ssyncadd.s32 $0xFFFFC000  }
0xb2: {  	[spmem:s10] =	stream.linear.scatter [tilespmem:s3], [sflag:$0x3], $0x4000, $0x38;
	[tilespmem:$0x1C100] =	vst v63  }
0xb3: {  	_ =	swait.ge [sflag:s0], $0x4000  }
0xb4: {  	[sflag:s0] =	ssyncset.done $0x0  }
0xb5: {  	[sflag:s0] =	ssyncadd.s32 $0xFFFFC000  }
0xb6: {  	[bflag:$0x0] =	sbarrier.arrive $0xFFFF  }
0xb7: {  	s16 =	rddreg [dreg:$0x7]  }
0xb8: {  	[tilespmem:s5], [sflag:$0x3] =	stream.linear.gather [hbm4b:s16+s19], $0x80, $0x38;
	[tilespmem:$0x1C100] =	vst v63  }
0xb9: {  	_ =	swait.ge [sflag:s0], $0x80  }
0xba: {  	[sflag:s0] =	ssyncset.done $0x0  }
0xbb: {  	s16 =	rddreg [dreg:$0x8];
	[sflag:s0] =	ssyncadd.s32 $0xFFFFFF80  }
0xbc: {  	[tilespmem:s11], [sflag:$0x2] =	stream.linear.gather [hbm4b:s16+s19], $0x80, $0x38;
	[tilespmem:$0x1C100] =	vst v63  }
0xbd: {  	_ = 	snop  }
0xbe: {  	[spmem:s1] =	stream.indirect.scatter.add.f32 [tilespmem:s31], [sflag:$0x3], $0x80, s5, s12, $0xb8;
	[tilespmem:$0x1C100] =	vst v63  }
0xbf: {  	_ =	swait.ge [sflag:s0], $0x4000  }
0xc0: {  	[sflag:s0] =	ssyncset.done $0x0  }
0xc1: {  	[sflag:s0] =	ssyncadd.s32 $0xFFFFC000  }
0xc2: {  	_ =	swait.ge [sflag:s18], $0x80  }
0xc3: {  	[sflag:s18] =	ssyncset.done $0x0  }
0xc4: {  	s19 =	sadd.s32 $0x0, s23;
	[sflag:s18] =	ssyncadd.s32 $0xFFFFFF80  }
0xc5: {  	[tilespmem:s5], [sflag:$0x1] =	stream.linear.gather [hbm4b:s19+s2], $0x80, $0x38;
	[tilespmem:$0x1C100] =	vst v63  }
0xc6: {  	_ = 	snop  }
0xc7: {  	[spmem:s1] =	stream.indirect.scatter.add.f32 [tilespmem:s31], [sflag:$0x3], $0x80, s11, s12, $0xb8;
	[tilespmem:$0x1C100] =	vst v63  }
0xc8: {  	_ =	swait.ge [sflag:s0], $0x4000  }
0xc9: {  	[sflag:s0] =	ssyncset.done $0x0  }
0xca: {  	[sflag:s0] =	ssyncadd.s32 $0xFFFFC000  }
0xcb: {  	_ =	swait.ge [sflag:s13], $0x80  }
0xcc: {  	[sflag:s13] =	ssyncset.done $0x0  }
0xcd: {  	s15 =	sadd.s32 $0x0, s22;
	s19 =	simm.s32 $0x20;
	[sflag:s13] =	ssyncadd.s32 $0xFFFFFF80  }
.LBB2_4:
0xce: {  	[tilespmem:s11], [sflag:$0x2] =	stream.linear.gather [hbm4b:s15+s2], $0x80, $0x38;
	[tilespmem:$0x1C100] =	vst v63  }
0xcf: {  	p0 =	sne.s32 s19, $0x4C0;
	s15 =	smov.u32 s19;
	s19 =	sadd.s32 $0x20, s19  }
0xd0: {  	[spmem:s1] =	stream.indirect.scatter.add.f32 [tilespmem:s31], [sflag:$0x3], $0x80, s5, s12, $0xb8;
	[tilespmem:$0x1C100] =	vst v63  }
0xd1: {  	_ =	swait.ge [sflag:s0], $0x4000  }
0xd2: {  	[sflag:s0] =	ssyncset.done $0x0  }
0xd3: {  	[sflag:s0] =	ssyncadd.s32 $0xFFFFC000  }
0xd4: {  	_ =	swait.ge [sflag:s18], $0x80  }
0xd5: {  	[sflag:s18] =	ssyncset.done $0x0  }
0xd6: {  	s16 =	sadd.s32 s15, s23;
	[sflag:s18] =	ssyncadd.s32 $0xFFFFFF80  }
0xd7: {  	[tilespmem:s5], [sflag:$0x1] =	stream.linear.gather [hbm4b:s16+s2], $0x80, $0x38;
	[tilespmem:$0x1C100] =	vst v63  }
0xd8: {  	_ = 	snop  }
0xd9: {  	[spmem:s1] =	stream.indirect.scatter.add.f32 [tilespmem:s31], [sflag:$0x3], $0x80, s11, s12, $0xb8;
	[tilespmem:$0x1C100] =	vst v63  }
0xda: {  	_ =	swait.ge [sflag:s0], $0x4000  }
.Ltmp1:
0xdb: {  	[sflag:s0] =	ssyncset.done $0x0;
	(pc) =	sbr.rel @p0 .LBB2_4-.Ltmp1, $4  }
0xdc: {  	[sflag:s0] =	ssyncadd.s32 $0xFFFFC000  }
0xdd: {  	_ =	swait.ge [sflag:s13], $0x80  }
0xde: {  	[sflag:s13] =	ssyncset.done $0x0  }
0xdf: {  	s15 =	sadd.s32 s15, s22;
	[sflag:s13] =	ssyncadd.s32 $0xFFFFFF80  }
0xe0: {  	[tilespmem:s11], [sflag:$0x2] =	stream.linear.gather [hbm4b:s15+s2], $0x80, $0x38;
	[tilespmem:$0x1C100] =	vst v63  }
0xe1: {  	_ = 	snop  }
0xe2: {  	[spmem:s1] =	stream.indirect.scatter.add.f32 [tilespmem:s31], [sflag:$0x3], $0x80, s5, s12, $0xb8;
	[tilespmem:$0x1C100] =	vst v63  }
0xe3: {  	_ =	swait.ge [sflag:s0], $0x4000  }
0xe4: {  	[sflag:s0] =	ssyncset.done $0x0  }
0xe5: {  	[sflag:s0] =	ssyncadd.s32 $0xFFFFC000  }
0xe6: {  	_ =	swait.ge [sflag:s18], $0x80  }
0xe7: {  	[sflag:s18] =	ssyncset.done $0x0  }
0xe8: {  	[sflag:s18] =	ssyncadd.s32 $0xFFFFFF80  }
0xe9: {  	[spmem:s1] =	stream.indirect.scatter.add.f32 [tilespmem:s31], [sflag:$0x3], $0x80, s11, s12, $0xb8;
	[tilespmem:$0x1C100] =	vst v63  }
0xea: {  	_ =	swait.ge [sflag:s0], $0x4000  }
0xeb: {  	[sflag:s0] =	ssyncset.done $0x0  }
0xec: {  	[sflag:s0] =	ssyncadd.s32 $0xFFFFC000  }
0xed: {  	[bflag:$0x0] =	sbarrier.arrive $0xFFFF  }
0xee: {  	[tilespmem:s3], [sflag:$0x3] =	stream.linear.gather [spmem:s6], $0x4000, $0x38;
	[tilespmem:$0x1C100] =	vst v63  }
0xef: {  	_ =	swait.ge [sflag:s0], $0x4000  }
0xf0: {  	[sflag:s0] =	ssyncset.done $0x0  }
0xf1: {  	s19 =	rddreg [dreg:$0x9];
	[sflag:s0] =	ssyncadd.s32 $0xFFFFC000  }
0xf2: {  	[hbm4b:s19+s2] =	stream.linear.scatter [tilespmem:s3], [sflag:$0x3], $0x4000, $0x38;
	[tilespmem:$0x1C100] =	vst v63  }
0xf3: {  	_ =	swait.ge [sflag:s0], $0x4000  }
0xf4: {  	[sflag:s0] =	ssyncset.done $0x0  }
0xf5: {  	[sflag:s0] =	ssyncadd.s32 $0xFFFFC000  }
0xf6: {  	[tilespmem:s3], [sflag:$0x3] =	stream.linear.gather [spmem:s7], $0x4000, $0x38;
	[tilespmem:$0x1C100] =	vst v63  }
0xf7: {  	_ =	swait.ge [sflag:s0], $0x4000  }
0xf8: {  	[sflag:s0] =	ssyncset.done $0x0  }
0xf9: {  	s16 =	rddreg [dreg:$0xb];
	[sflag:s0] =	ssyncadd.s32 $0xFFFFC000  }
0xfa: {  	[hbm4b:s16+s2] =	stream.linear.scatter [tilespmem:s3], [sflag:$0x3], $0x4000, $0x38;
	[tilespmem:$0x1C100] =	vst v63  }
0xfb: {  	_ =	swait.ge [sflag:s0], $0x4000  }
0xfc: {  	[sflag:s0] =	ssyncset.done $0x0  }
0xfd: {  	[sflag:s0] =	ssyncadd.s32 $0xFFFFC000  }
0xfe: {  	[tilespmem:s3], [sflag:$0x3] =	stream.linear.gather [spmem:s8], $0x4000, $0x38;
	[tilespmem:$0x1C100] =	vst v63  }
0xff: {  	_ =	swait.ge [sflag:s0], $0x4000  }
0x100: {  	[sflag:s0] =	ssyncset.done $0x0  }
0x101: {  	[sflag:s0] =	ssyncadd.s32 $0xFFFFC000  }
0x102: {  	[hbm4b:s28+s2] =	stream.linear.scatter [tilespmem:s3], [sflag:$0x3], $0x4000, $0x38;
	[tilespmem:$0x1C100] =	vst v63  }
0x103: {  	_ =	swait.ge [sflag:s0], $0x4000  }
0x104: {  	[sflag:s0] =	ssyncset.done $0x0  }
0x105: {  	[sflag:s0] =	ssyncadd.s32 $0xFFFFC000  }
0x106: {  	[tilespmem:s3], [sflag:$0x3] =	stream.linear.gather [spmem:s9], $0x4000, $0x38;
	[tilespmem:$0x1C100] =	vst v63  }
0x107: {  	_ =	swait.ge [sflag:s0], $0x4000  }
0x108: {  	[sflag:s0] =	ssyncset.done $0x0  }
0x109: {  	[sflag:s0] =	ssyncadd.s32 $0xFFFFC000  }
0x10a: {  	[hbm4b:s29+s2] =	stream.linear.scatter [tilespmem:s3], [sflag:$0x3], $0x4000, $0x38;
	[tilespmem:$0x1C100] =	vst v63  }
0x10b: {  	_ =	swait.ge [sflag:s0], $0x4000  }
0x10c: {  	[sflag:s0] =	ssyncset.done $0x0  }
0x10d: {  	[sflag:s0] =	ssyncadd.s32 $0xFFFFC000  }
0x10e: {  	[tilespmem:s3], [sflag:$0x3] =	stream.linear.gather [spmem:s10], $0x4000, $0x38;
	[tilespmem:$0x1C100] =	vst v63  }
0x10f: {  	_ =	swait.ge [sflag:s0], $0x4000  }
0x110: {  	[sflag:s0] =	ssyncset.done $0x0  }
0x111: {  	[sflag:s0] =	ssyncadd.s32 $0xFFFFC000  }
0x112: {  	[hbm4b:s30+s2] =	stream.linear.scatter [tilespmem:s3], [sflag:$0x3], $0x4000, $0x38;
	[tilespmem:$0x1C100] =	vst v63  }
0x113: {  	_ =	swait.ge [sflag:s0], $0x4000  }
0x114: {  	s14 =	sadd.s32 $0x1, s14;
	s19 =	rddreg [dreg:$0xa]  }
0x115: {  	p0 =	sne.s32 s14, s19  }
.Ltmp2:
0x116: {  	_ = 	snop;
	(pc) =	sbr.rel @p0 .LBB2_1-.Ltmp2, $3  }
0x117: {  	_ =	sdelay $0x1  }
0x118: {  	[sflag:s0] =	ssyncset.done $0x0  }
0x119: {  	[sflag:s0] =	ssyncadd.s32 $0xFFFFC000  }
0x11a: {  	_ =	sfence.sel $0x180000  }
0x11b: {  	[bflag:$0x0] =	sbarrier.arrive $0xFFFF  }
0x11c: {  	_ =	strace $0x9000004A  }
0x11d: {  	s0 =	stileid.u32;
	[bflag:$0x2] =	sbarrier.arrive $0xFFFF  }
0x11e: {  	p0 =	sne.s32 s0, $0x0;
	s0 =	rddreg [dreg:$0x2]  }
0x11f: {  	s0 =	sadd.s32 @!p0 $0x100000, s0  }
0x120: {  	[sflag:s0] =	ssyncadd.tile.s32 @!p0 $0x1;
	_ =	shalt  }
.Lfunc_end2:
_tile_overlayer_lowered:
.L_overlay_start_2:
0x121: {  	(tag) =	ssettag $0x2  }
0x122: {  	s0 =	rddreg [dreg:$0x0];
	s2 =	stileid.u32  }
0x123: {  	s1 =	rddreg [dreg:$0x1];
	p0 =	sne.s32 s2, $0x0  }
0x124: {  	s3 =	rddreg [dreg:$0x2];
	[bflag:$0x3] =	sbarrier.arrive $0xFFFF;
	s2 =	simm.s32 @!p0 $0x1C03  }
0x125: {  	[timem:s3], [sflag:s2] =	dma.local @!p0 [hbm:s0], s1  }
0x126: {  	s0 =	simm.s32 @!p0 $0x3  }
0x127: {  	_ =	swait.ge @!p0 [sflag:s0], s1  }
0x128: {  	s1 =	ssub.s32 @!p0 $0x0, s1;
	[sflag:s0] =	ssyncset.done @!p0 $0x0  }
0x129: {  	[sflag:s0] =	ssyncadd.s32 @!p0 s1  }
0x12a: {  	[bflag:$0x3] =	sbarrier.arrive $0xFFFF  }
0x12b: {  	_ =	shalt  }

// kernel: kernel.16.cloned.1.call-start
scs
__scs_entry_jumppad:
0x0: {  	(pc) =	sbr.rel $0x88, $3  }
0x1: {  	(tag) =	ssettag $0x0;
	lr =	simm.s32 $0x1  }
0x2: {  	[smem:$0x3F8F] =	sst lr;
	_ =	strace $0xD0000000  }
0x3: {  	_ = 	snop  }
0x4: {  	_ = 	snop  }
0x5: {  	_ = 	snop  }
0x6: {  	_ = 	snop  }
0x7: {  	_ = 	snop  }
__scs_overlays_trampoline_lowered:
0x8: {  	[smem:$0x3F9E] =	sst s0  }
0x9: {  	[smem:$0x3F9F] =	sst s1  }
0xa: {  	[smem:$0x3FA0] =	sst s2  }
0xb: {  	[smem:$0x3FA1] =	sst s3  }
0xc: {  	[smem:$0x3FA2] =	sst s4  }
0xd: {  	[smem:$0x3FA3] =	sst s5  }
0xe: {  	[smem:$0x3FA4] =	sst s6  }
0xf: {  	[smem:$0x3FA5] =	sst s7  }
0x10: {  	[smem:$0x3FA6] =	sst s8  }
0x11: {  	[smem:$0x3FA7] =	sst s9;
	s0 =	simm.s32 @!p0 $0x0  }
0x12: {  	s1 =	sld [smem:$0x3F8D];
	s0 =	simm.s32 @p0 $0x1  }
0x13: {  	[smem:$0x3FA8] =	sst s0;
	s0 =	simm.s32 @!p1 $0x0  }
0x14: {  	s2 =	sld [smem:$0x3F8C];
	s0 =	simm.s32 @p1 $0x1  }
0x15: {  	[smem:$0x3FA9] =	sst s0;
	s0 =	simm.s32 @!p2 $0x0  }
0x16: {  	s3 =	sld [smem:$0x3FDB];
	s0 =	simm.s32 @p2 $0x1  }
0x17: {  	s4 =	simm.s32 $0x1BF5;
	[smem:$0x3FAB] =	sst s0  }
0x18: {  	s0 =	sld [smem:$0x3F8E];
	_ =	swait.ge [sflag:s4], $0x0  }
0x19: {  	s7 =	sld [smem:$0x3F8F]  }
0x1a: {  	s8 =	sadd.s32 $0xFFFFE003, lr  }
0x1b: {  	s9 =	sadd.s32 $0xFFFFFEF7, lr;
	s5 =	simm.s32 $0xFFFFFFFF;
	p2 =	slt.u32 s8, $0xFFFFF086  }
0x1c: {  	p1 =	slt.u32 s9, $0xF7A;
	s5 =	simm.s32 @!p2 $0x0  }
0x1d: {  	s5 =	simm.s32 @p1 $0x1;
	p0 =	seq.s32 s7, s2  }
0x1e: {  	s7 =	smul.u32 @!p0 $0xF7A, s2;
	p2 =	seq.s32 @!p0 s5, $0x0  }
0x1f: {  	s9 =	smul.u32 $0xF7A, s1;
	s8 =	simm.s32 @!p0 $0x1BF5;
	p2 =	por !p2, p0  }
0x20: {  	[sflag:s8] =	ssyncset.s32 @!p0 $0xFFFFF086;
	s6 =	sadd.s32 @!p0 s3, s7;
	s7 =	simm.s32 @!p0 $0x108  }
0x21: {  	s3 =	sadd.s32 s3, s9;
	s6 =	sadd.s32 @!p0 $0x88, s6;
	s7 =	simm.s32 @p2 $0x1082  }
0x22: {  	[simem:s7], [sflag:s8] =	dma.local @!p0 [hbm:s6], $0xF7A  }
0x23: {  	s9 =	sor.u32 $0xD0000000, s2;
	s6 =	simm.s32 $0x108;
	_ =	swait.ge @!p0 [sflag:s8], $0x0  }
0x24: {  	s3 =	sadd.s32 $0x88, s3;
	s6 =	simm.s32 @!p1 $0x1082;
	[sflag:s4] =	ssyncset.s32 $0xFFFFF086  }
0x25: {  	[simem:s6], [sflag:s4] =	dma.local [hbm:s3], $0xF7A  }
0x26: {  	[smem:$0x3F8F] =	sst s1;
	(tag) =	ssettag s2;
	_ =	strace s9  }
0x27: {  	s1 =	sld [smem:$0x3F9F]  }
0x28: {  	s2 =	sld [smem:$0x3FA0]  }
0x29: {  	s4 =	sld [smem:$0x3FA2]  }
0x2a: {  	p0 =	seq.s32 s5, $0x0;
	s5 =	sld [smem:$0x3FA3]  }
0x2b: {  	s6 =	sld [smem:$0x3FA4]  }
0x2c: {  	s7 =	sld [smem:$0x3FA5]  }
0x2d: {  	s3 =	simm.s32 $0x108;
	s8 =	sld [smem:$0x3FA6]  }
0x2e: {  	s3 =	simm.s32 @!p0 $0x1082;
	s9 =	sld [smem:$0x3FA7]  }
0x2f: {  	lr =	sadd.s32 s0, s3;
	s0 =	sld [smem:$0x3F9E]  }
0x30: {  	s3 =	sld [smem:$0x3FA1]  }
0x31: {  	[smem:$0x3FAA] =	sst s10  }
0x32: {  	s10 =	sld [smem:$0x3FA8];
	_ =	sdelay $0x3  }
0x33: {  	p0 =	seq.s32 s10, $0x1;
	s10 =	sld [smem:$0x3FAA];
	_ =	sdelay $0x3  }
0x34: {  	[smem:$0x3FAA] =	sst s10  }
0x35: {  	s10 =	sld [smem:$0x3FA9];
	_ =	sdelay $0x3  }
0x36: {  	p1 =	seq.s32 s10, $0x1;
	s10 =	sld [smem:$0x3FAA];
	_ =	sdelay $0x3  }
0x37: {  	[smem:$0x3FAA] =	sst s10  }
0x38: {  	s10 =	sld [smem:$0x3FAB]  }
0x39: {  	_ = 	snop;
	(pc) =	sbr.ind lr, $3  }
0x3a: {  	_ = 	snop  }
0x3b: {  	_ = 	snop  }
0x3c: {  	p2 =	seq.s32 s10, $0x1;
	s10 =	sld [smem:$0x3FAA]  }
0x3d: {  	_ =	shalt  }
0x3e: {  	_ =	shalt  }
0x3f: {  	_ =	shalt  }
0x40: {  	_ =	shalt  }
0x41: {  	_ =	shalt  }
0x42: {  	_ =	shalt  }
0x43: {  	_ =	shalt  }
0x44: {  	_ =	shalt  }
0x45: {  	_ =	shalt  }
0x46: {  	_ =	shalt  }
0x47: {  	_ =	shalt  }
0x48: {  	_ =	shalt  }
0x49: {  	_ =	shalt  }
0x4a: {  	_ =	shalt  }
0x4b: {  	_ =	shalt  }
0x4c: {  	_ =	shalt  }
0x4d: {  	_ =	shalt  }
0x4e: {  	_ =	shalt  }
0x4f: {  	_ =	shalt  }
0x50: {  	_ =	shalt  }
0x51: {  	_ =	shalt  }
0x52: {  	_ =	shalt  }
0x53: {  	_ =	shalt  }
0x54: {  	_ =	shalt  }
0x55: {  	_ =	shalt  }
0x56: {  	_ =	shalt  }
0x57: {  	_ =	shalt  }
0x58: {  	_ =	shalt  }
0x59: {  	_ =	shalt  }
0x5a: {  	_ =	shalt  }
0x5b: {  	_ =	shalt  }
0x5c: {  	_ =	shalt  }
0x5d: {  	_ =	shalt  }
0x5e: {  	_ =	shalt  }
0x5f: {  	_ =	shalt  }
0x60: {  	_ =	shalt  }
0x61: {  	_ =	shalt  }
0x62: {  	_ =	shalt  }
0x63: {  	_ =	shalt  }
0x64: {  	_ =	shalt  }
0x65: {  	_ =	shalt  }
0x66: {  	_ =	shalt  }
0x67: {  	_ =	shalt  }
0x68: {  	_ =	shalt  }
0x69: {  	_ =	shalt  }
0x6a: {  	_ =	shalt  }
0x6b: {  	_ =	shalt  }
0x6c: {  	_ =	shalt  }
0x6d: {  	_ =	shalt  }
0x6e: {  	_ =	shalt  }
0x6f: {  	_ =	shalt  }
0x70: {  	_ =	shalt  }
0x71: {  	_ =	shalt  }
0x72: {  	_ =	shalt  }
0x73: {  	_ =	shalt  }
0x74: {  	_ =	shalt  }
0x75: {  	_ =	shalt  }
0x76: {  	_ =	shalt  }
0x77: {  	_ =	shalt  }
0x78: {  	_ =	shalt  }
0x79: {  	_ =	shalt  }
0x7a: {  	_ =	shalt  }
0x7b: {  	_ =	shalt  }
0x7c: {  	_ =	shalt  }
0x7d: {  	_ =	shalt  }
0x7e: {  	_ =	shalt  }
0x7f: {  	_ =	shalt  }
0x80: {  	_ =	shalt  }
0x81: {  	_ =	shalt  }
0x82: {  	_ =	shalt  }
0x83: {  	_ =	shalt  }
0x84: {  	_ =	shalt  }
0x85: {  	_ =	shalt  }
0x86: {  	_ =	shalt  }
0x87: {  	_ =	shalt  }
.Lfunc_end0:
.L_simem_size_0:
called_computation.2_lowered:
.L_overlay_start_0:
0x88: {  	s2 =	sld [smem:$0x3FD9]  }
0x89: {  	s3 =	sld [smem:$0x3FFE];
	_ =	sdelay $0x1  }
0x8a: {  	s1 =	srdreg.scid  }
0x8b: {  	s0 =	sand.u32 $0x1, s1  }
0x8c: {  	s17 =	sshll.u32 s0, $0xA;
	s2 =	sadd.s32 s3, s2  }
0x8d: {  	s2 =	sadd.s32 s2, s17  }
0x8e: {  	[smem:$0x3FB6] =	sst s2  }
0x8f: {  	_ = 	snop  }
0x90: {  	(tm) =	ssettm $0x1  }
0x91: {  	s18 =	sld [smem:$0x3FFB];
	_ =	sdelay $0x3  }
0x92: {  	_ =	strace s18  }
0x93: {  	s2 =	sld [smem:$0x3FFC];
	_ =	sdelay $0x3  }
0x94: {  	_ =	strace s2  }
0x95: {  	s2 =	sld [smem:$0x3FFD];
	_ =	sdelay $0x3  }
0x96: {  	_ =	strace s2  }
0x97: {  	_ =	strace $0x8FFFFFFF  }
0x98: {  	s19 =	sld [smem:$0x3FDB];
	_ =	sdelay $0x1  }
0x99: {  	s20 =	simm.s32 $_scs_section_size  }
0x9a: {  	s4 =	simm.s32 $_size__tile_overlayer_lowered;
	s5 =	simm.s32 $_tile_overlayer_lowered  }
0x9b: {  	s6 =	simm.s32 $0x1BFF;
	s21 =	sshll.u32 s5, $0x1;
	s3 =	sadd.s32 s20, s19  }
0x9c: {  	s22 =	simm.s32 $0x0;
	s4 =	sshll.u32 s4, $0x1;
	s5 =	sadd.s32 s21, s3  }
0x9d: {  	[timem:s22], [sflag:s6] =	dma.local [hbm:s5], s4  }
0x9e: {  	_ =	swait.ge [sflag:s6], s4  }
0x9f: {  	s4 =	ssub.s32 $0x0, s4;
	[sflag:s6] =	ssyncset.done $0x0  }
0xa0: {  	[sflag:s6] =	ssyncadd.s32 s4;
	_ =	sdelay $0x1  }
0xa1: {  	s23 =	simm.s32 $0x1B8B  }
0xa2: {  	_ =	swait.ge [sflag:s23], $0x1  }
0xa3: {  	[sflag:s23] =	ssyncset.done $0x0  }
0xa4: {  	[sflag:s23] =	ssyncadd.s32 $0xFFFFFFFF  }
0xa5: {  	s4 =	sld [smem:$0x0]  }
0xa6: {  	s5 =	sand.u32 $0xFFFFFFFE, s1  }
0xa7: {  	p0 =	sne.s32 s1, s5  }
0xa8: {  	s5 =	sshll.u32 @p0 s5, $0xE  }
0xa9: {  	s5 =	sadd.s32 @p0 $0x11B8D, s5;
	s6 =	sshll.u32 @p0 s4, $0x11  }
0xaa: {  	s5 =	sor.u32 @p0 s6, s5  }
0xab: {  	[sflag:s5] =	ssyncadd.remote.s32 @p0 $0x1;
	_ =	sdelay $0x1  }
0xac: {  	s5 =	simm.s32 @p0 $0x1B8D  }
0xad: {  	_ =	swait.eq @p0 [sflag:s5], $0x1  }
0xae: {  	[sflag:s5] =	ssyncadd.s32 @p0 $0xFFFFFFFF  }
0xaf: {  	s6 =	sshll.u32 @!p0 s1, $0xE  }
0xb0: {  	s6 =	sor.u32 @!p0 $0x4000, s6;
	s5 =	simm.s32 @!p0 $0x1B8D  }
0xb1: {  	s4 =	sshll.u32 @!p0 s4, $0x11;
	s6 =	sadd.s32 @!p0 $0x11B8D, s6;
	_ =	swait.eq @!p0 [sflag:s5], $0x1  }
0xb2: {  	s4 =	sor.u32 @!p0 s4, s6;
	[sflag:s5] =	ssyncadd.s32 @!p0 $0xFFFFFFFF  }
0xb3: {  	s25 =	simm.s32 $0x1B8E;
	s24 =	sld [smem:$0x3FFE];
	[sflag:s4] =	ssyncadd.remote.s32 @!p0 $0x1  }
0xb4: {  	s26 =	simm.s32 $execute0_lowered;
	[smem:$0x3FD2] =	sst s25  }
0xb5: {  	s5 =	sshll.u32 s26, $0x1;
	_ =	strace $0x8000004C;
	[dreg:$0x1] =	wrdreg $0xFFFFFFFF  }
0xb6: {  	s28 =	simm.s32 $_size_execute0_lowered;
	s3 =	sadd.s32 s3, s5;
	[dreg:$0x0] =	wrdreg $0x0  }
0xb7: {  	s5 =	sshll.u32 s28, $0x1;
	[dreg:$0x2] =	wrdreg s3  }
0xb8: {  	[dreg:$0x3] =	wrdreg s5  }
0xb9: {  	[dreg:$0x4] =	wrdreg $0xC0  }
0xba: {  	_ =	task [dreg:s22], $0x5FFFF  }
0xbb: {  	[dreg:$0x1] =	wrdreg $0xFFFFFFFF  }
0xbc: {  	[dreg:$0x0] =	wrdreg $0x60  }
0xbd: {  	[dreg:$0x2] =	wrdreg s24  }
0xbe: {  	[dreg:$0x3] =	wrdreg $0x0  }
0xbf: {  	[dreg:$0x4] =	wrdreg $0xA  }
0xc0: {  	_ =	task.clear_ibuf [dreg:s22], $0x5FFFF;
	_ =	strace $0x9000004C  }
0xc1: {  	s29 =	simm.s32 $0xA;
	_ =	strace $0x8000004E  }
0xc2: {  	_ =	swait.ge [sflag:s29], $0x1  }
0xc3: {  	[sflag:s29] =	ssyncadd.s32 $0xFFFFFFFF  }
0xc4: {  	_ =	strace $0x9000004E  }
0xc5: {  	_ =	sfence  }
0xc6: {  	s30 =	sld [smem:$0x0];
	_ =	sdelay $0x2  }
0xc7: {  	s31 =	sshll.u32 s1, $0xD;
	s1 =	sshrl.u32 s1, $0x2  }
0xc8: {  	s4 =	sand.u32 $0x4000, s31;
	s1 =	sadd.s32 s1, s30  }
0xc9: {  	s0 =	sor.u32 s4, s0;
	s1 =	sshll.u32 s1, $0x11  }
0xca: {  	s0 =	sor.u32 s1, s0  }
0xcb: {  	s0 =	sadd.s32 $0x8F2B, s0  }
0xcc: {  	[sflag:s0] =	ssyncadd.remote.s32 $0x1  }
0xcd: {  	_ =	sfence.sel $0xFFFF  }
0xce: {  	[dreg:$0x0] =	wrdreg $0xFFFFFFFF;
	(pc) =	sbr.abs _section_cstart, $3  }
0xcf: {  	[dreg:$0x1] =	wrdreg $0xFFFFFFFF  }
0xd0: {  	_ =	task.clear_ibuf [dreg:s22], $0x2FFFF;
	_ =	strace $0x9FFFFFFF  }
0xd1: {  	(tm) =	ssettm $0x7FFFFFFF  }
tec
execute0_lowered:
.L_overlay_start_1:
0x0: {  	(tag) =	ssettag $0x1  }
0x1: {  	s0 =	rddreg [dreg:$0x0]  }
0x2: {  	s1 =	rddreg [dreg:$0x1];
	s2 =	simm.s32 $0x0;
	s22 =	srdreg.scid  }
0x3: {  	s15 =	stileid.u32;
	s28 =	simm.s32 $0x14000;
	s29 =	simm.s32 $0x14080  }
0x4: {  	s30 =	simm.s32 $0x80;
	s31 =	simm.s32 $0x14100;
	[smem:$0x7FF] =	sst s2  }
0x5: {  	s3 =	sadd.s32 $0x4600, s0;
	s4 =	sadd.s32 $0x44600, s0;
	s5 =	sadd.s32 $0x4E600, s0  }
0x6: {  	s6 =	sadd.s32 $0x6C600, s0;
	s0 =	sadd.s32 $0x10D600, s0;
	s8 =	smul.u32 $0x50000, s15  }
0x7: {  	s11 =	sand.u32 $0x1, s22;
	s7 =	sshll.u32 s15, $0x1;
	s12 =	smul.u32 $0x14000, s15  }
0x8: {  	_ =	strace $0x8000004D;
	[dreg:$0x3] =	wrdreg s6;
	s20 =	smul.u32 $0x140000, s11  }
0x9: {  	s6 =	ssub.s32 $0x2, s11;
	s7 =	sor.u32 s11, s7;
	s11 =	smul.u32 $0x2800, s11  }
0xa: {  	s9 =	sshrl.u32 s6, $0x1;
	s23 =	smul.u32 $0x2800, s7;
	s24 =	sshrl.u32 s8, $0x2  }
0xb: {  	s16 =	sadd.s32 $0x4000, s12;
	s17 =	sadd.s32 $0x8000, s12;
	s18 =	sadd.s32 $0xC000, s12  }
0xc: {  	s19 =	sadd.s32 $0x10000, s12;
	s13 =	ssub.s32 s6, s9;
	s6 =	sadd.s32 s24, s1  }
0xd: {  	s7 =	sadd.s32 s16, s1;
	s8 =	sadd.s32 s17, s1;
	s9 =	sadd.s32 s18, s1  }
0xe: {  	s10 =	sadd.s32 s19, s1;
	s12 =	sadd.s32 s12, s20;
	s22 =	sadd.s32 s20, s17  }
0xf: {  	s18 =	sadd.s32 s20, s18;
	s19 =	sadd.s32 s20, s19;
	s14 =	sshrl.u32 s23, $0x3  }
0x10: {  	s12 =	sshrl.u32 s12, $0x3;
	s23 =	smul.u32 $0x5000, s15;
	s17 =	sshrl.u32 s22, $0x3  }
0x11: {  	s24 =	sshrl.u32 s18, $0x3;
	s21 =	sadd.s32 s4, s14;
	s25 =	sadd.s32 s5, s14  }
0x12: {  	s14 =	sor.u32 $0x10, s14;
	s12 =	sadd.s32 s0, s12;
	[dreg:$0x4] =	wrdreg s21  }
0x13: {  	s17 =	sadd.s32 s0, s17;
	s18 =	sadd.s32 s0, s24;
	[dreg:$0x5] =	wrdreg s25  }
0x14: {  	s26 =	sadd.s32 s4, s14;
	s14 =	sadd.s32 s5, s14;
	[dreg:$0x8] =	wrdreg s12  }
0x15: {  	s21 =	sadd.s32 s20, s16;
	s25 =	sshrl.u32 s19, $0x3;
	[dreg:$0x6] =	wrdreg s26  }
0x16: {  	s11 =	sadd.s32 s11, s23;
	s20 =	smax.u32 s13, $0x1;
	[dreg:$0x7] =	wrdreg s14  }
0x17: {  	s12 =	sshrl.u32 s21, $0x3;
	s19 =	sadd.s32 s0, s25;
	s26 =	sor.u32 $0x180, s11  }
0x18: {  	s11 =	sor.u32 $0x100, s11;
	s25 =	simm.s32 $0x14200;
	s16 =	sadd.s32 s0, s12  }
0x19: {  	s0 =	sshrl.u32 s26, $0x3;
	s11 =	sshrl.u32 s11, $0x3;
	s26 =	simm.s32 $0x3  }
0x1a: {  	s12 =	simm.s32 $0x0;
	s21 =	sadd.s32 s0, s5;
	s22 =	sadd.s32 s0, s4  }
0x1b: {  	s23 =	sadd.s32 s11, s5;
	s24 =	sadd.s32 s11, s4;
	s0 =	simm.s32 $0x14180  }
0x1c: {  	s4 =	simm.s32 $0x18200;
	s5 =	simm.s32 $0x1;
	s11 =	simm.s32 $0x2  }
.LBB2_1:
0x1d: {  	s13 =	rddreg [dreg:$0x3]  }
0x1e: {  	[tilespmem:s25], [sflag:$0x3] =	stream.linear.gather [hbm4b:s13+s2], $0x4000, $0x38;
	[tilespmem:$0x1C200] =	vst v63  }
0x1f: {  	_ =	swait.ge [sflag:s26], $0x4000  }
0x20: {  	[sflag:s26] =	ssyncset.done $0x0  }
0x21: {  	[sflag:s26] =	ssyncadd.s32 $0xFFFFC000  }
0x22: {  	[spmem:s6] =	stream.linear.scatter [tilespmem:s25], [sflag:$0x3], $0x4000, $0x38;
	[tilespmem:$0x1C200] =	vst v63  }
0x23: {  	_ =	swait.ge [sflag:s26], $0x4000  }
0x24: {  	[sflag:s26] =	ssyncset.done $0x0  }
0x25: {  	[sflag:s26] =	ssyncadd.s32 $0xFFFFC000  }
0x26: {  	[spmem:s7] =	stream.linear.scatter [tilespmem:s25], [sflag:$0x3], $0x4000, $0x38;
	[tilespmem:$0x1C200] =	vst v63  }
0x27: {  	_ =	swait.ge [sflag:s26], $0x4000  }
0x28: {  	[sflag:s26] =	ssyncset.done $0x0  }
0x29: {  	[sflag:s26] =	ssyncadd.s32 $0xFFFFC000  }
0x2a: {  	[spmem:s8] =	stream.linear.scatter [tilespmem:s25], [sflag:$0x3], $0x4000, $0x38;
	[tilespmem:$0x1C200] =	vst v63  }
0x2b: {  	_ =	swait.ge [sflag:s26], $0x4000  }
0x2c: {  	[sflag:s26] =	ssyncset.done $0x0  }
0x2d: {  	[sflag:s26] =	ssyncadd.s32 $0xFFFFC000  }
0x2e: {  	[spmem:s9] =	stream.linear.scatter [tilespmem:s25], [sflag:$0x3], $0x4000, $0x38;
	[tilespmem:$0x1C200] =	vst v63  }
0x2f: {  	_ =	swait.ge [sflag:s26], $0x4000  }
0x30: {  	[sflag:s26] =	ssyncset.done $0x0  }
0x31: {  	[sflag:s26] =	ssyncadd.s32 $0xFFFFC000  }
0x32: {  	[spmem:s10] =	stream.linear.scatter [tilespmem:s25], [sflag:$0x3], $0x4000, $0x38;
	[tilespmem:$0x1C200] =	vst v63  }
0x33: {  	_ =	swait.ge [sflag:s26], $0x4000  }
0x34: {  	[sflag:s26] =	ssyncset.done $0x0  }
0x35: {  	[sflag:s26] =	ssyncadd.s32 $0xFFFFC000  }
0x36: {  	[bflag:$0x0] =	sbarrier.arrive $0xFFFF  }
0x37: {  	s14 =	rddreg [dreg:$0x4]  }
0x38: {  	[tilespmem:s28], [sflag:$0x3] =	stream.linear.gather [hbm4b:s14+s2], $0x80, $0x38;
	[tilespmem:$0x1C200] =	vst v63  }
0x39: {  	_ =	swait.ge [sflag:s26], $0x80  }
0x3a: {  	[sflag:s26] =	ssyncset.done $0x0  }
0x3b: {  	s15 =	rddreg [dreg:$0x5];
	[sflag:s26] =	ssyncadd.s32 $0xFFFFFF80  }
0x3c: {  	[tilespmem:s29], [sflag:$0x3] =	stream.linear.gather [hbm4b:s15+s2], $0x80, $0x38;
	[tilespmem:$0x1C200] =	vst v63  }
0x3d: {  	_ =	swait.ge [sflag:s26], $0x80  }
0x3e: {  	[sflag:s26] =	ssyncset.done $0x0  }
0x3f: {  	[sflag:s26] =	ssyncadd.s32 $0xFFFFFF80  }
0x40: {  	[tilespmem:s25], [sflag:$0x1] =	stream.indirect.gather [hbm4b:s3+s30], $0x80, s28, s30, $0xb8;
	[tilespmem:$0x1C200] =	vst v63  }
0x41: {  	s14 =	rddreg [dreg:$0x6]  }
0x42: {  	[tilespmem:s31], [sflag:$0x3] =	stream.linear.gather [hbm4b:s14+s2], $0x80, $0x38;
	[tilespmem:$0x1C200] =	vst v63  }
0x43: {  	_ =	swait.ge [sflag:s26], $0x80  }
0x44: {  	[sflag:s26] =	ssyncset.done $0x0  }
0x45: {  	s15 =	rddreg [dreg:$0x7];
	[sflag:s26] =	ssyncadd.s32 $0xFFFFFF80  }
0x46: {  	[tilespmem:s0], [sflag:$0x3] =	stream.linear.gather [hbm4b:s15+s2], $0x80, $0x38;
	[tilespmem:$0x1C200] =	vst v63  }
0x47: {  	_ =	swait.ge [sflag:s26], $0x80  }
0x48: {  	[sflag:s26] =	ssyncset.done $0x0  }
0x49: {  	[sflag:s26] =	ssyncadd.s32 $0xFFFFFF80  }
0x4a: {  	[tilespmem:s4], [sflag:$0x2] =	stream.indirect.gather [hbm4b:s3+s30], $0x80, s31, s30, $0xb8;
	[tilespmem:$0x1C200] =	vst v63  }
0x4b: {  	_ =	swait.ge [sflag:s5], $0x4000  }
0x4c: {  	[sflag:s5] =	ssyncset.done $0x0  }
0x4d: {  	[sflag:s5] =	ssyncadd.s32 $0xFFFFC000  }
0x4e: {  	[spmem:s1] =	stream.indirect.scatter.add.f32 [tilespmem:s25], [sflag:$0x3], $0x80, s29, s30, $0xb8;
	[tilespmem:$0x1C200] =	vst v63  }
0x4f: {  	_ =	swait.ge [sflag:s26], $0x4000  }
0x50: {  	[sflag:s26] =	ssyncset.done $0x0  }
0x51: {  	s14 =	sadd.s32 $0x0, s24;
	[sflag:s26] =	ssyncadd.s32 $0xFFFFC000  }
0x52: {  	[tilespmem:s28], [sflag:$0x3] =	stream.linear.gather [hbm4b:s14+s2], $0x80, $0x38;
	[tilespmem:$0x1C200] =	vst v63  }
0x53: {  	_ =	swait.ge [sflag:s26], $0x80  }
0x54: {  	[sflag:s26] =	ssyncset.done $0x0  }
0x55: {  	s15 =	sadd.s32 $0x0, s23;
	[sflag:s26] =	ssyncadd.s32 $0xFFFFFF80  }
0x56: {  	[tilespmem:s29], [sflag:$0x3] =	stream.linear.gather [hbm4b:s15+s2], $0x80, $0x38;
	[tilespmem:$0x1C200] =	vst v63  }
0x57: {  	_ =	swait.ge [sflag:s26], $0x80  }
0x58: {  	[sflag:s26] =	ssyncset.done $0x0  }
0x59: {  	[sflag:s26] =	ssyncadd.s32 $0xFFFFFF80  }
0x5a: {  	[tilespmem:s25], [sflag:$0x1] =	stream.indirect.gather [hbm4b:s3+s30], $0x80, s28, s30, $0xb8;
	[tilespmem:$0x1C200] =	vst v63  }
0x5b: {  	_ =	swait.ge [sflag:s11], $0x4000  }
0x5c: {  	[sflag:s11] =	ssyncset.done $0x0  }
0x5d: {  	[sflag:s11] =	ssyncadd.s32 $0xFFFFC000  }
0x5e: {  	[spmem:s1] =	stream.indirect.scatter.add.f32 [tilespmem:s4], [sflag:$0x3], $0x80, s0, s30, $0xb8;
	[tilespmem:$0x1C200] =	vst v63  }
0x5f: {  	_ =	swait.ge [sflag:s26], $0x4000  }
0x60: {  	[sflag:s26] =	ssyncset.done $0x0  }
0x61: {  	s14 =	sadd.s32 $0x0, s22;
	[sflag:s26] =	ssyncadd.s32 $0xFFFFC000  }
0x62: {  	[tilespmem:s31], [sflag:$0x3] =	stream.linear.gather [hbm4b:s14+s2], $0x80, $0x38;
	[tilespmem:$0x1C200] =	vst v63  }
0x63: {  	_ =	swait.ge [sflag:s26], $0x80  }
0x64: {  	[sflag:s26] =	ssyncset.done $0x0  }
0x65: {  	s15 =	sadd.s32 $0x0, s21;
	[sflag:s26] =	ssyncadd.s32 $0xFFFFFF80  }
0x66: {  	[tilespmem:s0], [sflag:$0x3] =	stream.linear.gather [hbm4b:s15+s2], $0x80, $0x38;
	[tilespmem:$0x1C200] =	vst v63  }
0x67: {  	_ =	swait.ge [sflag:s26], $0x80  }
0x68: {  	[sflag:s26] =	ssyncset.done $0x0  }
0x69: {  	s13 =	simm.s32 $0x20;
	[sflag:s26] =	ssyncadd.s32 $0xFFFFFF80  }
.LBB2_2:
0x6a: {  	[tilespmem:s4], [sflag:$0x2] =	stream.indirect.gather [hbm4b:s3+s30], $0x80, s31, s30, $0xb8;
	[tilespmem:$0x1C200] =	vst v63  }
0x6b: {  	s14 =	smov.u32 s13  }
0x6c: {  	p0 =	sne.s32 s13, $0x4C0;
	s13 =	sadd.s32 $0x20, s13;
	_ =	swait.ge [sflag:s5], $0x4000  }
0x6d: {  	[sflag:s5] =	ssyncset.done $0x0  }
0x6e: {  	[sflag:s5] =	ssyncadd.s32 $0xFFFFC000  }
0x6f: {  	[spmem:s1] =	stream.indirect.scatter.add.f32 [tilespmem:s25], [sflag:$0x3], $0x80, s29, s30, $0xb8;
	[tilespmem:$0x1C200] =	vst v63  }
0x70: {  	_ =	swait.ge [sflag:s26], $0x4000  }
0x71: {  	[sflag:s26] =	ssyncset.done $0x0  }
0x72: {  	s15 =	sadd.s32 s14, s24;
	[sflag:s26] =	ssyncadd.s32 $0xFFFFC000  }
0x73: {  	[tilespmem:s28], [sflag:$0x3] =	stream.linear.gather [hbm4b:s15+s2], $0x80, $0x38;
	[tilespmem:$0x1C200] =	vst v63  }
0x74: {  	_ =	swait.ge [sflag:s26], $0x80  }
0x75: {  	[sflag:s26] =	ssyncset.done $0x0  }
0x76: {  	s15 =	sadd.s32 s14, s23;
	[sflag:s26] =	ssyncadd.s32 $0xFFFFFF80  }
0x77: {  	[tilespmem:s29], [sflag:$0x3] =	stream.linear.gather [hbm4b:s15+s2], $0x80, $0x38;
	[tilespmem:$0x1C200] =	vst v63  }
0x78: {  	_ =	swait.ge [sflag:s26], $0x80  }
0x79: {  	[sflag:s26] =	ssyncset.done $0x0  }
0x7a: {  	[sflag:s26] =	ssyncadd.s32 $0xFFFFFF80  }
0x7b: {  	[tilespmem:s25], [sflag:$0x1] =	stream.indirect.gather [hbm4b:s3+s30], $0x80, s28, s30, $0xb8;
	[tilespmem:$0x1C200] =	vst v63  }
0x7c: {  	_ =	swait.ge [sflag:s11], $0x4000  }
0x7d: {  	[sflag:s11] =	ssyncset.done $0x0  }
0x7e: {  	[sflag:s11] =	ssyncadd.s32 $0xFFFFC000  }
0x7f: {  	[spmem:s1] =	stream.indirect.scatter.add.f32 [tilespmem:s4], [sflag:$0x3], $0x80, s0, s30, $0xb8;
	[tilespmem:$0x1C200] =	vst v63  }
0x80: {  	_ =	swait.ge [sflag:s26], $0x4000  }
0x81: {  	[sflag:s26] =	ssyncset.done $0x0  }
0x82: {  	s15 =	sadd.s32 s14, s22;
	[sflag:s26] =	ssyncadd.s32 $0xFFFFC000  }
0x83: {  	[tilespmem:s31], [sflag:$0x3] =	stream.linear.gather [hbm4b:s15+s2], $0x80, $0x38;
	[tilespmem:$0x1C200] =	vst v63  }
0x84: {  	_ =	swait.ge [sflag:s26], $0x80  }
0x85: {  	[sflag:s26] =	ssyncset.done $0x0  }
.Ltmp0:
0x86: {  	s14 =	sadd.s32 s14, s21;
	[sflag:s26] =	ssyncadd.s32 $0xFFFFFF80;
	(pc) =	sbr.rel @p0 .LBB2_2-.Ltmp0, $4  }
0x87: {  	[tilespmem:s0], [sflag:$0x3] =	stream.linear.gather [hbm4b:s14+s2], $0x80, $0x38;
	[tilespmem:$0x1C200] =	vst v63  }
0x88: {  	_ =	swait.ge [sflag:s26], $0x80  }
0x89: {  	[sflag:s26] =	ssyncset.done $0x0  }
0x8a: {  	[sflag:s26] =	ssyncadd.s32 $0xFFFFFF80  }
0x8b: {  	[tilespmem:s4], [sflag:$0x2] =	stream.indirect.gather [hbm4b:s3+s30], $0x80, s31, s30, $0xb8;
	[tilespmem:$0x1C200] =	vst v63  }
0x8c: {  	_ =	swait.ge [sflag:s5], $0x4000  }
0x8d: {  	[sflag:s5] =	ssyncset.done $0x0  }
0x8e: {  	[sflag:s5] =	ssyncadd.s32 $0xFFFFC000  }
0x8f: {  	[spmem:s1] =	stream.indirect.scatter.add.f32 [tilespmem:s25], [sflag:$0x3], $0x80, s29, s30, $0xb8;
	[tilespmem:$0x1C200] =	vst v63  }
0x90: {  	_ =	swait.ge [sflag:s26], $0x4000  }
0x91: {  	[sflag:s26] =	ssyncset.done $0x0  }
0x92: {  	[sflag:s26] =	ssyncadd.s32 $0xFFFFC000  }
0x93: {  	_ =	swait.ge [sflag:s11], $0x4000  }
0x94: {  	[sflag:s11] =	ssyncset.done $0x0  }
0x95: {  	[sflag:s11] =	ssyncadd.s32 $0xFFFFC000  }
0x96: {  	[spmem:s1] =	stream.indirect.scatter.add.f32 [tilespmem:s4], [sflag:$0x3], $0x80, s0, s30, $0xb8;
	[tilespmem:$0x1C200] =	vst v63  }
0x97: {  	_ =	swait.ge [sflag:s26], $0x4000  }
0x98: {  	[sflag:s26] =	ssyncset.done $0x0  }
0x99: {  	[sflag:s26] =	ssyncadd.s32 $0xFFFFC000  }
0x9a: {  	[bflag:$0x0] =	sbarrier.arrive $0xFFFF  }
0x9b: {  	[tilespmem:s25], [sflag:$0x3] =	stream.linear.gather [spmem:s6], $0x4000, $0x38;
	[tilespmem:$0x1C200] =	vst v63  }
0x9c: {  	_ =	swait.ge [sflag:s26], $0x4000  }
0x9d: {  	[sflag:s26] =	ssyncset.done $0x0  }
0x9e: {  	s13 =	rddreg [dreg:$0x8];
	[sflag:s26] =	ssyncadd.s32 $0xFFFFC000  }
0x9f: {  	[hbm4b:s13+s2] =	stream.linear.scatter [tilespmem:s25], [sflag:$0x3], $0x4000, $0x38;
	[tilespmem:$0x1C200] =	vst v63  }
0xa0: {  	_ =	swait.ge [sflag:s26], $0x4000  }
0xa1: {  	[sflag:s26] =	ssyncset.done $0x0  }
0xa2: {  	[sflag:s26] =	ssyncadd.s32 $0xFFFFC000  }
0xa3: {  	[tilespmem:s25], [sflag:$0x3] =	stream.linear.gather [spmem:s7], $0x4000, $0x38;
	[tilespmem:$0x1C200] =	vst v63  }
0xa4: {  	_ =	swait.ge [sflag:s26], $0x4000  }
0xa5: {  	[sflag:s26] =	ssyncset.done $0x0  }
0xa6: {  	[sflag:s26] =	ssyncadd.s32 $0xFFFFC000  }
0xa7: {  	[hbm4b:s16+s2] =	stream.linear.scatter [tilespmem:s25], [sflag:$0x3], $0x4000, $0x38;
	[tilespmem:$0x1C200] =	vst v63  }
0xa8: {  	_ =	swait.ge [sflag:s26], $0x4000  }
0xa9: {  	[sflag:s26] =	ssyncset.done $0x0  }
0xaa: {  	[sflag:s26] =	ssyncadd.s32 $0xFFFFC000  }
0xab: {  	[tilespmem:s25], [sflag:$0x3] =	stream.linear.gather [spmem:s8], $0x4000, $0x38;
	[tilespmem:$0x1C200] =	vst v63  }
0xac: {  	_ =	swait.ge [sflag:s26], $0x4000  }
0xad: {  	[sflag:s26] =	ssyncset.done $0x0  }
0xae: {  	[sflag:s26] =	ssyncadd.s32 $0xFFFFC000  }
0xaf: {  	[hbm4b:s17+s2] =	stream.linear.scatter [tilespmem:s25], [sflag:$0x3], $0x4000, $0x38;
	[tilespmem:$0x1C200] =	vst v63  }
0xb0: {  	_ =	swait.ge [sflag:s26], $0x4000  }
0xb1: {  	[sflag:s26] =	ssyncset.done $0x0  }
0xb2: {  	[sflag:s26] =	ssyncadd.s32 $0xFFFFC000  }
0xb3: {  	[tilespmem:s25], [sflag:$0x3] =	stream.linear.gather [spmem:s9], $0x4000, $0x38;
	[tilespmem:$0x1C200] =	vst v63  }
0xb4: {  	_ =	swait.ge [sflag:s26], $0x4000  }
0xb5: {  	[sflag:s26] =	ssyncset.done $0x0  }
0xb6: {  	[sflag:s26] =	ssyncadd.s32 $0xFFFFC000  }
0xb7: {  	[hbm4b:s18+s2] =	stream.linear.scatter [tilespmem:s25], [sflag:$0x3], $0x4000, $0x38;
	[tilespmem:$0x1C200] =	vst v63  }
0xb8: {  	_ =	swait.ge [sflag:s26], $0x4000  }
0xb9: {  	[sflag:s26] =	ssyncset.done $0x0  }
0xba: {  	[sflag:s26] =	ssyncadd.s32 $0xFFFFC000  }
0xbb: {  	[tilespmem:s25], [sflag:$0x3] =	stream.linear.gather [spmem:s10], $0x4000, $0x38;
	[tilespmem:$0x1C200] =	vst v63  }
0xbc: {  	s12 =	sadd.s32 $0x1, s12;
	_ =	swait.ge [sflag:s26], $0x4000  }
0xbd: {  	p0 =	sne.s32 s12, s20;
	[sflag:s26] =	ssyncset.done $0x0  }
.Ltmp1:
0xbe: {  	[sflag:s26] =	ssyncadd.s32 $0xFFFFC000;
	(pc) =	sbr.rel @p0 .LBB2_1-.Ltmp1, $4  }
0xbf: {  	[hbm4b:s19+s2] =	stream.linear.scatter [tilespmem:s25], [sflag:$0x3], $0x4000, $0x38;
	[tilespmem:$0x1C200] =	vst v63  }
0xc0: {  	_ =	swait.ge [sflag:s26], $0x4000  }
0xc1: {  	[sflag:s26] =	ssyncset.done $0x0  }
0xc2: {  	[sflag:s26] =	ssyncadd.s32 $0xFFFFC000  }
0xc3: {  	_ =	sfence.sel $0x180000  }
0xc4: {  	[bflag:$0x0] =	sbarrier.arrive $0xFFFF  }
0xc5: {  	_ =	strace $0x9000004D  }
0xc6: {  	s0 =	stileid.u32;
	[bflag:$0x2] =	sbarrier.arrive $0xFFFF  }
0xc7: {  	p0 =	sne.s32 s0, $0x0;
	s0 =	rddreg [dreg:$0x2]  }
0xc8: {  	s0 =	sadd.s32 @!p0 $0x100000, s0  }
0xc9: {  	[sflag:s0] =	ssyncadd.tile.s32 @!p0 $0x1;
	_ =	shalt  }
.Lfunc_end2:
_tile_overlayer_lowered:
.L_overlay_start_2:
0xca: {  	(tag) =	ssettag $0x2  }
0xcb: {  	s0 =	rddreg [dreg:$0x0];
	s2 =	stileid.u32  }
0xcc: {  	s1 =	rddreg [dreg:$0x1];
	p0 =	sne.s32 s2, $0x0  }
0xcd: {  	s3 =	rddreg [dreg:$0x2];
	[bflag:$0x3] =	sbarrier.arrive $0xFFFF;
	s2 =	simm.s32 @!p0 $0x1C03  }
0xce: {  	[timem:s3], [sflag:s2] =	dma.local @!p0 [hbm:s0], s1  }
0xcf: {  	s0 =	simm.s32 @!p0 $0x3  }
0xd0: {  	_ =	swait.ge @!p0 [sflag:s0], s1  }
0xd1: {  	s1 =	ssub.s32 @!p0 $0x0, s1;
	[sflag:s0] =	ssyncset.done @!p0 $0x0  }
0xd2: {  	[sflag:s0] =	ssyncadd.s32 @!p0 s1  }
0xd3: {  	[bflag:$0x3] =	sbarrier.arrive $0xFFFF  }
0xd4: {  	_ =	shalt  }

// kernel: kernel.19.cloned.1.call-start
scs
__scs_entry_jumppad:
0x0: {  	(pc) =	sbr.rel $0x88, $3  }
0x1: {  	(tag) =	ssettag $0x0;
	lr =	simm.s32 $0x1  }
0x2: {  	[smem:$0x3F8F] =	sst lr;
	_ =	strace $0xD0000000  }
0x3: {  	_ = 	snop  }
0x4: {  	_ = 	snop  }
0x5: {  	_ = 	snop  }
0x6: {  	_ = 	snop  }
0x7: {  	_ = 	snop  }
__scs_overlays_trampoline_lowered:
0x8: {  	[smem:$0x3F9E] =	sst s0  }
0x9: {  	[smem:$0x3F9F] =	sst s1  }
0xa: {  	[smem:$0x3FA0] =	sst s2  }
0xb: {  	[smem:$0x3FA1] =	sst s3  }
0xc: {  	[smem:$0x3FA2] =	sst s4  }
0xd: {  	[smem:$0x3FA3] =	sst s5  }
0xe: {  	[smem:$0x3FA4] =	sst s6  }
0xf: {  	[smem:$0x3FA5] =	sst s7  }
0x10: {  	[smem:$0x3FA6] =	sst s8  }
0x11: {  	[smem:$0x3FA7] =	sst s9;
	s0 =	simm.s32 @!p0 $0x0  }
0x12: {  	s1 =	sld [smem:$0x3F8D];
	s0 =	simm.s32 @p0 $0x1  }
0x13: {  	[smem:$0x3FA8] =	sst s0;
	s0 =	simm.s32 @!p1 $0x0  }
0x14: {  	s2 =	sld [smem:$0x3F8C];
	s0 =	simm.s32 @p1 $0x1  }
0x15: {  	[smem:$0x3FA9] =	sst s0;
	s0 =	simm.s32 @!p2 $0x0  }
0x16: {  	s3 =	sld [smem:$0x3FDB];
	s0 =	simm.s32 @p2 $0x1  }
0x17: {  	s4 =	simm.s32 $0x1BF5;
	[smem:$0x3FAB] =	sst s0  }
0x18: {  	s0 =	sld [smem:$0x3F8E];
	_ =	swait.ge [sflag:s4], $0x0  }
0x19: {  	s7 =	sld [smem:$0x3F8F]  }
0x1a: {  	s8 =	sadd.s32 $0xFFFFE003, lr  }
0x1b: {  	s9 =	sadd.s32 $0xFFFFFEF7, lr;
	s5 =	simm.s32 $0xFFFFFFFF;
	p2 =	slt.u32 s8, $0xFFFFF086  }
0x1c: {  	p1 =	slt.u32 s9, $0xF7A;
	s5 =	simm.s32 @!p2 $0x0  }
0x1d: {  	s5 =	simm.s32 @p1 $0x1;
	p0 =	seq.s32 s7, s2  }
0x1e: {  	s7 =	smul.u32 @!p0 $0xF7A, s2;
	p2 =	seq.s32 @!p0 s5, $0x0  }
0x1f: {  	s9 =	smul.u32 $0xF7A, s1;
	s8 =	simm.s32 @!p0 $0x1BF5;
	p2 =	por !p2, p0  }
0x20: {  	[sflag:s8] =	ssyncset.s32 @!p0 $0xFFFFF086;
	s6 =	sadd.s32 @!p0 s3, s7;
	s7 =	simm.s32 @!p0 $0x108  }
0x21: {  	s3 =	sadd.s32 s3, s9;
	s6 =	sadd.s32 @!p0 $0x88, s6;
	s7 =	simm.s32 @p2 $0x1082  }
0x22: {  	[simem:s7], [sflag:s8] =	dma.local @!p0 [hbm:s6], $0xF7A  }
0x23: {  	s9 =	sor.u32 $0xD0000000, s2;
	s6 =	simm.s32 $0x108;
	_ =	swait.ge @!p0 [sflag:s8], $0x0  }
0x24: {  	s3 =	sadd.s32 $0x88, s3;
	s6 =	simm.s32 @!p1 $0x1082;
	[sflag:s4] =	ssyncset.s32 $0xFFFFF086  }
0x25: {  	[simem:s6], [sflag:s4] =	dma.local [hbm:s3], $0xF7A  }
0x26: {  	[smem:$0x3F8F] =	sst s1;
	(tag) =	ssettag s2;
	_ =	strace s9  }
0x27: {  	s1 =	sld [smem:$0x3F9F]  }
0x28: {  	s2 =	sld [smem:$0x3FA0]  }
0x29: {  	s4 =	sld [smem:$0x3FA2]  }
0x2a: {  	p0 =	seq.s32 s5, $0x0;
	s5 =	sld [smem:$0x3FA3]  }
0x2b: {  	s6 =	sld [smem:$0x3FA4]  }
0x2c: {  	s7 =	sld [smem:$0x3FA5]  }
0x2d: {  	s3 =	simm.s32 $0x108;
	s8 =	sld [smem:$0x3FA6]  }
0x2e: {  	s3 =	simm.s32 @!p0 $0x1082;
	s9 =	sld [smem:$0x3FA7]  }
0x2f: {  	lr =	sadd.s32 s0, s3;
	s0 =	sld [smem:$0x3F9E]  }
0x30: {  	s3 =	sld [smem:$0x3FA1]  }
0x31: {  	[smem:$0x3FAA] =	sst s10  }
0x32: {  	s10 =	sld [smem:$0x3FA8];
	_ =	sdelay $0x3  }
0x33: {  	p0 =	seq.s32 s10, $0x1;
	s10 =	sld [smem:$0x3FAA];
	_ =	sdelay $0x3  }
0x34: {  	[smem:$0x3FAA] =	sst s10  }
0x35: {  	s10 =	sld [smem:$0x3FA9];
	_ =	sdelay $0x3  }
0x36: {  	p1 =	seq.s32 s10, $0x1;
	s10 =	sld [smem:$0x3FAA];
	_ =	sdelay $0x3  }
0x37: {  	[smem:$0x3FAA] =	sst s10  }
0x38: {  	s10 =	sld [smem:$0x3FAB]  }
0x39: {  	_ = 	snop;
	(pc) =	sbr.ind lr, $3  }
0x3a: {  	_ = 	snop  }
0x3b: {  	_ = 	snop  }
0x3c: {  	p2 =	seq.s32 s10, $0x1;
	s10 =	sld [smem:$0x3FAA]  }
0x3d: {  	_ =	shalt  }
0x3e: {  	_ =	shalt  }
0x3f: {  	_ =	shalt  }
0x40: {  	_ =	shalt  }
0x41: {  	_ =	shalt  }
0x42: {  	_ =	shalt  }
0x43: {  	_ =	shalt  }
0x44: {  	_ =	shalt  }
0x45: {  	_ =	shalt  }
0x46: {  	_ =	shalt  }
0x47: {  	_ =	shalt  }
0x48: {  	_ =	shalt  }
0x49: {  	_ =	shalt  }
0x4a: {  	_ =	shalt  }
0x4b: {  	_ =	shalt  }
0x4c: {  	_ =	shalt  }
0x4d: {  	_ =	shalt  }
0x4e: {  	_ =	shalt  }
0x4f: {  	_ =	shalt  }
0x50: {  	_ =	shalt  }
0x51: {  	_ =	shalt  }
0x52: {  	_ =	shalt  }
0x53: {  	_ =	shalt  }
0x54: {  	_ =	shalt  }
0x55: {  	_ =	shalt  }
0x56: {  	_ =	shalt  }
0x57: {  	_ =	shalt  }
0x58: {  	_ =	shalt  }
0x59: {  	_ =	shalt  }
0x5a: {  	_ =	shalt  }
0x5b: {  	_ =	shalt  }
0x5c: {  	_ =	shalt  }
0x5d: {  	_ =	shalt  }
0x5e: {  	_ =	shalt  }
0x5f: {  	_ =	shalt  }
0x60: {  	_ =	shalt  }
0x61: {  	_ =	shalt  }
0x62: {  	_ =	shalt  }
0x63: {  	_ =	shalt  }
0x64: {  	_ =	shalt  }
0x65: {  	_ =	shalt  }
0x66: {  	_ =	shalt  }
0x67: {  	_ =	shalt  }
0x68: {  	_ =	shalt  }
0x69: {  	_ =	shalt  }
0x6a: {  	_ =	shalt  }
0x6b: {  	_ =	shalt  }
0x6c: {  	_ =	shalt  }
0x6d: {  	_ =	shalt  }
0x6e: {  	_ =	shalt  }
0x6f: {  	_ =	shalt  }
0x70: {  	_ =	shalt  }
0x71: {  	_ =	shalt  }
0x72: {  	_ =	shalt  }
0x73: {  	_ =	shalt  }
0x74: {  	_ =	shalt  }
0x75: {  	_ =	shalt  }
0x76: {  	_ =	shalt  }
0x77: {  	_ =	shalt  }
0x78: {  	_ =	shalt  }
0x79: {  	_ =	shalt  }
0x7a: {  	_ =	shalt  }
0x7b: {  	_ =	shalt  }
0x7c: {  	_ =	shalt  }
0x7d: {  	_ =	shalt  }
0x7e: {  	_ =	shalt  }
0x7f: {  	_ =	shalt  }
0x80: {  	_ =	shalt  }
0x81: {  	_ =	shalt  }
0x82: {  	_ =	shalt  }
0x83: {  	_ =	shalt  }
0x84: {  	_ =	shalt  }
0x85: {  	_ =	shalt  }
0x86: {  	_ =	shalt  }
0x87: {  	_ =	shalt  }
.Lfunc_end0:
.L_simem_size_0:
called_computation.3_lowered:
.L_overlay_start_0:
0x88: {  	s2 =	sld [smem:$0x3FD9]  }
0x89: {  	s3 =	sld [smem:$0x3FFE];
	_ =	sdelay $0x1  }
0x8a: {  	s1 =	srdreg.scid  }
0x8b: {  	s0 =	sand.u32 $0x1, s1  }
0x8c: {  	s16 =	sshll.u32 s0, $0xA;
	s2 =	sadd.s32 s3, s2  }
0x8d: {  	s2 =	sadd.s32 s2, s16  }
0x8e: {  	[smem:$0x3FB6] =	sst s2  }
0x8f: {  	_ = 	snop  }
0x90: {  	(tm) =	ssettm $0x1  }
0x91: {  	s17 =	sld [smem:$0x3FFB];
	_ =	sdelay $0x3  }
0x92: {  	_ =	strace s17  }
0x93: {  	s2 =	sld [smem:$0x3FFC];
	_ =	sdelay $0x3  }
0x94: {  	_ =	strace s2  }
0x95: {  	s2 =	sld [smem:$0x3FFD];
	_ =	sdelay $0x3  }
0x96: {  	_ =	strace s2  }
0x97: {  	_ =	strace $0x8FFFFFFF  }
0x98: {  	s18 =	sld [smem:$0x3FDB];
	_ =	sdelay $0x1  }
0x99: {  	s19 =	simm.s32 $_scs_section_size  }
0x9a: {  	s4 =	simm.s32 $_size__tile_overlayer_lowered;
	s5 =	simm.s32 $_tile_overlayer_lowered  }
0x9b: {  	s22 =	simm.s32 $0x1BFF;
	s21 =	sshll.u32 s5, $0x1;
	s2 =	sadd.s32 s19, s18  }
0x9c: {  	s6 =	simm.s32 $0x0;
	s20 =	sshll.u32 s4, $0x1;
	s4 =	sadd.s32 s21, s2  }
0x9d: {  	[timem:s6], [sflag:s22] =	dma.local [hbm:s4], s20  }
0x9e: {  	_ =	swait.ge [sflag:s22], s20  }
0x9f: {  	s3 =	ssub.s32 $0x0, s20;
	[sflag:s22] =	ssyncset.done $0x0  }
0xa0: {  	[sflag:s22] =	ssyncadd.s32 s3;
	_ =	sdelay $0x1  }
0xa1: {  	s23 =	simm.s32 $0x1B8B  }
0xa2: {  	_ =	swait.ge [sflag:s23], $0x1  }
0xa3: {  	[sflag:s23] =	ssyncset.done $0x0  }
0xa4: {  	s25 =	simm.s32 $0x1B8E;
	s24 =	sld [smem:$0x3FFE];
	[sflag:s23] =	ssyncadd.s32 $0xFFFFFFFF  }
0xa5: {  	s26 =	simm.s32 $execute0_lowered;
	[smem:$0x3FD2] =	sst s25  }
0xa6: {  	s4 =	sshll.u32 s26, $0x1;
	_ =	strace $0x8000004F;
	[dreg:$0x1] =	wrdreg $0xFFFFFFFF  }
0xa7: {  	s28 =	simm.s32 $_size_execute0_lowered;
	s2 =	sadd.s32 s2, s4;
	[dreg:$0x0] =	wrdreg $0x0  }
0xa8: {  	s4 =	sshll.u32 s28, $0x1;
	[dreg:$0x2] =	wrdreg s2  }
0xa9: {  	[dreg:$0x3] =	wrdreg s4  }
0xaa: {  	[dreg:$0x4] =	wrdreg $0xC0  }
0xab: {  	_ =	task [dreg:s6], $0x5FFFF  }
0xac: {  	[dreg:$0x1] =	wrdreg $0xFFFFFFFF  }
0xad: {  	[dreg:$0x0] =	wrdreg $0x60  }
0xae: {  	[dreg:$0x2] =	wrdreg s24  }
0xaf: {  	[dreg:$0x3] =	wrdreg $0x0  }
0xb0: {  	[dreg:$0x4] =	wrdreg $0x9  }
0xb1: {  	_ =	task.clear_ibuf [dreg:s6], $0x5FFFF;
	_ =	strace $0x9000004F  }
0xb2: {  	s29 =	simm.s32 $0x9;
	_ =	strace $0x80000051  }
0xb3: {  	_ =	swait.ge [sflag:s29], $0x1  }
0xb4: {  	[sflag:s29] =	ssyncadd.s32 $0xFFFFFFFF  }
0xb5: {  	_ =	strace $0x90000051  }
0xb6: {  	_ =	sfence  }
0xb7: {  	s30 =	sld [smem:$0x0];
	_ =	sdelay $0x2  }
0xb8: {  	s31 =	sshll.u32 s1, $0xD;
	s1 =	sshrl.u32 s1, $0x2  }
0xb9: {  	s3 =	sand.u32 $0x4000, s31;
	s1 =	sadd.s32 s1, s30  }
0xba: {  	s0 =	sor.u32 s3, s0;
	s1 =	sshll.u32 s1, $0x11  }
0xbb: {  	s0 =	sor.u32 s1, s0  }
0xbc: {  	s0 =	sadd.s32 $0x8F2B, s0  }
0xbd: {  	[sflag:s0] =	ssyncadd.remote.s32 $0x1  }
0xbe: {  	_ =	sfence.sel $0xFFFF  }
0xbf: {  	[dreg:$0x0] =	wrdreg $0xFFFFFFFF;
	(pc) =	sbr.abs _section_cstart, $3  }
0xc0: {  	[dreg:$0x1] =	wrdreg $0xFFFFFFFF  }
0xc1: {  	_ =	task.clear_ibuf [dreg:s6], $0x2FFFF;
	_ =	strace $0x9FFFFFFF  }
0xc2: {  	(tm) =	ssettm $0x7FFFFFFF  }
0xc3: {  	_ =	shalt  }
tec
execute0_lowered:
.L_overlay_start_1:
0x0: {  	(tag) =	ssettag $0x1  }
0x1: {  	s0 =	rddreg [dreg:$0x0]  }
0x2: {  	s1 =	rddreg [dreg:$0x1];
	s2 =	simm.s32 $0x0;
	s22 =	srdreg.scid  }
0x3: {  	s15 =	stileid.u32;
	s28 =	simm.s32 $0x14000;
	s29 =	simm.s32 $0x14080  }
0x4: {  	s30 =	simm.s32 $0x80;
	s31 =	simm.s32 $0x14100;
	[smem:$0x7FF] =	sst s2  }
0x5: {  	s3 =	sadd.s32 $0x3E00, s0;
	s4 =	sadd.s32 $0x58600, s0;
	s5 =	sadd.s32 $0x62600, s0  }
0x6: {  	s6 =	sadd.s32 $0x6C600, s0;
	s0 =	sadd.s32 $0x10D600, s0;
	s8 =	smul.u32 $0x50000, s15  }
0x7: {  	s11 =	sand.u32 $0x1, s22;
	s7 =	sshll.u32 s15, $0x1;
	s12 =	smul.u32 $0x14000, s15  }
0x8: {  	_ =	strace $0x80000050;
	[dreg:$0x3] =	wrdreg s6;
	s20 =	smul.u32 $0x140000, s11  }
0x9: {  	s6 =	ssub.s32 $0x2, s11;
	s7 =	sor.u32 s11, s7;
	s11 =	smul.u32 $0x2800, s11  }
0xa: {  	s9 =	sshrl.u32 s6, $0x1;
	s23 =	smul.u32 $0x2800, s7;
	s24 =	sshrl.u32 s8, $0x2  }
0xb: {  	s16 =	sadd.s32 $0x4000, s12;
	s17 =	sadd.s32 $0x8000, s12;
	s18 =	sadd.s32 $0xC000, s12  }
0xc: {  	s19 =	sadd.s32 $0x10000, s12;
	s13 =	ssub.s32 s6, s9;
	s6 =	sadd.s32 s24, s1  }
0xd: {  	s7 =	sadd.s32 s16, s1;
	s8 =	sadd.s32 s17, s1;
	s9 =	sadd.s32 s18, s1  }
0xe: {  	s10 =	sadd.s32 s19, s1;
	s12 =	sadd.s32 s12, s20;
	s22 =	sadd.s32 s20, s17  }
0xf: {  	s18 =	sadd.s32 s20, s18;
	s19 =	sadd.s32 s20, s19;
	s14 =	sshrl.u32 s23, $0x3  }
0x10: {  	s12 =	sshrl.u32 s12, $0x3;
	s23 =	smul.u32 $0x5000, s15;
	s17 =	sshrl.u32 s22, $0x3  }
0x11: {  	s24 =	sshrl.u32 s18, $0x3;
	s21 =	sadd.s32 s4, s14;
	s25 =	sadd.s32 s5, s14  }
0x12: {  	s14 =	sor.u32 $0x10, s14;
	s12 =	sadd.s32 s0, s12;
	[dreg:$0x4] =	wrdreg s21  }
0x13: {  	s17 =	sadd.s32 s0, s17;
	s18 =	sadd.s32 s0, s24;
	[dreg:$0x5] =	wrdreg s25  }
0x14: {  	s26 =	sadd.s32 s4, s14;
	s14 =	sadd.s32 s5, s14;
	[dreg:$0x8] =	wrdreg s12  }
0x15: {  	s21 =	sadd.s32 s20, s16;
	s25 =	sshrl.u32 s19, $0x3;
	[dreg:$0x6] =	wrdreg s26  }
0x16: {  	s11 =	sadd.s32 s11, s23;
	s20 =	smax.u32 s13, $0x1;
	[dreg:$0x7] =	wrdreg s14  }
0x17: {  	s12 =	sshrl.u32 s21, $0x3;
	s19 =	sadd.s32 s0, s25;
	s26 =	sor.u32 $0x180, s11  }
0x18: {  	s11 =	sor.u32 $0x100, s11;
	s25 =	simm.s32 $0x14200;
	s16 =	sadd.s32 s0, s12  }
0x19: {  	s0 =	sshrl.u32 s26, $0x3;
	s11 =	sshrl.u32 s11, $0x3;
	s26 =	simm.s32 $0x3  }
0x1a: {  	s12 =	simm.s32 $0x0;
	s21 =	sadd.s32 s0, s5;
	s22 =	sadd.s32 s0, s4  }
0x1b: {  	s23 =	sadd.s32 s11, s5;
	s24 =	sadd.s32 s11, s4;
	s0 =	simm.s32 $0x14180  }
0x1c: {  	s4 =	simm.s32 $0x18200;
	s5 =	simm.s32 $0x1;
	s11 =	simm.s32 $0x2  }
.LBB2_1:
0x1d: {  	s13 =	rddreg [dreg:$0x3]  }
0x1e: {  	[tilespmem:s25], [sflag:$0x3] =	stream.linear.gather [hbm4b:s13+s2], $0x4000, $0x38;
	[tilespmem:$0x1C200] =	vst v63  }
0x1f: {  	_ =	swait.ge [sflag:s26], $0x4000  }
0x20: {  	[sflag:s26] =	ssyncset.done $0x0  }
0x21: {  	[sflag:s26] =	ssyncadd.s32 $0xFFFFC000  }
0x22: {  	[spmem:s6] =	stream.linear.scatter [tilespmem:s25], [sflag:$0x3], $0x4000, $0x38;
	[tilespmem:$0x1C200] =	vst v63  }
0x23: {  	_ =	swait.ge [sflag:s26], $0x4000  }
0x24: {  	[sflag:s26] =	ssyncset.done $0x0  }
0x25: {  	[sflag:s26] =	ssyncadd.s32 $0xFFFFC000  }
0x26: {  	[spmem:s7] =	stream.linear.scatter [tilespmem:s25], [sflag:$0x3], $0x4000, $0x38;
	[tilespmem:$0x1C200] =	vst v63  }
0x27: {  	_ =	swait.ge [sflag:s26], $0x4000  }
0x28: {  	[sflag:s26] =	ssyncset.done $0x0  }
0x29: {  	[sflag:s26] =	ssyncadd.s32 $0xFFFFC000  }
0x2a: {  	[spmem:s8] =	stream.linear.scatter [tilespmem:s25], [sflag:$0x3], $0x4000, $0x38;
	[tilespmem:$0x1C200] =	vst v63  }
0x2b: {  	_ =	swait.ge [sflag:s26], $0x4000  }
0x2c: {  	[sflag:s26] =	ssyncset.done $0x0  }
0x2d: {  	[sflag:s26] =	ssyncadd.s32 $0xFFFFC000  }
0x2e: {  	[spmem:s9] =	stream.linear.scatter [tilespmem:s25], [sflag:$0x3], $0x4000, $0x38;
	[tilespmem:$0x1C200] =	vst v63  }
0x2f: {  	_ =	swait.ge [sflag:s26], $0x4000  }
0x30: {  	[sflag:s26] =	ssyncset.done $0x0  }
0x31: {  	[sflag:s26] =	ssyncadd.s32 $0xFFFFC000  }
0x32: {  	[spmem:s10] =	stream.linear.scatter [tilespmem:s25], [sflag:$0x3], $0x4000, $0x38;
	[tilespmem:$0x1C200] =	vst v63  }
0x33: {  	_ =	swait.ge [sflag:s26], $0x4000  }
0x34: {  	[sflag:s26] =	ssyncset.done $0x0  }
0x35: {  	[sflag:s26] =	ssyncadd.s32 $0xFFFFC000  }
0x36: {  	[bflag:$0x0] =	sbarrier.arrive $0xFFFF  }
0x37: {  	s14 =	rddreg [dreg:$0x4]  }
0x38: {  	[tilespmem:s28], [sflag:$0x3] =	stream.linear.gather [hbm4b:s14+s2], $0x80, $0x38;
	[tilespmem:$0x1C200] =	vst v63  }
0x39: {  	_ =	swait.ge [sflag:s26], $0x80  }
0x3a: {  	[sflag:s26] =	ssyncset.done $0x0  }
0x3b: {  	s15 =	rddreg [dreg:$0x5];
	[sflag:s26] =	ssyncadd.s32 $0xFFFFFF80  }
0x3c: {  	[tilespmem:s29], [sflag:$0x3] =	stream.linear.gather [hbm4b:s15+s2], $0x80, $0x38;
	[tilespmem:$0x1C200] =	vst v63  }
0x3d: {  	_ =	swait.ge [sflag:s26], $0x80  }
0x3e: {  	[sflag:s26] =	ssyncset.done $0x0  }
0x3f: {  	[sflag:s26] =	ssyncadd.s32 $0xFFFFFF80  }
0x40: {  	[tilespmem:s25], [sflag:$0x1] =	stream.indirect.gather [hbm4b:s3+s30], $0x80, s28, s30, $0xb8;
	[tilespmem:$0x1C200] =	vst v63  }
0x41: {  	s14 =	rddreg [dreg:$0x6]  }
0x42: {  	[tilespmem:s31], [sflag:$0x3] =	stream.linear.gather [hbm4b:s14+s2], $0x80, $0x38;
	[tilespmem:$0x1C200] =	vst v63  }
0x43: {  	_ =	swait.ge [sflag:s26], $0x80  }
0x44: {  	[sflag:s26] =	ssyncset.done $0x0  }
0x45: {  	s15 =	rddreg [dreg:$0x7];
	[sflag:s26] =	ssyncadd.s32 $0xFFFFFF80  }
0x46: {  	[tilespmem:s0], [sflag:$0x3] =	stream.linear.gather [hbm4b:s15+s2], $0x80, $0x38;
	[tilespmem:$0x1C200] =	vst v63  }
0x47: {  	_ =	swait.ge [sflag:s26], $0x80  }
0x48: {  	[sflag:s26] =	ssyncset.done $0x0  }
0x49: {  	[sflag:s26] =	ssyncadd.s32 $0xFFFFFF80  }
0x4a: {  	[tilespmem:s4], [sflag:$0x2] =	stream.indirect.gather [hbm4b:s3+s30], $0x80, s31, s30, $0xb8;
	[tilespmem:$0x1C200] =	vst v63  }
0x4b: {  	_ =	swait.ge [sflag:s5], $0x4000  }
0x4c: {  	[sflag:s5] =	ssyncset.done $0x0  }
0x4d: {  	[sflag:s5] =	ssyncadd.s32 $0xFFFFC000  }
0x4e: {  	[spmem:s1] =	stream.indirect.scatter.add.f32 [tilespmem:s25], [sflag:$0x3], $0x80, s29, s30, $0xb8;
	[tilespmem:$0x1C200] =	vst v63  }
0x4f: {  	_ =	swait.ge [sflag:s26], $0x4000  }
0x50: {  	[sflag:s26] =	ssyncset.done $0x0  }
0x51: {  	s14 =	sadd.s32 $0x0, s24;
	[sflag:s26] =	ssyncadd.s32 $0xFFFFC000  }
0x52: {  	[tilespmem:s28], [sflag:$0x3] =	stream.linear.gather [hbm4b:s14+s2], $0x80, $0x38;
	[tilespmem:$0x1C200] =	vst v63  }
0x53: {  	_ =	swait.ge [sflag:s26], $0x80  }
0x54: {  	[sflag:s26] =	ssyncset.done $0x0  }
0x55: {  	s15 =	sadd.s32 $0x0, s23;
	[sflag:s26] =	ssyncadd.s32 $0xFFFFFF80  }
0x56: {  	[tilespmem:s29], [sflag:$0x3] =	stream.linear.gather [hbm4b:s15+s2], $0x80, $0x38;
	[tilespmem:$0x1C200] =	vst v63  }
0x57: {  	_ =	swait.ge [sflag:s26], $0x80  }
0x58: {  	[sflag:s26] =	ssyncset.done $0x0  }
0x59: {  	[sflag:s26] =	ssyncadd.s32 $0xFFFFFF80  }
0x5a: {  	[tilespmem:s25], [sflag:$0x1] =	stream.indirect.gather [hbm4b:s3+s30], $0x80, s28, s30, $0xb8;
	[tilespmem:$0x1C200] =	vst v63  }
0x5b: {  	_ =	swait.ge [sflag:s11], $0x4000  }
0x5c: {  	[sflag:s11] =	ssyncset.done $0x0  }
0x5d: {  	[sflag:s11] =	ssyncadd.s32 $0xFFFFC000  }
0x5e: {  	[spmem:s1] =	stream.indirect.scatter.add.f32 [tilespmem:s4], [sflag:$0x3], $0x80, s0, s30, $0xb8;
	[tilespmem:$0x1C200] =	vst v63  }
0x5f: {  	_ =	swait.ge [sflag:s26], $0x4000  }
0x60: {  	[sflag:s26] =	ssyncset.done $0x0  }
0x61: {  	s14 =	sadd.s32 $0x0, s22;
	[sflag:s26] =	ssyncadd.s32 $0xFFFFC000  }
0x62: {  	[tilespmem:s31], [sflag:$0x3] =	stream.linear.gather [hbm4b:s14+s2], $0x80, $0x38;
	[tilespmem:$0x1C200] =	vst v63  }
0x63: {  	_ =	swait.ge [sflag:s26], $0x80  }
0x64: {  	[sflag:s26] =	ssyncset.done $0x0  }
0x65: {  	s15 =	sadd.s32 $0x0, s21;
	[sflag:s26] =	ssyncadd.s32 $0xFFFFFF80  }
0x66: {  	[tilespmem:s0], [sflag:$0x3] =	stream.linear.gather [hbm4b:s15+s2], $0x80, $0x38;
	[tilespmem:$0x1C200] =	vst v63  }
0x67: {  	_ =	swait.ge [sflag:s26], $0x80  }
0x68: {  	[sflag:s26] =	ssyncset.done $0x0  }
0x69: {  	s13 =	simm.s32 $0x20;
	[sflag:s26] =	ssyncadd.s32 $0xFFFFFF80  }
.LBB2_2:
0x6a: {  	[tilespmem:s4], [sflag:$0x2] =	stream.indirect.gather [hbm4b:s3+s30], $0x80, s31, s30, $0xb8;
	[tilespmem:$0x1C200] =	vst v63  }
0x6b: {  	s14 =	smov.u32 s13  }
0x6c: {  	p0 =	sne.s32 s13, $0x4C0;
	s13 =	sadd.s32 $0x20, s13;
	_ =	swait.ge [sflag:s5], $0x4000  }
0x6d: {  	[sflag:s5] =	ssyncset.done $0x0  }
0x6e: {  	[sflag:s5] =	ssyncadd.s32 $0xFFFFC000  }
0x6f: {  	[spmem:s1] =	stream.indirect.scatter.add.f32 [tilespmem:s25], [sflag:$0x3], $0x80, s29, s30, $0xb8;
	[tilespmem:$0x1C200] =	vst v63  }
0x70: {  	_ =	swait.ge [sflag:s26], $0x4000  }
0x71: {  	[sflag:s26] =	ssyncset.done $0x0  }
0x72: {  	s15 =	sadd.s32 s14, s24;
	[sflag:s26] =	ssyncadd.s32 $0xFFFFC000  }
0x73: {  	[tilespmem:s28], [sflag:$0x3] =	stream.linear.gather [hbm4b:s15+s2], $0x80, $0x38;
	[tilespmem:$0x1C200] =	vst v63  }
0x74: {  	_ =	swait.ge [sflag:s26], $0x80  }
0x75: {  	[sflag:s26] =	ssyncset.done $0x0  }
0x76: {  	s15 =	sadd.s32 s14, s23;
	[sflag:s26] =	ssyncadd.s32 $0xFFFFFF80  }
0x77: {  	[tilespmem:s29], [sflag:$0x3] =	stream.linear.gather [hbm4b:s15+s2], $0x80, $0x38;
	[tilespmem:$0x1C200] =	vst v63  }
0x78: {  	_ =	swait.ge [sflag:s26], $0x80  }
0x79: {  	[sflag:s26] =	ssyncset.done $0x0  }
0x7a: {  	[sflag:s26] =	ssyncadd.s32 $0xFFFFFF80  }
0x7b: {  	[tilespmem:s25], [sflag:$0x1] =	stream.indirect.gather [hbm4b:s3+s30], $0x80, s28, s30, $0xb8;
	[tilespmem:$0x1C200] =	vst v63  }
0x7c: {  	_ =	swait.ge [sflag:s11], $0x4000  }
0x7d: {  	[sflag:s11] =	ssyncset.done $0x0  }
0x7e: {  	[sflag:s11] =	ssyncadd.s32 $0xFFFFC000  }
0x7f: {  	[spmem:s1] =	stream.indirect.scatter.add.f32 [tilespmem:s4], [sflag:$0x3], $0x80, s0, s30, $0xb8;
	[tilespmem:$0x1C200] =	vst v63  }
0x80: {  	_ =	swait.ge [sflag:s26], $0x4000  }
0x81: {  	[sflag:s26] =	ssyncset.done $0x0  }
0x82: {  	s15 =	sadd.s32 s14, s22;
	[sflag:s26] =	ssyncadd.s32 $0xFFFFC000  }
0x83: {  	[tilespmem:s31], [sflag:$0x3] =	stream.linear.gather [hbm4b:s15+s2], $0x80, $0x38;
	[tilespmem:$0x1C200] =	vst v63  }
0x84: {  	_ =	swait.ge [sflag:s26], $0x80  }
0x85: {  	[sflag:s26] =	ssyncset.done $0x0  }
.Ltmp0:
0x86: {  	s14 =	sadd.s32 s14, s21;
	[sflag:s26] =	ssyncadd.s32 $0xFFFFFF80;
	(pc) =	sbr.rel @p0 .LBB2_2-.Ltmp0, $4  }
0x87: {  	[tilespmem:s0], [sflag:$0x3] =	stream.linear.gather [hbm4b:s14+s2], $0x80, $0x38;
	[tilespmem:$0x1C200] =	vst v63  }
0x88: {  	_ =	swait.ge [sflag:s26], $0x80  }
0x89: {  	[sflag:s26] =	ssyncset.done $0x0  }
0x8a: {  	[sflag:s26] =	ssyncadd.s32 $0xFFFFFF80  }
0x8b: {  	[tilespmem:s4], [sflag:$0x2] =	stream.indirect.gather [hbm4b:s3+s30], $0x80, s31, s30, $0xb8;
	[tilespmem:$0x1C200] =	vst v63  }
0x8c: {  	_ =	swait.ge [sflag:s5], $0x4000  }
0x8d: {  	[sflag:s5] =	ssyncset.done $0x0  }
0x8e: {  	[sflag:s5] =	ssyncadd.s32 $0xFFFFC000  }
0x8f: {  	[spmem:s1] =	stream.indirect.scatter.add.f32 [tilespmem:s25], [sflag:$0x3], $0x80, s29, s30, $0xb8;
	[tilespmem:$0x1C200] =	vst v63  }
0x90: {  	_ =	swait.ge [sflag:s26], $0x4000  }
0x91: {  	[sflag:s26] =	ssyncset.done $0x0  }
0x92: {  	[sflag:s26] =	ssyncadd.s32 $0xFFFFC000  }
0x93: {  	_ =	swait.ge [sflag:s11], $0x4000  }
0x94: {  	[sflag:s11] =	ssyncset.done $0x0  }
0x95: {  	[sflag:s11] =	ssyncadd.s32 $0xFFFFC000  }
0x96: {  	[spmem:s1] =	stream.indirect.scatter.add.f32 [tilespmem:s4], [sflag:$0x3], $0x80, s0, s30, $0xb8;
	[tilespmem:$0x1C200] =	vst v63  }
0x97: {  	_ =	swait.ge [sflag:s26], $0x4000  }
0x98: {  	[sflag:s26] =	ssyncset.done $0x0  }
0x99: {  	[sflag:s26] =	ssyncadd.s32 $0xFFFFC000  }
0x9a: {  	[bflag:$0x0] =	sbarrier.arrive $0xFFFF  }
0x9b: {  	[tilespmem:s25], [sflag:$0x3] =	stream.linear.gather [spmem:s6], $0x4000, $0x38;
	[tilespmem:$0x1C200] =	vst v63  }
0x9c: {  	_ =	swait.ge [sflag:s26], $0x4000  }
0x9d: {  	[sflag:s26] =	ssyncset.done $0x0  }
0x9e: {  	s13 =	rddreg [dreg:$0x8];
	[sflag:s26] =	ssyncadd.s32 $0xFFFFC000  }
0x9f: {  	[hbm4b:s13+s2] =	stream.linear.scatter [tilespmem:s25], [sflag:$0x3], $0x4000, $0x38;
	[tilespmem:$0x1C200] =	vst v63  }
0xa0: {  	_ =	swait.ge [sflag:s26], $0x4000  }
0xa1: {  	[sflag:s26] =	ssyncset.done $0x0  }
0xa2: {  	[sflag:s26] =	ssyncadd.s32 $0xFFFFC000  }
0xa3: {  	[tilespmem:s25], [sflag:$0x3] =	stream.linear.gather [spmem:s7], $0x4000, $0x38;
	[tilespmem:$0x1C200] =	vst v63  }
0xa4: {  	_ =	swait.ge [sflag:s26], $0x4000  }
0xa5: {  	[sflag:s26] =	ssyncset.done $0x0  }
0xa6: {  	[sflag:s26] =	ssyncadd.s32 $0xFFFFC000  }
0xa7: {  	[hbm4b:s16+s2] =	stream.linear.scatter [tilespmem:s25], [sflag:$0x3], $0x4000, $0x38;
	[tilespmem:$0x1C200] =	vst v63  }
0xa8: {  	_ =	swait.ge [sflag:s26], $0x4000  }
0xa9: {  	[sflag:s26] =	ssyncset.done $0x0  }
0xaa: {  	[sflag:s26] =	ssyncadd.s32 $0xFFFFC000  }
0xab: {  	[tilespmem:s25], [sflag:$0x3] =	stream.linear.gather [spmem:s8], $0x4000, $0x38;
	[tilespmem:$0x1C200] =	vst v63  }
0xac: {  	_ =	swait.ge [sflag:s26], $0x4000  }
0xad: {  	[sflag:s26] =	ssyncset.done $0x0  }
0xae: {  	[sflag:s26] =	ssyncadd.s32 $0xFFFFC000  }
0xaf: {  	[hbm4b:s17+s2] =	stream.linear.scatter [tilespmem:s25], [sflag:$0x3], $0x4000, $0x38;
	[tilespmem:$0x1C200] =	vst v63  }
0xb0: {  	_ =	swait.ge [sflag:s26], $0x4000  }
0xb1: {  	[sflag:s26] =	ssyncset.done $0x0  }
0xb2: {  	[sflag:s26] =	ssyncadd.s32 $0xFFFFC000  }
0xb3: {  	[tilespmem:s25], [sflag:$0x3] =	stream.linear.gather [spmem:s9], $0x4000, $0x38;
	[tilespmem:$0x1C200] =	vst v63  }
0xb4: {  	_ =	swait.ge [sflag:s26], $0x4000  }
0xb5: {  	[sflag:s26] =	ssyncset.done $0x0  }
0xb6: {  	[sflag:s26] =	ssyncadd.s32 $0xFFFFC000  }
0xb7: {  	[hbm4b:s18+s2] =	stream.linear.scatter [tilespmem:s25], [sflag:$0x3], $0x4000, $0x38;
	[tilespmem:$0x1C200] =	vst v63  }
0xb8: {  	_ =	swait.ge [sflag:s26], $0x4000  }
0xb9: {  	[sflag:s26] =	ssyncset.done $0x0  }
0xba: {  	[sflag:s26] =	ssyncadd.s32 $0xFFFFC000  }
0xbb: {  	[tilespmem:s25], [sflag:$0x3] =	stream.linear.gather [spmem:s10], $0x4000, $0x38;
	[tilespmem:$0x1C200] =	vst v63  }
0xbc: {  	s12 =	sadd.s32 $0x1, s12;
	_ =	swait.ge [sflag:s26], $0x4000  }
0xbd: {  	p0 =	sne.s32 s12, s20;
	[sflag:s26] =	ssyncset.done $0x0  }
.Ltmp1:
0xbe: {  	[sflag:s26] =	ssyncadd.s32 $0xFFFFC000;
	(pc) =	sbr.rel @p0 .LBB2_1-.Ltmp1, $4  }
0xbf: {  	[hbm4b:s19+s2] =	stream.linear.scatter [tilespmem:s25], [sflag:$0x3], $0x4000, $0x38;
	[tilespmem:$0x1C200] =	vst v63  }
0xc0: {  	_ =	swait.ge [sflag:s26], $0x4000  }
0xc1: {  	[sflag:s26] =	ssyncset.done $0x0  }
0xc2: {  	[sflag:s26] =	ssyncadd.s32 $0xFFFFC000  }
0xc3: {  	_ =	sfence.sel $0x180000  }
0xc4: {  	[bflag:$0x0] =	sbarrier.arrive $0xFFFF  }
0xc5: {  	_ =	strace $0x90000050  }
0xc6: {  	s0 =	stileid.u32;
	[bflag:$0x2] =	sbarrier.arrive $0xFFFF  }
0xc7: {  	p0 =	sne.s32 s0, $0x0;
	s0 =	rddreg [dreg:$0x2]  }
0xc8: {  	s0 =	sadd.s32 @!p0 $0x100000, s0  }
0xc9: {  	[sflag:s0] =	ssyncadd.tile.s32 @!p0 $0x1;
	_ =	shalt  }
.Lfunc_end2:
_tile_overlayer_lowered:
.L_overlay_start_2:
0xca: {  	(tag) =	ssettag $0x2  }
0xcb: {  	s0 =	rddreg [dreg:$0x0];
	s2 =	stileid.u32  }
0xcc: {  	s1 =	rddreg [dreg:$0x1];
	p0 =	sne.s32 s2, $0x0  }
0xcd: {  	s3 =	rddreg [dreg:$0x2];
	[bflag:$0x3] =	sbarrier.arrive $0xFFFF;
	s2 =	simm.s32 @!p0 $0x1C03  }
0xce: {  	[timem:s3], [sflag:s2] =	dma.local @!p0 [hbm:s0], s1  }
0xcf: {  	s0 =	simm.s32 @!p0 $0x3  }
0xd0: {  	_ =	swait.ge @!p0 [sflag:s0], s1  }
0xd1: {  	s1 =	ssub.s32 @!p0 $0x0, s1;
	[sflag:s0] =	ssyncset.done @!p0 $0x0  }
0xd2: {  	[sflag:s0] =	ssyncadd.s32 @!p0 s1  }
0xd3: {  	[bflag:$0x3] =	sbarrier.arrive $0xFFFF  }
0xd4: {  	_ =	shalt  }

// kernel: kernel.22.cloned.1.call-start
scs
__scs_entry_jumppad:
0x0: {  	(pc) =	sbr.rel $0x88, $3  }
0x1: {  	(tag) =	ssettag $0x0;
	lr =	simm.s32 $0x1  }
0x2: {  	[smem:$0x3F8F] =	sst lr;
	_ =	strace $0xD0000000  }
0x3: {  	_ = 	snop  }
0x4: {  	_ = 	snop  }
0x5: {  	_ = 	snop  }
0x6: {  	_ = 	snop  }
0x7: {  	_ = 	snop  }
__scs_overlays_trampoline_lowered:
0x8: {  	[smem:$0x3F9E] =	sst s0  }
0x9: {  	[smem:$0x3F9F] =	sst s1  }
0xa: {  	[smem:$0x3FA0] =	sst s2  }
0xb: {  	[smem:$0x3FA1] =	sst s3  }
0xc: {  	[smem:$0x3FA2] =	sst s4  }
0xd: {  	[smem:$0x3FA3] =	sst s5  }
0xe: {  	[smem:$0x3FA4] =	sst s6  }
0xf: {  	[smem:$0x3FA5] =	sst s7  }
0x10: {  	[smem:$0x3FA6] =	sst s8  }
0x11: {  	[smem:$0x3FA7] =	sst s9;
	s0 =	simm.s32 @!p0 $0x0  }
0x12: {  	s1 =	sld [smem:$0x3F8D];
	s0 =	simm.s32 @p0 $0x1  }
0x13: {  	[smem:$0x3FA8] =	sst s0;
	s0 =	simm.s32 @!p1 $0x0  }
0x14: {  	s2 =	sld [smem:$0x3F8C];
	s0 =	simm.s32 @p1 $0x1  }
0x15: {  	[smem:$0x3FA9] =	sst s0;
	s0 =	simm.s32 @!p2 $0x0  }
0x16: {  	s3 =	sld [smem:$0x3FDB];
	s0 =	simm.s32 @p2 $0x1  }
0x17: {  	s4 =	simm.s32 $0x1BF5;
	[smem:$0x3FAB] =	sst s0  }
0x18: {  	s0 =	sld [smem:$0x3F8E];
	_ =	swait.ge [sflag:s4], $0x0  }
0x19: {  	s7 =	sld [smem:$0x3F8F]  }
0x1a: {  	s8 =	sadd.s32 $0xFFFFE003, lr  }
0x1b: {  	s9 =	sadd.s32 $0xFFFFFEF7, lr;
	s5 =	simm.s32 $0xFFFFFFFF;
	p2 =	slt.u32 s8, $0xFFFFF086  }
0x1c: {  	p1 =	slt.u32 s9, $0xF7A;
	s5 =	simm.s32 @!p2 $0x0  }
0x1d: {  	s5 =	simm.s32 @p1 $0x1;
	p0 =	seq.s32 s7, s2  }
0x1e: {  	s7 =	smul.u32 @!p0 $0xF7A, s2;
	p2 =	seq.s32 @!p0 s5, $0x0  }
0x1f: {  	s9 =	smul.u32 $0xF7A, s1;
	s8 =	simm.s32 @!p0 $0x1BF5;
	p2 =	por !p2, p0  }
0x20: {  	[sflag:s8] =	ssyncset.s32 @!p0 $0xFFFFF086;
	s6 =	sadd.s32 @!p0 s3, s7;
	s7 =	simm.s32 @!p0 $0x108  }
0x21: {  	s3 =	sadd.s32 s3, s9;
	s6 =	sadd.s32 @!p0 $0x88, s6;
	s7 =	simm.s32 @p2 $0x1082  }
0x22: {  	[simem:s7], [sflag:s8] =	dma.local @!p0 [hbm:s6], $0xF7A  }
0x23: {  	s9 =	sor.u32 $0xD0000000, s2;
	s6 =	simm.s32 $0x108;
	_ =	swait.ge @!p0 [sflag:s8], $0x0  }
0x24: {  	s3 =	sadd.s32 $0x88, s3;
	s6 =	simm.s32 @!p1 $0x1082;
	[sflag:s4] =	ssyncset.s32 $0xFFFFF086  }
0x25: {  	[simem:s6], [sflag:s4] =	dma.local [hbm:s3], $0xF7A  }
0x26: {  	[smem:$0x3F8F] =	sst s1;
	(tag) =	ssettag s2;
	_ =	strace s9  }
0x27: {  	s1 =	sld [smem:$0x3F9F]  }
0x28: {  	s2 =	sld [smem:$0x3FA0]  }
0x29: {  	s4 =	sld [smem:$0x3FA2]  }
0x2a: {  	p0 =	seq.s32 s5, $0x0;
	s5 =	sld [smem:$0x3FA3]  }
0x2b: {  	s6 =	sld [smem:$0x3FA4]  }
0x2c: {  	s7 =	sld [smem:$0x3FA5]  }
0x2d: {  	s3 =	simm.s32 $0x108;
	s8 =	sld [smem:$0x3FA6]  }
0x2e: {  	s3 =	simm.s32 @!p0 $0x1082;
	s9 =	sld [smem:$0x3FA7]  }
0x2f: {  	lr =	sadd.s32 s0, s3;
	s0 =	sld [smem:$0x3F9E]  }
0x30: {  	s3 =	sld [smem:$0x3FA1]  }
0x31: {  	[smem:$0x3FAA] =	sst s10  }
0x32: {  	s10 =	sld [smem:$0x3FA8];
	_ =	sdelay $0x3  }
0x33: {  	p0 =	seq.s32 s10, $0x1;
	s10 =	sld [smem:$0x3FAA];
	_ =	sdelay $0x3  }
0x34: {  	[smem:$0x3FAA] =	sst s10  }
0x35: {  	s10 =	sld [smem:$0x3FA9];
	_ =	sdelay $0x3  }
0x36: {  	p1 =	seq.s32 s10, $0x1;
	s10 =	sld [smem:$0x3FAA];
	_ =	sdelay $0x3  }
0x37: {  	[smem:$0x3FAA] =	sst s10  }
0x38: {  	s10 =	sld [smem:$0x3FAB]  }
0x39: {  	_ = 	snop;
	(pc) =	sbr.ind lr, $3  }
0x3a: {  	_ = 	snop  }
0x3b: {  	_ = 	snop  }
0x3c: {  	p2 =	seq.s32 s10, $0x1;
	s10 =	sld [smem:$0x3FAA]  }
0x3d: {  	_ =	shalt  }
0x3e: {  	_ =	shalt  }
0x3f: {  	_ =	shalt  }
0x40: {  	_ =	shalt  }
0x41: {  	_ =	shalt  }
0x42: {  	_ =	shalt  }
0x43: {  	_ =	shalt  }
0x44: {  	_ =	shalt  }
0x45: {  	_ =	shalt  }
0x46: {  	_ =	shalt  }
0x47: {  	_ =	shalt  }
0x48: {  	_ =	shalt  }
0x49: {  	_ =	shalt  }
0x4a: {  	_ =	shalt  }
0x4b: {  	_ =	shalt  }
0x4c: {  	_ =	shalt  }
0x4d: {  	_ =	shalt  }
0x4e: {  	_ =	shalt  }
0x4f: {  	_ =	shalt  }
0x50: {  	_ =	shalt  }
0x51: {  	_ =	shalt  }
0x52: {  	_ =	shalt  }
0x53: {  	_ =	shalt  }
0x54: {  	_ =	shalt  }
0x55: {  	_ =	shalt  }
0x56: {  	_ =	shalt  }
0x57: {  	_ =	shalt  }
0x58: {  	_ =	shalt  }
0x59: {  	_ =	shalt  }
0x5a: {  	_ =	shalt  }
0x5b: {  	_ =	shalt  }
0x5c: {  	_ =	shalt  }
0x5d: {  	_ =	shalt  }
0x5e: {  	_ =	shalt  }
0x5f: {  	_ =	shalt  }
0x60: {  	_ =	shalt  }
0x61: {  	_ =	shalt  }
0x62: {  	_ =	shalt  }
0x63: {  	_ =	shalt  }
0x64: {  	_ =	shalt  }
0x65: {  	_ =	shalt  }
0x66: {  	_ =	shalt  }
0x67: {  	_ =	shalt  }
0x68: {  	_ =	shalt  }
0x69: {  	_ =	shalt  }
0x6a: {  	_ =	shalt  }
0x6b: {  	_ =	shalt  }
0x6c: {  	_ =	shalt  }
0x6d: {  	_ =	shalt  }
0x6e: {  	_ =	shalt  }
0x6f: {  	_ =	shalt  }
0x70: {  	_ =	shalt  }
0x71: {  	_ =	shalt  }
0x72: {  	_ =	shalt  }
0x73: {  	_ =	shalt  }
0x74: {  	_ =	shalt  }
0x75: {  	_ =	shalt  }
0x76: {  	_ =	shalt  }
0x77: {  	_ =	shalt  }
0x78: {  	_ =	shalt  }
0x79: {  	_ =	shalt  }
0x7a: {  	_ =	shalt  }
0x7b: {  	_ =	shalt  }
0x7c: {  	_ =	shalt  }
0x7d: {  	_ =	shalt  }
0x7e: {  	_ =	shalt  }
0x7f: {  	_ =	shalt  }
0x80: {  	_ =	shalt  }
0x81: {  	_ =	shalt  }
0x82: {  	_ =	shalt  }
0x83: {  	_ =	shalt  }
0x84: {  	_ =	shalt  }
0x85: {  	_ =	shalt  }
0x86: {  	_ =	shalt  }
0x87: {  	_ =	shalt  }
.Lfunc_end0:
.L_simem_size_0:
called_computation.4_lowered:
.L_overlay_start_0:
0x88: {  	s2 =	sld [smem:$0x3FD9]  }
0x89: {  	s3 =	sld [smem:$0x3FFE];
	_ =	sdelay $0x1  }
0x8a: {  	s1 =	srdreg.scid  }
0x8b: {  	s0 =	sand.u32 $0x1, s1  }
0x8c: {  	s16 =	sshll.u32 s0, $0xA;
	s2 =	sadd.s32 s3, s2  }
0x8d: {  	s2 =	sadd.s32 s2, s16  }
0x8e: {  	[smem:$0x3FB6] =	sst s2  }
0x8f: {  	_ = 	snop  }
0x90: {  	(tm) =	ssettm $0x1  }
0x91: {  	s17 =	sld [smem:$0x3FFB];
	_ =	sdelay $0x3  }
0x92: {  	_ =	strace s17  }
0x93: {  	s2 =	sld [smem:$0x3FFC];
	_ =	sdelay $0x3  }
0x94: {  	_ =	strace s2  }
0x95: {  	s2 =	sld [smem:$0x3FFD];
	_ =	sdelay $0x3  }
0x96: {  	_ =	strace s2  }
0x97: {  	_ =	strace $0x8FFFFFFF  }
0x98: {  	s18 =	sld [smem:$0x3FDB];
	_ =	sdelay $0x1  }
0x99: {  	s19 =	simm.s32 $_scs_section_size  }
0x9a: {  	s4 =	simm.s32 $_size__tile_overlayer_lowered;
	s5 =	simm.s32 $_tile_overlayer_lowered  }
0x9b: {  	s22 =	simm.s32 $0x1BFF;
	s21 =	sshll.u32 s5, $0x1;
	s2 =	sadd.s32 s19, s18  }
0x9c: {  	s6 =	simm.s32 $0x0;
	s20 =	sshll.u32 s4, $0x1;
	s4 =	sadd.s32 s21, s2  }
0x9d: {  	[timem:s6], [sflag:s22] =	dma.local [hbm:s4], s20  }
0x9e: {  	_ =	swait.ge [sflag:s22], s20  }
0x9f: {  	s3 =	ssub.s32 $0x0, s20;
	[sflag:s22] =	ssyncset.done $0x0  }
0xa0: {  	[sflag:s22] =	ssyncadd.s32 s3;
	_ =	sdelay $0x1  }
0xa1: {  	s23 =	simm.s32 $0x1B8B  }
0xa2: {  	_ =	swait.ge [sflag:s23], $0x1  }
0xa3: {  	[sflag:s23] =	ssyncset.done $0x0  }
0xa4: {  	s25 =	simm.s32 $0x1B8E;
	s24 =	sld [smem:$0x3FFE];
	[sflag:s23] =	ssyncadd.s32 $0xFFFFFFFF  }
0xa5: {  	s26 =	simm.s32 $execute0_lowered;
	[smem:$0x3FD2] =	sst s25  }
0xa6: {  	s4 =	sshll.u32 s26, $0x1;
	_ =	strace $0x80000052;
	[dreg:$0x1] =	wrdreg $0xFFFFFFFF  }
0xa7: {  	s28 =	simm.s32 $_size_execute0_lowered;
	s2 =	sadd.s32 s2, s4;
	[dreg:$0x0] =	wrdreg $0x0  }
0xa8: {  	s4 =	sshll.u32 s28, $0x1;
	[dreg:$0x2] =	wrdreg s2  }
0xa9: {  	[dreg:$0x3] =	wrdreg s4  }
0xaa: {  	[dreg:$0x4] =	wrdreg $0xC0  }
0xab: {  	_ =	task [dreg:s6], $0x5FFFF  }
0xac: {  	[dreg:$0x1] =	wrdreg $0xFFFFFFFF  }
0xad: {  	[dreg:$0x0] =	wrdreg $0x60  }
0xae: {  	[dreg:$0x2] =	wrdreg s24  }
0xaf: {  	[dreg:$0x3] =	wrdreg $0x9  }
0xb0: {  	_ =	task.clear_ibuf [dreg:s6], $0x4FFFF;
	_ =	strace $0x90000052  }
0xb1: {  	s29 =	simm.s32 $0x9;
	_ =	strace $0x80000054  }
0xb2: {  	_ =	swait.ge [sflag:s29], $0x1  }
0xb3: {  	[sflag:s29] =	ssyncadd.s32 $0xFFFFFFFF  }
0xb4: {  	_ =	strace $0x90000054  }
0xb5: {  	_ =	sfence  }
0xb6: {  	s30 =	sld [smem:$0x0];
	_ =	sdelay $0x2  }
0xb7: {  	s31 =	sshll.u32 s1, $0xD;
	s1 =	sshrl.u32 s1, $0x2  }
0xb8: {  	s3 =	sand.u32 $0x4000, s31;
	s1 =	sadd.s32 s1, s30  }
0xb9: {  	s0 =	sor.u32 s3, s0;
	s1 =	sshll.u32 s1, $0x11  }
0xba: {  	s0 =	sor.u32 s1, s0  }
0xbb: {  	s0 =	sadd.s32 $0x8F2B, s0  }
0xbc: {  	[sflag:s0] =	ssyncadd.remote.s32 $0x1  }
0xbd: {  	_ =	sfence.sel $0xFFFF  }
0xbe: {  	[dreg:$0x0] =	wrdreg $0xFFFFFFFF;
	(pc) =	sbr.abs _section_cstart, $3  }
0xbf: {  	[dreg:$0x1] =	wrdreg $0xFFFFFFFF  }
0xc0: {  	_ =	task.clear_ibuf [dreg:s6], $0x2FFFF;
	_ =	strace $0x9FFFFFFF  }
0xc1: {  	(tm) =	ssettm $0x7FFFFFFF  }
tec
execute0_lowered:
.L_overlay_start_1:
0x0: {  	(tag) =	ssettag $0x1  }
0x1: {  	s1 =	srdreg.scid  }
0x2: {  	s0 =	stileid.u32;
	s25 =	sand.u32 $0x1, s1  }
0x3: {  	s30 =	sshll.u32 s0, $0xB;
	s2 =	sshll.u32 s25, $0xA  }
0x4: {  	s11 =	rddreg [dreg:$0x0];
	s12 =	sor.u32 s2, s30  }
0x5: {  	s1 =	rddreg [dreg:$0x1];
	s2 =	simm.s32 $0x0;
	s3 =	sshrl.u32 s12, $0x3  }
0x6: {  	[smem:$0x7FF] =	sst s2;
	s23 =	sadd.s32 s3, s11  }
0x7: {  	_ =	strace $0x80000053;
	s3 =	simm.s32 $0x3;
	s4 =	sadd.s32 $0x2B000, s23  }
0x8: {  	[tilespmem:s2], [sflag:$0x3] =	stream.linear.gather [hbm4b:s4+s2], $0x80, $0x38;
	[tilespmem:$0x8100] =	vst v63  }
0x9: {  	_ =	swait.ge [sflag:s3], $0x80  }
0xa: {  	s6 =	simm.s32 $0x80;
	[sflag:s3] =	ssyncset.done $0x0  }
0xb: {  	s7 =	simm.s32 $0x100;
	s5 =	sadd.s32 $0x3E00, s11;
	[sflag:s3] =	ssyncadd.s32 $0xFFFFFF80  }
0xc: {  	[tilespmem:s7], [sflag:$0x1] =	stream.indirect.gather [hbm4b:s5+s6], $0x80, s2, s6, $0xb8;
	[tilespmem:$0x8100] =	vst v63  }
0xd: {  	s8 =	sadd.s32 $0x2B010, s23  }
0xe: {  	[tilespmem:s6], [sflag:$0x3] =	stream.linear.gather [hbm4b:s8+s2], $0x80, $0x38;
	[tilespmem:$0x8100] =	vst v63  }
0xf: {  	_ =	swait.ge [sflag:s3], $0x80  }
0x10: {  	[sflag:s3] =	ssyncset.done $0x0  }
0x11: {  	s9 =	simm.s32 $0x4100;
	s10 =	simm.s32 $0x1;
	[sflag:s3] =	ssyncadd.s32 $0xFFFFFF80  }
0x12: {  	[tilespmem:s9], [sflag:$0x2] =	stream.indirect.gather [hbm4b:s5+s6], $0x80, s6, s6, $0xb8;
	[tilespmem:$0x8100] =	vst v63  }
0x13: {  	s12 =	sshll.u32 s12, $0x4;
	_ =	swait.ge [sflag:s10], $0x4000  }
0x14: {  	s26 =	sadd.s32 s12, s11;
	[sflag:s10] =	ssyncset.done $0x0  }
0x15: {  	s11 =	sadd.s32 $0x2C000, s26;
	[sflag:s10] =	ssyncadd.s32 $0xFFFFC000  }
0x16: {  	[hbm4b:s11+s2] =	stream.linear.scatter [tilespmem:s7], [sflag:$0x3], $0x4000, $0x38;
	[tilespmem:$0x8100] =	vst v63  }
0x17: {  	_ =	swait.ge [sflag:s3], $0x4000  }
0x18: {  	[sflag:s3] =	ssyncset.done $0x0  }
0x19: {  	s12 =	sadd.s32 $0x2B020, s23;
	[sflag:s3] =	ssyncadd.s32 $0xFFFFC000  }
0x1a: {  	[tilespmem:s2], [sflag:$0x3] =	stream.linear.gather [hbm4b:s12+s2], $0x80, $0x38;
	[tilespmem:$0x8100] =	vst v63  }
0x1b: {  	_ =	swait.ge [sflag:s3], $0x80  }
0x1c: {  	[sflag:s3] =	ssyncset.done $0x0  }
0x1d: {  	s13 =	simm.s32 $0x2;
	[sflag:s3] =	ssyncadd.s32 $0xFFFFFF80  }
0x1e: {  	[tilespmem:s7], [sflag:$0x1] =	stream.indirect.gather [hbm4b:s5+s6], $0x80, s2, s6, $0xb8;
	[tilespmem:$0x8100] =	vst v63  }
0x1f: {  	_ =	swait.ge [sflag:s13], $0x4000  }
0x20: {  	[sflag:s13] =	ssyncset.done $0x0  }
0x21: {  	s14 =	sadd.s32 $0x2C800, s26;
	[sflag:s13] =	ssyncadd.s32 $0xFFFFC000  }
0x22: {  	[hbm4b:s14+s2] =	stream.linear.scatter [tilespmem:s9], [sflag:$0x3], $0x4000, $0x38;
	[tilespmem:$0x8100] =	vst v63  }
0x23: {  	_ =	swait.ge [sflag:s3], $0x4000  }
0x24: {  	[sflag:s3] =	ssyncset.done $0x0  }
0x25: {  	s15 =	sadd.s32 $0x2B030, s23;
	[sflag:s3] =	ssyncadd.s32 $0xFFFFC000  }
0x26: {  	[tilespmem:s6], [sflag:$0x3] =	stream.linear.gather [hbm4b:s15+s2], $0x80, $0x38;
	[tilespmem:$0x8100] =	vst v63  }
0x27: {  	_ =	swait.ge [sflag:s3], $0x80  }
0x28: {  	[sflag:s3] =	ssyncset.done $0x0  }
0x29: {  	[sflag:s3] =	ssyncadd.s32 $0xFFFFFF80  }
0x2a: {  	[tilespmem:s9], [sflag:$0x2] =	stream.indirect.gather [hbm4b:s5+s6], $0x80, s6, s6, $0xb8;
	[tilespmem:$0x8100] =	vst v63  }
0x2b: {  	_ =	swait.ge [sflag:s10], $0x4000  }
0x2c: {  	[sflag:s10] =	ssyncset.done $0x0  }
0x2d: {  	s16 =	sadd.s32 $0x2D000, s26;
	[sflag:s10] =	ssyncadd.s32 $0xFFFFC000  }
0x2e: {  	[hbm4b:s16+s2] =	stream.linear.scatter [tilespmem:s7], [sflag:$0x3], $0x4000, $0x38;
	[tilespmem:$0x8100] =	vst v63  }
0x2f: {  	_ =	swait.ge [sflag:s3], $0x4000  }
0x30: {  	[sflag:s3] =	ssyncset.done $0x0  }
0x31: {  	s17 =	sadd.s32 $0x2B040, s23;
	[sflag:s3] =	ssyncadd.s32 $0xFFFFC000  }
0x32: {  	[tilespmem:s2], [sflag:$0x3] =	stream.linear.gather [hbm4b:s17+s2], $0x80, $0x38;
	[tilespmem:$0x8100] =	vst v63  }
0x33: {  	_ =	swait.ge [sflag:s3], $0x80  }
0x34: {  	[sflag:s3] =	ssyncset.done $0x0  }
0x35: {  	[sflag:s3] =	ssyncadd.s32 $0xFFFFFF80  }
0x36: {  	[tilespmem:s7], [sflag:$0x1] =	stream.indirect.gather [hbm4b:s5+s6], $0x80, s2, s6, $0xb8;
	[tilespmem:$0x8100] =	vst v63  }
0x37: {  	_ =	swait.ge [sflag:s13], $0x4000  }
0x38: {  	[sflag:s13] =	ssyncset.done $0x0  }
0x39: {  	s18 =	sadd.s32 $0x2D800, s26;
	[sflag:s13] =	ssyncadd.s32 $0xFFFFC000  }
0x3a: {  	[hbm4b:s18+s2] =	stream.linear.scatter [tilespmem:s9], [sflag:$0x3], $0x4000, $0x38;
	[tilespmem:$0x8100] =	vst v63  }
0x3b: {  	_ =	swait.ge [sflag:s3], $0x4000  }
0x3c: {  	[sflag:s3] =	ssyncset.done $0x0  }
0x3d: {  	s19 =	sadd.s32 $0x2B050, s23;
	[sflag:s3] =	ssyncadd.s32 $0xFFFFC000  }
0x3e: {  	[tilespmem:s6], [sflag:$0x3] =	stream.linear.gather [hbm4b:s19+s2], $0x80, $0x38;
	[tilespmem:$0x8100] =	vst v63  }
0x3f: {  	_ =	swait.ge [sflag:s3], $0x80  }
0x40: {  	[sflag:s3] =	ssyncset.done $0x0  }
0x41: {  	[sflag:s3] =	ssyncadd.s32 $0xFFFFFF80  }
0x42: {  	[tilespmem:s9], [sflag:$0x2] =	stream.indirect.gather [hbm4b:s5+s6], $0x80, s6, s6, $0xb8;
	[tilespmem:$0x8100] =	vst v63  }
0x43: {  	_ =	swait.ge [sflag:s10], $0x4000  }
0x44: {  	[sflag:s10] =	ssyncset.done $0x0  }
0x45: {  	s20 =	sadd.s32 $0x2E000, s26;
	[sflag:s10] =	ssyncadd.s32 $0xFFFFC000  }
0x46: {  	[hbm4b:s20+s2] =	stream.linear.scatter [tilespmem:s7], [sflag:$0x3], $0x4000, $0x38;
	[tilespmem:$0x8100] =	vst v63  }
0x47: {  	_ =	swait.ge [sflag:s3], $0x4000  }
0x48: {  	[sflag:s3] =	ssyncset.done $0x0  }
0x49: {  	s21 =	sadd.s32 $0x2B060, s23;
	[sflag:s3] =	ssyncadd.s32 $0xFFFFC000  }
0x4a: {  	[tilespmem:s2], [sflag:$0x3] =	stream.linear.gather [hbm4b:s21+s2], $0x80, $0x38;
	[tilespmem:$0x8100] =	vst v63  }
0x4b: {  	_ =	swait.ge [sflag:s3], $0x80  }
0x4c: {  	[sflag:s3] =	ssyncset.done $0x0  }
0x4d: {  	[sflag:s3] =	ssyncadd.s32 $0xFFFFFF80  }
0x4e: {  	[tilespmem:s7], [sflag:$0x1] =	stream.indirect.gather [hbm4b:s5+s6], $0x80, s2, s6, $0xb8;
	[tilespmem:$0x8100] =	vst v63  }
0x4f: {  	_ =	swait.ge [sflag:s13], $0x4000  }
0x50: {  	[sflag:s13] =	ssyncset.done $0x0  }
0x51: {  	s22 =	sadd.s32 $0x2E800, s26;
	[sflag:s13] =	ssyncadd.s32 $0xFFFFC000  }
0x52: {  	[hbm4b:s22+s2] =	stream.linear.scatter [tilespmem:s9], [sflag:$0x3], $0x4000, $0x38;
	[tilespmem:$0x8100] =	vst v63  }
0x53: {  	_ =	swait.ge [sflag:s3], $0x4000  }
0x54: {  	[sflag:s3] =	ssyncset.done $0x0  }
0x55: {  	s23 =	sadd.s32 $0x2B070, s23;
	[sflag:s3] =	ssyncadd.s32 $0xFFFFC000  }
0x56: {  	[tilespmem:s6], [sflag:$0x3] =	stream.linear.gather [hbm4b:s23+s2], $0x80, $0x38;
	[tilespmem:$0x8100] =	vst v63  }
0x57: {  	_ =	swait.ge [sflag:s3], $0x80  }
0x58: {  	[sflag:s3] =	ssyncset.done $0x0  }
0x59: {  	[sflag:s3] =	ssyncadd.s32 $0xFFFFFF80  }
0x5a: {  	[tilespmem:s9], [sflag:$0x2] =	stream.indirect.gather [hbm4b:s5+s6], $0x80, s6, s6, $0xb8;
	[tilespmem:$0x8100] =	vst v63  }
0x5b: {  	_ =	swait.ge [sflag:s10], $0x4000  }
0x5c: {  	[sflag:s10] =	ssyncset.done $0x0  }
0x5d: {  	s25 =	ssub.s32 $0x2, s25;
	s24 =	sadd.s32 $0x2F000, s26;
	[sflag:s10] =	ssyncadd.s32 $0xFFFFC000  }
0x5e: {  	[hbm4b:s24+s2] =	stream.linear.scatter [tilespmem:s7], [sflag:$0x3], $0x4000, $0x38;
	[tilespmem:$0x8100] =	vst v63  }
0x5f: {  	s28 =	sshrl.u32 s25, $0x1;
	_ =	swait.ge [sflag:s3], $0x4000  }
0x60: {  	s28 =	ssub.s32 s25, s28;
	[sflag:s3] =	ssyncset.done $0x0  }
0x61: {  	s31 =	smax.u32 s28, $0x1;
	[sflag:s3] =	ssyncadd.s32 $0xFFFFC000  }
0x62: {  	p0 =	sne.s32 s31, $0x1;
	_ =	swait.ge [sflag:s13], $0x4000  }
.Ltmp0:
0x63: {  	[sflag:s13] =	ssyncset.done $0x0;
	(pc) =	sbr.rel @!p0 .LBB2_2-.Ltmp0, $4  }
0x64: {  	s25 =	sadd.s32 $0x2F800, s26;
	[sflag:s13] =	ssyncadd.s32 $0xFFFFC000  }
0x65: {  	[hbm4b:s25+s2] =	stream.linear.scatter [tilespmem:s9], [sflag:$0x3], $0x4000, $0x38;
	[tilespmem:$0x8100] =	vst v63  }
0x66: {  	_ =	swait.ge [sflag:s3], $0x4000  }
0x67: {  	s26 =	sadd.s32 $0xFFFFFFFF, s31;
	[sflag:s3] =	ssyncset.done $0x0  }
.LBB2_1:
0x68: {  	p0 =	sne.s32 s26, $0x1;
	s26 =	sadd.s32 $0xFFFFFFFF, s26;
	[sflag:s3] =	ssyncadd.s32 $0xFFFFC000  }
0x69: {  	[tilespmem:s2], [sflag:$0x3] =	stream.linear.gather [hbm4b:s4+s2], $0x80, $0x38;
	[tilespmem:$0x8100] =	vst v63  }
0x6a: {  	_ =	swait.ge [sflag:s3], $0x80  }
0x6b: {  	[sflag:s3] =	ssyncset.done $0x0  }
0x6c: {  	[sflag:s3] =	ssyncadd.s32 $0xFFFFFF80  }
0x6d: {  	[tilespmem:s7], [sflag:$0x1] =	stream.indirect.gather [hbm4b:s5+s6], $0x80, s2, s6, $0xb8;
	[tilespmem:$0x8100] =	vst v63  }
0x6e: {  	_ = 	snop  }
0x6f: {  	[tilespmem:s6], [sflag:$0x3] =	stream.linear.gather [hbm4b:s8+s2], $0x80, $0x38;
	[tilespmem:$0x8100] =	vst v63  }
0x70: {  	_ =	swait.ge [sflag:s3], $0x80  }
0x71: {  	[sflag:s3] =	ssyncset.done $0x0  }
0x72: {  	[sflag:s3] =	ssyncadd.s32 $0xFFFFFF80  }
0x73: {  	[tilespmem:s9], [sflag:$0x2] =	stream.indirect.gather [hbm4b:s5+s6], $0x80, s6, s6, $0xb8;
	[tilespmem:$0x8100] =	vst v63  }
0x74: {  	_ =	swait.ge [sflag:s10], $0x4000  }
0x75: {  	[sflag:s10] =	ssyncset.done $0x0  }
0x76: {  	[sflag:s10] =	ssyncadd.s32 $0xFFFFC000  }
0x77: {  	[hbm4b:s11+s2] =	stream.linear.scatter [tilespmem:s7], [sflag:$0x3], $0x4000, $0x38;
	[tilespmem:$0x8100] =	vst v63  }
0x78: {  	_ =	swait.ge [sflag:s3], $0x4000  }
0x79: {  	[sflag:s3] =	ssyncset.done $0x0  }
0x7a: {  	[sflag:s3] =	ssyncadd.s32 $0xFFFFC000  }
0x7b: {  	[tilespmem:s2], [sflag:$0x3] =	stream.linear.gather [hbm4b:s12+s2], $0x80, $0x38;
	[tilespmem:$0x8100] =	vst v63  }
0x7c: {  	_ =	swait.ge [sflag:s3], $0x80  }
0x7d: {  	[sflag:s3] =	ssyncset.done $0x0  }
0x7e: {  	[sflag:s3] =	ssyncadd.s32 $0xFFFFFF80  }
0x7f: {  	[tilespmem:s7], [sflag:$0x1] =	stream.indirect.gather [hbm4b:s5+s6], $0x80, s2, s6, $0xb8;
	[tilespmem:$0x8100] =	vst v63  }
0x80: {  	_ =	swait.ge [sflag:s13], $0x4000  }
0x81: {  	[sflag:s13] =	ssyncset.done $0x0  }
0x82: {  	[sflag:s13] =	ssyncadd.s32 $0xFFFFC000  }
0x83: {  	[hbm4b:s14+s2] =	stream.linear.scatter [tilespmem:s9], [sflag:$0x3], $0x4000, $0x38;
	[tilespmem:$0x8100] =	vst v63  }
0x84: {  	_ =	swait.ge [sflag:s3], $0x4000  }
0x85: {  	[sflag:s3] =	ssyncset.done $0x0  }
0x86: {  	[sflag:s3] =	ssyncadd.s32 $0xFFFFC000  }
0x87: {  	[tilespmem:s6], [sflag:$0x3] =	stream.linear.gather [hbm4b:s15+s2], $0x80, $0x38;
	[tilespmem:$0x8100] =	vst v63  }
0x88: {  	_ =	swait.ge [sflag:s3], $0x80  }
0x89: {  	[sflag:s3] =	ssyncset.done $0x0  }
0x8a: {  	[sflag:s3] =	ssyncadd.s32 $0xFFFFFF80  }
0x8b: {  	[tilespmem:s9], [sflag:$0x2] =	stream.indirect.gather [hbm4b:s5+s6], $0x80, s6, s6, $0xb8;
	[tilespmem:$0x8100] =	vst v63  }
0x8c: {  	_ =	swait.ge [sflag:s10], $0x4000  }
0x8d: {  	[sflag:s10] =	ssyncset.done $0x0  }
0x8e: {  	[sflag:s10] =	ssyncadd.s32 $0xFFFFC000  }
0x8f: {  	[hbm4b:s16+s2] =	stream.linear.scatter [tilespmem:s7], [sflag:$0x3], $0x4000, $0x38;
	[tilespmem:$0x8100] =	vst v63  }
0x90: {  	_ =	swait.ge [sflag:s3], $0x4000  }
0x91: {  	[sflag:s3] =	ssyncset.done $0x0  }
0x92: {  	[sflag:s3] =	ssyncadd.s32 $0xFFFFC000  }
0x93: {  	[tilespmem:s2], [sflag:$0x3] =	stream.linear.gather [hbm4b:s17+s2], $0x80, $0x38;
	[tilespmem:$0x8100] =	vst v63  }
0x94: {  	_ =	swait.ge [sflag:s3], $0x80  }
0x95: {  	[sflag:s3] =	ssyncset.done $0x0  }
0x96: {  	[sflag:s3] =	ssyncadd.s32 $0xFFFFFF80  }
0x97: {  	[tilespmem:s7], [sflag:$0x1] =	stream.indirect.gather [hbm4b:s5+s6], $0x80, s2, s6, $0xb8;
	[tilespmem:$0x8100] =	vst v63  }
0x98: {  	_ =	swait.ge [sflag:s13], $0x4000  }
0x99: {  	[sflag:s13] =	ssyncset.done $0x0  }
0x9a: {  	[sflag:s13] =	ssyncadd.s32 $0xFFFFC000  }
0x9b: {  	[hbm4b:s18+s2] =	stream.linear.scatter [tilespmem:s9], [sflag:$0x3], $0x4000, $0x38;
	[tilespmem:$0x8100] =	vst v63  }
0x9c: {  	_ =	swait.ge [sflag:s3], $0x4000  }
0x9d: {  	[sflag:s3] =	ssyncset.done $0x0  }
0x9e: {  	[sflag:s3] =	ssyncadd.s32 $0xFFFFC000  }
0x9f: {  	[tilespmem:s6], [sflag:$0x3] =	stream.linear.gather [hbm4b:s19+s2], $0x80, $0x38;
	[tilespmem:$0x8100] =	vst v63  }
0xa0: {  	_ =	swait.ge [sflag:s3], $0x80  }
0xa1: {  	[sflag:s3] =	ssyncset.done $0x0  }
0xa2: {  	[sflag:s3] =	ssyncadd.s32 $0xFFFFFF80  }
0xa3: {  	[tilespmem:s9], [sflag:$0x2] =	stream.indirect.gather [hbm4b:s5+s6], $0x80, s6, s6, $0xb8;
	[tilespmem:$0x8100] =	vst v63  }
0xa4: {  	_ =	swait.ge [sflag:s10], $0x4000  }
0xa5: {  	[sflag:s10] =	ssyncset.done $0x0  }
0xa6: {  	[sflag:s10] =	ssyncadd.s32 $0xFFFFC000  }
0xa7: {  	[hbm4b:s20+s2] =	stream.linear.scatter [tilespmem:s7], [sflag:$0x3], $0x4000, $0x38;
	[tilespmem:$0x8100] =	vst v63  }
0xa8: {  	_ =	swait.ge [sflag:s3], $0x4000  }
0xa9: {  	[sflag:s3] =	ssyncset.done $0x0  }
0xaa: {  	[sflag:s3] =	ssyncadd.s32 $0xFFFFC000  }
0xab: {  	[tilespmem:s2], [sflag:$0x3] =	stream.linear.gather [hbm4b:s21+s2], $0x80, $0x38;
	[tilespmem:$0x8100] =	vst v63  }
0xac: {  	_ =	swait.ge [sflag:s3], $0x80  }
0xad: {  	[sflag:s3] =	ssyncset.done $0x0  }
0xae: {  	[sflag:s3] =	ssyncadd.s32 $0xFFFFFF80  }
0xaf: {  	[tilespmem:s7], [sflag:$0x1] =	stream.indirect.gather [hbm4b:s5+s6], $0x80, s2, s6, $0xb8;
	[tilespmem:$0x8100] =	vst v63  }
0xb0: {  	_ =	swait.ge [sflag:s13], $0x4000  }
0xb1: {  	[sflag:s13] =	ssyncset.done $0x0  }
0xb2: {  	[sflag:s13] =	ssyncadd.s32 $0xFFFFC000  }
0xb3: {  	[hbm4b:s22+s2] =	stream.linear.scatter [tilespmem:s9], [sflag:$0x3], $0x4000, $0x38;
	[tilespmem:$0x8100] =	vst v63  }
0xb4: {  	_ =	swait.ge [sflag:s3], $0x4000  }
0xb5: {  	[sflag:s3] =	ssyncset.done $0x0  }
0xb6: {  	[sflag:s3] =	ssyncadd.s32 $0xFFFFC000  }
0xb7: {  	[tilespmem:s6], [sflag:$0x3] =	stream.linear.gather [hbm4b:s23+s2], $0x80, $0x38;
	[tilespmem:$0x8100] =	vst v63  }
0xb8: {  	_ =	swait.ge [sflag:s3], $0x80  }
0xb9: {  	[sflag:s3] =	ssyncset.done $0x0  }
0xba: {  	[sflag:s3] =	ssyncadd.s32 $0xFFFFFF80  }
0xbb: {  	[tilespmem:s9], [sflag:$0x2] =	stream.indirect.gather [hbm4b:s5+s6], $0x80, s6, s6, $0xb8;
	[tilespmem:$0x8100] =	vst v63  }
0xbc: {  	_ =	swait.ge [sflag:s10], $0x4000  }
0xbd: {  	[sflag:s10] =	ssyncset.done $0x0  }
0xbe: {  	[sflag:s10] =	ssyncadd.s32 $0xFFFFC000  }
0xbf: {  	[hbm4b:s24+s2] =	stream.linear.scatter [tilespmem:s7], [sflag:$0x3], $0x4000, $0x38;
	[tilespmem:$0x8100] =	vst v63  }
0xc0: {  	_ =	swait.ge [sflag:s3], $0x4000  }
0xc1: {  	[sflag:s3] =	ssyncset.done $0x0  }
0xc2: {  	[sflag:s3] =	ssyncadd.s32 $0xFFFFC000  }
0xc3: {  	_ =	swait.ge [sflag:s13], $0x4000  }
.Ltmp1:
0xc4: {  	[sflag:s13] =	ssyncset.done $0x0;
	(pc) =	sbr.rel @p0 .LBB2_1-.Ltmp1, $4  }
0xc5: {  	[sflag:s13] =	ssyncadd.s32 $0xFFFFC000  }
0xc6: {  	[hbm4b:s25+s2] =	stream.linear.scatter [tilespmem:s9], [sflag:$0x3], $0x4000, $0x38;
	[tilespmem:$0x8100] =	vst v63  }
0xc7: {  	_ =	swait.ge [sflag:s3], $0x4000  }
0xc8: {  	[sflag:s3] =	ssyncset.done $0x0  }
.LBB2_2:
0xc9: {  	[sflag:s3] =	ssyncadd.s32 $0xFFFFC000  }
0xca: {  	_ =	sfence.sel $0x180000  }
0xcb: {  	[bflag:$0x0] =	sbarrier.arrive $0xFFFF  }
0xcc: {  	p0 =	sne.s32 s0, $0x0;
	_ =	strace $0x90000053  }
0xcd: {  	s0 =	sadd.s32 @!p0 $0x100000, s1;
	[bflag:$0x2] =	sbarrier.arrive $0xFFFF  }
0xce: {  	[sflag:s0] =	ssyncadd.tile.s32 @!p0 $0x1;
	_ =	shalt  }
.Lfunc_end2:
_tile_overlayer_lowered:
.L_overlay_start_2:
0xcf: {  	(tag) =	ssettag $0x2  }
0xd0: {  	s0 =	rddreg [dreg:$0x0];
	s2 =	stileid.u32  }
0xd1: {  	s1 =	rddreg [dreg:$0x1];
	p0 =	sne.s32 s2, $0x0  }
0xd2: {  	s3 =	rddreg [dreg:$0x2];
	[bflag:$0x3] =	sbarrier.arrive $0xFFFF;
	s2 =	simm.s32 @!p0 $0x1C03  }
0xd3: {  	[timem:s3], [sflag:s2] =	dma.local @!p0 [hbm:s0], s1  }
0xd4: {  	s0 =	simm.s32 @!p0 $0x3  }
0xd5: {  	_ =	swait.ge @!p0 [sflag:s0], s1  }
0xd6: {  	s1 =	ssub.s32 @!p0 $0x0, s1;
	[sflag:s0] =	ssyncset.done @!p0 $0x0  }
0xd7: {  	[sflag:s0] =	ssyncadd.s32 @!p0 s1  }
0xd8: {  	[bflag:$0x3] =	sbarrier.arrive $0xFFFF  }
0xd9: {  	_ =	shalt  }

</sc_bundles>
